<compile_context>
chip_gen: v7x
topology: tpu7x:2x2x1
jax: 0.10.2.dev20260603
libtpu: 0.0.44.dev20260713+nightly
codegen_flags: <defaults>
</compile_context>

<pallas_src>
import jax
import jax.numpy as jnp
from jax import lax
from jax.experimental import pallas as pl
from jax.experimental.pallas import tpu as pltpu
from jax.experimental.pallas import tpu_sc as plsc

_N = 10000
_D = 128
_E = 320000
_B = 16384
_NP = 10240
_NCH = 2560
_TCH = _NCH // 32
_RPT = _NP // 16
_RB = 2560


def _mesh():
    return plsc.VectorSubcoreMesh(
        core_axis_name="c", subcore_axis_name="s", num_cores=2, num_subcores=16
    )



def _deg_body(dstc, zvec, onev, out, idx_d, zbuf, obuf, acc):
    cid = lax.axis_index("c")
    sid = lax.axis_index("s")
    wid = sid * 2 + cid
    pltpu.sync_copy(zvec, zbuf)
    pltpu.sync_copy(zbuf, acc.at[pl.ds(sid * _RPT, _RPT)])
    pltpu.sync_copy(onev, obuf)
    plsc.subcore_barrier()
    pltpu.sync_copy(dstc.at[pl.ds(wid * _TCH, _TCH)], idx_d)

    def step(c, carry):
        pltpu.sync_copy(obuf, acc.at[idx_d.at[c]], add=True)
        return carry

    lax.fori_loop(0, _TCH, step, 0)
    plsc.subcore_barrier()
    pltpu.sync_copy(acc.at[pl.ds(sid * _RPT, _RPT)],
                    out.at[cid, pl.ds(sid * _RPT, _RPT)])


def _deg(dstc, zvec, onev):
    return pl.kernel(
        _deg_body,
        out_type=jax.ShapeDtypeStruct((2, _NP), jnp.float32),
        mesh=_mesh(),
        scratch_types=[
            pltpu.VMEM((_TCH, 128), jnp.int32),
            pltpu.VMEM((_RPT,), jnp.float32),
            pltpu.VMEM((128,), jnp.float32),
            pltpu.VMEM_SHARED((_NP,), jnp.float32),
        ],
    )(dstc, zvec, onev)



_PCH = 64
_PTC = 160
_PHH = 40
_PNB = 4
_PPD = 3


def _prop_body(table, srcc, dstc, zrows, out, idx_s, idx_d, *rest):
    bufs = rest[:_PNB]
    acc = rest[_PNB]
    sems = rest[_PNB + 1:2 * _PNB + 1]
    sss = rest[2 * _PNB + 1:]
    cid = lax.axis_index("c")
    sid = lax.axis_index("s")
    wid = sid * 2 + cid
    pltpu.sync_copy(zrows.at[pl.ds(0, _PCH)], bufs[0])
    for k in range(_RPT // _PCH):
        pltpu.sync_copy(bufs[0], acc.at[pl.ds(sid * _RPT + k * _PCH, _PCH)])
    plsc.subcore_barrier()
    for h in range(_PTC // _PHH):
        base = wid * _PTC + h * _PHH
        pltpu.sync_copy(srcc.at[pl.ds(base, _PHH)], idx_s)
        pltpu.sync_copy(dstc.at[pl.ds(base, _PHH)], idx_d)
        for b in range(_PPD):
            pltpu.async_copy(table.at[idx_s.at[b]], bufs[b], sems[b])

        def step(g, carry):
            cb = _PNB * g
            for b in range(_PNB):
                c = cb + b
                pltpu.make_async_copy(
                    table.at[idx_s.at[0]], bufs[b], sems[b]).wait()
                pltpu.async_copy(bufs[b], acc.at[idx_d.at[c]], sss[b],
                                 add=True)
                b2 = (b + _PPD) % _PNB

                @pl.when(c + _PPD < _PHH)
                def _(b2=b2, c=c):
                    @pl.when(c >= _PNB - _PPD)
                    def _():
                        pltpu.make_async_copy(
                            bufs[b2], acc.at[idx_d.at[0]], sss[b2]).wait()

                    pltpu.async_copy(table.at[idx_s.at[c + _PPD]],
                                     bufs[b2], sems[b2])

            return carry

        lax.fori_loop(0, _PHH // _PNB, step, 0)
        for b in range(_PNB):
            pltpu.make_async_copy(bufs[b], acc.at[idx_d.at[0]], sss[b]).wait()
    plsc.subcore_barrier()
    pltpu.sync_copy(acc.at[pl.ds(sid * _RPT, _RPT)],
                    out.at[cid, pl.ds(sid * _RPT, _RPT)])


def _prop(table, srcc, dstc, zrows):
    return pl.kernel(
        _prop_body,
        out_type=jax.ShapeDtypeStruct((2, _NP, _D), jnp.float32),
        mesh=_mesh(),
        scratch_types=(
            [pltpu.VMEM((_PHH, _PCH), jnp.int32),
             pltpu.VMEM((_PHH, _PCH), jnp.int32)]
            + [pltpu.VMEM((_PCH, _D), jnp.float32)] * _PNB
            + [pltpu.VMEM_SHARED((_NP, _D), jnp.float32)]
            + [pltpu.SemaphoreType.DMA] * (2 * _PNB)
        ),
    )(table, srcc, dstc, zrows)



def _qg_body(zemb, qa, qb, outa, outb, idxbuf, rows, sem):
    cid = lax.axis_index("c")
    sid = lax.axis_index("s")
    wid = sid * 2 + cid
    for qref, oref in ((qa, outa), (qb, outb)):
        pltpu.sync_copy(qref.at[pl.ds(wid * 4, 4)], idxbuf)

        def step(j, carry, oref=oref):
            pltpu.async_copy(zemb.at[idxbuf.at[j]], rows, sem).wait()
            pltpu.sync_copy(rows, oref.at[pl.ds(wid * 512 + j * 128, 128)])
            return carry

        lax.fori_loop(0, 4, step, 0)


def _qgather(zemb, qa, qb):
    return pl.kernel(
        _qg_body,
        out_type=(jax.ShapeDtypeStruct((_B, _D), jnp.float32),
                  jax.ShapeDtypeStruct((_B, _D), jnp.float32)),
        mesh=_mesh(),
        scratch_types=[
            pltpu.VMEM((4, 128), jnp.int32),
            pltpu.VMEM((128, _D), jnp.float32),
            pltpu.SemaphoreType.DMA,
        ],
    )(zemb, qa, qb)



def _tcA_body(emb_ref, p0_ref, p1_ref, u0_ref, dinv_ref):
    emb = emb_ref[...]
    deg = p0_ref[...] + p1_ref[...]
    dinv = jnp.where(deg > 0, lax.rsqrt(jnp.maximum(deg, 1e-12)), 0.0)
    u0_ref[...] = emb * dinv
    dinv_ref[...] = dinv


def _tcA(emb_p, p0, p1):
    grid = _NP // _RB
    row = pl.BlockSpec((_RB, _D), lambda i: (i, 0))
    col1 = pl.BlockSpec((_RB, 1), lambda i: (i, 0))
    return pl.pallas_call(
        _tcA_body,
        grid=(grid,),
        in_specs=[row, col1, col1],
        out_specs=[row, col1],
        out_shape=[jax.ShapeDtypeStruct((_NP, _D), jnp.float32),
                   jax.ShapeDtypeStruct((_NP, 1), jnp.float32)],
    )(emb_p, p0, p1)


def _tcA2_body(emb_ref, w1_ref, b1_ref, w2_ref, b2_ref, z2_ref):
    emb = emb_ref[...]
    h = jnp.maximum(
        jnp.dot(emb, w1_ref[...], preferred_element_type=jnp.float32)
        + b1_ref[...], 0.0)
    z2_ref[...] = jnp.maximum(
        jnp.dot(h, w2_ref[...], preferred_element_type=jnp.float32)
        + b2_ref[...], 0.0)


def _tcA2(emb_p, w1, b1, w2, b2):
    grid = _NP // _RB
    row = pl.BlockSpec((_RB, _D), lambda i: (i, 0))
    wsp = pl.BlockSpec((_D, _D), lambda i: (0, 0))
    bsp = pl.BlockSpec((_D,), lambda i: (0,))
    return pl.pallas_call(
        _tcA2_body,
        grid=(grid,),
        in_specs=[row, wsp, bsp, wsp, bsp],
        out_specs=row,
        out_shape=jax.ShapeDtypeStruct((_NP, _D), jnp.float32),
    )(emb_p, w1, b1, w2, b2)


def _tcB_body(t1a_ref, t1b_ref, dinv_ref, u1_ref, x1_ref):
    d = dinv_ref[...]
    x1 = d * (t1a_ref[...] + t1b_ref[...])
    x1_ref[...] = x1
    u1_ref[...] = d * x1


def _tcB(t1a, t1b, dinv):
    grid = _NP // _RB
    row = pl.BlockSpec((_RB, _D), lambda i: (i, 0))
    col1 = pl.BlockSpec((_RB, 1), lambda i: (i, 0))
    return pl.pallas_call(
        _tcB_body,
        grid=(grid,),
        in_specs=[row, row, col1],
        out_specs=[row, row],
        out_shape=[jax.ShapeDtypeStruct((_NP, _D), jnp.float32),
                   jax.ShapeDtypeStruct((_NP, _D), jnp.float32)],
    )(t1a, t1b, dinv)


def _tcC_body(emb_ref, x1_ref, t2a_ref, t2b_ref, dinv_ref, z2_ref,
              wa1_ref, ba1_ref, wa2_ref, ba2_ref, zemb_ref):
    d = dinv_ref[...]
    x2 = d * (t2a_ref[...] + t2b_ref[...])
    zp = (emb_ref[...] + x1_ref[...] + x2) * (1.0 / 3.0)
    z2 = z2_ref[...]
    wa1 = wa1_ref[...]
    ba1 = ba1_ref[...]
    wa2 = wa2_ref[...]
    ba2 = ba2_ref[...]
    s1 = jnp.dot(jnp.tanh(
        jnp.dot(zp, wa1, preferred_element_type=jnp.float32) + ba1),
        wa2, preferred_element_type=jnp.float32) + ba2
    s2 = jnp.dot(jnp.tanh(
        jnp.dot(z2, wa1, preferred_element_type=jnp.float32) + ba1),
        wa2, preferred_element_type=jnp.float32) + ba2
    s10 = s1[:, 0:1]
    s11 = s1[:, 1:2]
    s20 = s2[:, 0:1]
    s21 = s2[:, 1:2]
    m = jnp.maximum(jnp.maximum(s10, s11), jnp.maximum(s20, s21))
    e10 = jnp.exp(s10 - m)
    e11 = jnp.exp(s11 - m)
    e20 = jnp.exp(s20 - m)
    e21 = jnp.exp(s21 - m)
    tot = e10 + e11 + e20 + e21
    zemb_ref[...] = (e10 * zp + e11 * z2) / tot


def _tcC(emb_p, x1, t2a, t2b, dinv, z2, wa1, ba1, wa2p, ba2p):
    grid = _NP // _RB
    row = pl.BlockSpec((_RB, _D), lambda i: (i, 0))
    col1 = pl.BlockSpec((_RB, 1), lambda i: (i, 0))
    wsp = pl.BlockSpec((_D, _D), lambda i: (0, 0))
    bsp = pl.BlockSpec((_D,), lambda i: (0,))
    return pl.pallas_call(
        _tcC_body,
        grid=(grid,),
        in_specs=[row, row, row, row, col1, row, wsp, bsp, wsp, bsp],
        out_specs=row,
        out_shape=jax.ShapeDtypeStruct((_NP, _D), jnp.float32),
    )(emb_p, x1, t2a, t2b, dinv, z2, wa1, ba1, wa2p, ba2p)


def _tcD_body(a_ref, b_ref, o_ref):
    o_ref[...] = jnp.sum(a_ref[...] * b_ref[...], axis=1, keepdims=True)


def _tcD(ga, gb):
    rb = 2048
    grid = _B // rb
    row = pl.BlockSpec((rb, _D), lambda i: (i, 0))
    col1 = pl.BlockSpec((rb, 1), lambda i: (i, 0))
    return pl.pallas_call(
        _tcD_body,
        grid=(grid,),
        in_specs=[row, row],
        out_specs=col1,
        out_shape=jax.ShapeDtypeStruct((_B, 1), jnp.float32),
    )(ga, gb)



def kernel(edge_index, edge_label_index, emb, W1, b1, W2, b2, Wa1, ba1, Wa2, ba2):
    src = edge_index[0].astype(jnp.int32)
    dst = edge_index[1].astype(jnp.int32)
    pad = jnp.full((_NCH * 128 - _E,), _N, jnp.int32)
    srcc = jnp.concatenate([src, pad]).reshape(_NCH, 128)
    dstc = jnp.concatenate([dst, pad]).reshape(_NCH, 128)
    srcp = srcc.reshape(_NCH * 2, _PCH)
    dstp = dstc.reshape(_NCH * 2, _PCH)
    emb_p = jnp.pad(emb, ((0, _NP - _N), (0, 0)))
    zrows = jnp.zeros((128, _D), jnp.float32)
    zvec = jnp.zeros((_RPT,), jnp.float32)
    onev = jnp.ones((128,), jnp.float32)

    degp = _deg(dstc, zvec, onev)
    p0 = degp[0][:, None]
    p1 = degp[1][:, None]
    z2 = _tcA2(emb_p, W1, b1, W2, b2)
    u0, dinv = _tcA(emb_p, p0, p1)
    t1 = _prop(u0, srcp, dstp, zrows)
    u1, x1 = _tcB(t1[0], t1[1], dinv)
    t2 = _prop(u1, srcp, dstp, zrows)
    wa2p = jnp.pad(Wa2, ((0, 0), (0, 126)))
    ba2p = jnp.pad(ba2, ((0, 126),))
    zemb = _tcC(emb_p, x1, t2[0], t2[1], dinv, z2, Wa1, ba1, wa2p, ba2p)
    qa = edge_label_index[0].astype(jnp.int32).reshape(128, 128)
    qb = edge_label_index[1].astype(jnp.int32).reshape(128, 128)
    ga, gb = _qgather(zemb, qa, qb)
    zd = _tcD(ga, gb)
    return zd[:, 0]

# --- scband reference (transcript-rebuilt; emitter-appended) ---
"""Pipeline reference for scband-positive-prop-27917287424591 (READ-ONLY COPY).

The authoritative reference and input builder live on the scoring server;
editing this copy changes nothing except your own understanding.
"""

import jax, jax.numpy as jnp
import numpy as np

N_NODES = 10000
D = 128
N_LAYERS = 2
E = 320000
B = 16384


def setup_inputs(seed: int = 0) -> dict:
    key = jax.random.key(seed)
    ks = jax.random.split(key, 12)
    edge_index = jax.random.randint(ks[0], (2, E), 0, N_NODES)
    edge_label_index = jax.random.randint(ks[1], (2, B), 0, N_NODES)
    emb = jax.random.normal(ks[2], (N_NODES, D), dtype=jnp.float32) * 0.1
    # MLP: Linear(D,D) -> ReLU -> Linear(D,D) -> ReLU  (weights stored as [in,out])
    W1 = jax.random.normal(ks[3], (D, D), dtype=jnp.float32) * (1.0 / np.sqrt(D))
    b1 = jnp.zeros((D,), dtype=jnp.float32)
    W2 = jax.random.normal(ks[4], (D, D), dtype=jnp.float32) * (1.0 / np.sqrt(D))
    b2 = jnp.zeros((D,), dtype=jnp.float32)
    Wa1 = jax.random.normal(ks[5], (D, D), dtype=jnp.float32) * (1.0 / np.sqrt(D))
    ba1 = jnp.zeros((D,), dtype=jnp.float32)
    Wa2 = jax.random.normal(ks[6], (D, 2), dtype=jnp.float32) * (1.0 / np.sqrt(D))
    ba2 = jnp.zeros((2,), dtype=jnp.float32)
    return {"edge_index": edge_index, "edge_label_index": edge_label_index,
            "emb": emb, "W1": W1, "b1": b1, "W2": W2, "b2": b2,
            "Wa1": Wa1, "ba1": ba1, "Wa2": Wa2, "ba2": ba2}


def lightgcn_get_embedding(emb, edge_index):
    # LightGCN with LGConv: symmetric gcn_norm without self loops,
    # out = sum_l alpha_l * x^(l), alpha_l = 1/(num_layers+1)
    src = edge_index[0]
    dst = edge_index[1]
    ones = jnp.ones((edge_index.shape[1],), dtype=jnp.float32)
    deg = jax.ops.segment_sum(ones, dst, num_segments=N_NODES)
    dinv = jnp.where(deg > 0, jax.lax.rsqrt(jnp.maximum(deg, 1e-12)), 0.0)
    norm = dinv[src] * dinv[dst]
    alpha = 1.0 / (N_LAYERS + 1)
    x = emb
    out = x * alpha
    for _ in range(N_LAYERS):
        msg = x[src] * norm[:, None]
        x = jax.ops.segment_sum(msg, dst, num_segments=N_NODES)
        out = out + x * alpha
    return out


def reference(edge_index, edge_label_index, emb, W1, b1, W2, b2, Wa1, ba1, Wa2, ba2):
    z_prime = lightgcn_get_embedding(emb, edge_index)
    h = jax.nn.relu(emb @ W1 + b1)
    z_double_prime = jax.nn.relu(h @ W2 + b2)
    s1 = jnp.tanh(z_prime @ Wa1 + ba1) @ Wa2 + ba2          # [N, 2]
    s2 = jnp.tanh(z_double_prime @ Wa1 + ba1) @ Wa2 + ba2   # [N, 2]
    att = jax.nn.softmax(jnp.concatenate([s1, s2], axis=1), axis=1)  # [N, 4]
    alpha1 = att[:, 0:1]
    alpha2 = att[:, 1:2]
    z_emb = alpha1 * z_prime + alpha2 * z_double_prime
    out_src = z_emb[edge_label_index[0]]
    out_dst = z_emb[edge_label_index[1]]
    z = jnp.sum(out_src * out_dst, axis=-1)
    return z

if __name__ == "__main__":
    import jax
    _d = setup_inputs()
    print(jax.jit(kernel)(*tuple(_d.values())))

</pallas_src>

<mosaic_0001>
#map = affine_map<(d0, d1) -> (0, 0)>
#map1 = affine_map<(d0, d1) -> (0, 0, 0)>
module attributes {stable_mosaic.version = 14 : i64} {
  func.func @_prop_body(%arg0: i32, %arg1: i32, %arg2: memref<10240x128xf32, #tpu.memory_space<hbm>>, %arg3: memref<5120x64xi32, #tpu.memory_space<hbm>>, %arg4: memref<5120x64xi32, #tpu.memory_space<hbm>>, %arg5: memref<128x128xf32, #tpu.memory_space<hbm>>, %arg6: memref<2x10240x128xf32, #tpu.memory_space<hbm>>, %arg7: memref<40x64xi32, #tpu.memory_space<vmem>>, %arg8: memref<40x64xi32, #tpu.memory_space<vmem>>, %arg9: memref<64x128xf32, #tpu.memory_space<vmem>>, %arg10: memref<64x128xf32, #tpu.memory_space<vmem>>, %arg11: memref<64x128xf32, #tpu.memory_space<vmem>>, %arg12: memref<64x128xf32, #tpu.memory_space<vmem>>, %arg13: memref<10240x128xf32, #tpu.memory_space<vmem_shared>>, %arg14: memref<!tpu.dma_semaphore, #tpu.memory_space<semaphore_mem>>, %arg15: memref<!tpu.dma_semaphore, #tpu.memory_space<semaphore_mem>>, %arg16: memref<!tpu.dma_semaphore, #tpu.memory_space<semaphore_mem>>, %arg17: memref<!tpu.dma_semaphore, #tpu.memory_space<semaphore_mem>>, %arg18: memref<!tpu.dma_semaphore, #tpu.memory_space<semaphore_mem>>, %arg19: memref<!tpu.dma_semaphore, #tpu.memory_space<semaphore_mem>>, %arg20: memref<!tpu.dma_semaphore, #tpu.memory_space<semaphore_mem>>, %arg21: memref<!tpu.dma_semaphore, #tpu.memory_space<semaphore_mem>>) attributes {dimension_semantics = [#tpu.dimension_semantics<core_parallel>, #tpu.dimension_semantics<subcore_parallel>], iteration_bounds = array<i64: 2, 16>, scalar_prefetch = 0 : i64, scratch_operands = 15 : i64, tpu.core_type = #tpu.core_type<sc_vector_subcore>, window_params = [{transform_indices = #map}, {transform_indices = #map}, {transform_indices = #map}, {transform_indices = #map}, {transform_indices = #map1}]} {
    %mul3A = arith.constant 2 : i32
    %mul3A_0 = arith.muli %arg1, %mul3A : i32
    %add3A = arith.addi %mul3A_0, %arg0 : i32
    "tpu.region"() ({
      %run_scoped3A = tpu.sem_alloc : memref<!tpu.dma_semaphore, #tpu.memory_space<semaphore_mem>>
      %dma_start3A_279 = arith.constant 0 : i32
      %dma_start3A_280 = arith.constant 0 : i32
      %dma_start3A_281 = tpu.memref_slice %arg5[%dma_start3A_279, %dma_start3A_280] : memref<128x128xf32, #tpu.memory_space<hbm>> -> memref<64x128xf32, #tpu.memory_space<hbm>>
      %dma_start3A_282 = arith.constant 0 : i32
      %dma_start3A_283 = arith.constant 0 : i32
      %dma_start3A_284 = tpu.memref_slice %arg5[%dma_start3A_282, %dma_start3A_283] : memref<128x128xf32, #tpu.memory_space<hbm>> -> memref<64x128xf32, #tpu.memory_space<hbm>>
      tpu.enqueue_dma source(%dma_start3A_284 : memref<64x128xf32, #tpu.memory_space<hbm>>) target(%arg9 : memref<64x128xf32, #tpu.memory_space<vmem>>) target_semaphore(%run_scoped3A : memref<!tpu.dma_semaphore, #tpu.memory_space<semaphore_mem>>)
      %dma_wait3A_285 = arith.constant 0 : i32
      %dma_wait3A_286 = arith.constant 0 : i32
      %dma_wait3A_287 = tpu.memref_slice %arg5[%dma_wait3A_285, %dma_wait3A_286] : memref<128x128xf32, #tpu.memory_space<hbm>> -> memref<64x128xf32, #tpu.memory_space<hbm>>
      %dma_wait3A_288 = arith.constant 0 : i32
      %dma_wait3A_289 = arith.constant 0 : i32
      %dma_wait3A_290 = tpu.memref_slice %arg5[%dma_wait3A_288, %dma_wait3A_289] : memref<128x128xf32, #tpu.memory_space<hbm>> -> memref<64x128xf32, #tpu.memory_space<hbm>>
      tpu.wait_dma2 semaphore(%run_scoped3A : memref<!tpu.dma_semaphore, #tpu.memory_space<semaphore_mem>>) src(%dma_wait3A_290 : memref<64x128xf32, #tpu.memory_space<hbm>>) dst(%arg9 : memref<64x128xf32, #tpu.memory_space<vmem>>)
      tpu.yield
    }) : () -> ()
    %mul3A_1 = arith.constant 640 : i32
    %mul3A_2 = arith.muli %arg1, %mul3A_1 : i32
    %add3A_3 = arith.constant 0 : i32
    %add3A_4 = arith.addi %mul3A_2, %add3A_3 : i32
    "tpu.region"() ({
      %run_scoped3A = tpu.sem_alloc : memref<!tpu.dma_semaphore, #tpu.memory_space<semaphore_mem>>
      %dma_start3A_279 = arith.constant 0 : i32
      %dma_start3A_280 = tpu.memref_slice %arg13[%add3A_4, %dma_start3A_279] : memref<10240x128xf32, #tpu.memory_space<vmem_shared>> -> memref<64x128xf32, #tpu.memory_space<vmem_shared>>
      %dma_start3A_281 = arith.constant 0 : i32
      %dma_start3A_282 = tpu.memref_slice %arg13[%add3A_4, %dma_start3A_281] : memref<10240x128xf32, #tpu.memory_space<vmem_shared>> -> memref<64x128xf32, #tpu.memory_space<vmem_shared>>
      tpu.enqueue_dma source(%arg9 : memref<64x128xf32, #tpu.memory_space<vmem>>) target(%dma_start3A_282 : memref<64x128xf32, #tpu.memory_space<vmem_shared>>) target_semaphore(%run_scoped3A : memref<!tpu.dma_semaphore, #tpu.memory_space<semaphore_mem>>)
      %dma_wait3A_283 = arith.constant 0 : i32
      %dma_wait3A_284 = tpu.memref_slice %arg13[%add3A_4, %dma_wait3A_283] : memref<10240x128xf32, #tpu.memory_space<vmem_shared>> -> memref<64x128xf32, #tpu.memory_space<vmem_shared>>
      %dma_wait3A_285 = arith.constant 0 : i32
      %dma_wait3A_286 = tpu.memref_slice %arg13[%add3A_4, %dma_wait3A_285] : memref<10240x128xf32, #tpu.memory_space<vmem_shared>> -> memref<64x128xf32, #tpu.memory_space<vmem_shared>>
      tpu.wait_dma2 semaphore(%run_scoped3A : memref<!tpu.dma_semaphore, #tpu.memory_space<semaphore_mem>>) src(%arg9 : memref<64x128xf32, #tpu.memory_space<vmem>>) dst(%dma_wait3A_286 : memref<64x128xf32, #tpu.memory_space<vmem_shared>>)
      tpu.yield
    }) : () -> ()
    %mul3A_5 = arith.constant 640 : i32
    %mul3A_6 = arith.muli %arg1, %mul3A_5 : i32
    %add3A_7 = arith.constant 64 : i32
    %add3A_8 = arith.addi %mul3A_6, %add3A_7 : i32
    "tpu.region"() ({
      %run_scoped3A = tpu.sem_alloc : memref<!tpu.dma_semaphore, #tpu.memory_space<semaphore_mem>>
      %dma_start3A_279 = arith.constant 0 : i32
      %dma_start3A_280 = tpu.memref_slice %arg13[%add3A_8, %dma_start3A_279] : memref<10240x128xf32, #tpu.memory_space<vmem_shared>> -> memref<64x128xf32, #tpu.memory_space<vmem_shared>>
      %dma_start3A_281 = arith.constant 0 : i32
      %dma_start3A_282 = tpu.memref_slice %arg13[%add3A_8, %dma_start3A_281] : memref<10240x128xf32, #tpu.memory_space<vmem_shared>> -> memref<64x128xf32, #tpu.memory_space<vmem_shared>>
      tpu.enqueue_dma source(%arg9 : memref<64x128xf32, #tpu.memory_space<vmem>>) target(%dma_start3A_282 : memref<64x128xf32, #tpu.memory_space<vmem_shared>>) target_semaphore(%run_scoped3A : memref<!tpu.dma_semaphore, #tpu.memory_space<semaphore_mem>>)
      %dma_wait3A_283 = arith.constant 0 : i32
      %dma_wait3A_284 = tpu.memref_slice %arg13[%add3A_8, %dma_wait3A_283] : memref<10240x128xf32, #tpu.memory_space<vmem_shared>> -> memref<64x128xf32, #tpu.memory_space<vmem_shared>>
      %dma_wait3A_285 = arith.constant 0 : i32
      %dma_wait3A_286 = tpu.memref_slice %arg13[%add3A_8, %dma_wait3A_285] : memref<10240x128xf32, #tpu.memory_space<vmem_shared>> -> memref<64x128xf32, #tpu.memory_space<vmem_shared>>
      tpu.wait_dma2 semaphore(%run_scoped3A : memref<!tpu.dma_semaphore, #tpu.memory_space<semaphore_mem>>) src(%arg9 : memref<64x128xf32, #tpu.memory_space<vmem>>) dst(%dma_wait3A_286 : memref<64x128xf32, #tpu.memory_space<vmem_shared>>)
      tpu.yield
    }) : () -> ()
    %mul3A_9 = arith.constant 640 : i32
    %mul3A_10 = arith.muli %arg1, %mul3A_9 : i32
    %add3A_11 = arith.constant 128 : i32
    %add3A_12 = arith.addi %mul3A_10, %add3A_11 : i32
    "tpu.region"() ({
      %run_scoped3A = tpu.sem_alloc : memref<!tpu.dma_semaphore, #tpu.memory_space<semaphore_mem>>
      %dma_start3A_279 = arith.constant 0 : i32
      %dma_start3A_280 = tpu.memref_slice %arg13[%add3A_12, %dma_start3A_279] : memref<10240x128xf32, #tpu.memory_space<vmem_shared>> -> memref<64x128xf32, #tpu.memory_space<vmem_shared>>
      %dma_start3A_281 = arith.constant 0 : i32
      %dma_start3A_282 = tpu.memref_slice %arg13[%add3A_12, %dma_start3A_281] : memref<10240x128xf32, #tpu.memory_space<vmem_shared>> -> memref<64x128xf32, #tpu.memory_space<vmem_shared>>
      tpu.enqueue_dma source(%arg9 : memref<64x128xf32, #tpu.memory_space<vmem>>) target(%dma_start3A_282 : memref<64x128xf32, #tpu.memory_space<vmem_shared>>) target_semaphore(%run_scoped3A : memref<!tpu.dma_semaphore, #tpu.memory_space<semaphore_mem>>)
      %dma_wait3A_283 = arith.constant 0 : i32
      %dma_wait3A_284 = tpu.memref_slice %arg13[%add3A_12, %dma_wait3A_283] : memref<10240x128xf32, #tpu.memory_space<vmem_shared>> -> memref<64x128xf32, #tpu.memory_space<vmem_shared>>
      %dma_wait3A_285 = arith.constant 0 : i32
      %dma_wait3A_286 = tpu.memref_slice %arg13[%add3A_12, %dma_wait3A_285] : memref<10240x128xf32, #tpu.memory_space<vmem_shared>> -> memref<64x128xf32, #tpu.memory_space<vmem_shared>>
      tpu.wait_dma2 semaphore(%run_scoped3A : memref<!tpu.dma_semaphore, #tpu.memory_space<semaphore_mem>>) src(%arg9 : memref<64x128xf32, #tpu.memory_space<vmem>>) dst(%dma_wait3A_286 : memref<64x128xf32, #tpu.memory_space<vmem_shared>>)
      tpu.yield
    }) : () -> ()
    %mul3A_13 = arith.constant 640 : i32
    %mul3A_14 = arith.muli %arg1, %mul3A_13 : i32
    %add3A_15 = arith.constant 192 : i32
    %add3A_16 = arith.addi %mul3A_14, %add3A_15 : i32
    "tpu.region"() ({
      %run_scoped3A = tpu.sem_alloc : memref<!tpu.dma_semaphore, #tpu.memory_space<semaphore_mem>>
      %dma_start3A_279 = arith.constant 0 : i32
      %dma_start3A_280 = tpu.memref_slice %arg13[%add3A_16, %dma_start3A_279] : memref<10240x128xf32, #tpu.memory_space<vmem_shared>> -> memref<64x128xf32, #tpu.memory_space<vmem_shared>>
      %dma_start3A_281 = arith.constant 0 : i32
      %dma_start3A_282 = tpu.memref_slice %arg13[%add3A_16, %dma_start3A_281] : memref<10240x128xf32, #tpu.memory_space<vmem_shared>> -> memref<64x128xf32, #tpu.memory_space<vmem_shared>>
      tpu.enqueue_dma source(%arg9 : memref<64x128xf32, #tpu.memory_space<vmem>>) target(%dma_start3A_282 : memref<64x128xf32, #tpu.memory_space<vmem_shared>>) target_semaphore(%run_scoped3A : memref<!tpu.dma_semaphore, #tpu.memory_space<semaphore_mem>>)
      %dma_wait3A_283 = arith.constant 0 : i32
      %dma_wait3A_284 = tpu.memref_slice %arg13[%add3A_16, %dma_wait3A_283] : memref<10240x128xf32, #tpu.memory_space<vmem_shared>> -> memref<64x128xf32, #tpu.memory_space<vmem_shared>>
      %dma_wait3A_285 = arith.constant 0 : i32
      %dma_wait3A_286 = tpu.memref_slice %arg13[%add3A_16, %dma_wait3A_285] : memref<10240x128xf32, #tpu.memory_space<vmem_shared>> -> memref<64x128xf32, #tpu.memory_space<vmem_shared>>
      tpu.wait_dma2 semaphore(%run_scoped3A : memref<!tpu.dma_semaphore, #tpu.memory_space<semaphore_mem>>) src(%arg9 : memref<64x128xf32, #tpu.memory_space<vmem>>) dst(%dma_wait3A_286 : memref<64x128xf32, #tpu.memory_space<vmem_shared>>)
      tpu.yield
    }) : () -> ()
    %mul3A_17 = arith.constant 640 : i32
    %mul3A_18 = arith.muli %arg1, %mul3A_17 : i32
    %add3A_19 = arith.constant 256 : i32
    %add3A_20 = arith.addi %mul3A_18, %add3A_19 : i32
    "tpu.region"() ({
      %run_scoped3A = tpu.sem_alloc : memref<!tpu.dma_semaphore, #tpu.memory_space<semaphore_mem>>
      %dma_start3A_279 = arith.constant 0 : i32
      %dma_start3A_280 = tpu.memref_slice %arg13[%add3A_20, %dma_start3A_279] : memref<10240x128xf32, #tpu.memory_space<vmem_shared>> -> memref<64x128xf32, #tpu.memory_space<vmem_shared>>
      %dma_start3A_281 = arith.constant 0 : i32
      %dma_start3A_282 = tpu.memref_slice %arg13[%add3A_20, %dma_start3A_281] : memref<10240x128xf32, #tpu.memory_space<vmem_shared>> -> memref<64x128xf32, #tpu.memory_space<vmem_shared>>
      tpu.enqueue_dma source(%arg9 : memref<64x128xf32, #tpu.memory_space<vmem>>) target(%dma_start3A_282 : memref<64x128xf32, #tpu.memory_space<vmem_shared>>) target_semaphore(%run_scoped3A : memref<!tpu.dma_semaphore, #tpu.memory_space<semaphore_mem>>)
      %dma_wait3A_283 = arith.constant 0 : i32
      %dma_wait3A_284 = tpu.memref_slice %arg13[%add3A_20, %dma_wait3A_283] : memref<10240x128xf32, #tpu.memory_space<vmem_shared>> -> memref<64x128xf32, #tpu.memory_space<vmem_shared>>
      %dma_wait3A_285 = arith.constant 0 : i32
      %dma_wait3A_286 = tpu.memref_slice %arg13[%add3A_20, %dma_wait3A_285] : memref<10240x128xf32, #tpu.memory_space<vmem_shared>> -> memref<64x128xf32, #tpu.memory_space<vmem_shared>>
      tpu.wait_dma2 semaphore(%run_scoped3A : memref<!tpu.dma_semaphore, #tpu.memory_space<semaphore_mem>>) src(%arg9 : memref<64x128xf32, #tpu.memory_space<vmem>>) dst(%dma_wait3A_286 : memref<64x128xf32, #tpu.memory_space<vmem_shared>>)
      tpu.yield
    }) : () -> ()
    %mul3A_21 = arith.constant 640 : i32
    %mul3A_22 = arith.muli %arg1, %mul3A_21 : i32
    %add3A_23 = arith.constant 320 : i32
    %add3A_24 = arith.addi %mul3A_22, %add3A_23 : i32
    "tpu.region"() ({
      %run_scoped3A = tpu.sem_alloc : memref<!tpu.dma_semaphore, #tpu.memory_space<semaphore_mem>>
      %dma_start3A_279 = arith.constant 0 : i32
      %dma_start3A_280 = tpu.memref_slice %arg13[%add3A_24, %dma_start3A_279] : memref<10240x128xf32, #tpu.memory_space<vmem_shared>> -> memref<64x128xf32, #tpu.memory_space<vmem_shared>>
      %dma_start3A_281 = arith.constant 0 : i32
      %dma_start3A_282 = tpu.memref_slice %arg13[%add3A_24, %dma_start3A_281] : memref<10240x128xf32, #tpu.memory_space<vmem_shared>> -> memref<64x128xf32, #tpu.memory_space<vmem_shared>>
      tpu.enqueue_dma source(%arg9 : memref<64x128xf32, #tpu.memory_space<vmem>>) target(%dma_start3A_282 : memref<64x128xf32, #tpu.memory_space<vmem_shared>>) target_semaphore(%run_scoped3A : memref<!tpu.dma_semaphore, #tpu.memory_space<semaphore_mem>>)
      %dma_wait3A_283 = arith.constant 0 : i32
      %dma_wait3A_284 = tpu.memref_slice %arg13[%add3A_24, %dma_wait3A_283] : memref<10240x128xf32, #tpu.memory_space<vmem_shared>> -> memref<64x128xf32, #tpu.memory_space<vmem_shared>>
      %dma_wait3A_285 = arith.constant 0 : i32
      %dma_wait3A_286 = tpu.memref_slice %arg13[%add3A_24, %dma_wait3A_285] : memref<10240x128xf32, #tpu.memory_space<vmem_shared>> -> memref<64x128xf32, #tpu.memory_space<vmem_shared>>
      tpu.wait_dma2 semaphore(%run_scoped3A : memref<!tpu.dma_semaphore, #tpu.memory_space<semaphore_mem>>) src(%arg9 : memref<64x128xf32, #tpu.memory_space<vmem>>) dst(%dma_wait3A_286 : memref<64x128xf32, #tpu.memory_space<vmem_shared>>)
      tpu.yield
    }) : () -> ()
    %mul3A_25 = arith.constant 640 : i32
    %mul3A_26 = arith.muli %arg1, %mul3A_25 : i32
    %add3A_27 = arith.constant 384 : i32
    %add3A_28 = arith.addi %mul3A_26, %add3A_27 : i32
    "tpu.region"() ({
      %run_scoped3A = tpu.sem_alloc : memref<!tpu.dma_semaphore, #tpu.memory_space<semaphore_mem>>
      %dma_start3A_279 = arith.constant 0 : i32
      %dma_start3A_280 = tpu.memref_slice %arg13[%add3A_28, %dma_start3A_279] : memref<10240x128xf32, #tpu.memory_space<vmem_shared>> -> memref<64x128xf32, #tpu.memory_space<vmem_shared>>
      %dma_start3A_281 = arith.constant 0 : i32
      %dma_start3A_282 = tpu.memref_slice %arg13[%add3A_28, %dma_start3A_281] : memref<10240x128xf32, #tpu.memory_space<vmem_shared>> -> memref<64x128xf32, #tpu.memory_space<vmem_shared>>
      tpu.enqueue_dma source(%arg9 : memref<64x128xf32, #tpu.memory_space<vmem>>) target(%dma_start3A_282 : memref<64x128xf32, #tpu.memory_space<vmem_shared>>) target_semaphore(%run_scoped3A : memref<!tpu.dma_semaphore, #tpu.memory_space<semaphore_mem>>)
      %dma_wait3A_283 = arith.constant 0 : i32
      %dma_wait3A_284 = tpu.memref_slice %arg13[%add3A_28, %dma_wait3A_283] : memref<10240x128xf32, #tpu.memory_space<vmem_shared>> -> memref<64x128xf32, #tpu.memory_space<vmem_shared>>
      %dma_wait3A_285 = arith.constant 0 : i32
      %dma_wait3A_286 = tpu.memref_slice %arg13[%add3A_28, %dma_wait3A_285] : memref<10240x128xf32, #tpu.memory_space<vmem_shared>> -> memref<64x128xf32, #tpu.memory_space<vmem_shared>>
      tpu.wait_dma2 semaphore(%run_scoped3A : memref<!tpu.dma_semaphore, #tpu.memory_space<semaphore_mem>>) src(%arg9 : memref<64x128xf32, #tpu.memory_space<vmem>>) dst(%dma_wait3A_286 : memref<64x128xf32, #tpu.memory_space<vmem_shared>>)
      tpu.yield
    }) : () -> ()
    %mul3A_29 = arith.constant 640 : i32
    %mul3A_30 = arith.muli %arg1, %mul3A_29 : i32
    %add3A_31 = arith.constant 448 : i32
    %add3A_32 = arith.addi %mul3A_30, %add3A_31 : i32
    "tpu.region"() ({
      %run_scoped3A = tpu.sem_alloc : memref<!tpu.dma_semaphore, #tpu.memory_space<semaphore_mem>>
      %dma_start3A_279 = arith.constant 0 : i32
      %dma_start3A_280 = tpu.memref_slice %arg13[%add3A_32, %dma_start3A_279] : memref<10240x128xf32, #tpu.memory_space<vmem_shared>> -> memref<64x128xf32, #tpu.memory_space<vmem_shared>>
      %dma_start3A_281 = arith.constant 0 : i32
      %dma_start3A_282 = tpu.memref_slice %arg13[%add3A_32, %dma_start3A_281] : memref<10240x128xf32, #tpu.memory_space<vmem_shared>> -> memref<64x128xf32, #tpu.memory_space<vmem_shared>>
      tpu.enqueue_dma source(%arg9 : memref<64x128xf32, #tpu.memory_space<vmem>>) target(%dma_start3A_282 : memref<64x128xf32, #tpu.memory_space<vmem_shared>>) target_semaphore(%run_scoped3A : memref<!tpu.dma_semaphore, #tpu.memory_space<semaphore_mem>>)
      %dma_wait3A_283 = arith.constant 0 : i32
      %dma_wait3A_284 = tpu.memref_slice %arg13[%add3A_32, %dma_wait3A_283] : memref<10240x128xf32, #tpu.memory_space<vmem_shared>> -> memref<64x128xf32, #tpu.memory_space<vmem_shared>>
      %dma_wait3A_285 = arith.constant 0 : i32
      %dma_wait3A_286 = tpu.memref_slice %arg13[%add3A_32, %dma_wait3A_285] : memref<10240x128xf32, #tpu.memory_space<vmem_shared>> -> memref<64x128xf32, #tpu.memory_space<vmem_shared>>
      tpu.wait_dma2 semaphore(%run_scoped3A : memref<!tpu.dma_semaphore, #tpu.memory_space<semaphore_mem>>) src(%arg9 : memref<64x128xf32, #tpu.memory_space<vmem>>) dst(%dma_wait3A_286 : memref<64x128xf32, #tpu.memory_space<vmem_shared>>)
      tpu.yield
    }) : () -> ()
    %mul3A_33 = arith.constant 640 : i32
    %mul3A_34 = arith.muli %arg1, %mul3A_33 : i32
    %add3A_35 = arith.constant 512 : i32
    %add3A_36 = arith.addi %mul3A_34, %add3A_35 : i32
    "tpu.region"() ({
      %run_scoped3A = tpu.sem_alloc : memref<!tpu.dma_semaphore, #tpu.memory_space<semaphore_mem>>
      %dma_start3A_279 = arith.constant 0 : i32
      %dma_start3A_280 = tpu.memref_slice %arg13[%add3A_36, %dma_start3A_279] : memref<10240x128xf32, #tpu.memory_space<vmem_shared>> -> memref<64x128xf32, #tpu.memory_space<vmem_shared>>
      %dma_start3A_281 = arith.constant 0 : i32
      %dma_start3A_282 = tpu.memref_slice %arg13[%add3A_36, %dma_start3A_281] : memref<10240x128xf32, #tpu.memory_space<vmem_shared>> -> memref<64x128xf32, #tpu.memory_space<vmem_shared>>
      tpu.enqueue_dma source(%arg9 : memref<64x128xf32, #tpu.memory_space<vmem>>) target(%dma_start3A_282 : memref<64x128xf32, #tpu.memory_space<vmem_shared>>) target_semaphore(%run_scoped3A : memref<!tpu.dma_semaphore, #tpu.memory_space<semaphore_mem>>)
      %dma_wait3A_283 = arith.constant 0 : i32
      %dma_wait3A_284 = tpu.memref_slice %arg13[%add3A_36, %dma_wait3A_283] : memref<10240x128xf32, #tpu.memory_space<vmem_shared>> -> memref<64x128xf32, #tpu.memory_space<vmem_shared>>
      %dma_wait3A_285 = arith.constant 0 : i32
      %dma_wait3A_286 = tpu.memref_slice %arg13[%add3A_36, %dma_wait3A_285] : memref<10240x128xf32, #tpu.memory_space<vmem_shared>> -> memref<64x128xf32, #tpu.memory_space<vmem_shared>>
      tpu.wait_dma2 semaphore(%run_scoped3A : memref<!tpu.dma_semaphore, #tpu.memory_space<semaphore_mem>>) src(%arg9 : memref<64x128xf32, #tpu.memory_space<vmem>>) dst(%dma_wait3A_286 : memref<64x128xf32, #tpu.memory_space<vmem_shared>>)
      tpu.yield
    }) : () -> ()
    %mul3A_37 = arith.constant 640 : i32
    %mul3A_38 = arith.muli %arg1, %mul3A_37 : i32
    %add3A_39 = arith.constant 576 : i32
    %add3A_40 = arith.addi %mul3A_38, %add3A_39 : i32
    "tpu.region"() ({
      %run_scoped3A = tpu.sem_alloc : memref<!tpu.dma_semaphore, #tpu.memory_space<semaphore_mem>>
      %dma_start3A_279 = arith.constant 0 : i32
      %dma_start3A_280 = tpu.memref_slice %arg13[%add3A_40, %dma_start3A_279] : memref<10240x128xf32, #tpu.memory_space<vmem_shared>> -> memref<64x128xf32, #tpu.memory_space<vmem_shared>>
      %dma_start3A_281 = arith.constant 0 : i32
      %dma_start3A_282 = tpu.memref_slice %arg13[%add3A_40, %dma_start3A_281] : memref<10240x128xf32, #tpu.memory_space<vmem_shared>> -> memref<64x128xf32, #tpu.memory_space<vmem_shared>>
      tpu.enqueue_dma source(%arg9 : memref<64x128xf32, #tpu.memory_space<vmem>>) target(%dma_start3A_282 : memref<64x128xf32, #tpu.memory_space<vmem_shared>>) target_semaphore(%run_scoped3A : memref<!tpu.dma_semaphore, #tpu.memory_space<semaphore_mem>>)
      %dma_wait3A_283 = arith.constant 0 : i32
      %dma_wait3A_284 = tpu.memref_slice %arg13[%add3A_40, %dma_wait3A_283] : memref<10240x128xf32, #tpu.memory_space<vmem_shared>> -> memref<64x128xf32, #tpu.memory_space<vmem_shared>>
      %dma_wait3A_285 = arith.constant 0 : i32
      %dma_wait3A_286 = tpu.memref_slice %arg13[%add3A_40, %dma_wait3A_285] : memref<10240x128xf32, #tpu.memory_space<vmem_shared>> -> memref<64x128xf32, #tpu.memory_space<vmem_shared>>
      tpu.wait_dma2 semaphore(%run_scoped3A : memref<!tpu.dma_semaphore, #tpu.memory_space<semaphore_mem>>) src(%arg9 : memref<64x128xf32, #tpu.memory_space<vmem>>) dst(%dma_wait3A_286 : memref<64x128xf32, #tpu.memory_space<vmem_shared>>)
      tpu.yield
    }) : () -> ()
    %barrier3A = arith.constant 0 : index
    tpu.barrier barrier_id(%barrier3A)
    %mul3A_41 = arith.constant 160 : i32
    %mul3A_42 = arith.muli %add3A, %mul3A_41 : i32
    %add3A_43 = arith.constant 0 : i32
    %add3A_44 = arith.addi %mul3A_42, %add3A_43 : i32
    "tpu.region"() ({
      %run_scoped3A = tpu.sem_alloc : memref<!tpu.dma_semaphore, #tpu.memory_space<semaphore_mem>>
      %dma_start3A_279 = arith.constant 0 : i32
      %dma_start3A_280 = tpu.memref_slice %arg3[%add3A_44, %dma_start3A_279] : memref<5120x64xi32, #tpu.memory_space<hbm>> -> memref<40x64xi32, #tpu.memory_space<hbm>>
      %dma_start3A_281 = arith.constant 0 : i32
      %dma_start3A_282 = tpu.memref_slice %arg3[%add3A_44, %dma_start3A_281] : memref<5120x64xi32, #tpu.memory_space<hbm>> -> memref<40x64xi32, #tpu.memory_space<hbm>>
      tpu.enqueue_dma source(%dma_start3A_282 : memref<40x64xi32, #tpu.memory_space<hbm>>) target(%arg7 : memref<40x64xi32, #tpu.memory_space<vmem>>) target_semaphore(%run_scoped3A : memref<!tpu.dma_semaphore, #tpu.memory_space<semaphore_mem>>)
      %dma_wait3A_283 = arith.constant 0 : i32
      %dma_wait3A_284 = tpu.memref_slice %arg3[%add3A_44, %dma_wait3A_283] : memref<5120x64xi32, #tpu.memory_space<hbm>> -> memref<40x64xi32, #tpu.memory_space<hbm>>
      %dma_wait3A_285 = arith.constant 0 : i32
      %dma_wait3A_286 = tpu.memref_slice %arg3[%add3A_44, %dma_wait3A_285] : memref<5120x64xi32, #tpu.memory_space<hbm>> -> memref<40x64xi32, #tpu.memory_space<hbm>>
      tpu.wait_dma2 semaphore(%run_scoped3A : memref<!tpu.dma_semaphore, #tpu.memory_space<semaphore_mem>>) src(%dma_wait3A_286 : memref<40x64xi32, #tpu.memory_space<hbm>>) dst(%arg7 : memref<40x64xi32, #tpu.memory_space<vmem>>)
      tpu.yield
    }) : () -> ()
    "tpu.region"() ({
      %run_scoped3A = tpu.sem_alloc : memref<!tpu.dma_semaphore, #tpu.memory_space<semaphore_mem>>
      %dma_start3A_279 = arith.constant 0 : i32
      %dma_start3A_280 = tpu.memref_slice %arg4[%add3A_44, %dma_start3A_279] : memref<5120x64xi32, #tpu.memory_space<hbm>> -> memref<40x64xi32, #tpu.memory_space<hbm>>
      %dma_start3A_281 = arith.constant 0 : i32
      %dma_start3A_282 = tpu.memref_slice %arg4[%add3A_44, %dma_start3A_281] : memref<5120x64xi32, #tpu.memory_space<hbm>> -> memref<40x64xi32, #tpu.memory_space<hbm>>
      tpu.enqueue_dma source(%dma_start3A_282 : memref<40x64xi32, #tpu.memory_space<hbm>>) target(%arg8 : memref<40x64xi32, #tpu.memory_space<vmem>>) target_semaphore(%run_scoped3A : memref<!tpu.dma_semaphore, #tpu.memory_space<semaphore_mem>>)
      %dma_wait3A_283 = arith.constant 0 : i32
      %dma_wait3A_284 = tpu.memref_slice %arg4[%add3A_44, %dma_wait3A_283] : memref<5120x64xi32, #tpu.memory_space<hbm>> -> memref<40x64xi32, #tpu.memory_space<hbm>>
      %dma_wait3A_285 = arith.constant 0 : i32
      %dma_wait3A_286 = tpu.memref_slice %arg4[%add3A_44, %dma_wait3A_285] : memref<5120x64xi32, #tpu.memory_space<hbm>> -> memref<40x64xi32, #tpu.memory_space<hbm>>
      tpu.wait_dma2 semaphore(%run_scoped3A : memref<!tpu.dma_semaphore, #tpu.memory_space<semaphore_mem>>) src(%dma_wait3A_286 : memref<40x64xi32, #tpu.memory_space<hbm>>) dst(%arg8 : memref<40x64xi32, #tpu.memory_space<vmem>>)
      tpu.yield
    }) : () -> ()
    %dma_start3A = arith.constant 0 : i32
    %dma_start3A_45 = arith.constant 0 : i32
    %dma_start3A_46 = tpu.memref_slice %arg7[%dma_start3A, %dma_start3A_45] : memref<40x64xi32, #tpu.memory_space<vmem>> -> memref<1x64xi32, #tpu.memory_space<vmem>>
    %dma_start3A_47 = tpu.memref_squeeze %dma_start3A_46 : memref<1x64xi32, #tpu.memory_space<vmem>> -> memref<64xi32, #tpu.memory_space<vmem>>
    %dma_start3A_48 = arith.constant 0 : i32
    %dma_start3A_49 = arith.constant 0 : i32
    %dma_start3A_50 = tpu.memref_slice %arg2[%dma_start3A_48, %dma_start3A_49] : memref<10240x128xf32, #tpu.memory_space<hbm>> -> memref<10240x128xf32, #tpu.memory_space<hbm>>
    tpu.enqueue_indirect_dma source(%dma_start3A_50 : memref<10240x128xf32, #tpu.memory_space<hbm>>) target(%arg9 : memref<64x128xf32, #tpu.memory_space<vmem>>) offsets(%dma_start3A_47 : memref<64xi32, #tpu.memory_space<vmem>>) semaphore(%arg14 : memref<!tpu.dma_semaphore, #tpu.memory_space<semaphore_mem>>)
    %dma_start3A_51 = arith.constant 1 : i32
    %dma_start3A_52 = arith.constant 0 : i32
    %dma_start3A_53 = tpu.memref_slice %arg7[%dma_start3A_51, %dma_start3A_52] : memref<40x64xi32, #tpu.memory_space<vmem>> -> memref<1x64xi32, #tpu.memory_space<vmem>>
    %dma_start3A_54 = tpu.memref_squeeze %dma_start3A_53 : memref<1x64xi32, #tpu.memory_space<vmem>> -> memref<64xi32, #tpu.memory_space<vmem>>
    %dma_start3A_55 = arith.constant 0 : i32
    %dma_start3A_56 = arith.constant 0 : i32
    %dma_start3A_57 = tpu.memref_slice %arg2[%dma_start3A_55, %dma_start3A_56] : memref<10240x128xf32, #tpu.memory_space<hbm>> -> memref<10240x128xf32, #tpu.memory_space<hbm>>
    tpu.enqueue_indirect_dma source(%dma_start3A_57 : memref<10240x128xf32, #tpu.memory_space<hbm>>) target(%arg10 : memref<64x128xf32, #tpu.memory_space<vmem>>) offsets(%dma_start3A_54 : memref<64xi32, #tpu.memory_space<vmem>>) semaphore(%arg15 : memref<!tpu.dma_semaphore, #tpu.memory_space<semaphore_mem>>)
    %dma_start3A_58 = arith.constant 2 : i32
    %dma_start3A_59 = arith.constant 0 : i32
    %dma_start3A_60 = tpu.memref_slice %arg7[%dma_start3A_58, %dma_start3A_59] : memref<40x64xi32, #tpu.memory_space<vmem>> -> memref<1x64xi32, #tpu.memory_space<vmem>>
    %dma_start3A_61 = tpu.memref_squeeze %dma_start3A_60 : memref<1x64xi32, #tpu.memory_space<vmem>> -> memref<64xi32, #tpu.memory_space<vmem>>
    %dma_start3A_62 = arith.constant 0 : i32
    %dma_start3A_63 = arith.constant 0 : i32
    %dma_start3A_64 = tpu.memref_slice %arg2[%dma_start3A_62, %dma_start3A_63] : memref<10240x128xf32, #tpu.memory_space<hbm>> -> memref<10240x128xf32, #tpu.memory_space<hbm>>
    tpu.enqueue_indirect_dma source(%dma_start3A_64 : memref<10240x128xf32, #tpu.memory_space<hbm>>) target(%arg11 : memref<64x128xf32, #tpu.memory_space<vmem>>) offsets(%dma_start3A_61 : memref<64xi32, #tpu.memory_space<vmem>>) semaphore(%arg16 : memref<!tpu.dma_semaphore, #tpu.memory_space<semaphore_mem>>)
    %scan3A = arith.constant 0 : i32
    %scan3A_65 = arith.constant 0 : i32
    %scan3A_66 = arith.constant 10 : i32
    %scan3A_67 = arith.addi %scan3A_65, %scan3A_66 : i32
    %scan3A_68 = arith.constant 1 : i32
    scf.for %scan3A_279 = %scan3A_65 to %scan3A_67 step %scan3A_68  : i32 {
      %mul3A_280 = arith.constant 4 : i32
      %mul3A_281 = arith.muli %mul3A_280, %scan3A_279 : i32
      %add3A_282 = arith.constant 0 : i32
      %add3A_283 = arith.addi %mul3A_281, %add3A_282 : i32
      %dma_wait3A_284 = arith.constant 0 : i32
      %dma_wait3A_285 = arith.constant 0 : i32
      %dma_wait3A_286 = tpu.memref_slice %arg7[%dma_wait3A_284, %dma_wait3A_285] : memref<40x64xi32, #tpu.memory_space<vmem>> -> memref<1x64xi32, #tpu.memory_space<vmem>>
      %dma_wait3A_287 = tpu.memref_squeeze %dma_wait3A_286 : memref<1x64xi32, #tpu.memory_space<vmem>> -> memref<64xi32, #tpu.memory_space<vmem>>
      %dma_wait3A_288 = arith.constant 0 : i32
      %dma_wait3A_289 = arith.constant 0 : i32
      %dma_wait3A_290 = tpu.memref_slice %arg2[%dma_wait3A_288, %dma_wait3A_289] : memref<10240x128xf32, #tpu.memory_space<hbm>> -> memref<10240x128xf32, #tpu.memory_space<hbm>>
      tpu.wait_indirect_dma semaphore(%arg14 : memref<!tpu.dma_semaphore, #tpu.memory_space<semaphore_mem>>) src(%dma_wait3A_290 : memref<10240x128xf32, #tpu.memory_space<hbm>>) dst(%arg9 : memref<64x128xf32, #tpu.memory_space<vmem>>)
      %dma_start3A_291 = arith.constant 0 : i32
      %dma_start3A_292 = tpu.memref_slice %arg8[%add3A_283, %dma_start3A_291] : memref<40x64xi32, #tpu.memory_space<vmem>> -> memref<1x64xi32, #tpu.memory_space<vmem>>
      %dma_start3A_293 = tpu.memref_squeeze %dma_start3A_292 : memref<1x64xi32, #tpu.memory_space<vmem>> -> memref<64xi32, #tpu.memory_space<vmem>>
      %dma_start3A_294 = arith.constant 0 : i32
      %dma_start3A_295 = arith.constant 0 : i32
      %dma_start3A_296 = tpu.memref_slice %arg13[%dma_start3A_294, %dma_start3A_295] : memref<10240x128xf32, #tpu.memory_space<vmem_shared>> -> memref<10240x128xf32, #tpu.memory_space<vmem_shared>>
      tpu.enqueue_indirect_dma source(%arg9 : memref<64x128xf32, #tpu.memory_space<vmem>>) target(%dma_start3A_296 : memref<10240x128xf32, #tpu.memory_space<vmem_shared>>) offsets(%dma_start3A_293 : memref<64xi32, #tpu.memory_space<vmem>>) semaphore(%arg18 : memref<!tpu.dma_semaphore, #tpu.memory_space<semaphore_mem>>) {add = true}
      %add3A_297 = arith.constant 3 : i32
      %add3A_298 = arith.addi %add3A_283, %add3A_297 : i32
      %lt3A = arith.constant 40 : i32
      %lt3A_299 = arith.cmpi slt, %add3A_298, %lt3A : i32
      %convert_element_type3A = arith.extui %lt3A_299 : i1 to i32
      %cond3A = arith.constant 0 : i32
      %cond3A_300 = arith.cmpi ne, %convert_element_type3A, %cond3A : i32
      scf.if %cond3A_300 {
        %ge3A = arith.constant 1 : i32
        %ge3A_367 = arith.cmpi sge, %add3A_283, %ge3A : i32
        %convert_element_type3A_368 = arith.extui %ge3A_367 : i1 to i32
        %cond3A_369 = arith.constant 0 : i32
        %cond3A_370 = arith.cmpi ne, %convert_element_type3A_368, %cond3A_369 : i32
        scf.if %cond3A_370 {
          %dma_wait3A_379 = arith.constant 0 : i32
          %dma_wait3A_380 = arith.constant 0 : i32
          %dma_wait3A_381 = tpu.memref_slice %arg8[%dma_wait3A_379, %dma_wait3A_380] : memref<40x64xi32, #tpu.memory_space<vmem>> -> memref<1x64xi32, #tpu.memory_space<vmem>>
          %dma_wait3A_382 = tpu.memref_squeeze %dma_wait3A_381 : memref<1x64xi32, #tpu.memory_space<vmem>> -> memref<64xi32, #tpu.memory_space<vmem>>
          %dma_wait3A_383 = arith.constant 0 : i32
          %dma_wait3A_384 = arith.constant 0 : i32
          %dma_wait3A_385 = tpu.memref_slice %arg13[%dma_wait3A_383, %dma_wait3A_384] : memref<10240x128xf32, #tpu.memory_space<vmem_shared>> -> memref<10240x128xf32, #tpu.memory_space<vmem_shared>>
          tpu.wait_indirect_dma semaphore(%arg21 : memref<!tpu.dma_semaphore, #tpu.memory_space<semaphore_mem>>) src(%arg12 : memref<64x128xf32, #tpu.memory_space<vmem>>) dst(%dma_wait3A_385 : memref<10240x128xf32, #tpu.memory_space<vmem_shared>>)
        } else {
        }
        %add3A_371 = arith.constant 3 : i32
        %add3A_372 = arith.addi %add3A_283, %add3A_371 : i32
        %dma_start3A_373 = arith.constant 0 : i32
        %dma_start3A_374 = tpu.memref_slice %arg7[%add3A_372, %dma_start3A_373] : memref<40x64xi32, #tpu.memory_space<vmem>> -> memref<1x64xi32, #tpu.memory_space<vmem>>
        %dma_start3A_375 = tpu.memref_squeeze %dma_start3A_374 : memref<1x64xi32, #tpu.memory_space<vmem>> -> memref<64xi32, #tpu.memory_space<vmem>>
        %dma_start3A_376 = arith.constant 0 : i32
        %dma_start3A_377 = arith.constant 0 : i32
        %dma_start3A_378 = tpu.memref_slice %arg2[%dma_start3A_376, %dma_start3A_377] : memref<10240x128xf32, #tpu.memory_space<hbm>> -> memref<10240x128xf32, #tpu.memory_space<hbm>>
        tpu.enqueue_indirect_dma source(%dma_start3A_378 : memref<10240x128xf32, #tpu.memory_space<hbm>>) target(%arg12 : memref<64x128xf32, #tpu.memory_space<vmem>>) offsets(%dma_start3A_375 : memref<64xi32, #tpu.memory_space<vmem>>) semaphore(%arg17 : memref<!tpu.dma_semaphore, #tpu.memory_space<semaphore_mem>>)
      } else {
      }
      %add3A_301 = arith.constant 1 : i32
      %add3A_302 = arith.addi %mul3A_281, %add3A_301 : i32
      %dma_wait3A_303 = arith.constant 0 : i32
      %dma_wait3A_304 = arith.constant 0 : i32
      %dma_wait3A_305 = tpu.memref_slice %arg7[%dma_wait3A_303, %dma_wait3A_304] : memref<40x64xi32, #tpu.memory_space<vmem>> -> memref<1x64xi32, #tpu.memory_space<vmem>>
      %dma_wait3A_306 = tpu.memref_squeeze %dma_wait3A_305 : memref<1x64xi32, #tpu.memory_space<vmem>> -> memref<64xi32, #tpu.memory_space<vmem>>
      %dma_wait3A_307 = arith.constant 0 : i32
      %dma_wait3A_308 = arith.constant 0 : i32
      %dma_wait3A_309 = tpu.memref_slice %arg2[%dma_wait3A_307, %dma_wait3A_308] : memref<10240x128xf32, #tpu.memory_space<hbm>> -> memref<10240x128xf32, #tpu.memory_space<hbm>>
      tpu.wait_indirect_dma semaphore(%arg15 : memref<!tpu.dma_semaphore, #tpu.memory_space<semaphore_mem>>) src(%dma_wait3A_309 : memref<10240x128xf32, #tpu.memory_space<hbm>>) dst(%arg10 : memref<64x128xf32, #tpu.memory_space<vmem>>)
      %dma_start3A_310 = arith.constant 0 : i32
      %dma_start3A_311 = tpu.memref_slice %arg8[%add3A_302, %dma_start3A_310] : memref<40x64xi32, #tpu.memory_space<vmem>> -> memref<1x64xi32, #tpu.memory_space<vmem>>
      %dma_start3A_312 = tpu.memref_squeeze %dma_start3A_311 : memref<1x64xi32, #tpu.memory_space<vmem>> -> memref<64xi32, #tpu.memory_space<vmem>>
      %dma_start3A_313 = arith.constant 0 : i32
      %dma_start3A_314 = arith.constant 0 : i32
      %dma_start3A_315 = tpu.memref_slice %arg13[%dma_start3A_313, %dma_start3A_314] : memref<10240x128xf32, #tpu.memory_space<vmem_shared>> -> memref<10240x128xf32, #tpu.memory_space<vmem_shared>>
      tpu.enqueue_indirect_dma source(%arg10 : memref<64x128xf32, #tpu.memory_space<vmem>>) target(%dma_start3A_315 : memref<10240x128xf32, #tpu.memory_space<vmem_shared>>) offsets(%dma_start3A_312 : memref<64xi32, #tpu.memory_space<vmem>>) semaphore(%arg19 : memref<!tpu.dma_semaphore, #tpu.memory_space<semaphore_mem>>) {add = true}
      %add3A_316 = arith.constant 3 : i32
      %add3A_317 = arith.addi %add3A_302, %add3A_316 : i32
      %lt3A_318 = arith.constant 40 : i32
      %lt3A_319 = arith.cmpi slt, %add3A_317, %lt3A_318 : i32
      %convert_element_type3A_320 = arith.extui %lt3A_319 : i1 to i32
      %cond3A_321 = arith.constant 0 : i32
      %cond3A_322 = arith.cmpi ne, %convert_element_type3A_320, %cond3A_321 : i32
      scf.if %cond3A_322 {
        %ge3A = arith.constant 1 : i32
        %ge3A_367 = arith.cmpi sge, %add3A_302, %ge3A : i32
        %convert_element_type3A_368 = arith.extui %ge3A_367 : i1 to i32
        %cond3A_369 = arith.constant 0 : i32
        %cond3A_370 = arith.cmpi ne, %convert_element_type3A_368, %cond3A_369 : i32
        scf.if %cond3A_370 {
          %dma_wait3A_379 = arith.constant 0 : i32
          %dma_wait3A_380 = arith.constant 0 : i32
          %dma_wait3A_381 = tpu.memref_slice %arg8[%dma_wait3A_379, %dma_wait3A_380] : memref<40x64xi32, #tpu.memory_space<vmem>> -> memref<1x64xi32, #tpu.memory_space<vmem>>
          %dma_wait3A_382 = tpu.memref_squeeze %dma_wait3A_381 : memref<1x64xi32, #tpu.memory_space<vmem>> -> memref<64xi32, #tpu.memory_space<vmem>>
          %dma_wait3A_383 = arith.constant 0 : i32
          %dma_wait3A_384 = arith.constant 0 : i32
          %dma_wait3A_385 = tpu.memref_slice %arg13[%dma_wait3A_383, %dma_wait3A_384] : memref<10240x128xf32, #tpu.memory_space<vmem_shared>> -> memref<10240x128xf32, #tpu.memory_space<vmem_shared>>
          tpu.wait_indirect_dma semaphore(%arg18 : memref<!tpu.dma_semaphore, #tpu.memory_space<semaphore_mem>>) src(%arg9 : memref<64x128xf32, #tpu.memory_space<vmem>>) dst(%dma_wait3A_385 : memref<10240x128xf32, #tpu.memory_space<vmem_shared>>)
        } else {
        }
        %add3A_371 = arith.constant 3 : i32
        %add3A_372 = arith.addi %add3A_302, %add3A_371 : i32
        %dma_start3A_373 = arith.constant 0 : i32
        %dma_start3A_374 = tpu.memref_slice %arg7[%add3A_372, %dma_start3A_373] : memref<40x64xi32, #tpu.memory_space<vmem>> -> memref<1x64xi32, #tpu.memory_space<vmem>>
        %dma_start3A_375 = tpu.memref_squeeze %dma_start3A_374 : memref<1x64xi32, #tpu.memory_space<vmem>> -> memref<64xi32, #tpu.memory_space<vmem>>
        %dma_start3A_376 = arith.constant 0 : i32
        %dma_start3A_377 = arith.constant 0 : i32
        %dma_start3A_378 = tpu.memref_slice %arg2[%dma_start3A_376, %dma_start3A_377] : memref<10240x128xf32, #tpu.memory_space<hbm>> -> memref<10240x128xf32, #tpu.memory_space<hbm>>
        tpu.enqueue_indirect_dma source(%dma_start3A_378 : memref<10240x128xf32, #tpu.memory_space<hbm>>) target(%arg9 : memref<64x128xf32, #tpu.memory_space<vmem>>) offsets(%dma_start3A_375 : memref<64xi32, #tpu.memory_space<vmem>>) semaphore(%arg14 : memref<!tpu.dma_semaphore, #tpu.memory_space<semaphore_mem>>)
      } else {
      }
      %add3A_323 = arith.constant 2 : i32
      %add3A_324 = arith.addi %mul3A_281, %add3A_323 : i32
      %dma_wait3A_325 = arith.constant 0 : i32
      %dma_wait3A_326 = arith.constant 0 : i32
      %dma_wait3A_327 = tpu.memref_slice %arg7[%dma_wait3A_325, %dma_wait3A_326] : memref<40x64xi32, #tpu.memory_space<vmem>> -> memref<1x64xi32, #tpu.memory_space<vmem>>
      %dma_wait3A_328 = tpu.memref_squeeze %dma_wait3A_327 : memref<1x64xi32, #tpu.memory_space<vmem>> -> memref<64xi32, #tpu.memory_space<vmem>>
      %dma_wait3A_329 = arith.constant 0 : i32
      %dma_wait3A_330 = arith.constant 0 : i32
      %dma_wait3A_331 = tpu.memref_slice %arg2[%dma_wait3A_329, %dma_wait3A_330] : memref<10240x128xf32, #tpu.memory_space<hbm>> -> memref<10240x128xf32, #tpu.memory_space<hbm>>
      tpu.wait_indirect_dma semaphore(%arg16 : memref<!tpu.dma_semaphore, #tpu.memory_space<semaphore_mem>>) src(%dma_wait3A_331 : memref<10240x128xf32, #tpu.memory_space<hbm>>) dst(%arg11 : memref<64x128xf32, #tpu.memory_space<vmem>>)
      %dma_start3A_332 = arith.constant 0 : i32
      %dma_start3A_333 = tpu.memref_slice %arg8[%add3A_324, %dma_start3A_332] : memref<40x64xi32, #tpu.memory_space<vmem>> -> memref<1x64xi32, #tpu.memory_space<vmem>>
      %dma_start3A_334 = tpu.memref_squeeze %dma_start3A_333 : memref<1x64xi32, #tpu.memory_space<vmem>> -> memref<64xi32, #tpu.memory_space<vmem>>
      %dma_start3A_335 = arith.constant 0 : i32
      %dma_start3A_336 = arith.constant 0 : i32
      %dma_start3A_337 = tpu.memref_slice %arg13[%dma_start3A_335, %dma_start3A_336] : memref<10240x128xf32, #tpu.memory_space<vmem_shared>> -> memref<10240x128xf32, #tpu.memory_space<vmem_shared>>
      tpu.enqueue_indirect_dma source(%arg11 : memref<64x128xf32, #tpu.memory_space<vmem>>) target(%dma_start3A_337 : memref<10240x128xf32, #tpu.memory_space<vmem_shared>>) offsets(%dma_start3A_334 : memref<64xi32, #tpu.memory_space<vmem>>) semaphore(%arg20 : memref<!tpu.dma_semaphore, #tpu.memory_space<semaphore_mem>>) {add = true}
      %add3A_338 = arith.constant 3 : i32
      %add3A_339 = arith.addi %add3A_324, %add3A_338 : i32
      %lt3A_340 = arith.constant 40 : i32
      %lt3A_341 = arith.cmpi slt, %add3A_339, %lt3A_340 : i32
      %convert_element_type3A_342 = arith.extui %lt3A_341 : i1 to i32
      %cond3A_343 = arith.constant 0 : i32
      %cond3A_344 = arith.cmpi ne, %convert_element_type3A_342, %cond3A_343 : i32
      scf.if %cond3A_344 {
        %ge3A = arith.constant 1 : i32
        %ge3A_367 = arith.cmpi sge, %add3A_324, %ge3A : i32
        %convert_element_type3A_368 = arith.extui %ge3A_367 : i1 to i32
        %cond3A_369 = arith.constant 0 : i32
        %cond3A_370 = arith.cmpi ne, %convert_element_type3A_368, %cond3A_369 : i32
        scf.if %cond3A_370 {
          %dma_wait3A_379 = arith.constant 0 : i32
          %dma_wait3A_380 = arith.constant 0 : i32
          %dma_wait3A_381 = tpu.memref_slice %arg8[%dma_wait3A_379, %dma_wait3A_380] : memref<40x64xi32, #tpu.memory_space<vmem>> -> memref<1x64xi32, #tpu.memory_space<vmem>>
          %dma_wait3A_382 = tpu.memref_squeeze %dma_wait3A_381 : memref<1x64xi32, #tpu.memory_space<vmem>> -> memref<64xi32, #tpu.memory_space<vmem>>
          %dma_wait3A_383 = arith.constant 0 : i32
          %dma_wait3A_384 = arith.constant 0 : i32
          %dma_wait3A_385 = tpu.memref_slice %arg13[%dma_wait3A_383, %dma_wait3A_384] : memref<10240x128xf32, #tpu.memory_space<vmem_shared>> -> memref<10240x128xf32, #tpu.memory_space<vmem_shared>>
          tpu.wait_indirect_dma semaphore(%arg19 : memref<!tpu.dma_semaphore, #tpu.memory_space<semaphore_mem>>) src(%arg10 : memref<64x128xf32, #tpu.memory_space<vmem>>) dst(%dma_wait3A_385 : memref<10240x128xf32, #tpu.memory_space<vmem_shared>>)
        } else {
        }
        %add3A_371 = arith.constant 3 : i32
        %add3A_372 = arith.addi %add3A_324, %add3A_371 : i32
        %dma_start3A_373 = arith.constant 0 : i32
        %dma_start3A_374 = tpu.memref_slice %arg7[%add3A_372, %dma_start3A_373] : memref<40x64xi32, #tpu.memory_space<vmem>> -> memref<1x64xi32, #tpu.memory_space<vmem>>
        %dma_start3A_375 = tpu.memref_squeeze %dma_start3A_374 : memref<1x64xi32, #tpu.memory_space<vmem>> -> memref<64xi32, #tpu.memory_space<vmem>>
        %dma_start3A_376 = arith.constant 0 : i32
        %dma_start3A_377 = arith.constant 0 : i32
        %dma_start3A_378 = tpu.memref_slice %arg2[%dma_start3A_376, %dma_start3A_377] : memref<10240x128xf32, #tpu.memory_space<hbm>> -> memref<10240x128xf32, #tpu.memory_space<hbm>>
        tpu.enqueue_indirect_dma source(%dma_start3A_378 : memref<10240x128xf32, #tpu.memory_space<hbm>>) target(%arg10 : memref<64x128xf32, #tpu.memory_space<vmem>>) offsets(%dma_start3A_375 : memref<64xi32, #tpu.memory_space<vmem>>) semaphore(%arg15 : memref<!tpu.dma_semaphore, #tpu.memory_space<semaphore_mem>>)
      } else {
      }
      %add3A_345 = arith.constant 3 : i32
      %add3A_346 = arith.addi %mul3A_281, %add3A_345 : i32
      %dma_wait3A_347 = arith.constant 0 : i32
      %dma_wait3A_348 = arith.constant 0 : i32
      %dma_wait3A_349 = tpu.memref_slice %arg7[%dma_wait3A_347, %dma_wait3A_348] : memref<40x64xi32, #tpu.memory_space<vmem>> -> memref<1x64xi32, #tpu.memory_space<vmem>>
      %dma_wait3A_350 = tpu.memref_squeeze %dma_wait3A_349 : memref<1x64xi32, #tpu.memory_space<vmem>> -> memref<64xi32, #tpu.memory_space<vmem>>
      %dma_wait3A_351 = arith.constant 0 : i32
      %dma_wait3A_352 = arith.constant 0 : i32
      %dma_wait3A_353 = tpu.memref_slice %arg2[%dma_wait3A_351, %dma_wait3A_352] : memref<10240x128xf32, #tpu.memory_space<hbm>> -> memref<10240x128xf32, #tpu.memory_space<hbm>>
      tpu.wait_indirect_dma semaphore(%arg17 : memref<!tpu.dma_semaphore, #tpu.memory_space<semaphore_mem>>) src(%dma_wait3A_353 : memref<10240x128xf32, #tpu.memory_space<hbm>>) dst(%arg12 : memref<64x128xf32, #tpu.memory_space<vmem>>)
      %dma_start3A_354 = arith.constant 0 : i32
      %dma_start3A_355 = tpu.memref_slice %arg8[%add3A_346, %dma_start3A_354] : memref<40x64xi32, #tpu.memory_space<vmem>> -> memref<1x64xi32, #tpu.memory_space<vmem>>
      %dma_start3A_356 = tpu.memref_squeeze %dma_start3A_355 : memref<1x64xi32, #tpu.memory_space<vmem>> -> memref<64xi32, #tpu.memory_space<vmem>>
      %dma_start3A_357 = arith.constant 0 : i32
      %dma_start3A_358 = arith.constant 0 : i32
      %dma_start3A_359 = tpu.memref_slice %arg13[%dma_start3A_357, %dma_start3A_358] : memref<10240x128xf32, #tpu.memory_space<vmem_shared>> -> memref<10240x128xf32, #tpu.memory_space<vmem_shared>>
      tpu.enqueue_indirect_dma source(%arg12 : memref<64x128xf32, #tpu.memory_space<vmem>>) target(%dma_start3A_359 : memref<10240x128xf32, #tpu.memory_space<vmem_shared>>) offsets(%dma_start3A_356 : memref<64xi32, #tpu.memory_space<vmem>>) semaphore(%arg21 : memref<!tpu.dma_semaphore, #tpu.memory_space<semaphore_mem>>) {add = true}
      %add3A_360 = arith.constant 3 : i32
      %add3A_361 = arith.addi %add3A_346, %add3A_360 : i32
      %lt3A_362 = arith.constant 40 : i32
      %lt3A_363 = arith.cmpi slt, %add3A_361, %lt3A_362 : i32
      %convert_element_type3A_364 = arith.extui %lt3A_363 : i1 to i32
      %cond3A_365 = arith.constant 0 : i32
      %cond3A_366 = arith.cmpi ne, %convert_element_type3A_364, %cond3A_365 : i32
      scf.if %cond3A_366 {
        %ge3A = arith.constant 1 : i32
        %ge3A_367 = arith.cmpi sge, %add3A_346, %ge3A : i32
        %convert_element_type3A_368 = arith.extui %ge3A_367 : i1 to i32
        %cond3A_369 = arith.constant 0 : i32
        %cond3A_370 = arith.cmpi ne, %convert_element_type3A_368, %cond3A_369 : i32
        scf.if %cond3A_370 {
          %dma_wait3A_379 = arith.constant 0 : i32
          %dma_wait3A_380 = arith.constant 0 : i32
          %dma_wait3A_381 = tpu.memref_slice %arg8[%dma_wait3A_379, %dma_wait3A_380] : memref<40x64xi32, #tpu.memory_space<vmem>> -> memref<1x64xi32, #tpu.memory_space<vmem>>
          %dma_wait3A_382 = tpu.memref_squeeze %dma_wait3A_381 : memref<1x64xi32, #tpu.memory_space<vmem>> -> memref<64xi32, #tpu.memory_space<vmem>>
          %dma_wait3A_383 = arith.constant 0 : i32
          %dma_wait3A_384 = arith.constant 0 : i32
          %dma_wait3A_385 = tpu.memref_slice %arg13[%dma_wait3A_383, %dma_wait3A_384] : memref<10240x128xf32, #tpu.memory_space<vmem_shared>> -> memref<10240x128xf32, #tpu.memory_space<vmem_shared>>
          tpu.wait_indirect_dma semaphore(%arg20 : memref<!tpu.dma_semaphore, #tpu.memory_space<semaphore_mem>>) src(%arg11 : memref<64x128xf32, #tpu.memory_space<vmem>>) dst(%dma_wait3A_385 : memref<10240x128xf32, #tpu.memory_space<vmem_shared>>)
        } else {
        }
        %add3A_371 = arith.constant 3 : i32
        %add3A_372 = arith.addi %add3A_346, %add3A_371 : i32
        %dma_start3A_373 = arith.constant 0 : i32
        %dma_start3A_374 = tpu.memref_slice %arg7[%add3A_372, %dma_start3A_373] : memref<40x64xi32, #tpu.memory_space<vmem>> -> memref<1x64xi32, #tpu.memory_space<vmem>>
        %dma_start3A_375 = tpu.memref_squeeze %dma_start3A_374 : memref<1x64xi32, #tpu.memory_space<vmem>> -> memref<64xi32, #tpu.memory_space<vmem>>
        %dma_start3A_376 = arith.constant 0 : i32
        %dma_start3A_377 = arith.constant 0 : i32
        %dma_start3A_378 = tpu.memref_slice %arg2[%dma_start3A_376, %dma_start3A_377] : memref<10240x128xf32, #tpu.memory_space<hbm>> -> memref<10240x128xf32, #tpu.memory_space<hbm>>
        tpu.enqueue_indirect_dma source(%dma_start3A_378 : memref<10240x128xf32, #tpu.memory_space<hbm>>) target(%arg11 : memref<64x128xf32, #tpu.memory_space<vmem>>) offsets(%dma_start3A_375 : memref<64xi32, #tpu.memory_space<vmem>>) semaphore(%arg16 : memref<!tpu.dma_semaphore, #tpu.memory_space<semaphore_mem>>)
      } else {
      }
    }
    %scan3A_69 = arith.constant 10 : i32
    %dma_wait3A = arith.constant 0 : i32
    %dma_wait3A_70 = arith.constant 0 : i32
    %dma_wait3A_71 = tpu.memref_slice %arg8[%dma_wait3A, %dma_wait3A_70] : memref<40x64xi32, #tpu.memory_space<vmem>> -> memref<1x64xi32, #tpu.memory_space<vmem>>
    %dma_wait3A_72 = tpu.memref_squeeze %dma_wait3A_71 : memref<1x64xi32, #tpu.memory_space<vmem>> -> memref<64xi32, #tpu.memory_space<vmem>>
    %dma_wait3A_73 = arith.constant 0 : i32
    %dma_wait3A_74 = arith.constant 0 : i32
    %dma_wait3A_75 = tpu.memref_slice %arg13[%dma_wait3A_73, %dma_wait3A_74] : memref<10240x128xf32, #tpu.memory_space<vmem_shared>> -> memref<10240x128xf32, #tpu.memory_space<vmem_shared>>
    tpu.wait_indirect_dma semaphore(%arg18 : memref<!tpu.dma_semaphore, #tpu.memory_space<semaphore_mem>>) src(%arg9 : memref<64x128xf32, #tpu.memory_space<vmem>>) dst(%dma_wait3A_75 : memref<10240x128xf32, #tpu.memory_space<vmem_shared>>)
    %dma_wait3A_76 = arith.constant 0 : i32
    %dma_wait3A_77 = arith.constant 0 : i32
    %dma_wait3A_78 = tpu.memref_slice %arg8[%dma_wait3A_76, %dma_wait3A_77] : memref<40x64xi32, #tpu.memory_space<vmem>> -> memref<1x64xi32, #tpu.memory_space<vmem>>
    %dma_wait3A_79 = tpu.memref_squeeze %dma_wait3A_78 : memref<1x64xi32, #tpu.memory_space<vmem>> -> memref<64xi32, #tpu.memory_space<vmem>>
    %dma_wait3A_80 = arith.constant 0 : i32
    %dma_wait3A_81 = arith.constant 0 : i32
    %dma_wait3A_82 = tpu.memref_slice %arg13[%dma_wait3A_80, %dma_wait3A_81] : memref<10240x128xf32, #tpu.memory_space<vmem_shared>> -> memref<10240x128xf32, #tpu.memory_space<vmem_shared>>
    tpu.wait_indirect_dma semaphore(%arg19 : memref<!tpu.dma_semaphore, #tpu.memory_space<semaphore_mem>>) src(%arg10 : memref<64x128xf32, #tpu.memory_space<vmem>>) dst(%dma_wait3A_82 : memref<10240x128xf32, #tpu.memory_space<vmem_shared>>)
    %dma_wait3A_83 = arith.constant 0 : i32
    %dma_wait3A_84 = arith.constant 0 : i32
    %dma_wait3A_85 = tpu.memref_slice %arg8[%dma_wait3A_83, %dma_wait3A_84] : memref<40x64xi32, #tpu.memory_space<vmem>> -> memref<1x64xi32, #tpu.memory_space<vmem>>
    %dma_wait3A_86 = tpu.memref_squeeze %dma_wait3A_85 : memref<1x64xi32, #tpu.memory_space<vmem>> -> memref<64xi32, #tpu.memory_space<vmem>>
    %dma_wait3A_87 = arith.constant 0 : i32
    %dma_wait3A_88 = arith.constant 0 : i32
    %dma_wait3A_89 = tpu.memref_slice %arg13[%dma_wait3A_87, %dma_wait3A_88] : memref<10240x128xf32, #tpu.memory_space<vmem_shared>> -> memref<10240x128xf32, #tpu.memory_space<vmem_shared>>
    tpu.wait_indirect_dma semaphore(%arg20 : memref<!tpu.dma_semaphore, #tpu.memory_space<semaphore_mem>>) src(%arg11 : memref<64x128xf32, #tpu.memory_space<vmem>>) dst(%dma_wait3A_89 : memref<10240x128xf32, #tpu.memory_space<vmem_shared>>)
    %dma_wait3A_90 = arith.constant 0 : i32
    %dma_wait3A_91 = arith.constant 0 : i32
    %dma_wait3A_92 = tpu.memref_slice %arg8[%dma_wait3A_90, %dma_wait3A_91] : memref<40x64xi32, #tpu.memory_space<vmem>> -> memref<1x64xi32, #tpu.memory_space<vmem>>
    %dma_wait3A_93 = tpu.memref_squeeze %dma_wait3A_92 : memref<1x64xi32, #tpu.memory_space<vmem>> -> memref<64xi32, #tpu.memory_space<vmem>>
    %dma_wait3A_94 = arith.constant 0 : i32
    %dma_wait3A_95 = arith.constant 0 : i32
    %dma_wait3A_96 = tpu.memref_slice %arg13[%dma_wait3A_94, %dma_wait3A_95] : memref<10240x128xf32, #tpu.memory_space<vmem_shared>> -> memref<10240x128xf32, #tpu.memory_space<vmem_shared>>
    tpu.wait_indirect_dma semaphore(%arg21 : memref<!tpu.dma_semaphore, #tpu.memory_space<semaphore_mem>>) src(%arg12 : memref<64x128xf32, #tpu.memory_space<vmem>>) dst(%dma_wait3A_96 : memref<10240x128xf32, #tpu.memory_space<vmem_shared>>)
    %mul3A_97 = arith.constant 160 : i32
    %mul3A_98 = arith.muli %add3A, %mul3A_97 : i32
    %add3A_99 = arith.constant 40 : i32
    %add3A_100 = arith.addi %mul3A_98, %add3A_99 : i32
    "tpu.region"() ({
      %run_scoped3A = tpu.sem_alloc : memref<!tpu.dma_semaphore, #tpu.memory_space<semaphore_mem>>
      %dma_start3A_279 = arith.constant 0 : i32
      %dma_start3A_280 = tpu.memref_slice %arg3[%add3A_100, %dma_start3A_279] : memref<5120x64xi32, #tpu.memory_space<hbm>> -> memref<40x64xi32, #tpu.memory_space<hbm>>
      %dma_start3A_281 = arith.constant 0 : i32
      %dma_start3A_282 = tpu.memref_slice %arg3[%add3A_100, %dma_start3A_281] : memref<5120x64xi32, #tpu.memory_space<hbm>> -> memref<40x64xi32, #tpu.memory_space<hbm>>
      tpu.enqueue_dma source(%dma_start3A_282 : memref<40x64xi32, #tpu.memory_space<hbm>>) target(%arg7 : memref<40x64xi32, #tpu.memory_space<vmem>>) target_semaphore(%run_scoped3A : memref<!tpu.dma_semaphore, #tpu.memory_space<semaphore_mem>>)
      %dma_wait3A_283 = arith.constant 0 : i32
      %dma_wait3A_284 = tpu.memref_slice %arg3[%add3A_100, %dma_wait3A_283] : memref<5120x64xi32, #tpu.memory_space<hbm>> -> memref<40x64xi32, #tpu.memory_space<hbm>>
      %dma_wait3A_285 = arith.constant 0 : i32
      %dma_wait3A_286 = tpu.memref_slice %arg3[%add3A_100, %dma_wait3A_285] : memref<5120x64xi32, #tpu.memory_space<hbm>> -> memref<40x64xi32, #tpu.memory_space<hbm>>
      tpu.wait_dma2 semaphore(%run_scoped3A : memref<!tpu.dma_semaphore, #tpu.memory_space<semaphore_mem>>) src(%dma_wait3A_286 : memref<40x64xi32, #tpu.memory_space<hbm>>) dst(%arg7 : memref<40x64xi32, #tpu.memory_space<vmem>>)
      tpu.yield
    }) : () -> ()
    "tpu.region"() ({
      %run_scoped3A = tpu.sem_alloc : memref<!tpu.dma_semaphore, #tpu.memory_space<semaphore_mem>>
      %dma_start3A_279 = arith.constant 0 : i32
      %dma_start3A_280 = tpu.memref_slice %arg4[%add3A_100, %dma_start3A_279] : memref<5120x64xi32, #tpu.memory_space<hbm>> -> memref<40x64xi32, #tpu.memory_space<hbm>>
      %dma_start3A_281 = arith.constant 0 : i32
      %dma_start3A_282 = tpu.memref_slice %arg4[%add3A_100, %dma_start3A_281] : memref<5120x64xi32, #tpu.memory_space<hbm>> -> memref<40x64xi32, #tpu.memory_space<hbm>>
      tpu.enqueue_dma source(%dma_start3A_282 : memref<40x64xi32, #tpu.memory_space<hbm>>) target(%arg8 : memref<40x64xi32, #tpu.memory_space<vmem>>) target_semaphore(%run_scoped3A : memref<!tpu.dma_semaphore, #tpu.memory_space<semaphore_mem>>)
      %dma_wait3A_283 = arith.constant 0 : i32
      %dma_wait3A_284 = tpu.memref_slice %arg4[%add3A_100, %dma_wait3A_283] : memref<5120x64xi32, #tpu.memory_space<hbm>> -> memref<40x64xi32, #tpu.memory_space<hbm>>
      %dma_wait3A_285 = arith.constant 0 : i32
      %dma_wait3A_286 = tpu.memref_slice %arg4[%add3A_100, %dma_wait3A_285] : memref<5120x64xi32, #tpu.memory_space<hbm>> -> memref<40x64xi32, #tpu.memory_space<hbm>>
      tpu.wait_dma2 semaphore(%run_scoped3A : memref<!tpu.dma_semaphore, #tpu.memory_space<semaphore_mem>>) src(%dma_wait3A_286 : memref<40x64xi32, #tpu.memory_space<hbm>>) dst(%arg8 : memref<40x64xi32, #tpu.memory_space<vmem>>)
      tpu.yield
    }) : () -> ()
    %dma_start3A_101 = arith.constant 0 : i32
    %dma_start3A_102 = arith.constant 0 : i32
    %dma_start3A_103 = tpu.memref_slice %arg7[%dma_start3A_101, %dma_start3A_102] : memref<40x64xi32, #tpu.memory_space<vmem>> -> memref<1x64xi32, #tpu.memory_space<vmem>>
    %dma_start3A_104 = tpu.memref_squeeze %dma_start3A_103 : memref<1x64xi32, #tpu.memory_space<vmem>> -> memref<64xi32, #tpu.memory_space<vmem>>
    %dma_start3A_105 = arith.constant 0 : i32
    %dma_start3A_106 = arith.constant 0 : i32
    %dma_start3A_107 = tpu.memref_slice %arg2[%dma_start3A_105, %dma_start3A_106] : memref<10240x128xf32, #tpu.memory_space<hbm>> -> memref<10240x128xf32, #tpu.memory_space<hbm>>
    tpu.enqueue_indirect_dma source(%dma_start3A_107 : memref<10240x128xf32, #tpu.memory_space<hbm>>) target(%arg9 : memref<64x128xf32, #tpu.memory_space<vmem>>) offsets(%dma_start3A_104 : memref<64xi32, #tpu.memory_space<vmem>>) semaphore(%arg14 : memref<!tpu.dma_semaphore, #tpu.memory_space<semaphore_mem>>)
    %dma_start3A_108 = arith.constant 1 : i32
    %dma_start3A_109 = arith.constant 0 : i32
    %dma_start3A_110 = tpu.memref_slice %arg7[%dma_start3A_108, %dma_start3A_109] : memref<40x64xi32, #tpu.memory_space<vmem>> -> memref<1x64xi32, #tpu.memory_space<vmem>>
    %dma_start3A_111 = tpu.memref_squeeze %dma_start3A_110 : memref<1x64xi32, #tpu.memory_space<vmem>> -> memref<64xi32, #tpu.memory_space<vmem>>
    %dma_start3A_112 = arith.constant 0 : i32
    %dma_start3A_113 = arith.constant 0 : i32
    %dma_start3A_114 = tpu.memref_slice %arg2[%dma_start3A_112, %dma_start3A_113] : memref<10240x128xf32, #tpu.memory_space<hbm>> -> memref<10240x128xf32, #tpu.memory_space<hbm>>
    tpu.enqueue_indirect_dma source(%dma_start3A_114 : memref<10240x128xf32, #tpu.memory_space<hbm>>) target(%arg10 : memref<64x128xf32, #tpu.memory_space<vmem>>) offsets(%dma_start3A_111 : memref<64xi32, #tpu.memory_space<vmem>>) semaphore(%arg15 : memref<!tpu.dma_semaphore, #tpu.memory_space<semaphore_mem>>)
    %dma_start3A_115 = arith.constant 2 : i32
    %dma_start3A_116 = arith.constant 0 : i32
    %dma_start3A_117 = tpu.memref_slice %arg7[%dma_start3A_115, %dma_start3A_116] : memref<40x64xi32, #tpu.memory_space<vmem>> -> memref<1x64xi32, #tpu.memory_space<vmem>>
    %dma_start3A_118 = tpu.memref_squeeze %dma_start3A_117 : memref<1x64xi32, #tpu.memory_space<vmem>> -> memref<64xi32, #tpu.memory_space<vmem>>
    %dma_start3A_119 = arith.constant 0 : i32
    %dma_start3A_120 = arith.constant 0 : i32
    %dma_start3A_121 = tpu.memref_slice %arg2[%dma_start3A_119, %dma_start3A_120] : memref<10240x128xf32, #tpu.memory_space<hbm>> -> memref<10240x128xf32, #tpu.memory_space<hbm>>
    tpu.enqueue_indirect_dma source(%dma_start3A_121 : memref<10240x128xf32, #tpu.memory_space<hbm>>) target(%arg11 : memref<64x128xf32, #tpu.memory_space<vmem>>) offsets(%dma_start3A_118 : memref<64xi32, #tpu.memory_space<vmem>>) semaphore(%arg16 : memref<!tpu.dma_semaphore, #tpu.memory_space<semaphore_mem>>)
    %scan3A_122 = arith.constant 0 : i32
    %scan3A_123 = arith.constant 0 : i32
    %scan3A_124 = arith.constant 10 : i32
    %scan3A_125 = arith.addi %scan3A_123, %scan3A_124 : i32
    %scan3A_126 = arith.constant 1 : i32
    scf.for %scan3A_279 = %scan3A_123 to %scan3A_125 step %scan3A_126  : i32 {
      %mul3A_280 = arith.constant 4 : i32
      %mul3A_281 = arith.muli %mul3A_280, %scan3A_279 : i32
      %add3A_282 = arith.constant 0 : i32
      %add3A_283 = arith.addi %mul3A_281, %add3A_282 : i32
      %dma_wait3A_284 = arith.constant 0 : i32
      %dma_wait3A_285 = arith.constant 0 : i32
      %dma_wait3A_286 = tpu.memref_slice %arg7[%dma_wait3A_284, %dma_wait3A_285] : memref<40x64xi32, #tpu.memory_space<vmem>> -> memref<1x64xi32, #tpu.memory_space<vmem>>
      %dma_wait3A_287 = tpu.memref_squeeze %dma_wait3A_286 : memref<1x64xi32, #tpu.memory_space<vmem>> -> memref<64xi32, #tpu.memory_space<vmem>>
      %dma_wait3A_288 = arith.constant 0 : i32
      %dma_wait3A_289 = arith.constant 0 : i32
      %dma_wait3A_290 = tpu.memref_slice %arg2[%dma_wait3A_288, %dma_wait3A_289] : memref<10240x128xf32, #tpu.memory_space<hbm>> -> memref<10240x128xf32, #tpu.memory_space<hbm>>
      tpu.wait_indirect_dma semaphore(%arg14 : memref<!tpu.dma_semaphore, #tpu.memory_space<semaphore_mem>>) src(%dma_wait3A_290 : memref<10240x128xf32, #tpu.memory_space<hbm>>) dst(%arg9 : memref<64x128xf32, #tpu.memory_space<vmem>>)
      %dma_start3A_291 = arith.constant 0 : i32
      %dma_start3A_292 = tpu.memref_slice %arg8[%add3A_283, %dma_start3A_291] : memref<40x64xi32, #tpu.memory_space<vmem>> -> memref<1x64xi32, #tpu.memory_space<vmem>>
      %dma_start3A_293 = tpu.memref_squeeze %dma_start3A_292 : memref<1x64xi32, #tpu.memory_space<vmem>> -> memref<64xi32, #tpu.memory_space<vmem>>
      %dma_start3A_294 = arith.constant 0 : i32
      %dma_start3A_295 = arith.constant 0 : i32
      %dma_start3A_296 = tpu.memref_slice %arg13[%dma_start3A_294, %dma_start3A_295] : memref<10240x128xf32, #tpu.memory_space<vmem_shared>> -> memref<10240x128xf32, #tpu.memory_space<vmem_shared>>
      tpu.enqueue_indirect_dma source(%arg9 : memref<64x128xf32, #tpu.memory_space<vmem>>) target(%dma_start3A_296 : memref<10240x128xf32, #tpu.memory_space<vmem_shared>>) offsets(%dma_start3A_293 : memref<64xi32, #tpu.memory_space<vmem>>) semaphore(%arg18 : memref<!tpu.dma_semaphore, #tpu.memory_space<semaphore_mem>>) {add = true}
      %add3A_297 = arith.constant 3 : i32
      %add3A_298 = arith.addi %add3A_283, %add3A_297 : i32
      %lt3A = arith.constant 40 : i32
      %lt3A_299 = arith.cmpi slt, %add3A_298, %lt3A : i32
      %convert_element_type3A = arith.extui %lt3A_299 : i1 to i32
      %cond3A = arith.constant 0 : i32
      %cond3A_300 = arith.cmpi ne, %convert_element_type3A, %cond3A : i32
      scf.if %cond3A_300 {
        %ge3A = arith.constant 1 : i32
        %ge3A_367 = arith.cmpi sge, %add3A_283, %ge3A : i32
        %convert_element_type3A_368 = arith.extui %ge3A_367 : i1 to i32
        %cond3A_369 = arith.constant 0 : i32
        %cond3A_370 = arith.cmpi ne, %convert_element_type3A_368, %cond3A_369 : i32
        scf.if %cond3A_370 {
          %dma_wait3A_379 = arith.constant 0 : i32
          %dma_wait3A_380 = arith.constant 0 : i32
          %dma_wait3A_381 = tpu.memref_slice %arg8[%dma_wait3A_379, %dma_wait3A_380] : memref<40x64xi32, #tpu.memory_space<vmem>> -> memref<1x64xi32, #tpu.memory_space<vmem>>
          %dma_wait3A_382 = tpu.memref_squeeze %dma_wait3A_381 : memref<1x64xi32, #tpu.memory_space<vmem>> -> memref<64xi32, #tpu.memory_space<vmem>>
          %dma_wait3A_383 = arith.constant 0 : i32
          %dma_wait3A_384 = arith.constant 0 : i32
          %dma_wait3A_385 = tpu.memref_slice %arg13[%dma_wait3A_383, %dma_wait3A_384] : memref<10240x128xf32, #tpu.memory_space<vmem_shared>> -> memref<10240x128xf32, #tpu.memory_space<vmem_shared>>
          tpu.wait_indirect_dma semaphore(%arg21 : memref<!tpu.dma_semaphore, #tpu.memory_space<semaphore_mem>>) src(%arg12 : memref<64x128xf32, #tpu.memory_space<vmem>>) dst(%dma_wait3A_385 : memref<10240x128xf32, #tpu.memory_space<vmem_shared>>)
        } else {
        }
        %add3A_371 = arith.constant 3 : i32
        %add3A_372 = arith.addi %add3A_283, %add3A_371 : i32
        %dma_start3A_373 = arith.constant 0 : i32
        %dma_start3A_374 = tpu.memref_slice %arg7[%add3A_372, %dma_start3A_373] : memref<40x64xi32, #tpu.memory_space<vmem>> -> memref<1x64xi32, #tpu.memory_space<vmem>>
        %dma_start3A_375 = tpu.memref_squeeze %dma_start3A_374 : memref<1x64xi32, #tpu.memory_space<vmem>> -> memref<64xi32, #tpu.memory_space<vmem>>
        %dma_start3A_376 = arith.constant 0 : i32
        %dma_start3A_377 = arith.constant 0 : i32
        %dma_start3A_378 = tpu.memref_slice %arg2[%dma_start3A_376, %dma_start3A_377] : memref<10240x128xf32, #tpu.memory_space<hbm>> -> memref<10240x128xf32, #tpu.memory_space<hbm>>
        tpu.enqueue_indirect_dma source(%dma_start3A_378 : memref<10240x128xf32, #tpu.memory_space<hbm>>) target(%arg12 : memref<64x128xf32, #tpu.memory_space<vmem>>) offsets(%dma_start3A_375 : memref<64xi32, #tpu.memory_space<vmem>>) semaphore(%arg17 : memref<!tpu.dma_semaphore, #tpu.memory_space<semaphore_mem>>)
      } else {
      }
      %add3A_301 = arith.constant 1 : i32
      %add3A_302 = arith.addi %mul3A_281, %add3A_301 : i32
      %dma_wait3A_303 = arith.constant 0 : i32
      %dma_wait3A_304 = arith.constant 0 : i32
      %dma_wait3A_305 = tpu.memref_slice %arg7[%dma_wait3A_303, %dma_wait3A_304] : memref<40x64xi32, #tpu.memory_space<vmem>> -> memref<1x64xi32, #tpu.memory_space<vmem>>
      %dma_wait3A_306 = tpu.memref_squeeze %dma_wait3A_305 : memref<1x64xi32, #tpu.memory_space<vmem>> -> memref<64xi32, #tpu.memory_space<vmem>>
      %dma_wait3A_307 = arith.constant 0 : i32
      %dma_wait3A_308 = arith.constant 0 : i32
      %dma_wait3A_309 = tpu.memref_slice %arg2[%dma_wait3A_307, %dma_wait3A_308] : memref<10240x128xf32, #tpu.memory_space<hbm>> -> memref<10240x128xf32, #tpu.memory_space<hbm>>
      tpu.wait_indirect_dma semaphore(%arg15 : memref<!tpu.dma_semaphore, #tpu.memory_space<semaphore_mem>>) src(%dma_wait3A_309 : memref<10240x128xf32, #tpu.memory_space<hbm>>) dst(%arg10 : memref<64x128xf32, #tpu.memory_space<vmem>>)
      %dma_start3A_310 = arith.constant 0 : i32
      %dma_start3A_311 = tpu.memref_slice %arg8[%add3A_302, %dma_start3A_310] : memref<40x64xi32, #tpu.memory_space<vmem>> -> memref<1x64xi32, #tpu.memory_space<vmem>>
      %dma_start3A_312 = tpu.memref_squeeze %dma_start3A_311 : memref<1x64xi32, #tpu.memory_space<vmem>> -> memref<64xi32, #tpu.memory_space<vmem>>
      %dma_start3A_313 = arith.constant 0 : i32
      %dma_start3A_314 = arith.constant 0 : i32
      %dma_start3A_315 = tpu.memref_slice %arg13[%dma_start3A_313, %dma_start3A_314] : memref<10240x128xf32, #tpu.memory_space<vmem_shared>> -> memref<10240x128xf32, #tpu.memory_space<vmem_shared>>
      tpu.enqueue_indirect_dma source(%arg10 : memref<64x128xf32, #tpu.memory_space<vmem>>) target(%dma_start3A_315 : memref<10240x128xf32, #tpu.memory_space<vmem_shared>>) offsets(%dma_start3A_312 : memref<64xi32, #tpu.memory_space<vmem>>) semaphore(%arg19 : memref<!tpu.dma_semaphore, #tpu.memory_space<semaphore_mem>>) {add = true}
      %add3A_316 = arith.constant 3 : i32
      %add3A_317 = arith.addi %add3A_302, %add3A_316 : i32
      %lt3A_318 = arith.constant 40 : i32
      %lt3A_319 = arith.cmpi slt, %add3A_317, %lt3A_318 : i32
      %convert_element_type3A_320 = arith.extui %lt3A_319 : i1 to i32
      %cond3A_321 = arith.constant 0 : i32
      %cond3A_322 = arith.cmpi ne, %convert_element_type3A_320, %cond3A_321 : i32
      scf.if %cond3A_322 {
        %ge3A = arith.constant 1 : i32
        %ge3A_367 = arith.cmpi sge, %add3A_302, %ge3A : i32
        %convert_element_type3A_368 = arith.extui %ge3A_367 : i1 to i32
        %cond3A_369 = arith.constant 0 : i32
        %cond3A_370 = arith.cmpi ne, %convert_element_type3A_368, %cond3A_369 : i32
        scf.if %cond3A_370 {
          %dma_wait3A_379 = arith.constant 0 : i32
          %dma_wait3A_380 = arith.constant 0 : i32
          %dma_wait3A_381 = tpu.memref_slice %arg8[%dma_wait3A_379, %dma_wait3A_380] : memref<40x64xi32, #tpu.memory_space<vmem>> -> memref<1x64xi32, #tpu.memory_space<vmem>>
          %dma_wait3A_382 = tpu.memref_squeeze %dma_wait3A_381 : memref<1x64xi32, #tpu.memory_space<vmem>> -> memref<64xi32, #tpu.memory_space<vmem>>
          %dma_wait3A_383 = arith.constant 0 : i32
          %dma_wait3A_384 = arith.constant 0 : i32
          %dma_wait3A_385 = tpu.memref_slice %arg13[%dma_wait3A_383, %dma_wait3A_384] : memref<10240x128xf32, #tpu.memory_space<vmem_shared>> -> memref<10240x128xf32, #tpu.memory_space<vmem_shared>>
          tpu.wait_indirect_dma semaphore(%arg18 : memref<!tpu.dma_semaphore, #tpu.memory_space<semaphore_mem>>) src(%arg9 : memref<64x128xf32, #tpu.memory_space<vmem>>) dst(%dma_wait3A_385 : memref<10240x128xf32, #tpu.memory_space<vmem_shared>>)
        } else {
        }
        %add3A_371 = arith.constant 3 : i32
        %add3A_372 = arith.addi %add3A_302, %add3A_371 : i32
        %dma_start3A_373 = arith.constant 0 : i32
        %dma_start3A_374 = tpu.memref_slice %arg7[%add3A_372, %dma_start3A_373] : memref<40x64xi32, #tpu.memory_space<vmem>> -> memref<1x64xi32, #tpu.memory_space<vmem>>
        %dma_start3A_375 = tpu.memref_squeeze %dma_start3A_374 : memref<1x64xi32, #tpu.memory_space<vmem>> -> memref<64xi32, #tpu.memory_space<vmem>>
        %dma_start3A_376 = arith.constant 0 : i32
        %dma_start3A_377 = arith.constant 0 : i32
        %dma_start3A_378 = tpu.memref_slice %arg2[%dma_start3A_376, %dma_start3A_377] : memref<10240x128xf32, #tpu.memory_space<hbm>> -> memref<10240x128xf32, #tpu.memory_space<hbm>>
        tpu.enqueue_indirect_dma source(%dma_start3A_378 : memref<10240x128xf32, #tpu.memory_space<hbm>>) target(%arg9 : memref<64x128xf32, #tpu.memory_space<vmem>>) offsets(%dma_start3A_375 : memref<64xi32, #tpu.memory_space<vmem>>) semaphore(%arg14 : memref<!tpu.dma_semaphore, #tpu.memory_space<semaphore_mem>>)
      } else {
      }
      %add3A_323 = arith.constant 2 : i32
      %add3A_324 = arith.addi %mul3A_281, %add3A_323 : i32
      %dma_wait3A_325 = arith.constant 0 : i32
      %dma_wait3A_326 = arith.constant 0 : i32
      %dma_wait3A_327 = tpu.memref_slice %arg7[%dma_wait3A_325, %dma_wait3A_326] : memref<40x64xi32, #tpu.memory_space<vmem>> -> memref<1x64xi32, #tpu.memory_space<vmem>>
      %dma_wait3A_328 = tpu.memref_squeeze %dma_wait3A_327 : memref<1x64xi32, #tpu.memory_space<vmem>> -> memref<64xi32, #tpu.memory_space<vmem>>
      %dma_wait3A_329 = arith.constant 0 : i32
      %dma_wait3A_330 = arith.constant 0 : i32
      %dma_wait3A_331 = tpu.memref_slice %arg2[%dma_wait3A_329, %dma_wait3A_330] : memref<10240x128xf32, #tpu.memory_space<hbm>> -> memref<10240x128xf32, #tpu.memory_space<hbm>>
      tpu.wait_indirect_dma semaphore(%arg16 : memref<!tpu.dma_semaphore, #tpu.memory_space<semaphore_mem>>) src(%dma_wait3A_331 : memref<10240x128xf32, #tpu.memory_space<hbm>>) dst(%arg11 : memref<64x128xf32, #tpu.memory_space<vmem>>)
      %dma_start3A_332 = arith.constant 0 : i32
      %dma_start3A_333 = tpu.memref_slice %arg8[%add3A_324, %dma_start3A_332] : memref<40x64xi32, #tpu.memory_space<vmem>> -> memref<1x64xi32, #tpu.memory_space<vmem>>
      %dma_start3A_334 = tpu.memref_squeeze %dma_start3A_333 : memref<1x64xi32, #tpu.memory_space<vmem>> -> memref<64xi32, #tpu.memory_space<vmem>>
      %dma_start3A_335 = arith.constant 0 : i32
      %dma_start3A_336 = arith.constant 0 : i32
      %dma_start3A_337 = tpu.memref_slice %arg13[%dma_start3A_335, %dma_start3A_336] : memref<10240x128xf32, #tpu.memory_space<vmem_shared>> -> memref<10240x128xf32, #tpu.memory_space<vmem_shared>>
      tpu.enqueue_indirect_dma source(%arg11 : memref<64x128xf32, #tpu.memory_space<vmem>>) target(%dma_start3A_337 : memref<10240x128xf32, #tpu.memory_space<vmem_shared>>) offsets(%dma_start3A_334 : memref<64xi32, #tpu.memory_space<vmem>>) semaphore(%arg20 : memref<!tpu.dma_semaphore, #tpu.memory_space<semaphore_mem>>) {add = true}
      %add3A_338 = arith.constant 3 : i32
      %add3A_339 = arith.addi %add3A_324, %add3A_338 : i32
      %lt3A_340 = arith.constant 40 : i32
      %lt3A_341 = arith.cmpi slt, %add3A_339, %lt3A_340 : i32
      %convert_element_type3A_342 = arith.extui %lt3A_341 : i1 to i32
      %cond3A_343 = arith.constant 0 : i32
      %cond3A_344 = arith.cmpi ne, %convert_element_type3A_342, %cond3A_343 : i32
      scf.if %cond3A_344 {
        %ge3A = arith.constant 1 : i32
        %ge3A_367 = arith.cmpi sge, %add3A_324, %ge3A : i32
        %convert_element_type3A_368 = arith.extui %ge3A_367 : i1 to i32
        %cond3A_369 = arith.constant 0 : i32
        %cond3A_370 = arith.cmpi ne, %convert_element_type3A_368, %cond3A_369 : i32
        scf.if %cond3A_370 {
          %dma_wait3A_379 = arith.constant 0 : i32
          %dma_wait3A_380 = arith.constant 0 : i32
          %dma_wait3A_381 = tpu.memref_slice %arg8[%dma_wait3A_379, %dma_wait3A_380] : memref<40x64xi32, #tpu.memory_space<vmem>> -> memref<1x64xi32, #tpu.memory_space<vmem>>
          %dma_wait3A_382 = tpu.memref_squeeze %dma_wait3A_381 : memref<1x64xi32, #tpu.memory_space<vmem>> -> memref<64xi32, #tpu.memory_space<vmem>>
          %dma_wait3A_383 = arith.constant 0 : i32
          %dma_wait3A_384 = arith.constant 0 : i32
          %dma_wait3A_385 = tpu.memref_slice %arg13[%dma_wait3A_383, %dma_wait3A_384] : memref<10240x128xf32, #tpu.memory_space<vmem_shared>> -> memref<10240x128xf32, #tpu.memory_space<vmem_shared>>
          tpu.wait_indirect_dma semaphore(%arg19 : memref<!tpu.dma_semaphore, #tpu.memory_space<semaphore_mem>>) src(%arg10 : memref<64x128xf32, #tpu.memory_space<vmem>>) dst(%dma_wait3A_385 : memref<10240x128xf32, #tpu.memory_space<vmem_shared>>)
        } else {
        }
        %add3A_371 = arith.constant 3 : i32
        %add3A_372 = arith.addi %add3A_324, %add3A_371 : i32
        %dma_start3A_373 = arith.constant 0 : i32
        %dma_start3A_374 = tpu.memref_slice %arg7[%add3A_372, %dma_start3A_373] : memref<40x64xi32, #tpu.memory_space<vmem>> -> memref<1x64xi32, #tpu.memory_space<vmem>>
        %dma_start3A_375 = tpu.memref_squeeze %dma_start3A_374 : memref<1x64xi32, #tpu.memory_space<vmem>> -> memref<64xi32, #tpu.memory_space<vmem>>
        %dma_start3A_376 = arith.constant 0 : i32
        %dma_start3A_377 = arith.constant 0 : i32
        %dma_start3A_378 = tpu.memref_slice %arg2[%dma_start3A_376, %dma_start3A_377] : memref<10240x128xf32, #tpu.memory_space<hbm>> -> memref<10240x128xf32, #tpu.memory_space<hbm>>
        tpu.enqueue_indirect_dma source(%dma_start3A_378 : memref<10240x128xf32, #tpu.memory_space<hbm>>) target(%arg10 : memref<64x128xf32, #tpu.memory_space<vmem>>) offsets(%dma_start3A_375 : memref<64xi32, #tpu.memory_space<vmem>>) semaphore(%arg15 : memref<!tpu.dma_semaphore, #tpu.memory_space<semaphore_mem>>)
      } else {
      }
      %add3A_345 = arith.constant 3 : i32
      %add3A_346 = arith.addi %mul3A_281, %add3A_345 : i32
      %dma_wait3A_347 = arith.constant 0 : i32
      %dma_wait3A_348 = arith.constant 0 : i32
      %dma_wait3A_349 = tpu.memref_slice %arg7[%dma_wait3A_347, %dma_wait3A_348] : memref<40x64xi32, #tpu.memory_space<vmem>> -> memref<1x64xi32, #tpu.memory_space<vmem>>
      %dma_wait3A_350 = tpu.memref_squeeze %dma_wait3A_349 : memref<1x64xi32, #tpu.memory_space<vmem>> -> memref<64xi32, #tpu.memory_space<vmem>>
      %dma_wait3A_351 = arith.constant 0 : i32
      %dma_wait3A_352 = arith.constant 0 : i32
      %dma_wait3A_353 = tpu.memref_slice %arg2[%dma_wait3A_351, %dma_wait3A_352] : memref<10240x128xf32, #tpu.memory_space<hbm>> -> memref<10240x128xf32, #tpu.memory_space<hbm>>
      tpu.wait_indirect_dma semaphore(%arg17 : memref<!tpu.dma_semaphore, #tpu.memory_space<semaphore_mem>>) src(%dma_wait3A_353 : memref<10240x128xf32, #tpu.memory_space<hbm>>) dst(%arg12 : memref<64x128xf32, #tpu.memory_space<vmem>>)
      %dma_start3A_354 = arith.constant 0 : i32
      %dma_start3A_355 = tpu.memref_slice %arg8[%add3A_346, %dma_start3A_354] : memref<40x64xi32, #tpu.memory_space<vmem>> -> memref<1x64xi32, #tpu.memory_space<vmem>>
      %dma_start3A_356 = tpu.memref_squeeze %dma_start3A_355 : memref<1x64xi32, #tpu.memory_space<vmem>> -> memref<64xi32, #tpu.memory_space<vmem>>
      %dma_start3A_357 = arith.constant 0 : i32
      %dma_start3A_358 = arith.constant 0 : i32
      %dma_start3A_359 = tpu.memref_slice %arg13[%dma_start3A_357, %dma_start3A_358] : memref<10240x128xf32, #tpu.memory_space<vmem_shared>> -> memref<10240x128xf32, #tpu.memory_space<vmem_shared>>
      tpu.enqueue_indirect_dma source(%arg12 : memref<64x128xf32, #tpu.memory_space<vmem>>) target(%dma_start3A_359 : memref<10240x128xf32, #tpu.memory_space<vmem_shared>>) offsets(%dma_start3A_356 : memref<64xi32, #tpu.memory_space<vmem>>) semaphore(%arg21 : memref<!tpu.dma_semaphore, #tpu.memory_space<semaphore_mem>>) {add = true}
      %add3A_360 = arith.constant 3 : i32
      %add3A_361 = arith.addi %add3A_346, %add3A_360 : i32
      %lt3A_362 = arith.constant 40 : i32
      %lt3A_363 = arith.cmpi slt, %add3A_361, %lt3A_362 : i32
      %convert_element_type3A_364 = arith.extui %lt3A_363 : i1 to i32
      %cond3A_365 = arith.constant 0 : i32
      %cond3A_366 = arith.cmpi ne, %convert_element_type3A_364, %cond3A_365 : i32
      scf.if %cond3A_366 {
        %ge3A = arith.constant 1 : i32
        %ge3A_367 = arith.cmpi sge, %add3A_346, %ge3A : i32
        %convert_element_type3A_368 = arith.extui %ge3A_367 : i1 to i32
        %cond3A_369 = arith.constant 0 : i32
        %cond3A_370 = arith.cmpi ne, %convert_element_type3A_368, %cond3A_369 : i32
        scf.if %cond3A_370 {
          %dma_wait3A_379 = arith.constant 0 : i32
          %dma_wait3A_380 = arith.constant 0 : i32
          %dma_wait3A_381 = tpu.memref_slice %arg8[%dma_wait3A_379, %dma_wait3A_380] : memref<40x64xi32, #tpu.memory_space<vmem>> -> memref<1x64xi32, #tpu.memory_space<vmem>>
          %dma_wait3A_382 = tpu.memref_squeeze %dma_wait3A_381 : memref<1x64xi32, #tpu.memory_space<vmem>> -> memref<64xi32, #tpu.memory_space<vmem>>
          %dma_wait3A_383 = arith.constant 0 : i32
          %dma_wait3A_384 = arith.constant 0 : i32
          %dma_wait3A_385 = tpu.memref_slice %arg13[%dma_wait3A_383, %dma_wait3A_384] : memref<10240x128xf32, #tpu.memory_space<vmem_shared>> -> memref<10240x128xf32, #tpu.memory_space<vmem_shared>>
          tpu.wait_indirect_dma semaphore(%arg20 : memref<!tpu.dma_semaphore, #tpu.memory_space<semaphore_mem>>) src(%arg11 : memref<64x128xf32, #tpu.memory_space<vmem>>) dst(%dma_wait3A_385 : memref<10240x128xf32, #tpu.memory_space<vmem_shared>>)
        } else {
        }
        %add3A_371 = arith.constant 3 : i32
        %add3A_372 = arith.addi %add3A_346, %add3A_371 : i32
        %dma_start3A_373 = arith.constant 0 : i32
        %dma_start3A_374 = tpu.memref_slice %arg7[%add3A_372, %dma_start3A_373] : memref<40x64xi32, #tpu.memory_space<vmem>> -> memref<1x64xi32, #tpu.memory_space<vmem>>
        %dma_start3A_375 = tpu.memref_squeeze %dma_start3A_374 : memref<1x64xi32, #tpu.memory_space<vmem>> -> memref<64xi32, #tpu.memory_space<vmem>>
        %dma_start3A_376 = arith.constant 0 : i32
        %dma_start3A_377 = arith.constant 0 : i32
        %dma_start3A_378 = tpu.memref_slice %arg2[%dma_start3A_376, %dma_start3A_377] : memref<10240x128xf32, #tpu.memory_space<hbm>> -> memref<10240x128xf32, #tpu.memory_space<hbm>>
        tpu.enqueue_indirect_dma source(%dma_start3A_378 : memref<10240x128xf32, #tpu.memory_space<hbm>>) target(%arg11 : memref<64x128xf32, #tpu.memory_space<vmem>>) offsets(%dma_start3A_375 : memref<64xi32, #tpu.memory_space<vmem>>) semaphore(%arg16 : memref<!tpu.dma_semaphore, #tpu.memory_space<semaphore_mem>>)
      } else {
      }
    }
    %scan3A_127 = arith.constant 10 : i32
    %dma_wait3A_128 = arith.constant 0 : i32
    %dma_wait3A_129 = arith.constant 0 : i32
    %dma_wait3A_130 = tpu.memref_slice %arg8[%dma_wait3A_128, %dma_wait3A_129] : memref<40x64xi32, #tpu.memory_space<vmem>> -> memref<1x64xi32, #tpu.memory_space<vmem>>
    %dma_wait3A_131 = tpu.memref_squeeze %dma_wait3A_130 : memref<1x64xi32, #tpu.memory_space<vmem>> -> memref<64xi32, #tpu.memory_space<vmem>>
    %dma_wait3A_132 = arith.constant 0 : i32
    %dma_wait3A_133 = arith.constant 0 : i32
    %dma_wait3A_134 = tpu.memref_slice %arg13[%dma_wait3A_132, %dma_wait3A_133] : memref<10240x128xf32, #tpu.memory_space<vmem_shared>> -> memref<10240x128xf32, #tpu.memory_space<vmem_shared>>
    tpu.wait_indirect_dma semaphore(%arg18 : memref<!tpu.dma_semaphore, #tpu.memory_space<semaphore_mem>>) src(%arg9 : memref<64x128xf32, #tpu.memory_space<vmem>>) dst(%dma_wait3A_134 : memref<10240x128xf32, #tpu.memory_space<vmem_shared>>)
    %dma_wait3A_135 = arith.constant 0 : i32
    %dma_wait3A_136 = arith.constant 0 : i32
    %dma_wait3A_137 = tpu.memref_slice %arg8[%dma_wait3A_135, %dma_wait3A_136] : memref<40x64xi32, #tpu.memory_space<vmem>> -> memref<1x64xi32, #tpu.memory_space<vmem>>
    %dma_wait3A_138 = tpu.memref_squeeze %dma_wait3A_137 : memref<1x64xi32, #tpu.memory_space<vmem>> -> memref<64xi32, #tpu.memory_space<vmem>>
    %dma_wait3A_139 = arith.constant 0 : i32
    %dma_wait3A_140 = arith.constant 0 : i32
    %dma_wait3A_141 = tpu.memref_slice %arg13[%dma_wait3A_139, %dma_wait3A_140] : memref<10240x128xf32, #tpu.memory_space<vmem_shared>> -> memref<10240x128xf32, #tpu.memory_space<vmem_shared>>
    tpu.wait_indirect_dma semaphore(%arg19 : memref<!tpu.dma_semaphore, #tpu.memory_space<semaphore_mem>>) src(%arg10 : memref<64x128xf32, #tpu.memory_space<vmem>>) dst(%dma_wait3A_141 : memref<10240x128xf32, #tpu.memory_space<vmem_shared>>)
    %dma_wait3A_142 = arith.constant 0 : i32
    %dma_wait3A_143 = arith.constant 0 : i32
    %dma_wait3A_144 = tpu.memref_slice %arg8[%dma_wait3A_142, %dma_wait3A_143] : memref<40x64xi32, #tpu.memory_space<vmem>> -> memref<1x64xi32, #tpu.memory_space<vmem>>
    %dma_wait3A_145 = tpu.memref_squeeze %dma_wait3A_144 : memref<1x64xi32, #tpu.memory_space<vmem>> -> memref<64xi32, #tpu.memory_space<vmem>>
    %dma_wait3A_146 = arith.constant 0 : i32
    %dma_wait3A_147 = arith.constant 0 : i32
    %dma_wait3A_148 = tpu.memref_slice %arg13[%dma_wait3A_146, %dma_wait3A_147] : memref<10240x128xf32, #tpu.memory_space<vmem_shared>> -> memref<10240x128xf32, #tpu.memory_space<vmem_shared>>
    tpu.wait_indirect_dma semaphore(%arg20 : memref<!tpu.dma_semaphore, #tpu.memory_space<semaphore_mem>>) src(%arg11 : memref<64x128xf32, #tpu.memory_space<vmem>>) dst(%dma_wait3A_148 : memref<10240x128xf32, #tpu.memory_space<vmem_shared>>)
    %dma_wait3A_149 = arith.constant 0 : i32
    %dma_wait3A_150 = arith.constant 0 : i32
    %dma_wait3A_151 = tpu.memref_slice %arg8[%dma_wait3A_149, %dma_wait3A_150] : memref<40x64xi32, #tpu.memory_space<vmem>> -> memref<1x64xi32, #tpu.memory_space<vmem>>
    %dma_wait3A_152 = tpu.memref_squeeze %dma_wait3A_151 : memref<1x64xi32, #tpu.memory_space<vmem>> -> memref<64xi32, #tpu.memory_space<vmem>>
    %dma_wait3A_153 = arith.constant 0 : i32
    %dma_wait3A_154 = arith.constant 0 : i32
    %dma_wait3A_155 = tpu.memref_slice %arg13[%dma_wait3A_153, %dma_wait3A_154] : memref<10240x128xf32, #tpu.memory_space<vmem_shared>> -> memref<10240x128xf32, #tpu.memory_space<vmem_shared>>
    tpu.wait_indirect_dma semaphore(%arg21 : memref<!tpu.dma_semaphore, #tpu.memory_space<semaphore_mem>>) src(%arg12 : memref<64x128xf32, #tpu.memory_space<vmem>>) dst(%dma_wait3A_155 : memref<10240x128xf32, #tpu.memory_space<vmem_shared>>)
    %mul3A_156 = arith.constant 160 : i32
    %mul3A_157 = arith.muli %add3A, %mul3A_156 : i32
    %add3A_158 = arith.constant 80 : i32
    %add3A_159 = arith.addi %mul3A_157, %add3A_158 : i32
    "tpu.region"() ({
      %run_scoped3A = tpu.sem_alloc : memref<!tpu.dma_semaphore, #tpu.memory_space<semaphore_mem>>
      %dma_start3A_279 = arith.constant 0 : i32
      %dma_start3A_280 = tpu.memref_slice %arg3[%add3A_159, %dma_start3A_279] : memref<5120x64xi32, #tpu.memory_space<hbm>> -> memref<40x64xi32, #tpu.memory_space<hbm>>
      %dma_start3A_281 = arith.constant 0 : i32
      %dma_start3A_282 = tpu.memref_slice %arg3[%add3A_159, %dma_start3A_281] : memref<5120x64xi32, #tpu.memory_space<hbm>> -> memref<40x64xi32, #tpu.memory_space<hbm>>
      tpu.enqueue_dma source(%dma_start3A_282 : memref<40x64xi32, #tpu.memory_space<hbm>>) target(%arg7 : memref<40x64xi32, #tpu.memory_space<vmem>>) target_semaphore(%run_scoped3A : memref<!tpu.dma_semaphore, #tpu.memory_space<semaphore_mem>>)
      %dma_wait3A_283 = arith.constant 0 : i32
      %dma_wait3A_284 = tpu.memref_slice %arg3[%add3A_159, %dma_wait3A_283] : memref<5120x64xi32, #tpu.memory_space<hbm>> -> memref<40x64xi32, #tpu.memory_space<hbm>>
      %dma_wait3A_285 = arith.constant 0 : i32
      %dma_wait3A_286 = tpu.memref_slice %arg3[%add3A_159, %dma_wait3A_285] : memref<5120x64xi32, #tpu.memory_space<hbm>> -> memref<40x64xi32, #tpu.memory_space<hbm>>
      tpu.wait_dma2 semaphore(%run_scoped3A : memref<!tpu.dma_semaphore, #tpu.memory_space<semaphore_mem>>) src(%dma_wait3A_286 : memref<40x64xi32, #tpu.memory_space<hbm>>) dst(%arg7 : memref<40x64xi32, #tpu.memory_space<vmem>>)
      tpu.yield
    }) : () -> ()
    "tpu.region"() ({
      %run_scoped3A = tpu.sem_alloc : memref<!tpu.dma_semaphore, #tpu.memory_space<semaphore_mem>>
      %dma_start3A_279 = arith.constant 0 : i32
      %dma_start3A_280 = tpu.memref_slice %arg4[%add3A_159, %dma_start3A_279] : memref<5120x64xi32, #tpu.memory_space<hbm>> -> memref<40x64xi32, #tpu.memory_space<hbm>>
      %dma_start3A_281 = arith.constant 0 : i32
      %dma_start3A_282 = tpu.memref_slice %arg4[%add3A_159, %dma_start3A_281] : memref<5120x64xi32, #tpu.memory_space<hbm>> -> memref<40x64xi32, #tpu.memory_space<hbm>>
      tpu.enqueue_dma source(%dma_start3A_282 : memref<40x64xi32, #tpu.memory_space<hbm>>) target(%arg8 : memref<40x64xi32, #tpu.memory_space<vmem>>) target_semaphore(%run_scoped3A : memref<!tpu.dma_semaphore, #tpu.memory_space<semaphore_mem>>)
      %dma_wait3A_283 = arith.constant 0 : i32
      %dma_wait3A_284 = tpu.memref_slice %arg4[%add3A_159, %dma_wait3A_283] : memref<5120x64xi32, #tpu.memory_space<hbm>> -> memref<40x64xi32, #tpu.memory_space<hbm>>
      %dma_wait3A_285 = arith.constant 0 : i32
      %dma_wait3A_286 = tpu.memref_slice %arg4[%add3A_159, %dma_wait3A_285] : memref<5120x64xi32, #tpu.memory_space<hbm>> -> memref<40x64xi32, #tpu.memory_space<hbm>>
      tpu.wait_dma2 semaphore(%run_scoped3A : memref<!tpu.dma_semaphore, #tpu.memory_space<semaphore_mem>>) src(%dma_wait3A_286 : memref<40x64xi32, #tpu.memory_space<hbm>>) dst(%arg8 : memref<40x64xi32, #tpu.memory_space<vmem>>)
      tpu.yield
    }) : () -> ()
    %dma_start3A_160 = arith.constant 0 : i32
    %dma_start3A_161 = arith.constant 0 : i32
    %dma_start3A_162 = tpu.memref_slice %arg7[%dma_start3A_160, %dma_start3A_161] : memref<40x64xi32, #tpu.memory_space<vmem>> -> memref<1x64xi32, #tpu.memory_space<vmem>>
    %dma_start3A_163 = tpu.memref_squeeze %dma_start3A_162 : memref<1x64xi32, #tpu.memory_space<vmem>> -> memref<64xi32, #tpu.memory_space<vmem>>
    %dma_start3A_164 = arith.constant 0 : i32
    %dma_start3A_165 = arith.constant 0 : i32
    %dma_start3A_166 = tpu.memref_slice %arg2[%dma_start3A_164, %dma_start3A_165] : memref<10240x128xf32, #tpu.memory_space<hbm>> -> memref<10240x128xf32, #tpu.memory_space<hbm>>
    tpu.enqueue_indirect_dma source(%dma_start3A_166 : memref<10240x128xf32, #tpu.memory_space<hbm>>) target(%arg9 : memref<64x128xf32, #tpu.memory_space<vmem>>) offsets(%dma_start3A_163 : memref<64xi32, #tpu.memory_space<vmem>>) semaphore(%arg14 : memref<!tpu.dma_semaphore, #tpu.memory_space<semaphore_mem>>)
    %dma_start3A_167 = arith.constant 1 : i32
    %dma_start3A_168 = arith.constant 0 : i32
    %dma_start3A_169 = tpu.memref_slice %arg7[%dma_start3A_167, %dma_start3A_168] : memref<40x64xi32, #tpu.memory_space<vmem>> -> memref<1x64xi32, #tpu.memory_space<vmem>>
    %dma_start3A_170 = tpu.memref_squeeze %dma_start3A_169 : memref<1x64xi32, #tpu.memory_space<vmem>> -> memref<64xi32, #tpu.memory_space<vmem>>
    %dma_start3A_171 = arith.constant 0 : i32
    %dma_start3A_172 = arith.constant 0 : i32
    %dma_start3A_173 = tpu.memref_slice %arg2[%dma_start3A_171, %dma_start3A_172] : memref<10240x128xf32, #tpu.memory_space<hbm>> -> memref<10240x128xf32, #tpu.memory_space<hbm>>
    tpu.enqueue_indirect_dma source(%dma_start3A_173 : memref<10240x128xf32, #tpu.memory_space<hbm>>) target(%arg10 : memref<64x128xf32, #tpu.memory_space<vmem>>) offsets(%dma_start3A_170 : memref<64xi32, #tpu.memory_space<vmem>>) semaphore(%arg15 : memref<!tpu.dma_semaphore, #tpu.memory_space<semaphore_mem>>)
    %dma_start3A_174 = arith.constant 2 : i32
    %dma_start3A_175 = arith.constant 0 : i32
    %dma_start3A_176 = tpu.memref_slice %arg7[%dma_start3A_174, %dma_start3A_175] : memref<40x64xi32, #tpu.memory_space<vmem>> -> memref<1x64xi32, #tpu.memory_space<vmem>>
    %dma_start3A_177 = tpu.memref_squeeze %dma_start3A_176 : memref<1x64xi32, #tpu.memory_space<vmem>> -> memref<64xi32, #tpu.memory_space<vmem>>
    %dma_start3A_178 = arith.constant 0 : i32
    %dma_start3A_179 = arith.constant 0 : i32
    %dma_start3A_180 = tpu.memref_slice %arg2[%dma_start3A_178, %dma_start3A_179] : memref<10240x128xf32, #tpu.memory_space<hbm>> -> memref<10240x128xf32, #tpu.memory_space<hbm>>
    tpu.enqueue_indirect_dma source(%dma_start3A_180 : memref<10240x128xf32, #tpu.memory_space<hbm>>) target(%arg11 : memref<64x128xf32, #tpu.memory_space<vmem>>) offsets(%dma_start3A_177 : memref<64xi32, #tpu.memory_space<vmem>>) semaphore(%arg16 : memref<!tpu.dma_semaphore, #tpu.memory_space<semaphore_mem>>)
    %scan3A_181 = arith.constant 0 : i32
    %scan3A_182 = arith.constant 0 : i32
    %scan3A_183 = arith.constant 10 : i32
    %scan3A_184 = arith.addi %scan3A_182, %scan3A_183 : i32
    %scan3A_185 = arith.constant 1 : i32
    scf.for %scan3A_279 = %scan3A_182 to %scan3A_184 step %scan3A_185  : i32 {
      %mul3A_280 = arith.constant 4 : i32
      %mul3A_281 = arith.muli %mul3A_280, %scan3A_279 : i32
      %add3A_282 = arith.constant 0 : i32
      %add3A_283 = arith.addi %mul3A_281, %add3A_282 : i32
      %dma_wait3A_284 = arith.constant 0 : i32
      %dma_wait3A_285 = arith.constant 0 : i32
      %dma_wait3A_286 = tpu.memref_slice %arg7[%dma_wait3A_284, %dma_wait3A_285] : memref<40x64xi32, #tpu.memory_space<vmem>> -> memref<1x64xi32, #tpu.memory_space<vmem>>
      %dma_wait3A_287 = tpu.memref_squeeze %dma_wait3A_286 : memref<1x64xi32, #tpu.memory_space<vmem>> -> memref<64xi32, #tpu.memory_space<vmem>>
      %dma_wait3A_288 = arith.constant 0 : i32
      %dma_wait3A_289 = arith.constant 0 : i32
      %dma_wait3A_290 = tpu.memref_slice %arg2[%dma_wait3A_288, %dma_wait3A_289] : memref<10240x128xf32, #tpu.memory_space<hbm>> -> memref<10240x128xf32, #tpu.memory_space<hbm>>
      tpu.wait_indirect_dma semaphore(%arg14 : memref<!tpu.dma_semaphore, #tpu.memory_space<semaphore_mem>>) src(%dma_wait3A_290 : memref<10240x128xf32, #tpu.memory_space<hbm>>) dst(%arg9 : memref<64x128xf32, #tpu.memory_space<vmem>>)
      %dma_start3A_291 = arith.constant 0 : i32
      %dma_start3A_292 = tpu.memref_slice %arg8[%add3A_283, %dma_start3A_291] : memref<40x64xi32, #tpu.memory_space<vmem>> -> memref<1x64xi32, #tpu.memory_space<vmem>>
      %dma_start3A_293 = tpu.memref_squeeze %dma_start3A_292 : memref<1x64xi32, #tpu.memory_space<vmem>> -> memref<64xi32, #tpu.memory_space<vmem>>
      %dma_start3A_294 = arith.constant 0 : i32
      %dma_start3A_295 = arith.constant 0 : i32
      %dma_start3A_296 = tpu.memref_slice %arg13[%dma_start3A_294, %dma_start3A_295] : memref<10240x128xf32, #tpu.memory_space<vmem_shared>> -> memref<10240x128xf32, #tpu.memory_space<vmem_shared>>
      tpu.enqueue_indirect_dma source(%arg9 : memref<64x128xf32, #tpu.memory_space<vmem>>) target(%dma_start3A_296 : memref<10240x128xf32, #tpu.memory_space<vmem_shared>>) offsets(%dma_start3A_293 : memref<64xi32, #tpu.memory_space<vmem>>) semaphore(%arg18 : memref<!tpu.dma_semaphore, #tpu.memory_space<semaphore_mem>>) {add = true}
      %add3A_297 = arith.constant 3 : i32
      %add3A_298 = arith.addi %add3A_283, %add3A_297 : i32
      %lt3A = arith.constant 40 : i32
      %lt3A_299 = arith.cmpi slt, %add3A_298, %lt3A : i32
      %convert_element_type3A = arith.extui %lt3A_299 : i1 to i32
      %cond3A = arith.constant 0 : i32
      %cond3A_300 = arith.cmpi ne, %convert_element_type3A, %cond3A : i32
      scf.if %cond3A_300 {
        %ge3A = arith.constant 1 : i32
        %ge3A_367 = arith.cmpi sge, %add3A_283, %ge3A : i32
        %convert_element_type3A_368 = arith.extui %ge3A_367 : i1 to i32
        %cond3A_369 = arith.constant 0 : i32
        %cond3A_370 = arith.cmpi ne, %convert_element_type3A_368, %cond3A_369 : i32
        scf.if %cond3A_370 {
          %dma_wait3A_379 = arith.constant 0 : i32
          %dma_wait3A_380 = arith.constant 0 : i32
          %dma_wait3A_381 = tpu.memref_slice %arg8[%dma_wait3A_379, %dma_wait3A_380] : memref<40x64xi32, #tpu.memory_space<vmem>> -> memref<1x64xi32, #tpu.memory_space<vmem>>
          %dma_wait3A_382 = tpu.memref_squeeze %dma_wait3A_381 : memref<1x64xi32, #tpu.memory_space<vmem>> -> memref<64xi32, #tpu.memory_space<vmem>>
          %dma_wait3A_383 = arith.constant 0 : i32
          %dma_wait3A_384 = arith.constant 0 : i32
          %dma_wait3A_385 = tpu.memref_slice %arg13[%dma_wait3A_383, %dma_wait3A_384] : memref<10240x128xf32, #tpu.memory_space<vmem_shared>> -> memref<10240x128xf32, #tpu.memory_space<vmem_shared>>
          tpu.wait_indirect_dma semaphore(%arg21 : memref<!tpu.dma_semaphore, #tpu.memory_space<semaphore_mem>>) src(%arg12 : memref<64x128xf32, #tpu.memory_space<vmem>>) dst(%dma_wait3A_385 : memref<10240x128xf32, #tpu.memory_space<vmem_shared>>)
        } else {
        }
        %add3A_371 = arith.constant 3 : i32
        %add3A_372 = arith.addi %add3A_283, %add3A_371 : i32
        %dma_start3A_373 = arith.constant 0 : i32
        %dma_start3A_374 = tpu.memref_slice %arg7[%add3A_372, %dma_start3A_373] : memref<40x64xi32, #tpu.memory_space<vmem>> -> memref<1x64xi32, #tpu.memory_space<vmem>>
        %dma_start3A_375 = tpu.memref_squeeze %dma_start3A_374 : memref<1x64xi32, #tpu.memory_space<vmem>> -> memref<64xi32, #tpu.memory_space<vmem>>
        %dma_start3A_376 = arith.constant 0 : i32
        %dma_start3A_377 = arith.constant 0 : i32
        %dma_start3A_378 = tpu.memref_slice %arg2[%dma_start3A_376, %dma_start3A_377] : memref<10240x128xf32, #tpu.memory_space<hbm>> -> memref<10240x128xf32, #tpu.memory_space<hbm>>
        tpu.enqueue_indirect_dma source(%dma_start3A_378 : memref<10240x128xf32, #tpu.memory_space<hbm>>) target(%arg12 : memref<64x128xf32, #tpu.memory_space<vmem>>) offsets(%dma_start3A_375 : memref<64xi32, #tpu.memory_space<vmem>>) semaphore(%arg17 : memref<!tpu.dma_semaphore, #tpu.memory_space<semaphore_mem>>)
      } else {
      }
      %add3A_301 = arith.constant 1 : i32
      %add3A_302 = arith.addi %mul3A_281, %add3A_301 : i32
      %dma_wait3A_303 = arith.constant 0 : i32
      %dma_wait3A_304 = arith.constant 0 : i32
      %dma_wait3A_305 = tpu.memref_slice %arg7[%dma_wait3A_303, %dma_wait3A_304] : memref<40x64xi32, #tpu.memory_space<vmem>> -> memref<1x64xi32, #tpu.memory_space<vmem>>
      %dma_wait3A_306 = tpu.memref_squeeze %dma_wait3A_305 : memref<1x64xi32, #tpu.memory_space<vmem>> -> memref<64xi32, #tpu.memory_space<vmem>>
      %dma_wait3A_307 = arith.constant 0 : i32
      %dma_wait3A_308 = arith.constant 0 : i32
      %dma_wait3A_309 = tpu.memref_slice %arg2[%dma_wait3A_307, %dma_wait3A_308] : memref<10240x128xf32, #tpu.memory_space<hbm>> -> memref<10240x128xf32, #tpu.memory_space<hbm>>
      tpu.wait_indirect_dma semaphore(%arg15 : memref<!tpu.dma_semaphore, #tpu.memory_space<semaphore_mem>>) src(%dma_wait3A_309 : memref<10240x128xf32, #tpu.memory_space<hbm>>) dst(%arg10 : memref<64x128xf32, #tpu.memory_space<vmem>>)
      %dma_start3A_310 = arith.constant 0 : i32
      %dma_start3A_311 = tpu.memref_slice %arg8[%add3A_302, %dma_start3A_310] : memref<40x64xi32, #tpu.memory_space<vmem>> -> memref<1x64xi32, #tpu.memory_space<vmem>>
      %dma_start3A_312 = tpu.memref_squeeze %dma_start3A_311 : memref<1x64xi32, #tpu.memory_space<vmem>> -> memref<64xi32, #tpu.memory_space<vmem>>
      %dma_start3A_313 = arith.constant 0 : i32
      %dma_start3A_314 = arith.constant 0 : i32
      %dma_start3A_315 = tpu.memref_slice %arg13[%dma_start3A_313, %dma_start3A_314] : memref<10240x128xf32, #tpu.memory_space<vmem_shared>> -> memref<10240x128xf32, #tpu.memory_space<vmem_shared>>
      tpu.enqueue_indirect_dma source(%arg10 : memref<64x128xf32, #tpu.memory_space<vmem>>) target(%dma_start3A_315 : memref<10240x128xf32, #tpu.memory_space<vmem_shared>>) offsets(%dma_start3A_312 : memref<64xi32, #tpu.memory_space<vmem>>) semaphore(%arg19 : memref<!tpu.dma_semaphore, #tpu.memory_space<semaphore_mem>>) {add = true}
      %add3A_316 = arith.constant 3 : i32
      %add3A_317 = arith.addi %add3A_302, %add3A_316 : i32
      %lt3A_318 = arith.constant 40 : i32
      %lt3A_319 = arith.cmpi slt, %add3A_317, %lt3A_318 : i32
      %convert_element_type3A_320 = arith.extui %lt3A_319 : i1 to i32
      %cond3A_321 = arith.constant 0 : i32
      %cond3A_322 = arith.cmpi ne, %convert_element_type3A_320, %cond3A_321 : i32
      scf.if %cond3A_322 {
        %ge3A = arith.constant 1 : i32
        %ge3A_367 = arith.cmpi sge, %add3A_302, %ge3A : i32
        %convert_element_type3A_368 = arith.extui %ge3A_367 : i1 to i32
        %cond3A_369 = arith.constant 0 : i32
        %cond3A_370 = arith.cmpi ne, %convert_element_type3A_368, %cond3A_369 : i32
        scf.if %cond3A_370 {
          %dma_wait3A_379 = arith.constant 0 : i32
          %dma_wait3A_380 = arith.constant 0 : i32
          %dma_wait3A_381 = tpu.memref_slice %arg8[%dma_wait3A_379, %dma_wait3A_380] : memref<40x64xi32, #tpu.memory_space<vmem>> -> memref<1x64xi32, #tpu.memory_space<vmem>>
          %dma_wait3A_382 = tpu.memref_squeeze %dma_wait3A_381 : memref<1x64xi32, #tpu.memory_space<vmem>> -> memref<64xi32, #tpu.memory_space<vmem>>
          %dma_wait3A_383 = arith.constant 0 : i32
          %dma_wait3A_384 = arith.constant 0 : i32
          %dma_wait3A_385 = tpu.memref_slice %arg13[%dma_wait3A_383, %dma_wait3A_384] : memref<10240x128xf32, #tpu.memory_space<vmem_shared>> -> memref<10240x128xf32, #tpu.memory_space<vmem_shared>>
          tpu.wait_indirect_dma semaphore(%arg18 : memref<!tpu.dma_semaphore, #tpu.memory_space<semaphore_mem>>) src(%arg9 : memref<64x128xf32, #tpu.memory_space<vmem>>) dst(%dma_wait3A_385 : memref<10240x128xf32, #tpu.memory_space<vmem_shared>>)
        } else {
        }
        %add3A_371 = arith.constant 3 : i32
        %add3A_372 = arith.addi %add3A_302, %add3A_371 : i32
        %dma_start3A_373 = arith.constant 0 : i32
        %dma_start3A_374 = tpu.memref_slice %arg7[%add3A_372, %dma_start3A_373] : memref<40x64xi32, #tpu.memory_space<vmem>> -> memref<1x64xi32, #tpu.memory_space<vmem>>
        %dma_start3A_375 = tpu.memref_squeeze %dma_start3A_374 : memref<1x64xi32, #tpu.memory_space<vmem>> -> memref<64xi32, #tpu.memory_space<vmem>>
        %dma_start3A_376 = arith.constant 0 : i32
        %dma_start3A_377 = arith.constant 0 : i32
        %dma_start3A_378 = tpu.memref_slice %arg2[%dma_start3A_376, %dma_start3A_377] : memref<10240x128xf32, #tpu.memory_space<hbm>> -> memref<10240x128xf32, #tpu.memory_space<hbm>>
        tpu.enqueue_indirect_dma source(%dma_start3A_378 : memref<10240x128xf32, #tpu.memory_space<hbm>>) target(%arg9 : memref<64x128xf32, #tpu.memory_space<vmem>>) offsets(%dma_start3A_375 : memref<64xi32, #tpu.memory_space<vmem>>) semaphore(%arg14 : memref<!tpu.dma_semaphore, #tpu.memory_space<semaphore_mem>>)
      } else {
      }
      %add3A_323 = arith.constant 2 : i32
      %add3A_324 = arith.addi %mul3A_281, %add3A_323 : i32
      %dma_wait3A_325 = arith.constant 0 : i32
      %dma_wait3A_326 = arith.constant 0 : i32
      %dma_wait3A_327 = tpu.memref_slice %arg7[%dma_wait3A_325, %dma_wait3A_326] : memref<40x64xi32, #tpu.memory_space<vmem>> -> memref<1x64xi32, #tpu.memory_space<vmem>>
      %dma_wait3A_328 = tpu.memref_squeeze %dma_wait3A_327 : memref<1x64xi32, #tpu.memory_space<vmem>> -> memref<64xi32, #tpu.memory_space<vmem>>
      %dma_wait3A_329 = arith.constant 0 : i32
      %dma_wait3A_330 = arith.constant 0 : i32
      %dma_wait3A_331 = tpu.memref_slice %arg2[%dma_wait3A_329, %dma_wait3A_330] : memref<10240x128xf32, #tpu.memory_space<hbm>> -> memref<10240x128xf32, #tpu.memory_space<hbm>>
      tpu.wait_indirect_dma semaphore(%arg16 : memref<!tpu.dma_semaphore, #tpu.memory_space<semaphore_mem>>) src(%dma_wait3A_331 : memref<10240x128xf32, #tpu.memory_space<hbm>>) dst(%arg11 : memref<64x128xf32, #tpu.memory_space<vmem>>)
      %dma_start3A_332 = arith.constant 0 : i32
      %dma_start3A_333 = tpu.memref_slice %arg8[%add3A_324, %dma_start3A_332] : memref<40x64xi32, #tpu.memory_space<vmem>> -> memref<1x64xi32, #tpu.memory_space<vmem>>
      %dma_start3A_334 = tpu.memref_squeeze %dma_start3A_333 : memref<1x64xi32, #tpu.memory_space<vmem>> -> memref<64xi32, #tpu.memory_space<vmem>>
      %dma_start3A_335 = arith.constant 0 : i32
      %dma_start3A_336 = arith.constant 0 : i32
      %dma_start3A_337 = tpu.memref_slice %arg13[%dma_start3A_335, %dma_start3A_336] : memref<10240x128xf32, #tpu.memory_space<vmem_shared>> -> memref<10240x128xf32, #tpu.memory_space<vmem_shared>>
      tpu.enqueue_indirect_dma source(%arg11 : memref<64x128xf32, #tpu.memory_space<vmem>>) target(%dma_start3A_337 : memref<10240x128xf32, #tpu.memory_space<vmem_shared>>) offsets(%dma_start3A_334 : memref<64xi32, #tpu.memory_space<vmem>>) semaphore(%arg20 : memref<!tpu.dma_semaphore, #tpu.memory_space<semaphore_mem>>) {add = true}
      %add3A_338 = arith.constant 3 : i32
      %add3A_339 = arith.addi %add3A_324, %add3A_338 : i32
      %lt3A_340 = arith.constant 40 : i32
      %lt3A_341 = arith.cmpi slt, %add3A_339, %lt3A_340 : i32
      %convert_element_type3A_342 = arith.extui %lt3A_341 : i1 to i32
      %cond3A_343 = arith.constant 0 : i32
      %cond3A_344 = arith.cmpi ne, %convert_element_type3A_342, %cond3A_343 : i32
      scf.if %cond3A_344 {
        %ge3A = arith.constant 1 : i32
        %ge3A_367 = arith.cmpi sge, %add3A_324, %ge3A : i32
        %convert_element_type3A_368 = arith.extui %ge3A_367 : i1 to i32
        %cond3A_369 = arith.constant 0 : i32
        %cond3A_370 = arith.cmpi ne, %convert_element_type3A_368, %cond3A_369 : i32
        scf.if %cond3A_370 {
          %dma_wait3A_379 = arith.constant 0 : i32
          %dma_wait3A_380 = arith.constant 0 : i32
          %dma_wait3A_381 = tpu.memref_slice %arg8[%dma_wait3A_379, %dma_wait3A_380] : memref<40x64xi32, #tpu.memory_space<vmem>> -> memref<1x64xi32, #tpu.memory_space<vmem>>
          %dma_wait3A_382 = tpu.memref_squeeze %dma_wait3A_381 : memref<1x64xi32, #tpu.memory_space<vmem>> -> memref<64xi32, #tpu.memory_space<vmem>>
          %dma_wait3A_383 = arith.constant 0 : i32
          %dma_wait3A_384 = arith.constant 0 : i32
          %dma_wait3A_385 = tpu.memref_slice %arg13[%dma_wait3A_383, %dma_wait3A_384] : memref<10240x128xf32, #tpu.memory_space<vmem_shared>> -> memref<10240x128xf32, #tpu.memory_space<vmem_shared>>
          tpu.wait_indirect_dma semaphore(%arg19 : memref<!tpu.dma_semaphore, #tpu.memory_space<semaphore_mem>>) src(%arg10 : memref<64x128xf32, #tpu.memory_space<vmem>>) dst(%dma_wait3A_385 : memref<10240x128xf32, #tpu.memory_space<vmem_shared>>)
        } else {
        }
        %add3A_371 = arith.constant 3 : i32
        %add3A_372 = arith.addi %add3A_324, %add3A_371 : i32
        %dma_start3A_373 = arith.constant 0 : i32
        %dma_start3A_374 = tpu.memref_slice %arg7[%add3A_372, %dma_start3A_373] : memref<40x64xi32, #tpu.memory_space<vmem>> -> memref<1x64xi32, #tpu.memory_space<vmem>>
        %dma_start3A_375 = tpu.memref_squeeze %dma_start3A_374 : memref<1x64xi32, #tpu.memory_space<vmem>> -> memref<64xi32, #tpu.memory_space<vmem>>
        %dma_start3A_376 = arith.constant 0 : i32
        %dma_start3A_377 = arith.constant 0 : i32
        %dma_start3A_378 = tpu.memref_slice %arg2[%dma_start3A_376, %dma_start3A_377] : memref<10240x128xf32, #tpu.memory_space<hbm>> -> memref<10240x128xf32, #tpu.memory_space<hbm>>
        tpu.enqueue_indirect_dma source(%dma_start3A_378 : memref<10240x128xf32, #tpu.memory_space<hbm>>) target(%arg10 : memref<64x128xf32, #tpu.memory_space<vmem>>) offsets(%dma_start3A_375 : memref<64xi32, #tpu.memory_space<vmem>>) semaphore(%arg15 : memref<!tpu.dma_semaphore, #tpu.memory_space<semaphore_mem>>)
      } else {
      }
      %add3A_345 = arith.constant 3 : i32
      %add3A_346 = arith.addi %mul3A_281, %add3A_345 : i32
      %dma_wait3A_347 = arith.constant 0 : i32
      %dma_wait3A_348 = arith.constant 0 : i32
      %dma_wait3A_349 = tpu.memref_slice %arg7[%dma_wait3A_347, %dma_wait3A_348] : memref<40x64xi32, #tpu.memory_space<vmem>> -> memref<1x64xi32, #tpu.memory_space<vmem>>
      %dma_wait3A_350 = tpu.memref_squeeze %dma_wait3A_349 : memref<1x64xi32, #tpu.memory_space<vmem>> -> memref<64xi32, #tpu.memory_space<vmem>>
      %dma_wait3A_351 = arith.constant 0 : i32
      %dma_wait3A_352 = arith.constant 0 : i32
      %dma_wait3A_353 = tpu.memref_slice %arg2[%dma_wait3A_351, %dma_wait3A_352] : memref<10240x128xf32, #tpu.memory_space<hbm>> -> memref<10240x128xf32, #tpu.memory_space<hbm>>
      tpu.wait_indirect_dma semaphore(%arg17 : memref<!tpu.dma_semaphore, #tpu.memory_space<semaphore_mem>>) src(%dma_wait3A_353 : memref<10240x128xf32, #tpu.memory_space<hbm>>) dst(%arg12 : memref<64x128xf32, #tpu.memory_space<vmem>>)
      %dma_start3A_354 = arith.constant 0 : i32
      %dma_start3A_355 = tpu.memref_slice %arg8[%add3A_346, %dma_start3A_354] : memref<40x64xi32, #tpu.memory_space<vmem>> -> memref<1x64xi32, #tpu.memory_space<vmem>>
      %dma_start3A_356 = tpu.memref_squeeze %dma_start3A_355 : memref<1x64xi32, #tpu.memory_space<vmem>> -> memref<64xi32, #tpu.memory_space<vmem>>
      %dma_start3A_357 = arith.constant 0 : i32
      %dma_start3A_358 = arith.constant 0 : i32
      %dma_start3A_359 = tpu.memref_slice %arg13[%dma_start3A_357, %dma_start3A_358] : memref<10240x128xf32, #tpu.memory_space<vmem_shared>> -> memref<10240x128xf32, #tpu.memory_space<vmem_shared>>
      tpu.enqueue_indirect_dma source(%arg12 : memref<64x128xf32, #tpu.memory_space<vmem>>) target(%dma_start3A_359 : memref<10240x128xf32, #tpu.memory_space<vmem_shared>>) offsets(%dma_start3A_356 : memref<64xi32, #tpu.memory_space<vmem>>) semaphore(%arg21 : memref<!tpu.dma_semaphore, #tpu.memory_space<semaphore_mem>>) {add = true}
      %add3A_360 = arith.constant 3 : i32
      %add3A_361 = arith.addi %add3A_346, %add3A_360 : i32
      %lt3A_362 = arith.constant 40 : i32
      %lt3A_363 = arith.cmpi slt, %add3A_361, %lt3A_362 : i32
      %convert_element_type3A_364 = arith.extui %lt3A_363 : i1 to i32
      %cond3A_365 = arith.constant 0 : i32
      %cond3A_366 = arith.cmpi ne, %convert_element_type3A_364, %cond3A_365 : i32
      scf.if %cond3A_366 {
        %ge3A = arith.constant 1 : i32
        %ge3A_367 = arith.cmpi sge, %add3A_346, %ge3A : i32
        %convert_element_type3A_368 = arith.extui %ge3A_367 : i1 to i32
        %cond3A_369 = arith.constant 0 : i32
        %cond3A_370 = arith.cmpi ne, %convert_element_type3A_368, %cond3A_369 : i32
        scf.if %cond3A_370 {
          %dma_wait3A_379 = arith.constant 0 : i32
          %dma_wait3A_380 = arith.constant 0 : i32
          %dma_wait3A_381 = tpu.memref_slice %arg8[%dma_wait3A_379, %dma_wait3A_380] : memref<40x64xi32, #tpu.memory_space<vmem>> -> memref<1x64xi32, #tpu.memory_space<vmem>>
          %dma_wait3A_382 = tpu.memref_squeeze %dma_wait3A_381 : memref<1x64xi32, #tpu.memory_space<vmem>> -> memref<64xi32, #tpu.memory_space<vmem>>
          %dma_wait3A_383 = arith.constant 0 : i32
          %dma_wait3A_384 = arith.constant 0 : i32
          %dma_wait3A_385 = tpu.memref_slice %arg13[%dma_wait3A_383, %dma_wait3A_384] : memref<10240x128xf32, #tpu.memory_space<vmem_shared>> -> memref<10240x128xf32, #tpu.memory_space<vmem_shared>>
          tpu.wait_indirect_dma semaphore(%arg20 : memref<!tpu.dma_semaphore, #tpu.memory_space<semaphore_mem>>) src(%arg11 : memref<64x128xf32, #tpu.memory_space<vmem>>) dst(%dma_wait3A_385 : memref<10240x128xf32, #tpu.memory_space<vmem_shared>>)
        } else {
        }
        %add3A_371 = arith.constant 3 : i32
        %add3A_372 = arith.addi %add3A_346, %add3A_371 : i32
        %dma_start3A_373 = arith.constant 0 : i32
        %dma_start3A_374 = tpu.memref_slice %arg7[%add3A_372, %dma_start3A_373] : memref<40x64xi32, #tpu.memory_space<vmem>> -> memref<1x64xi32, #tpu.memory_space<vmem>>
        %dma_start3A_375 = tpu.memref_squeeze %dma_start3A_374 : memref<1x64xi32, #tpu.memory_space<vmem>> -> memref<64xi32, #tpu.memory_space<vmem>>
        %dma_start3A_376 = arith.constant 0 : i32
        %dma_start3A_377 = arith.constant 0 : i32
        %dma_start3A_378 = tpu.memref_slice %arg2[%dma_start3A_376, %dma_start3A_377] : memref<10240x128xf32, #tpu.memory_space<hbm>> -> memref<10240x128xf32, #tpu.memory_space<hbm>>
        tpu.enqueue_indirect_dma source(%dma_start3A_378 : memref<10240x128xf32, #tpu.memory_space<hbm>>) target(%arg11 : memref<64x128xf32, #tpu.memory_space<vmem>>) offsets(%dma_start3A_375 : memref<64xi32, #tpu.memory_space<vmem>>) semaphore(%arg16 : memref<!tpu.dma_semaphore, #tpu.memory_space<semaphore_mem>>)
      } else {
      }
    }
    %scan3A_186 = arith.constant 10 : i32
    %dma_wait3A_187 = arith.constant 0 : i32
    %dma_wait3A_188 = arith.constant 0 : i32
    %dma_wait3A_189 = tpu.memref_slice %arg8[%dma_wait3A_187, %dma_wait3A_188] : memref<40x64xi32, #tpu.memory_space<vmem>> -> memref<1x64xi32, #tpu.memory_space<vmem>>
    %dma_wait3A_190 = tpu.memref_squeeze %dma_wait3A_189 : memref<1x64xi32, #tpu.memory_space<vmem>> -> memref<64xi32, #tpu.memory_space<vmem>>
    %dma_wait3A_191 = arith.constant 0 : i32
    %dma_wait3A_192 = arith.constant 0 : i32
    %dma_wait3A_193 = tpu.memref_slice %arg13[%dma_wait3A_191, %dma_wait3A_192] : memref<10240x128xf32, #tpu.memory_space<vmem_shared>> -> memref<10240x128xf32, #tpu.memory_space<vmem_shared>>
    tpu.wait_indirect_dma semaphore(%arg18 : memref<!tpu.dma_semaphore, #tpu.memory_space<semaphore_mem>>) src(%arg9 : memref<64x128xf32, #tpu.memory_space<vmem>>) dst(%dma_wait3A_193 : memref<10240x128xf32, #tpu.memory_space<vmem_shared>>)
    %dma_wait3A_194 = arith.constant 0 : i32
    %dma_wait3A_195 = arith.constant 0 : i32
    %dma_wait3A_196 = tpu.memref_slice %arg8[%dma_wait3A_194, %dma_wait3A_195] : memref<40x64xi32, #tpu.memory_space<vmem>> -> memref<1x64xi32, #tpu.memory_space<vmem>>
    %dma_wait3A_197 = tpu.memref_squeeze %dma_wait3A_196 : memref<1x64xi32, #tpu.memory_space<vmem>> -> memref<64xi32, #tpu.memory_space<vmem>>
    %dma_wait3A_198 = arith.constant 0 : i32
    %dma_wait3A_199 = arith.constant 0 : i32
    %dma_wait3A_200 = tpu.memref_slice %arg13[%dma_wait3A_198, %dma_wait3A_199] : memref<10240x128xf32, #tpu.memory_space<vmem_shared>> -> memref<10240x128xf32, #tpu.memory_space<vmem_shared>>
    tpu.wait_indirect_dma semaphore(%arg19 : memref<!tpu.dma_semaphore, #tpu.memory_space<semaphore_mem>>) src(%arg10 : memref<64x128xf32, #tpu.memory_space<vmem>>) dst(%dma_wait3A_200 : memref<10240x128xf32, #tpu.memory_space<vmem_shared>>)
    %dma_wait3A_201 = arith.constant 0 : i32
    %dma_wait3A_202 = arith.constant 0 : i32
    %dma_wait3A_203 = tpu.memref_slice %arg8[%dma_wait3A_201, %dma_wait3A_202] : memref<40x64xi32, #tpu.memory_space<vmem>> -> memref<1x64xi32, #tpu.memory_space<vmem>>
    %dma_wait3A_204 = tpu.memref_squeeze %dma_wait3A_203 : memref<1x64xi32, #tpu.memory_space<vmem>> -> memref<64xi32, #tpu.memory_space<vmem>>
    %dma_wait3A_205 = arith.constant 0 : i32
    %dma_wait3A_206 = arith.constant 0 : i32
    %dma_wait3A_207 = tpu.memref_slice %arg13[%dma_wait3A_205, %dma_wait3A_206] : memref<10240x128xf32, #tpu.memory_space<vmem_shared>> -> memref<10240x128xf32, #tpu.memory_space<vmem_shared>>
    tpu.wait_indirect_dma semaphore(%arg20 : memref<!tpu.dma_semaphore, #tpu.memory_space<semaphore_mem>>) src(%arg11 : memref<64x128xf32, #tpu.memory_space<vmem>>) dst(%dma_wait3A_207 : memref<10240x128xf32, #tpu.memory_space<vmem_shared>>)
    %dma_wait3A_208 = arith.constant 0 : i32
    %dma_wait3A_209 = arith.constant 0 : i32
    %dma_wait3A_210 = tpu.memref_slice %arg8[%dma_wait3A_208, %dma_wait3A_209] : memref<40x64xi32, #tpu.memory_space<vmem>> -> memref<1x64xi32, #tpu.memory_space<vmem>>
    %dma_wait3A_211 = tpu.memref_squeeze %dma_wait3A_210 : memref<1x64xi32, #tpu.memory_space<vmem>> -> memref<64xi32, #tpu.memory_space<vmem>>
    %dma_wait3A_212 = arith.constant 0 : i32
    %dma_wait3A_213 = arith.constant 0 : i32
    %dma_wait3A_214 = tpu.memref_slice %arg13[%dma_wait3A_212, %dma_wait3A_213] : memref<10240x128xf32, #tpu.memory_space<vmem_shared>> -> memref<10240x128xf32, #tpu.memory_space<vmem_shared>>
    tpu.wait_indirect_dma semaphore(%arg21 : memref<!tpu.dma_semaphore, #tpu.memory_space<semaphore_mem>>) src(%arg12 : memref<64x128xf32, #tpu.memory_space<vmem>>) dst(%dma_wait3A_214 : memref<10240x128xf32, #tpu.memory_space<vmem_shared>>)
    %mul3A_215 = arith.constant 160 : i32
    %mul3A_216 = arith.muli %add3A, %mul3A_215 : i32
    %add3A_217 = arith.constant 120 : i32
    %add3A_218 = arith.addi %mul3A_216, %add3A_217 : i32
    "tpu.region"() ({
      %run_scoped3A = tpu.sem_alloc : memref<!tpu.dma_semaphore, #tpu.memory_space<semaphore_mem>>
      %dma_start3A_279 = arith.constant 0 : i32
      %dma_start3A_280 = tpu.memref_slice %arg3[%add3A_218, %dma_start3A_279] : memref<5120x64xi32, #tpu.memory_space<hbm>> -> memref<40x64xi32, #tpu.memory_space<hbm>>
      %dma_start3A_281 = arith.constant 0 : i32
      %dma_start3A_282 = tpu.memref_slice %arg3[%add3A_218, %dma_start3A_281] : memref<5120x64xi32, #tpu.memory_space<hbm>> -> memref<40x64xi32, #tpu.memory_space<hbm>>
      tpu.enqueue_dma source(%dma_start3A_282 : memref<40x64xi32, #tpu.memory_space<hbm>>) target(%arg7 : memref<40x64xi32, #tpu.memory_space<vmem>>) target_semaphore(%run_scoped3A : memref<!tpu.dma_semaphore, #tpu.memory_space<semaphore_mem>>)
      %dma_wait3A_283 = arith.constant 0 : i32
      %dma_wait3A_284 = tpu.memref_slice %arg3[%add3A_218, %dma_wait3A_283] : memref<5120x64xi32, #tpu.memory_space<hbm>> -> memref<40x64xi32, #tpu.memory_space<hbm>>
      %dma_wait3A_285 = arith.constant 0 : i32
      %dma_wait3A_286 = tpu.memref_slice %arg3[%add3A_218, %dma_wait3A_285] : memref<5120x64xi32, #tpu.memory_space<hbm>> -> memref<40x64xi32, #tpu.memory_space<hbm>>
      tpu.wait_dma2 semaphore(%run_scoped3A : memref<!tpu.dma_semaphore, #tpu.memory_space<semaphore_mem>>) src(%dma_wait3A_286 : memref<40x64xi32, #tpu.memory_space<hbm>>) dst(%arg7 : memref<40x64xi32, #tpu.memory_space<vmem>>)
      tpu.yield
    }) : () -> ()
    "tpu.region"() ({
      %run_scoped3A = tpu.sem_alloc : memref<!tpu.dma_semaphore, #tpu.memory_space<semaphore_mem>>
      %dma_start3A_279 = arith.constant 0 : i32
      %dma_start3A_280 = tpu.memref_slice %arg4[%add3A_218, %dma_start3A_279] : memref<5120x64xi32, #tpu.memory_space<hbm>> -> memref<40x64xi32, #tpu.memory_space<hbm>>
      %dma_start3A_281 = arith.constant 0 : i32
      %dma_start3A_282 = tpu.memref_slice %arg4[%add3A_218, %dma_start3A_281] : memref<5120x64xi32, #tpu.memory_space<hbm>> -> memref<40x64xi32, #tpu.memory_space<hbm>>
      tpu.enqueue_dma source(%dma_start3A_282 : memref<40x64xi32, #tpu.memory_space<hbm>>) target(%arg8 : memref<40x64xi32, #tpu.memory_space<vmem>>) target_semaphore(%run_scoped3A : memref<!tpu.dma_semaphore, #tpu.memory_space<semaphore_mem>>)
      %dma_wait3A_283 = arith.constant 0 : i32
      %dma_wait3A_284 = tpu.memref_slice %arg4[%add3A_218, %dma_wait3A_283] : memref<5120x64xi32, #tpu.memory_space<hbm>> -> memref<40x64xi32, #tpu.memory_space<hbm>>
      %dma_wait3A_285 = arith.constant 0 : i32
      %dma_wait3A_286 = tpu.memref_slice %arg4[%add3A_218, %dma_wait3A_285] : memref<5120x64xi32, #tpu.memory_space<hbm>> -> memref<40x64xi32, #tpu.memory_space<hbm>>
      tpu.wait_dma2 semaphore(%run_scoped3A : memref<!tpu.dma_semaphore, #tpu.memory_space<semaphore_mem>>) src(%dma_wait3A_286 : memref<40x64xi32, #tpu.memory_space<hbm>>) dst(%arg8 : memref<40x64xi32, #tpu.memory_space<vmem>>)
      tpu.yield
    }) : () -> ()
    %dma_start3A_219 = arith.constant 0 : i32
    %dma_start3A_220 = arith.constant 0 : i32
    %dma_start3A_221 = tpu.memref_slice %arg7[%dma_start3A_219, %dma_start3A_220] : memref<40x64xi32, #tpu.memory_space<vmem>> -> memref<1x64xi32, #tpu.memory_space<vmem>>
    %dma_start3A_222 = tpu.memref_squeeze %dma_start3A_221 : memref<1x64xi32, #tpu.memory_space<vmem>> -> memref<64xi32, #tpu.memory_space<vmem>>
    %dma_start3A_223 = arith.constant 0 : i32
    %dma_start3A_224 = arith.constant 0 : i32
    %dma_start3A_225 = tpu.memref_slice %arg2[%dma_start3A_223, %dma_start3A_224] : memref<10240x128xf32, #tpu.memory_space<hbm>> -> memref<10240x128xf32, #tpu.memory_space<hbm>>
    tpu.enqueue_indirect_dma source(%dma_start3A_225 : memref<10240x128xf32, #tpu.memory_space<hbm>>) target(%arg9 : memref<64x128xf32, #tpu.memory_space<vmem>>) offsets(%dma_start3A_222 : memref<64xi32, #tpu.memory_space<vmem>>) semaphore(%arg14 : memref<!tpu.dma_semaphore, #tpu.memory_space<semaphore_mem>>)
    %dma_start3A_226 = arith.constant 1 : i32
    %dma_start3A_227 = arith.constant 0 : i32
    %dma_start3A_228 = tpu.memref_slice %arg7[%dma_start3A_226, %dma_start3A_227] : memref<40x64xi32, #tpu.memory_space<vmem>> -> memref<1x64xi32, #tpu.memory_space<vmem>>
    %dma_start3A_229 = tpu.memref_squeeze %dma_start3A_228 : memref<1x64xi32, #tpu.memory_space<vmem>> -> memref<64xi32, #tpu.memory_space<vmem>>
    %dma_start3A_230 = arith.constant 0 : i32
    %dma_start3A_231 = arith.constant 0 : i32
    %dma_start3A_232 = tpu.memref_slice %arg2[%dma_start3A_230, %dma_start3A_231] : memref<10240x128xf32, #tpu.memory_space<hbm>> -> memref<10240x128xf32, #tpu.memory_space<hbm>>
    tpu.enqueue_indirect_dma source(%dma_start3A_232 : memref<10240x128xf32, #tpu.memory_space<hbm>>) target(%arg10 : memref<64x128xf32, #tpu.memory_space<vmem>>) offsets(%dma_start3A_229 : memref<64xi32, #tpu.memory_space<vmem>>) semaphore(%arg15 : memref<!tpu.dma_semaphore, #tpu.memory_space<semaphore_mem>>)
    %dma_start3A_233 = arith.constant 2 : i32
    %dma_start3A_234 = arith.constant 0 : i32
    %dma_start3A_235 = tpu.memref_slice %arg7[%dma_start3A_233, %dma_start3A_234] : memref<40x64xi32, #tpu.memory_space<vmem>> -> memref<1x64xi32, #tpu.memory_space<vmem>>
    %dma_start3A_236 = tpu.memref_squeeze %dma_start3A_235 : memref<1x64xi32, #tpu.memory_space<vmem>> -> memref<64xi32, #tpu.memory_space<vmem>>
    %dma_start3A_237 = arith.constant 0 : i32
    %dma_start3A_238 = arith.constant 0 : i32
    %dma_start3A_239 = tpu.memref_slice %arg2[%dma_start3A_237, %dma_start3A_238] : memref<10240x128xf32, #tpu.memory_space<hbm>> -> memref<10240x128xf32, #tpu.memory_space<hbm>>
    tpu.enqueue_indirect_dma source(%dma_start3A_239 : memref<10240x128xf32, #tpu.memory_space<hbm>>) target(%arg11 : memref<64x128xf32, #tpu.memory_space<vmem>>) offsets(%dma_start3A_236 : memref<64xi32, #tpu.memory_space<vmem>>) semaphore(%arg16 : memref<!tpu.dma_semaphore, #tpu.memory_space<semaphore_mem>>)
    %scan3A_240 = arith.constant 0 : i32
    %scan3A_241 = arith.constant 0 : i32
    %scan3A_242 = arith.constant 10 : i32
    %scan3A_243 = arith.addi %scan3A_241, %scan3A_242 : i32
    %scan3A_244 = arith.constant 1 : i32
    scf.for %scan3A_279 = %scan3A_241 to %scan3A_243 step %scan3A_244  : i32 {
      %mul3A_280 = arith.constant 4 : i32
      %mul3A_281 = arith.muli %mul3A_280, %scan3A_279 : i32
      %add3A_282 = arith.constant 0 : i32
      %add3A_283 = arith.addi %mul3A_281, %add3A_282 : i32
      %dma_wait3A_284 = arith.constant 0 : i32
      %dma_wait3A_285 = arith.constant 0 : i32
      %dma_wait3A_286 = tpu.memref_slice %arg7[%dma_wait3A_284, %dma_wait3A_285] : memref<40x64xi32, #tpu.memory_space<vmem>> -> memref<1x64xi32, #tpu.memory_space<vmem>>
      %dma_wait3A_287 = tpu.memref_squeeze %dma_wait3A_286 : memref<1x64xi32, #tpu.memory_space<vmem>> -> memref<64xi32, #tpu.memory_space<vmem>>
      %dma_wait3A_288 = arith.constant 0 : i32
      %dma_wait3A_289 = arith.constant 0 : i32
      %dma_wait3A_290 = tpu.memref_slice %arg2[%dma_wait3A_288, %dma_wait3A_289] : memref<10240x128xf32, #tpu.memory_space<hbm>> -> memref<10240x128xf32, #tpu.memory_space<hbm>>
      tpu.wait_indirect_dma semaphore(%arg14 : memref<!tpu.dma_semaphore, #tpu.memory_space<semaphore_mem>>) src(%dma_wait3A_290 : memref<10240x128xf32, #tpu.memory_space<hbm>>) dst(%arg9 : memref<64x128xf32, #tpu.memory_space<vmem>>)
      %dma_start3A_291 = arith.constant 0 : i32
      %dma_start3A_292 = tpu.memref_slice %arg8[%add3A_283, %dma_start3A_291] : memref<40x64xi32, #tpu.memory_space<vmem>> -> memref<1x64xi32, #tpu.memory_space<vmem>>
      %dma_start3A_293 = tpu.memref_squeeze %dma_start3A_292 : memref<1x64xi32, #tpu.memory_space<vmem>> -> memref<64xi32, #tpu.memory_space<vmem>>
      %dma_start3A_294 = arith.constant 0 : i32
      %dma_start3A_295 = arith.constant 0 : i32
      %dma_start3A_296 = tpu.memref_slice %arg13[%dma_start3A_294, %dma_start3A_295] : memref<10240x128xf32, #tpu.memory_space<vmem_shared>> -> memref<10240x128xf32, #tpu.memory_space<vmem_shared>>
      tpu.enqueue_indirect_dma source(%arg9 : memref<64x128xf32, #tpu.memory_space<vmem>>) target(%dma_start3A_296 : memref<10240x128xf32, #tpu.memory_space<vmem_shared>>) offsets(%dma_start3A_293 : memref<64xi32, #tpu.memory_space<vmem>>) semaphore(%arg18 : memref<!tpu.dma_semaphore, #tpu.memory_space<semaphore_mem>>) {add = true}
      %add3A_297 = arith.constant 3 : i32
      %add3A_298 = arith.addi %add3A_283, %add3A_297 : i32
      %lt3A = arith.constant 40 : i32
      %lt3A_299 = arith.cmpi slt, %add3A_298, %lt3A : i32
      %convert_element_type3A = arith.extui %lt3A_299 : i1 to i32
      %cond3A = arith.constant 0 : i32
      %cond3A_300 = arith.cmpi ne, %convert_element_type3A, %cond3A : i32
      scf.if %cond3A_300 {
        %ge3A = arith.constant 1 : i32
        %ge3A_367 = arith.cmpi sge, %add3A_283, %ge3A : i32
        %convert_element_type3A_368 = arith.extui %ge3A_367 : i1 to i32
        %cond3A_369 = arith.constant 0 : i32
        %cond3A_370 = arith.cmpi ne, %convert_element_type3A_368, %cond3A_369 : i32
        scf.if %cond3A_370 {
          %dma_wait3A_379 = arith.constant 0 : i32
          %dma_wait3A_380 = arith.constant 0 : i32
          %dma_wait3A_381 = tpu.memref_slice %arg8[%dma_wait3A_379, %dma_wait3A_380] : memref<40x64xi32, #tpu.memory_space<vmem>> -> memref<1x64xi32, #tpu.memory_space<vmem>>
          %dma_wait3A_382 = tpu.memref_squeeze %dma_wait3A_381 : memref<1x64xi32, #tpu.memory_space<vmem>> -> memref<64xi32, #tpu.memory_space<vmem>>
          %dma_wait3A_383 = arith.constant 0 : i32
          %dma_wait3A_384 = arith.constant 0 : i32
          %dma_wait3A_385 = tpu.memref_slice %arg13[%dma_wait3A_383, %dma_wait3A_384] : memref<10240x128xf32, #tpu.memory_space<vmem_shared>> -> memref<10240x128xf32, #tpu.memory_space<vmem_shared>>
          tpu.wait_indirect_dma semaphore(%arg21 : memref<!tpu.dma_semaphore, #tpu.memory_space<semaphore_mem>>) src(%arg12 : memref<64x128xf32, #tpu.memory_space<vmem>>) dst(%dma_wait3A_385 : memref<10240x128xf32, #tpu.memory_space<vmem_shared>>)
        } else {
        }
        %add3A_371 = arith.constant 3 : i32
        %add3A_372 = arith.addi %add3A_283, %add3A_371 : i32
        %dma_start3A_373 = arith.constant 0 : i32
        %dma_start3A_374 = tpu.memref_slice %arg7[%add3A_372, %dma_start3A_373] : memref<40x64xi32, #tpu.memory_space<vmem>> -> memref<1x64xi32, #tpu.memory_space<vmem>>
        %dma_start3A_375 = tpu.memref_squeeze %dma_start3A_374 : memref<1x64xi32, #tpu.memory_space<vmem>> -> memref<64xi32, #tpu.memory_space<vmem>>
        %dma_start3A_376 = arith.constant 0 : i32
        %dma_start3A_377 = arith.constant 0 : i32
        %dma_start3A_378 = tpu.memref_slice %arg2[%dma_start3A_376, %dma_start3A_377] : memref<10240x128xf32, #tpu.memory_space<hbm>> -> memref<10240x128xf32, #tpu.memory_space<hbm>>
        tpu.enqueue_indirect_dma source(%dma_start3A_378 : memref<10240x128xf32, #tpu.memory_space<hbm>>) target(%arg12 : memref<64x128xf32, #tpu.memory_space<vmem>>) offsets(%dma_start3A_375 : memref<64xi32, #tpu.memory_space<vmem>>) semaphore(%arg17 : memref<!tpu.dma_semaphore, #tpu.memory_space<semaphore_mem>>)
      } else {
      }
      %add3A_301 = arith.constant 1 : i32
      %add3A_302 = arith.addi %mul3A_281, %add3A_301 : i32
      %dma_wait3A_303 = arith.constant 0 : i32
      %dma_wait3A_304 = arith.constant 0 : i32
      %dma_wait3A_305 = tpu.memref_slice %arg7[%dma_wait3A_303, %dma_wait3A_304] : memref<40x64xi32, #tpu.memory_space<vmem>> -> memref<1x64xi32, #tpu.memory_space<vmem>>
      %dma_wait3A_306 = tpu.memref_squeeze %dma_wait3A_305 : memref<1x64xi32, #tpu.memory_space<vmem>> -> memref<64xi32, #tpu.memory_space<vmem>>
      %dma_wait3A_307 = arith.constant 0 : i32
      %dma_wait3A_308 = arith.constant 0 : i32
      %dma_wait3A_309 = tpu.memref_slice %arg2[%dma_wait3A_307, %dma_wait3A_308] : memref<10240x128xf32, #tpu.memory_space<hbm>> -> memref<10240x128xf32, #tpu.memory_space<hbm>>
      tpu.wait_indirect_dma semaphore(%arg15 : memref<!tpu.dma_semaphore, #tpu.memory_space<semaphore_mem>>) src(%dma_wait3A_309 : memref<10240x128xf32, #tpu.memory_space<hbm>>) dst(%arg10 : memref<64x128xf32, #tpu.memory_space<vmem>>)
      %dma_start3A_310 = arith.constant 0 : i32
      %dma_start3A_311 = tpu.memref_slice %arg8[%add3A_302, %dma_start3A_310] : memref<40x64xi32, #tpu.memory_space<vmem>> -> memref<1x64xi32, #tpu.memory_space<vmem>>
      %dma_start3A_312 = tpu.memref_squeeze %dma_start3A_311 : memref<1x64xi32, #tpu.memory_space<vmem>> -> memref<64xi32, #tpu.memory_space<vmem>>
      %dma_start3A_313 = arith.constant 0 : i32
      %dma_start3A_314 = arith.constant 0 : i32
      %dma_start3A_315 = tpu.memref_slice %arg13[%dma_start3A_313, %dma_start3A_314] : memref<10240x128xf32, #tpu.memory_space<vmem_shared>> -> memref<10240x128xf32, #tpu.memory_space<vmem_shared>>
      tpu.enqueue_indirect_dma source(%arg10 : memref<64x128xf32, #tpu.memory_space<vmem>>) target(%dma_start3A_315 : memref<10240x128xf32, #tpu.memory_space<vmem_shared>>) offsets(%dma_start3A_312 : memref<64xi32, #tpu.memory_space<vmem>>) semaphore(%arg19 : memref<!tpu.dma_semaphore, #tpu.memory_space<semaphore_mem>>) {add = true}
      %add3A_316 = arith.constant 3 : i32
      %add3A_317 = arith.addi %add3A_302, %add3A_316 : i32
      %lt3A_318 = arith.constant 40 : i32
      %lt3A_319 = arith.cmpi slt, %add3A_317, %lt3A_318 : i32
      %convert_element_type3A_320 = arith.extui %lt3A_319 : i1 to i32
      %cond3A_321 = arith.constant 0 : i32
      %cond3A_322 = arith.cmpi ne, %convert_element_type3A_320, %cond3A_321 : i32
      scf.if %cond3A_322 {
        %ge3A = arith.constant 1 : i32
        %ge3A_367 = arith.cmpi sge, %add3A_302, %ge3A : i32
        %convert_element_type3A_368 = arith.extui %ge3A_367 : i1 to i32
        %cond3A_369 = arith.constant 0 : i32
        %cond3A_370 = arith.cmpi ne, %convert_element_type3A_368, %cond3A_369 : i32
        scf.if %cond3A_370 {
          %dma_wait3A_379 = arith.constant 0 : i32
          %dma_wait3A_380 = arith.constant 0 : i32
          %dma_wait3A_381 = tpu.memref_slice %arg8[%dma_wait3A_379, %dma_wait3A_380] : memref<40x64xi32, #tpu.memory_space<vmem>> -> memref<1x64xi32, #tpu.memory_space<vmem>>
          %dma_wait3A_382 = tpu.memref_squeeze %dma_wait3A_381 : memref<1x64xi32, #tpu.memory_space<vmem>> -> memref<64xi32, #tpu.memory_space<vmem>>
          %dma_wait3A_383 = arith.constant 0 : i32
          %dma_wait3A_384 = arith.constant 0 : i32
          %dma_wait3A_385 = tpu.memref_slice %arg13[%dma_wait3A_383, %dma_wait3A_384] : memref<10240x128xf32, #tpu.memory_space<vmem_shared>> -> memref<10240x128xf32, #tpu.memory_space<vmem_shared>>
          tpu.wait_indirect_dma semaphore(%arg18 : memref<!tpu.dma_semaphore, #tpu.memory_space<semaphore_mem>>) src(%arg9 : memref<64x128xf32, #tpu.memory_space<vmem>>) dst(%dma_wait3A_385 : memref<10240x128xf32, #tpu.memory_space<vmem_shared>>)
        } else {
        }
        %add3A_371 = arith.constant 3 : i32
        %add3A_372 = arith.addi %add3A_302, %add3A_371 : i32
        %dma_start3A_373 = arith.constant 0 : i32
        %dma_start3A_374 = tpu.memref_slice %arg7[%add3A_372, %dma_start3A_373] : memref<40x64xi32, #tpu.memory_space<vmem>> -> memref<1x64xi32, #tpu.memory_space<vmem>>
        %dma_start3A_375 = tpu.memref_squeeze %dma_start3A_374 : memref<1x64xi32, #tpu.memory_space<vmem>> -> memref<64xi32, #tpu.memory_space<vmem>>
        %dma_start3A_376 = arith.constant 0 : i32
        %dma_start3A_377 = arith.constant 0 : i32
        %dma_start3A_378 = tpu.memref_slice %arg2[%dma_start3A_376, %dma_start3A_377] : memref<10240x128xf32, #tpu.memory_space<hbm>> -> memref<10240x128xf32, #tpu.memory_space<hbm>>
        tpu.enqueue_indirect_dma source(%dma_start3A_378 : memref<10240x128xf32, #tpu.memory_space<hbm>>) target(%arg9 : memref<64x128xf32, #tpu.memory_space<vmem>>) offsets(%dma_start3A_375 : memref<64xi32, #tpu.memory_space<vmem>>) semaphore(%arg14 : memref<!tpu.dma_semaphore, #tpu.memory_space<semaphore_mem>>)
      } else {
      }
      %add3A_323 = arith.constant 2 : i32
      %add3A_324 = arith.addi %mul3A_281, %add3A_323 : i32
      %dma_wait3A_325 = arith.constant 0 : i32
      %dma_wait3A_326 = arith.constant 0 : i32
      %dma_wait3A_327 = tpu.memref_slice %arg7[%dma_wait3A_325, %dma_wait3A_326] : memref<40x64xi32, #tpu.memory_space<vmem>> -> memref<1x64xi32, #tpu.memory_space<vmem>>
      %dma_wait3A_328 = tpu.memref_squeeze %dma_wait3A_327 : memref<1x64xi32, #tpu.memory_space<vmem>> -> memref<64xi32, #tpu.memory_space<vmem>>
      %dma_wait3A_329 = arith.constant 0 : i32
      %dma_wait3A_330 = arith.constant 0 : i32
      %dma_wait3A_331 = tpu.memref_slice %arg2[%dma_wait3A_329, %dma_wait3A_330] : memref<10240x128xf32, #tpu.memory_space<hbm>> -> memref<10240x128xf32, #tpu.memory_space<hbm>>
      tpu.wait_indirect_dma semaphore(%arg16 : memref<!tpu.dma_semaphore, #tpu.memory_space<semaphore_mem>>) src(%dma_wait3A_331 : memref<10240x128xf32, #tpu.memory_space<hbm>>) dst(%arg11 : memref<64x128xf32, #tpu.memory_space<vmem>>)
      %dma_start3A_332 = arith.constant 0 : i32
      %dma_start3A_333 = tpu.memref_slice %arg8[%add3A_324, %dma_start3A_332] : memref<40x64xi32, #tpu.memory_space<vmem>> -> memref<1x64xi32, #tpu.memory_space<vmem>>
      %dma_start3A_334 = tpu.memref_squeeze %dma_start3A_333 : memref<1x64xi32, #tpu.memory_space<vmem>> -> memref<64xi32, #tpu.memory_space<vmem>>
      %dma_start3A_335 = arith.constant 0 : i32
      %dma_start3A_336 = arith.constant 0 : i32
      %dma_start3A_337 = tpu.memref_slice %arg13[%dma_start3A_335, %dma_start3A_336] : memref<10240x128xf32, #tpu.memory_space<vmem_shared>> -> memref<10240x128xf32, #tpu.memory_space<vmem_shared>>
      tpu.enqueue_indirect_dma source(%arg11 : memref<64x128xf32, #tpu.memory_space<vmem>>) target(%dma_start3A_337 : memref<10240x128xf32, #tpu.memory_space<vmem_shared>>) offsets(%dma_start3A_334 : memref<64xi32, #tpu.memory_space<vmem>>) semaphore(%arg20 : memref<!tpu.dma_semaphore, #tpu.memory_space<semaphore_mem>>) {add = true}
      %add3A_338 = arith.constant 3 : i32
      %add3A_339 = arith.addi %add3A_324, %add3A_338 : i32
      %lt3A_340 = arith.constant 40 : i32
      %lt3A_341 = arith.cmpi slt, %add3A_339, %lt3A_340 : i32
      %convert_element_type3A_342 = arith.extui %lt3A_341 : i1 to i32
      %cond3A_343 = arith.constant 0 : i32
      %cond3A_344 = arith.cmpi ne, %convert_element_type3A_342, %cond3A_343 : i32
      scf.if %cond3A_344 {
        %ge3A = arith.constant 1 : i32
        %ge3A_367 = arith.cmpi sge, %add3A_324, %ge3A : i32
        %convert_element_type3A_368 = arith.extui %ge3A_367 : i1 to i32
        %cond3A_369 = arith.constant 0 : i32
        %cond3A_370 = arith.cmpi ne, %convert_element_type3A_368, %cond3A_369 : i32
        scf.if %cond3A_370 {
          %dma_wait3A_379 = arith.constant 0 : i32
          %dma_wait3A_380 = arith.constant 0 : i32
          %dma_wait3A_381 = tpu.memref_slice %arg8[%dma_wait3A_379, %dma_wait3A_380] : memref<40x64xi32, #tpu.memory_space<vmem>> -> memref<1x64xi32, #tpu.memory_space<vmem>>
          %dma_wait3A_382 = tpu.memref_squeeze %dma_wait3A_381 : memref<1x64xi32, #tpu.memory_space<vmem>> -> memref<64xi32, #tpu.memory_space<vmem>>
          %dma_wait3A_383 = arith.constant 0 : i32
          %dma_wait3A_384 = arith.constant 0 : i32
          %dma_wait3A_385 = tpu.memref_slice %arg13[%dma_wait3A_383, %dma_wait3A_384] : memref<10240x128xf32, #tpu.memory_space<vmem_shared>> -> memref<10240x128xf32, #tpu.memory_space<vmem_shared>>
          tpu.wait_indirect_dma semaphore(%arg19 : memref<!tpu.dma_semaphore, #tpu.memory_space<semaphore_mem>>) src(%arg10 : memref<64x128xf32, #tpu.memory_space<vmem>>) dst(%dma_wait3A_385 : memref<10240x128xf32, #tpu.memory_space<vmem_shared>>)
        } else {
        }
        %add3A_371 = arith.constant 3 : i32
        %add3A_372 = arith.addi %add3A_324, %add3A_371 : i32
        %dma_start3A_373 = arith.constant 0 : i32
        %dma_start3A_374 = tpu.memref_slice %arg7[%add3A_372, %dma_start3A_373] : memref<40x64xi32, #tpu.memory_space<vmem>> -> memref<1x64xi32, #tpu.memory_space<vmem>>
        %dma_start3A_375 = tpu.memref_squeeze %dma_start3A_374 : memref<1x64xi32, #tpu.memory_space<vmem>> -> memref<64xi32, #tpu.memory_space<vmem>>
        %dma_start3A_376 = arith.constant 0 : i32
        %dma_start3A_377 = arith.constant 0 : i32
        %dma_start3A_378 = tpu.memref_slice %arg2[%dma_start3A_376, %dma_start3A_377] : memref<10240x128xf32, #tpu.memory_space<hbm>> -> memref<10240x128xf32, #tpu.memory_space<hbm>>
        tpu.enqueue_indirect_dma source(%dma_start3A_378 : memref<10240x128xf32, #tpu.memory_space<hbm>>) target(%arg10 : memref<64x128xf32, #tpu.memory_space<vmem>>) offsets(%dma_start3A_375 : memref<64xi32, #tpu.memory_space<vmem>>) semaphore(%arg15 : memref<!tpu.dma_semaphore, #tpu.memory_space<semaphore_mem>>)
      } else {
      }
      %add3A_345 = arith.constant 3 : i32
      %add3A_346 = arith.addi %mul3A_281, %add3A_345 : i32
      %dma_wait3A_347 = arith.constant 0 : i32
      %dma_wait3A_348 = arith.constant 0 : i32
      %dma_wait3A_349 = tpu.memref_slice %arg7[%dma_wait3A_347, %dma_wait3A_348] : memref<40x64xi32, #tpu.memory_space<vmem>> -> memref<1x64xi32, #tpu.memory_space<vmem>>
      %dma_wait3A_350 = tpu.memref_squeeze %dma_wait3A_349 : memref<1x64xi32, #tpu.memory_space<vmem>> -> memref<64xi32, #tpu.memory_space<vmem>>
      %dma_wait3A_351 = arith.constant 0 : i32
      %dma_wait3A_352 = arith.constant 0 : i32
      %dma_wait3A_353 = tpu.memref_slice %arg2[%dma_wait3A_351, %dma_wait3A_352] : memref<10240x128xf32, #tpu.memory_space<hbm>> -> memref<10240x128xf32, #tpu.memory_space<hbm>>
      tpu.wait_indirect_dma semaphore(%arg17 : memref<!tpu.dma_semaphore, #tpu.memory_space<semaphore_mem>>) src(%dma_wait3A_353 : memref<10240x128xf32, #tpu.memory_space<hbm>>) dst(%arg12 : memref<64x128xf32, #tpu.memory_space<vmem>>)
      %dma_start3A_354 = arith.constant 0 : i32
      %dma_start3A_355 = tpu.memref_slice %arg8[%add3A_346, %dma_start3A_354] : memref<40x64xi32, #tpu.memory_space<vmem>> -> memref<1x64xi32, #tpu.memory_space<vmem>>
      %dma_start3A_356 = tpu.memref_squeeze %dma_start3A_355 : memref<1x64xi32, #tpu.memory_space<vmem>> -> memref<64xi32, #tpu.memory_space<vmem>>
      %dma_start3A_357 = arith.constant 0 : i32
      %dma_start3A_358 = arith.constant 0 : i32
      %dma_start3A_359 = tpu.memref_slice %arg13[%dma_start3A_357, %dma_start3A_358] : memref<10240x128xf32, #tpu.memory_space<vmem_shared>> -> memref<10240x128xf32, #tpu.memory_space<vmem_shared>>
      tpu.enqueue_indirect_dma source(%arg12 : memref<64x128xf32, #tpu.memory_space<vmem>>) target(%dma_start3A_359 : memref<10240x128xf32, #tpu.memory_space<vmem_shared>>) offsets(%dma_start3A_356 : memref<64xi32, #tpu.memory_space<vmem>>) semaphore(%arg21 : memref<!tpu.dma_semaphore, #tpu.memory_space<semaphore_mem>>) {add = true}
      %add3A_360 = arith.constant 3 : i32
      %add3A_361 = arith.addi %add3A_346, %add3A_360 : i32
      %lt3A_362 = arith.constant 40 : i32
      %lt3A_363 = arith.cmpi slt, %add3A_361, %lt3A_362 : i32
      %convert_element_type3A_364 = arith.extui %lt3A_363 : i1 to i32
      %cond3A_365 = arith.constant 0 : i32
      %cond3A_366 = arith.cmpi ne, %convert_element_type3A_364, %cond3A_365 : i32
      scf.if %cond3A_366 {
        %ge3A = arith.constant 1 : i32
        %ge3A_367 = arith.cmpi sge, %add3A_346, %ge3A : i32
        %convert_element_type3A_368 = arith.extui %ge3A_367 : i1 to i32
        %cond3A_369 = arith.constant 0 : i32
        %cond3A_370 = arith.cmpi ne, %convert_element_type3A_368, %cond3A_369 : i32
        scf.if %cond3A_370 {
          %dma_wait3A_379 = arith.constant 0 : i32
          %dma_wait3A_380 = arith.constant 0 : i32
          %dma_wait3A_381 = tpu.memref_slice %arg8[%dma_wait3A_379, %dma_wait3A_380] : memref<40x64xi32, #tpu.memory_space<vmem>> -> memref<1x64xi32, #tpu.memory_space<vmem>>
          %dma_wait3A_382 = tpu.memref_squeeze %dma_wait3A_381 : memref<1x64xi32, #tpu.memory_space<vmem>> -> memref<64xi32, #tpu.memory_space<vmem>>
          %dma_wait3A_383 = arith.constant 0 : i32
          %dma_wait3A_384 = arith.constant 0 : i32
          %dma_wait3A_385 = tpu.memref_slice %arg13[%dma_wait3A_383, %dma_wait3A_384] : memref<10240x128xf32, #tpu.memory_space<vmem_shared>> -> memref<10240x128xf32, #tpu.memory_space<vmem_shared>>
          tpu.wait_indirect_dma semaphore(%arg20 : memref<!tpu.dma_semaphore, #tpu.memory_space<semaphore_mem>>) src(%arg11 : memref<64x128xf32, #tpu.memory_space<vmem>>) dst(%dma_wait3A_385 : memref<10240x128xf32, #tpu.memory_space<vmem_shared>>)
        } else {
        }
        %add3A_371 = arith.constant 3 : i32
        %add3A_372 = arith.addi %add3A_346, %add3A_371 : i32
        %dma_start3A_373 = arith.constant 0 : i32
        %dma_start3A_374 = tpu.memref_slice %arg7[%add3A_372, %dma_start3A_373] : memref<40x64xi32, #tpu.memory_space<vmem>> -> memref<1x64xi32, #tpu.memory_space<vmem>>
        %dma_start3A_375 = tpu.memref_squeeze %dma_start3A_374 : memref<1x64xi32, #tpu.memory_space<vmem>> -> memref<64xi32, #tpu.memory_space<vmem>>
        %dma_start3A_376 = arith.constant 0 : i32
        %dma_start3A_377 = arith.constant 0 : i32
        %dma_start3A_378 = tpu.memref_slice %arg2[%dma_start3A_376, %dma_start3A_377] : memref<10240x128xf32, #tpu.memory_space<hbm>> -> memref<10240x128xf32, #tpu.memory_space<hbm>>
        tpu.enqueue_indirect_dma source(%dma_start3A_378 : memref<10240x128xf32, #tpu.memory_space<hbm>>) target(%arg11 : memref<64x128xf32, #tpu.memory_space<vmem>>) offsets(%dma_start3A_375 : memref<64xi32, #tpu.memory_space<vmem>>) semaphore(%arg16 : memref<!tpu.dma_semaphore, #tpu.memory_space<semaphore_mem>>)
      } else {
      }
    }
    %scan3A_245 = arith.constant 10 : i32
    %dma_wait3A_246 = arith.constant 0 : i32
    %dma_wait3A_247 = arith.constant 0 : i32
    %dma_wait3A_248 = tpu.memref_slice %arg8[%dma_wait3A_246, %dma_wait3A_247] : memref<40x64xi32, #tpu.memory_space<vmem>> -> memref<1x64xi32, #tpu.memory_space<vmem>>
    %dma_wait3A_249 = tpu.memref_squeeze %dma_wait3A_248 : memref<1x64xi32, #tpu.memory_space<vmem>> -> memref<64xi32, #tpu.memory_space<vmem>>
    %dma_wait3A_250 = arith.constant 0 : i32
    %dma_wait3A_251 = arith.constant 0 : i32
    %dma_wait3A_252 = tpu.memref_slice %arg13[%dma_wait3A_250, %dma_wait3A_251] : memref<10240x128xf32, #tpu.memory_space<vmem_shared>> -> memref<10240x128xf32, #tpu.memory_space<vmem_shared>>
    tpu.wait_indirect_dma semaphore(%arg18 : memref<!tpu.dma_semaphore, #tpu.memory_space<semaphore_mem>>) src(%arg9 : memref<64x128xf32, #tpu.memory_space<vmem>>) dst(%dma_wait3A_252 : memref<10240x128xf32, #tpu.memory_space<vmem_shared>>)
    %dma_wait3A_253 = arith.constant 0 : i32
    %dma_wait3A_254 = arith.constant 0 : i32
    %dma_wait3A_255 = tpu.memref_slice %arg8[%dma_wait3A_253, %dma_wait3A_254] : memref<40x64xi32, #tpu.memory_space<vmem>> -> memref<1x64xi32, #tpu.memory_space<vmem>>
    %dma_wait3A_256 = tpu.memref_squeeze %dma_wait3A_255 : memref<1x64xi32, #tpu.memory_space<vmem>> -> memref<64xi32, #tpu.memory_space<vmem>>
    %dma_wait3A_257 = arith.constant 0 : i32
    %dma_wait3A_258 = arith.constant 0 : i32
    %dma_wait3A_259 = tpu.memref_slice %arg13[%dma_wait3A_257, %dma_wait3A_258] : memref<10240x128xf32, #tpu.memory_space<vmem_shared>> -> memref<10240x128xf32, #tpu.memory_space<vmem_shared>>
    tpu.wait_indirect_dma semaphore(%arg19 : memref<!tpu.dma_semaphore, #tpu.memory_space<semaphore_mem>>) src(%arg10 : memref<64x128xf32, #tpu.memory_space<vmem>>) dst(%dma_wait3A_259 : memref<10240x128xf32, #tpu.memory_space<vmem_shared>>)
    %dma_wait3A_260 = arith.constant 0 : i32
    %dma_wait3A_261 = arith.constant 0 : i32
    %dma_wait3A_262 = tpu.memref_slice %arg8[%dma_wait3A_260, %dma_wait3A_261] : memref<40x64xi32, #tpu.memory_space<vmem>> -> memref<1x64xi32, #tpu.memory_space<vmem>>
    %dma_wait3A_263 = tpu.memref_squeeze %dma_wait3A_262 : memref<1x64xi32, #tpu.memory_space<vmem>> -> memref<64xi32, #tpu.memory_space<vmem>>
    %dma_wait3A_264 = arith.constant 0 : i32
    %dma_wait3A_265 = arith.constant 0 : i32
    %dma_wait3A_266 = tpu.memref_slice %arg13[%dma_wait3A_264, %dma_wait3A_265] : memref<10240x128xf32, #tpu.memory_space<vmem_shared>> -> memref<10240x128xf32, #tpu.memory_space<vmem_shared>>
    tpu.wait_indirect_dma semaphore(%arg20 : memref<!tpu.dma_semaphore, #tpu.memory_space<semaphore_mem>>) src(%arg11 : memref<64x128xf32, #tpu.memory_space<vmem>>) dst(%dma_wait3A_266 : memref<10240x128xf32, #tpu.memory_space<vmem_shared>>)
    %dma_wait3A_267 = arith.constant 0 : i32
    %dma_wait3A_268 = arith.constant 0 : i32
    %dma_wait3A_269 = tpu.memref_slice %arg8[%dma_wait3A_267, %dma_wait3A_268] : memref<40x64xi32, #tpu.memory_space<vmem>> -> memref<1x64xi32, #tpu.memory_space<vmem>>
    %dma_wait3A_270 = tpu.memref_squeeze %dma_wait3A_269 : memref<1x64xi32, #tpu.memory_space<vmem>> -> memref<64xi32, #tpu.memory_space<vmem>>
    %dma_wait3A_271 = arith.constant 0 : i32
    %dma_wait3A_272 = arith.constant 0 : i32
    %dma_wait3A_273 = tpu.memref_slice %arg13[%dma_wait3A_271, %dma_wait3A_272] : memref<10240x128xf32, #tpu.memory_space<vmem_shared>> -> memref<10240x128xf32, #tpu.memory_space<vmem_shared>>
    tpu.wait_indirect_dma semaphore(%arg21 : memref<!tpu.dma_semaphore, #tpu.memory_space<semaphore_mem>>) src(%arg12 : memref<64x128xf32, #tpu.memory_space<vmem>>) dst(%dma_wait3A_273 : memref<10240x128xf32, #tpu.memory_space<vmem_shared>>)
    %barrier3A_274 = arith.constant 0 : index
    tpu.barrier barrier_id(%barrier3A_274)
    %mul3A_275 = arith.constant 640 : i32
    %mul3A_276 = arith.muli %arg1, %mul3A_275 : i32
    %mul3A_277 = arith.constant 640 : i32
    %mul3A_278 = arith.muli %arg1, %mul3A_277 : i32
    "tpu.region"() ({
      %run_scoped3A = tpu.sem_alloc : memref<!tpu.dma_semaphore, #tpu.memory_space<semaphore_mem>>
      %dma_start3A_279 = arith.constant 0 : i32
      %dma_start3A_280 = tpu.memref_slice %arg6[%arg0, %mul3A_278, %dma_start3A_279] : memref<2x10240x128xf32, #tpu.memory_space<hbm>> -> memref<1x640x128xf32, #tpu.memory_space<hbm>>
      %dma_start3A_281 = tpu.memref_squeeze %dma_start3A_280 : memref<1x640x128xf32, #tpu.memory_space<hbm>> -> memref<640x128xf32, #tpu.memory_space<hbm>>
      %dma_start3A_282 = arith.constant 0 : i32
      %dma_start3A_283 = tpu.memref_slice %arg13[%mul3A_276, %dma_start3A_282] : memref<10240x128xf32, #tpu.memory_space<vmem_shared>> -> memref<640x128xf32, #tpu.memory_space<vmem_shared>>
      tpu.enqueue_dma source(%dma_start3A_283 : memref<640x128xf32, #tpu.memory_space<vmem_shared>>) target(%dma_start3A_281 : memref<640x128xf32, #tpu.memory_space<hbm>>) target_semaphore(%run_scoped3A : memref<!tpu.dma_semaphore, #tpu.memory_space<semaphore_mem>>)
      %dma_wait3A_284 = arith.constant 0 : i32
      %dma_wait3A_285 = tpu.memref_slice %arg6[%arg0, %mul3A_278, %dma_wait3A_284] : memref<2x10240x128xf32, #tpu.memory_space<hbm>> -> memref<1x640x128xf32, #tpu.memory_space<hbm>>
      %dma_wait3A_286 = tpu.memref_squeeze %dma_wait3A_285 : memref<1x640x128xf32, #tpu.memory_space<hbm>> -> memref<640x128xf32, #tpu.memory_space<hbm>>
      %dma_wait3A_287 = arith.constant 0 : i32
      %dma_wait3A_288 = tpu.memref_slice %arg13[%mul3A_276, %dma_wait3A_287] : memref<10240x128xf32, #tpu.memory_space<vmem_shared>> -> memref<640x128xf32, #tpu.memory_space<vmem_shared>>
      tpu.wait_dma2 semaphore(%run_scoped3A : memref<!tpu.dma_semaphore, #tpu.memory_space<semaphore_mem>>) src(%dma_wait3A_288 : memref<640x128xf32, #tpu.memory_space<vmem_shared>>) dst(%dma_wait3A_286 : memref<640x128xf32, #tpu.memory_space<hbm>>)
      tpu.yield
    }) : () -> ()
    return
  }
}

#map = affine_map<(d0, d1) -> (0, 0)>
#map1 = affine_map<(d0, d1) -> (0)>
module attributes {stable_mosaic.version = 14 : i64} {
  func.func @_deg_body(%arg0: i32, %arg1: i32, %arg2: memref<2560x128xi32, #tpu.memory_space<hbm>>, %arg3: memref<640xf32, #tpu.memory_space<hbm>>, %arg4: memref<128xf32, #tpu.memory_space<hbm>>, %arg5: memref<2x10240xf32, #tpu.memory_space<hbm>>, %arg6: memref<80x128xi32, #tpu.memory_space<vmem>>, %arg7: memref<640xf32, #tpu.memory_space<vmem>>, %arg8: memref<128xf32, #tpu.memory_space<vmem>>, %arg9: memref<10240xf32, #tpu.memory_space<vmem_shared>>) attributes {dimension_semantics = [#tpu.dimension_semantics<core_parallel>, #tpu.dimension_semantics<subcore_parallel>], iteration_bounds = array<i64: 2, 16>, scalar_prefetch = 0 : i64, scratch_operands = 4 : i64, tpu.core_type = #tpu.core_type<sc_vector_subcore>, window_params = [{transform_indices = #map}, {transform_indices = #map1}, {transform_indices = #map1}, {transform_indices = #map}]} {
    %mul3A = arith.constant 2 : i32
    %mul3A_0 = arith.muli %arg1, %mul3A : i32
    %add3A = arith.addi %mul3A_0, %arg0 : i32
    "tpu.region"() ({
      %run_scoped3A = tpu.sem_alloc : memref<!tpu.dma_semaphore, #tpu.memory_space<semaphore_mem>>
      tpu.enqueue_dma source(%arg3 : memref<640xf32, #tpu.memory_space<hbm>>) target(%arg7 : memref<640xf32, #tpu.memory_space<vmem>>) target_semaphore(%run_scoped3A : memref<!tpu.dma_semaphore, #tpu.memory_space<semaphore_mem>>)
      tpu.wait_dma2 semaphore(%run_scoped3A : memref<!tpu.dma_semaphore, #tpu.memory_space<semaphore_mem>>) src(%arg3 : memref<640xf32, #tpu.memory_space<hbm>>) dst(%arg7 : memref<640xf32, #tpu.memory_space<vmem>>)
      tpu.yield
    }) : () -> ()
    %mul3A_1 = arith.constant 640 : i32
    %mul3A_2 = arith.muli %arg1, %mul3A_1 : i32
    "tpu.region"() ({
      %run_scoped3A = tpu.sem_alloc : memref<!tpu.dma_semaphore, #tpu.memory_space<semaphore_mem>>
      %dma_start3A = tpu.memref_slice %arg9[%mul3A_2] : memref<10240xf32, #tpu.memory_space<vmem_shared>> -> memref<640xf32, #tpu.memory_space<vmem_shared>>
      %dma_start3A_15 = tpu.memref_slice %arg9[%mul3A_2] : memref<10240xf32, #tpu.memory_space<vmem_shared>> -> memref<640xf32, #tpu.memory_space<vmem_shared>>
      tpu.enqueue_dma source(%arg7 : memref<640xf32, #tpu.memory_space<vmem>>) target(%dma_start3A_15 : memref<640xf32, #tpu.memory_space<vmem_shared>>) target_semaphore(%run_scoped3A : memref<!tpu.dma_semaphore, #tpu.memory_space<semaphore_mem>>)
      %dma_wait3A = tpu.memref_slice %arg9[%mul3A_2] : memref<10240xf32, #tpu.memory_space<vmem_shared>> -> memref<640xf32, #tpu.memory_space<vmem_shared>>
      %dma_wait3A_16 = tpu.memref_slice %arg9[%mul3A_2] : memref<10240xf32, #tpu.memory_space<vmem_shared>> -> memref<640xf32, #tpu.memory_space<vmem_shared>>
      tpu.wait_dma2 semaphore(%run_scoped3A : memref<!tpu.dma_semaphore, #tpu.memory_space<semaphore_mem>>) src(%arg7 : memref<640xf32, #tpu.memory_space<vmem>>) dst(%dma_wait3A_16 : memref<640xf32, #tpu.memory_space<vmem_shared>>)
      tpu.yield
    }) : () -> ()
    "tpu.region"() ({
      %run_scoped3A = tpu.sem_alloc : memref<!tpu.dma_semaphore, #tpu.memory_space<semaphore_mem>>
      tpu.enqueue_dma source(%arg4 : memref<128xf32, #tpu.memory_space<hbm>>) target(%arg8 : memref<128xf32, #tpu.memory_space<vmem>>) target_semaphore(%run_scoped3A : memref<!tpu.dma_semaphore, #tpu.memory_space<semaphore_mem>>)
      tpu.wait_dma2 semaphore(%run_scoped3A : memref<!tpu.dma_semaphore, #tpu.memory_space<semaphore_mem>>) src(%arg4 : memref<128xf32, #tpu.memory_space<hbm>>) dst(%arg8 : memref<128xf32, #tpu.memory_space<vmem>>)
      tpu.yield
    }) : () -> ()
    %barrier3A = arith.constant 0 : index
    tpu.barrier barrier_id(%barrier3A)
    %mul3A_3 = arith.constant 80 : i32
    %mul3A_4 = arith.muli %add3A, %mul3A_3 : i32
    "tpu.region"() ({
      %run_scoped3A = tpu.sem_alloc : memref<!tpu.dma_semaphore, #tpu.memory_space<semaphore_mem>>
      %dma_start3A = arith.constant 0 : i32
      %dma_start3A_15 = tpu.memref_slice %arg2[%mul3A_4, %dma_start3A] : memref<2560x128xi32, #tpu.memory_space<hbm>> -> memref<80x128xi32, #tpu.memory_space<hbm>>
      %dma_start3A_16 = arith.constant 0 : i32
      %dma_start3A_17 = tpu.memref_slice %arg2[%mul3A_4, %dma_start3A_16] : memref<2560x128xi32, #tpu.memory_space<hbm>> -> memref<80x128xi32, #tpu.memory_space<hbm>>
      tpu.enqueue_dma source(%dma_start3A_17 : memref<80x128xi32, #tpu.memory_space<hbm>>) target(%arg6 : memref<80x128xi32, #tpu.memory_space<vmem>>) target_semaphore(%run_scoped3A : memref<!tpu.dma_semaphore, #tpu.memory_space<semaphore_mem>>)
      %dma_wait3A = arith.constant 0 : i32
      %dma_wait3A_18 = tpu.memref_slice %arg2[%mul3A_4, %dma_wait3A] : memref<2560x128xi32, #tpu.memory_space<hbm>> -> memref<80x128xi32, #tpu.memory_space<hbm>>
      %dma_wait3A_19 = arith.constant 0 : i32
      %dma_wait3A_20 = tpu.memref_slice %arg2[%mul3A_4, %dma_wait3A_19] : memref<2560x128xi32, #tpu.memory_space<hbm>> -> memref<80x128xi32, #tpu.memory_space<hbm>>
      tpu.wait_dma2 semaphore(%run_scoped3A : memref<!tpu.dma_semaphore, #tpu.memory_space<semaphore_mem>>) src(%dma_wait3A_20 : memref<80x128xi32, #tpu.memory_space<hbm>>) dst(%arg6 : memref<80x128xi32, #tpu.memory_space<vmem>>)
      tpu.yield
    }) : () -> ()
    %scan3A = arith.constant 0 : i32
    %scan3A_5 = arith.constant 0 : i32
    %scan3A_6 = arith.constant 80 : i32
    %scan3A_7 = arith.addi %scan3A_5, %scan3A_6 : i32
    %scan3A_8 = arith.constant 1 : i32
    scf.for %scan3A_15 = %scan3A_5 to %scan3A_7 step %scan3A_8  : i32 {
      "tpu.region"() ({
        %run_scoped3A = tpu.sem_alloc : memref<!tpu.dma_semaphore, #tpu.memory_space<semaphore_mem>>
        %dma_start3A = arith.constant 0 : i32
        %dma_start3A_16 = tpu.memref_slice %arg6[%scan3A_15, %dma_start3A] : memref<80x128xi32, #tpu.memory_space<vmem>> -> memref<1x128xi32, #tpu.memory_space<vmem>>
        %dma_start3A_17 = tpu.memref_squeeze %dma_start3A_16 : memref<1x128xi32, #tpu.memory_space<vmem>> -> memref<128xi32, #tpu.memory_space<vmem>>
        %dma_start3A_18 = arith.constant 0 : i32
        %dma_start3A_19 = tpu.memref_slice %arg9[%dma_start3A_18] : memref<10240xf32, #tpu.memory_space<vmem_shared>> -> memref<10240xf32, #tpu.memory_space<vmem_shared>>
        tpu.enqueue_indirect_dma source(%arg8 : memref<128xf32, #tpu.memory_space<vmem>>) target(%dma_start3A_19 : memref<10240xf32, #tpu.memory_space<vmem_shared>>) offsets(%dma_start3A_17 : memref<128xi32, #tpu.memory_space<vmem>>) semaphore(%run_scoped3A : memref<!tpu.dma_semaphore, #tpu.memory_space<semaphore_mem>>) {add = true}
        %dma_wait3A = arith.constant 0 : i32
        %dma_wait3A_20 = tpu.memref_slice %arg6[%scan3A_15, %dma_wait3A] : memref<80x128xi32, #tpu.memory_space<vmem>> -> memref<1x128xi32, #tpu.memory_space<vmem>>
        %dma_wait3A_21 = tpu.memref_squeeze %dma_wait3A_20 : memref<1x128xi32, #tpu.memory_space<vmem>> -> memref<128xi32, #tpu.memory_space<vmem>>
        %dma_wait3A_22 = arith.constant 0 : i32
        %dma_wait3A_23 = tpu.memref_slice %arg9[%dma_wait3A_22] : memref<10240xf32, #tpu.memory_space<vmem_shared>> -> memref<10240xf32, #tpu.memory_space<vmem_shared>>
        tpu.wait_indirect_dma semaphore(%run_scoped3A : memref<!tpu.dma_semaphore, #tpu.memory_space<semaphore_mem>>) src(%arg8 : memref<128xf32, #tpu.memory_space<vmem>>) dst(%dma_wait3A_23 : memref<10240xf32, #tpu.memory_space<vmem_shared>>)
        tpu.yield
      }) : () -> ()
    }
    %scan3A_9 = arith.constant 80 : i32
    %barrier3A_10 = arith.constant 0 : index
    tpu.barrier barrier_id(%barrier3A_10)
    %mul3A_11 = arith.constant 640 : i32
    %mul3A_12 = arith.muli %arg1, %mul3A_11 : i32
    %mul3A_13 = arith.constant 640 : i32
    %mul3A_14 = arith.muli %arg1, %mul3A_13 : i32
    "tpu.region"() ({
      %run_scoped3A = tpu.sem_alloc : memref<!tpu.dma_semaphore, #tpu.memory_space<semaphore_mem>>
      %dma_start3A = tpu.memref_slice %arg5[%arg0, %mul3A_14] : memref<2x10240xf32, #tpu.memory_space<hbm>> -> memref<1x640xf32, #tpu.memory_space<hbm>>
      %dma_start3A_15 = tpu.memref_squeeze %dma_start3A : memref<1x640xf32, #tpu.memory_space<hbm>> -> memref<640xf32, #tpu.memory_space<hbm>>
      %dma_start3A_16 = tpu.memref_slice %arg9[%mul3A_12] : memref<10240xf32, #tpu.memory_space<vmem_shared>> -> memref<640xf32, #tpu.memory_space<vmem_shared>>
      tpu.enqueue_dma source(%dma_start3A_16 : memref<640xf32, #tpu.memory_space<vmem_shared>>) target(%dma_start3A_15 : memref<640xf32, #tpu.memory_space<hbm>>) target_semaphore(%run_scoped3A : memref<!tpu.dma_semaphore, #tpu.memory_space<semaphore_mem>>)
      %dma_wait3A = tpu.memref_slice %arg5[%arg0, %mul3A_14] : memref<2x10240xf32, #tpu.memory_space<hbm>> -> memref<1x640xf32, #tpu.memory_space<hbm>>
      %dma_wait3A_17 = tpu.memref_squeeze %dma_wait3A : memref<1x640xf32, #tpu.memory_space<hbm>> -> memref<640xf32, #tpu.memory_space<hbm>>
      %dma_wait3A_18 = tpu.memref_slice %arg9[%mul3A_12] : memref<10240xf32, #tpu.memory_space<vmem_shared>> -> memref<640xf32, #tpu.memory_space<vmem_shared>>
      tpu.wait_dma2 semaphore(%run_scoped3A : memref<!tpu.dma_semaphore, #tpu.memory_space<semaphore_mem>>) src(%dma_wait3A_18 : memref<640xf32, #tpu.memory_space<vmem_shared>>) dst(%dma_wait3A_17 : memref<640xf32, #tpu.memory_space<hbm>>)
      tpu.yield
    }) : () -> ()
    return
  }
}

#map = affine_map<(d0, d1) -> (0, 0)>
module attributes {stable_mosaic.version = 14 : i64} {
  func.func @_qg_body(%arg0: i32, %arg1: i32, %arg2: memref<10240x128xf32, #tpu.memory_space<hbm>>, %arg3: memref<128x128xi32, #tpu.memory_space<hbm>>, %arg4: memref<128x128xi32, #tpu.memory_space<hbm>>, %arg5: memref<16384x128xf32, #tpu.memory_space<hbm>>, %arg6: memref<16384x128xf32, #tpu.memory_space<hbm>>, %arg7: memref<4x128xi32, #tpu.memory_space<vmem>>, %arg8: memref<128x128xf32, #tpu.memory_space<vmem>>, %arg9: memref<!tpu.dma_semaphore, #tpu.memory_space<semaphore_mem>>) attributes {dimension_semantics = [#tpu.dimension_semantics<core_parallel>, #tpu.dimension_semantics<subcore_parallel>], iteration_bounds = array<i64: 2, 16>, scalar_prefetch = 0 : i64, scratch_operands = 3 : i64, tpu.core_type = #tpu.core_type<sc_vector_subcore>, window_params = [{transform_indices = #map}, {transform_indices = #map}, {transform_indices = #map}, {transform_indices = #map}, {transform_indices = #map}]} {
    %mul3A = arith.constant 2 : i32
    %mul3A_0 = arith.muli %arg1, %mul3A : i32
    %add3A = arith.addi %mul3A_0, %arg0 : i32
    %mul3A_1 = arith.constant 4 : i32
    %mul3A_2 = arith.muli %add3A, %mul3A_1 : i32
    "tpu.region"() ({
      %run_scoped3A = tpu.sem_alloc : memref<!tpu.dma_semaphore, #tpu.memory_space<semaphore_mem>>
      %dma_start3A = arith.constant 0 : i32
      %dma_start3A_16 = tpu.memref_slice %arg3[%mul3A_2, %dma_start3A] : memref<128x128xi32, #tpu.memory_space<hbm>> -> memref<4x128xi32, #tpu.memory_space<hbm>>
      %dma_start3A_17 = arith.constant 0 : i32
      %dma_start3A_18 = tpu.memref_slice %arg3[%mul3A_2, %dma_start3A_17] : memref<128x128xi32, #tpu.memory_space<hbm>> -> memref<4x128xi32, #tpu.memory_space<hbm>>
      tpu.enqueue_dma source(%dma_start3A_18 : memref<4x128xi32, #tpu.memory_space<hbm>>) target(%arg7 : memref<4x128xi32, #tpu.memory_space<vmem>>) target_semaphore(%run_scoped3A : memref<!tpu.dma_semaphore, #tpu.memory_space<semaphore_mem>>)
      %dma_wait3A = arith.constant 0 : i32
      %dma_wait3A_19 = tpu.memref_slice %arg3[%mul3A_2, %dma_wait3A] : memref<128x128xi32, #tpu.memory_space<hbm>> -> memref<4x128xi32, #tpu.memory_space<hbm>>
      %dma_wait3A_20 = arith.constant 0 : i32
      %dma_wait3A_21 = tpu.memref_slice %arg3[%mul3A_2, %dma_wait3A_20] : memref<128x128xi32, #tpu.memory_space<hbm>> -> memref<4x128xi32, #tpu.memory_space<hbm>>
      tpu.wait_dma2 semaphore(%run_scoped3A : memref<!tpu.dma_semaphore, #tpu.memory_space<semaphore_mem>>) src(%dma_wait3A_21 : memref<4x128xi32, #tpu.memory_space<hbm>>) dst(%arg7 : memref<4x128xi32, #tpu.memory_space<vmem>>)
      tpu.yield
    }) : () -> ()
    %scan3A = arith.constant 0 : i32
    %scan3A_3 = arith.constant 0 : i32
    %scan3A_4 = arith.constant 4 : i32
    %scan3A_5 = arith.addi %scan3A_3, %scan3A_4 : i32
    %scan3A_6 = arith.constant 1 : i32
    scf.for %scan3A_16 = %scan3A_3 to %scan3A_5 step %scan3A_6  : i32 {
      %dma_start3A = arith.constant 0 : i32
      %dma_start3A_17 = tpu.memref_slice %arg7[%scan3A_16, %dma_start3A] : memref<4x128xi32, #tpu.memory_space<vmem>> -> memref<1x128xi32, #tpu.memory_space<vmem>>
      %dma_start3A_18 = tpu.memref_squeeze %dma_start3A_17 : memref<1x128xi32, #tpu.memory_space<vmem>> -> memref<128xi32, #tpu.memory_space<vmem>>
      %dma_start3A_19 = arith.constant 0 : i32
      %dma_start3A_20 = arith.constant 0 : i32
      %dma_start3A_21 = tpu.memref_slice %arg2[%dma_start3A_19, %dma_start3A_20] : memref<10240x128xf32, #tpu.memory_space<hbm>> -> memref<10240x128xf32, #tpu.memory_space<hbm>>
      tpu.enqueue_indirect_dma source(%dma_start3A_21 : memref<10240x128xf32, #tpu.memory_space<hbm>>) target(%arg8 : memref<128x128xf32, #tpu.memory_space<vmem>>) offsets(%dma_start3A_18 : memref<128xi32, #tpu.memory_space<vmem>>) semaphore(%arg9 : memref<!tpu.dma_semaphore, #tpu.memory_space<semaphore_mem>>)
      %dma_wait3A = arith.constant 0 : i32
      %dma_wait3A_22 = tpu.memref_slice %arg7[%scan3A_16, %dma_wait3A] : memref<4x128xi32, #tpu.memory_space<vmem>> -> memref<1x128xi32, #tpu.memory_space<vmem>>
      %dma_wait3A_23 = tpu.memref_squeeze %dma_wait3A_22 : memref<1x128xi32, #tpu.memory_space<vmem>> -> memref<128xi32, #tpu.memory_space<vmem>>
      %dma_wait3A_24 = arith.constant 0 : i32
      %dma_wait3A_25 = arith.constant 0 : i32
      %dma_wait3A_26 = tpu.memref_slice %arg2[%dma_wait3A_24, %dma_wait3A_25] : memref<10240x128xf32, #tpu.memory_space<hbm>> -> memref<10240x128xf32, #tpu.memory_space<hbm>>
      tpu.wait_indirect_dma semaphore(%arg9 : memref<!tpu.dma_semaphore, #tpu.memory_space<semaphore_mem>>) src(%dma_wait3A_26 : memref<10240x128xf32, #tpu.memory_space<hbm>>) dst(%arg8 : memref<128x128xf32, #tpu.memory_space<vmem>>)
      %mul3A_27 = arith.constant 512 : i32
      %mul3A_28 = arith.muli %add3A, %mul3A_27 : i32
      %mul3A_29 = arith.constant 128 : i32
      %mul3A_30 = arith.muli %scan3A_16, %mul3A_29 : i32
      %add3A_31 = arith.addi %mul3A_28, %mul3A_30 : i32
      "tpu.region"() ({
        %run_scoped3A = tpu.sem_alloc : memref<!tpu.dma_semaphore, #tpu.memory_space<semaphore_mem>>
        %dma_start3A_32 = arith.constant 0 : i32
        %dma_start3A_33 = tpu.memref_slice %arg5[%add3A_31, %dma_start3A_32] : memref<16384x128xf32, #tpu.memory_space<hbm>> -> memref<128x128xf32, #tpu.memory_space<hbm>>
        %dma_start3A_34 = arith.constant 0 : i32
        %dma_start3A_35 = tpu.memref_slice %arg5[%add3A_31, %dma_start3A_34] : memref<16384x128xf32, #tpu.memory_space<hbm>> -> memref<128x128xf32, #tpu.memory_space<hbm>>
        tpu.enqueue_dma source(%arg8 : memref<128x128xf32, #tpu.memory_space<vmem>>) target(%dma_start3A_35 : memref<128x128xf32, #tpu.memory_space<hbm>>) target_semaphore(%run_scoped3A : memref<!tpu.dma_semaphore, #tpu.memory_space<semaphore_mem>>)
        %dma_wait3A_36 = arith.constant 0 : i32
        %dma_wait3A_37 = tpu.memref_slice %arg5[%add3A_31, %dma_wait3A_36] : memref<16384x128xf32, #tpu.memory_space<hbm>> -> memref<128x128xf32, #tpu.memory_space<hbm>>
        %dma_wait3A_38 = arith.constant 0 : i32
        %dma_wait3A_39 = tpu.memref_slice %arg5[%add3A_31, %dma_wait3A_38] : memref<16384x128xf32, #tpu.memory_space<hbm>> -> memref<128x128xf32, #tpu.memory_space<hbm>>
        tpu.wait_dma2 semaphore(%run_scoped3A : memref<!tpu.dma_semaphore, #tpu.memory_space<semaphore_mem>>) src(%arg8 : memref<128x128xf32, #tpu.memory_space<vmem>>) dst(%dma_wait3A_39 : memref<128x128xf32, #tpu.memory_space<hbm>>)
        tpu.yield
      }) : () -> ()
    }
    %scan3A_7 = arith.constant 4 : i32
    %mul3A_8 = arith.constant 4 : i32
    %mul3A_9 = arith.muli %add3A, %mul3A_8 : i32
    "tpu.region"() ({
      %run_scoped3A = tpu.sem_alloc : memref<!tpu.dma_semaphore, #tpu.memory_space<semaphore_mem>>
      %dma_start3A = arith.constant 0 : i32
      %dma_start3A_16 = tpu.memref_slice %arg4[%mul3A_9, %dma_start3A] : memref<128x128xi32, #tpu.memory_space<hbm>> -> memref<4x128xi32, #tpu.memory_space<hbm>>
      %dma_start3A_17 = arith.constant 0 : i32
      %dma_start3A_18 = tpu.memref_slice %arg4[%mul3A_9, %dma_start3A_17] : memref<128x128xi32, #tpu.memory_space<hbm>> -> memref<4x128xi32, #tpu.memory_space<hbm>>
      tpu.enqueue_dma source(%dma_start3A_18 : memref<4x128xi32, #tpu.memory_space<hbm>>) target(%arg7 : memref<4x128xi32, #tpu.memory_space<vmem>>) target_semaphore(%run_scoped3A : memref<!tpu.dma_semaphore, #tpu.memory_space<semaphore_mem>>)
      %dma_wait3A = arith.constant 0 : i32
      %dma_wait3A_19 = tpu.memref_slice %arg4[%mul3A_9, %dma_wait3A] : memref<128x128xi32, #tpu.memory_space<hbm>> -> memref<4x128xi32, #tpu.memory_space<hbm>>
      %dma_wait3A_20 = arith.constant 0 : i32
      %dma_wait3A_21 = tpu.memref_slice %arg4[%mul3A_9, %dma_wait3A_20] : memref<128x128xi32, #tpu.memory_space<hbm>> -> memref<4x128xi32, #tpu.memory_space<hbm>>
      tpu.wait_dma2 semaphore(%run_scoped3A : memref<!tpu.dma_semaphore, #tpu.memory_space<semaphore_mem>>) src(%dma_wait3A_21 : memref<4x128xi32, #tpu.memory_space<hbm>>) dst(%arg7 : memref<4x128xi32, #tpu.memory_space<vmem>>)
      tpu.yield
    }) : () -> ()
    %scan3A_10 = arith.constant 0 : i32
    %scan3A_11 = arith.constant 0 : i32
    %scan3A_12 = arith.constant 4 : i32
    %scan3A_13 = arith.addi %scan3A_11, %scan3A_12 : i32
    %scan3A_14 = arith.constant 1 : i32
    scf.for %scan3A_16 = %scan3A_11 to %scan3A_13 step %scan3A_14  : i32 {
      %dma_start3A = arith.constant 0 : i32
      %dma_start3A_17 = tpu.memref_slice %arg7[%scan3A_16, %dma_start3A] : memref<4x128xi32, #tpu.memory_space<vmem>> -> memref<1x128xi32, #tpu.memory_space<vmem>>
      %dma_start3A_18 = tpu.memref_squeeze %dma_start3A_17 : memref<1x128xi32, #tpu.memory_space<vmem>> -> memref<128xi32, #tpu.memory_space<vmem>>
      %dma_start3A_19 = arith.constant 0 : i32
      %dma_start3A_20 = arith.constant 0 : i32
      %dma_start3A_21 = tpu.memref_slice %arg2[%dma_start3A_19, %dma_start3A_20] : memref<10240x128xf32, #tpu.memory_space<hbm>> -> memref<10240x128xf32, #tpu.memory_space<hbm>>
      tpu.enqueue_indirect_dma source(%dma_start3A_21 : memref<10240x128xf32, #tpu.memory_space<hbm>>) target(%arg8 : memref<128x128xf32, #tpu.memory_space<vmem>>) offsets(%dma_start3A_18 : memref<128xi32, #tpu.memory_space<vmem>>) semaphore(%arg9 : memref<!tpu.dma_semaphore, #tpu.memory_space<semaphore_mem>>)
      %dma_wait3A = arith.constant 0 : i32
      %dma_wait3A_22 = tpu.memref_slice %arg7[%scan3A_16, %dma_wait3A] : memref<4x128xi32, #tpu.memory_space<vmem>> -> memref<1x128xi32, #tpu.memory_space<vmem>>
      %dma_wait3A_23 = tpu.memref_squeeze %dma_wait3A_22 : memref<1x128xi32, #tpu.memory_space<vmem>> -> memref<128xi32, #tpu.memory_space<vmem>>
      %dma_wait3A_24 = arith.constant 0 : i32
      %dma_wait3A_25 = arith.constant 0 : i32
      %dma_wait3A_26 = tpu.memref_slice %arg2[%dma_wait3A_24, %dma_wait3A_25] : memref<10240x128xf32, #tpu.memory_space<hbm>> -> memref<10240x128xf32, #tpu.memory_space<hbm>>
      tpu.wait_indirect_dma semaphore(%arg9 : memref<!tpu.dma_semaphore, #tpu.memory_space<semaphore_mem>>) src(%dma_wait3A_26 : memref<10240x128xf32, #tpu.memory_space<hbm>>) dst(%arg8 : memref<128x128xf32, #tpu.memory_space<vmem>>)
      %mul3A_27 = arith.constant 512 : i32
      %mul3A_28 = arith.muli %add3A, %mul3A_27 : i32
      %mul3A_29 = arith.constant 128 : i32
      %mul3A_30 = arith.muli %scan3A_16, %mul3A_29 : i32
      %add3A_31 = arith.addi %mul3A_28, %mul3A_30 : i32
      "tpu.region"() ({
        %run_scoped3A = tpu.sem_alloc : memref<!tpu.dma_semaphore, #tpu.memory_space<semaphore_mem>>
        %dma_start3A_32 = arith.constant 0 : i32
        %dma_start3A_33 = tpu.memref_slice %arg6[%add3A_31, %dma_start3A_32] : memref<16384x128xf32, #tpu.memory_space<hbm>> -> memref<128x128xf32, #tpu.memory_space<hbm>>
        %dma_start3A_34 = arith.constant 0 : i32
        %dma_start3A_35 = tpu.memref_slice %arg6[%add3A_31, %dma_start3A_34] : memref<16384x128xf32, #tpu.memory_space<hbm>> -> memref<128x128xf32, #tpu.memory_space<hbm>>
        tpu.enqueue_dma source(%arg8 : memref<128x128xf32, #tpu.memory_space<vmem>>) target(%dma_start3A_35 : memref<128x128xf32, #tpu.memory_space<hbm>>) target_semaphore(%run_scoped3A : memref<!tpu.dma_semaphore, #tpu.memory_space<semaphore_mem>>)
        %dma_wait3A_36 = arith.constant 0 : i32
        %dma_wait3A_37 = tpu.memref_slice %arg6[%add3A_31, %dma_wait3A_36] : memref<16384x128xf32, #tpu.memory_space<hbm>> -> memref<128x128xf32, #tpu.memory_space<hbm>>
        %dma_wait3A_38 = arith.constant 0 : i32
        %dma_wait3A_39 = tpu.memref_slice %arg6[%add3A_31, %dma_wait3A_38] : memref<16384x128xf32, #tpu.memory_space<hbm>> -> memref<128x128xf32, #tpu.memory_space<hbm>>
        tpu.wait_dma2 semaphore(%run_scoped3A : memref<!tpu.dma_semaphore, #tpu.memory_space<semaphore_mem>>) src(%arg8 : memref<128x128xf32, #tpu.memory_space<vmem>>) dst(%dma_wait3A_39 : memref<128x128xf32, #tpu.memory_space<hbm>>)
        tpu.yield
      }) : () -> ()
    }
    %scan3A_15 = arith.constant 4 : i32
    return
  }
}

#map = affine_map<(d0, d1) -> (0, 0)>
#map1 = affine_map<(d0, d1) -> (0, 0, 0)>
module attributes {stable_mosaic.version = 14 : i64} {
  func.func @_prop_body(%arg0: i32, %arg1: i32, %arg2: memref<10240x128xf32, #tpu.memory_space<hbm>>, %arg3: memref<5120x64xi32, #tpu.memory_space<hbm>>, %arg4: memref<5120x64xi32, #tpu.memory_space<hbm>>, %arg5: memref<128x128xf32, #tpu.memory_space<hbm>>, %arg6: memref<2x10240x128xf32, #tpu.memory_space<hbm>>, %arg7: memref<40x64xi32, #tpu.memory_space<vmem>>, %arg8: memref<40x64xi32, #tpu.memory_space<vmem>>, %arg9: memref<64x128xf32, #tpu.memory_space<vmem>>, %arg10: memref<64x128xf32, #tpu.memory_space<vmem>>, %arg11: memref<64x128xf32, #tpu.memory_space<vmem>>, %arg12: memref<64x128xf32, #tpu.memory_space<vmem>>, %arg13: memref<10240x128xf32, #tpu.memory_space<vmem_shared>>, %arg14: memref<!tpu.dma_semaphore, #tpu.memory_space<semaphore_mem>>, %arg15: memref<!tpu.dma_semaphore, #tpu.memory_space<semaphore_mem>>, %arg16: memref<!tpu.dma_semaphore, #tpu.memory_space<semaphore_mem>>, %arg17: memref<!tpu.dma_semaphore, #tpu.memory_space<semaphore_mem>>, %arg18: memref<!tpu.dma_semaphore, #tpu.memory_space<semaphore_mem>>, %arg19: memref<!tpu.dma_semaphore, #tpu.memory_space<semaphore_mem>>, %arg20: memref<!tpu.dma_semaphore, #tpu.memory_space<semaphore_mem>>, %arg21: memref<!tpu.dma_semaphore, #tpu.memory_space<semaphore_mem>>) attributes {dimension_semantics = [#tpu.dimension_semantics<core_parallel>, #tpu.dimension_semantics<subcore_parallel>], iteration_bounds = array<i64: 2, 16>, scalar_prefetch = 0 : i64, scratch_operands = 15 : i64, tpu.core_type = #tpu.core_type<sc_vector_subcore>, window_params = [{transform_indices = #map}, {transform_indices = #map}, {transform_indices = #map}, {transform_indices = #map}, {transform_indices = #map1}]} {
    %mul3A = arith.constant 2 : i32
    %mul3A_0 = arith.muli %arg1, %mul3A : i32
    %add3A = arith.addi %mul3A_0, %arg0 : i32
    "tpu.region"() ({
      %run_scoped3A = tpu.sem_alloc : memref<!tpu.dma_semaphore, #tpu.memory_space<semaphore_mem>>
      %dma_start3A_279 = arith.constant 0 : i32
      %dma_start3A_280 = arith.constant 0 : i32
      %dma_start3A_281 = tpu.memref_slice %arg5[%dma_start3A_279, %dma_start3A_280] : memref<128x128xf32, #tpu.memory_space<hbm>> -> memref<64x128xf32, #tpu.memory_space<hbm>>
      %dma_start3A_282 = arith.constant 0 : i32
      %dma_start3A_283 = arith.constant 0 : i32
      %dma_start3A_284 = tpu.memref_slice %arg5[%dma_start3A_282, %dma_start3A_283] : memref<128x128xf32, #tpu.memory_space<hbm>> -> memref<64x128xf32, #tpu.memory_space<hbm>>
      tpu.enqueue_dma source(%dma_start3A_284 : memref<64x128xf32, #tpu.memory_space<hbm>>) target(%arg9 : memref<64x128xf32, #tpu.memory_space<vmem>>) target_semaphore(%run_scoped3A : memref<!tpu.dma_semaphore, #tpu.memory_space<semaphore_mem>>)
      %dma_wait3A_285 = arith.constant 0 : i32
      %dma_wait3A_286 = arith.constant 0 : i32
      %dma_wait3A_287 = tpu.memref_slice %arg5[%dma_wait3A_285, %dma_wait3A_286] : memref<128x128xf32, #tpu.memory_space<hbm>> -> memref<64x128xf32, #tpu.memory_space<hbm>>
      %dma_wait3A_288 = arith.constant 0 : i32
      %dma_wait3A_289 = arith.constant 0 : i32
      %dma_wait3A_290 = tpu.memref_slice %arg5[%dma_wait3A_288, %dma_wait3A_289] : memref<128x128xf32, #tpu.memory_space<hbm>> -> memref<64x128xf32, #tpu.memory_space<hbm>>
      tpu.wait_dma2 semaphore(%run_scoped3A : memref<!tpu.dma_semaphore, #tpu.memory_space<semaphore_mem>>) src(%dma_wait3A_290 : memref<64x128xf32, #tpu.memory_space<hbm>>) dst(%arg9 : memref<64x128xf32, #tpu.memory_space<vmem>>)
      tpu.yield
    }) : () -> ()
    %mul3A_1 = arith.constant 640 : i32
    %mul3A_2 = arith.muli %arg1, %mul3A_1 : i32
    %add3A_3 = arith.constant 0 : i32
    %add3A_4 = arith.addi %mul3A_2, %add3A_3 : i32
    "tpu.region"() ({
      %run_scoped3A = tpu.sem_alloc : memref<!tpu.dma_semaphore, #tpu.memory_space<semaphore_mem>>
      %dma_start3A_279 = arith.constant 0 : i32
      %dma_start3A_280 = tpu.memref_slice %arg13[%add3A_4, %dma_start3A_279] : memref<10240x128xf32, #tpu.memory_space<vmem_shared>> -> memref<64x128xf32, #tpu.memory_space<vmem_shared>>
      %dma_start3A_281 = arith.constant 0 : i32
      %dma_start3A_282 = tpu.memref_slice %arg13[%add3A_4, %dma_start3A_281] : memref<10240x128xf32, #tpu.memory_space<vmem_shared>> -> memref<64x128xf32, #tpu.memory_space<vmem_shared>>
      tpu.enqueue_dma source(%arg9 : memref<64x128xf32, #tpu.memory_space<vmem>>) target(%dma_start3A_282 : memref<64x128xf32, #tpu.memory_space<vmem_shared>>) target_semaphore(%run_scoped3A : memref<!tpu.dma_semaphore, #tpu.memory_space<semaphore_mem>>)
      %dma_wait3A_283 = arith.constant 0 : i32
      %dma_wait3A_284 = tpu.memref_slice %arg13[%add3A_4, %dma_wait3A_283] : memref<10240x128xf32, #tpu.memory_space<vmem_shared>> -> memref<64x128xf32, #tpu.memory_space<vmem_shared>>
      %dma_wait3A_285 = arith.constant 0 : i32
      %dma_wait3A_286 = tpu.memref_slice %arg13[%add3A_4, %dma_wait3A_285] : memref<10240x128xf32, #tpu.memory_space<vmem_shared>> -> memref<64x128xf32, #tpu.memory_space<vmem_shared>>
      tpu.wait_dma2 semaphore(%run_scoped3A : memref<!tpu.dma_semaphore, #tpu.memory_space<semaphore_mem>>) src(%arg9 : memref<64x128xf32, #tpu.memory_space<vmem>>) dst(%dma_wait3A_286 : memref<64x128xf32, #tpu.memory_space<vmem_shared>>)
      tpu.yield
    }) : () -> ()
    %mul3A_5 = arith.constant 640 : i32
    %mul3A_6 = arith.muli %arg1, %mul3A_5 : i32
    %add3A_7 = arith.constant 64 : i32
    %add3A_8 = arith.addi %mul3A_6, %add3A_7 : i32
    "tpu.region"() ({
      %run_scoped3A = tpu.sem_alloc : memref<!tpu.dma_semaphore, #tpu.memory_space<semaphore_mem>>
      %dma_start3A_279 = arith.constant 0 : i32
      %dma_start3A_280 = tpu.memref_slice %arg13[%add3A_8, %dma_start3A_279] : memref<10240x128xf32, #tpu.memory_space<vmem_shared>> -> memref<64x128xf32, #tpu.memory_space<vmem_shared>>
      %dma_start3A_281 = arith.constant 0 : i32
      %dma_start3A_282 = tpu.memref_slice %arg13[%add3A_8, %dma_start3A_281] : memref<10240x128xf32, #tpu.memory_space<vmem_shared>> -> memref<64x128xf32, #tpu.memory_space<vmem_shared>>
      tpu.enqueue_dma source(%arg9 : memref<64x128xf32, #tpu.memory_space<vmem>>) target(%dma_start3A_282 : memref<64x128xf32, #tpu.memory_space<vmem_shared>>) target_semaphore(%run_scoped3A : memref<!tpu.dma_semaphore, #tpu.memory_space<semaphore_mem>>)
      %dma_wait3A_283 = arith.constant 0 : i32
      %dma_wait3A_284 = tpu.memref_slice %arg13[%add3A_8, %dma_wait3A_283] : memref<10240x128xf32, #tpu.memory_space<vmem_shared>> -> memref<64x128xf32, #tpu.memory_space<vmem_shared>>
      %dma_wait3A_285 = arith.constant 0 : i32
      %dma_wait3A_286 = tpu.memref_slice %arg13[%add3A_8, %dma_wait3A_285] : memref<10240x128xf32, #tpu.memory_space<vmem_shared>> -> memref<64x128xf32, #tpu.memory_space<vmem_shared>>
      tpu.wait_dma2 semaphore(%run_scoped3A : memref<!tpu.dma_semaphore, #tpu.memory_space<semaphore_mem>>) src(%arg9 : memref<64x128xf32, #tpu.memory_space<vmem>>) dst(%dma_wait3A_286 : memref<64x128xf32, #tpu.memory_space<vmem_shared>>)
      tpu.yield
    }) : () -> ()
    %mul3A_9 = arith.constant 640 : i32
    %mul3A_10 = arith.muli %arg1, %mul3A_9 : i32
    %add3A_11 = arith.constant 128 : i32
    %add3A_12 = arith.addi %mul3A_10, %add3A_11 : i32
    "tpu.region"() ({
      %run_scoped3A = tpu.sem_alloc : memref<!tpu.dma_semaphore, #tpu.memory_space<semaphore_mem>>
      %dma_start3A_279 = arith.constant 0 : i32
      %dma_start3A_280 = tpu.memref_slice %arg13[%add3A_12, %dma_start3A_279] : memref<10240x128xf32, #tpu.memory_space<vmem_shared>> -> memref<64x128xf32, #tpu.memory_space<vmem_shared>>
      %dma_start3A_281 = arith.constant 0 : i32
      %dma_start3A_282 = tpu.memref_slice %arg13[%add3A_12, %dma_start3A_281] : memref<10240x128xf32, #tpu.memory_space<vmem_shared>> -> memref<64x128xf32, #tpu.memory_space<vmem_shared>>
      tpu.enqueue_dma source(%arg9 : memref<64x128xf32, #tpu.memory_space<vmem>>) target(%dma_start3A_282 : memref<64x128xf32, #tpu.memory_space<vmem_shared>>) target_semaphore(%run_scoped3A : memref<!tpu.dma_semaphore, #tpu.memory_space<semaphore_mem>>)
      %dma_wait3A_283 = arith.constant 0 : i32
      %dma_wait3A_284 = tpu.memref_slice %arg13[%add3A_12, %dma_wait3A_283] : memref<10240x128xf32, #tpu.memory_space<vmem_shared>> -> memref<64x128xf32, #tpu.memory_space<vmem_shared>>
      %dma_wait3A_285 = arith.constant 0 : i32
      %dma_wait3A_286 = tpu.memref_slice %arg13[%add3A_12, %dma_wait3A_285] : memref<10240x128xf32, #tpu.memory_space<vmem_shared>> -> memref<64x128xf32, #tpu.memory_space<vmem_shared>>
      tpu.wait_dma2 semaphore(%run_scoped3A : memref<!tpu.dma_semaphore, #tpu.memory_space<semaphore_mem>>) src(%arg9 : memref<64x128xf32, #tpu.memory_space<vmem>>) dst(%dma_wait3A_286 : memref<64x128xf32, #tpu.memory_space<vmem_shared>>)
      tpu.yield
    }) : () -> ()
    %mul3A_13 = arith.constant 640 : i32
    %mul3A_14 = arith.muli %arg1, %mul3A_13 : i32
    %add3A_15 = arith.constant 192 : i32
    %add3A_16 = arith.addi %mul3A_14, %add3A_15 : i32
    "tpu.region"() ({
      %run_scoped3A = tpu.sem_alloc : memref<!tpu.dma_semaphore, #tpu.memory_space<semaphore_mem>>
      %dma_start3A_279 = arith.constant 0 : i32
      %dma_start3A_280 = tpu.memref_slice %arg13[%add3A_16, %dma_start3A_279] : memref<10240x128xf32, #tpu.memory_space<vmem_shared>> -> memref<64x128xf32, #tpu.memory_space<vmem_shared>>
      %dma_start3A_281 = arith.constant 0 : i32
      %dma_start3A_282 = tpu.memref_slice %arg13[%add3A_16, %dma_start3A_281] : memref<10240x128xf32, #tpu.memory_space<vmem_shared>> -> memref<64x128xf32, #tpu.memory_space<vmem_shared>>
      tpu.enqueue_dma source(%arg9 : memref<64x128xf32, #tpu.memory_space<vmem>>) target(%dma_start3A_282 : memref<64x128xf32, #tpu.memory_space<vmem_shared>>) target_semaphore(%run_scoped3A : memref<!tpu.dma_semaphore, #tpu.memory_space<semaphore_mem>>)
      %dma_wait3A_283 = arith.constant 0 : i32
      %dma_wait3A_284 = tpu.memref_slice %arg13[%add3A_16, %dma_wait3A_283] : memref<10240x128xf32, #tpu.memory_space<vmem_shared>> -> memref<64x128xf32, #tpu.memory_space<vmem_shared>>
      %dma_wait3A_285 = arith.constant 0 : i32
      %dma_wait3A_286 = tpu.memref_slice %arg13[%add3A_16, %dma_wait3A_285] : memref<10240x128xf32, #tpu.memory_space<vmem_shared>> -> memref<64x128xf32, #tpu.memory_space<vmem_shared>>
      tpu.wait_dma2 semaphore(%run_scoped3A : memref<!tpu.dma_semaphore, #tpu.memory_space<semaphore_mem>>) src(%arg9 : memref<64x128xf32, #tpu.memory_space<vmem>>) dst(%dma_wait3A_286 : memref<64x128xf32, #tpu.memory_space<vmem_shared>>)
      tpu.yield
    }) : () -> ()
    %mul3A_17 = arith.constant 640 : i32
    %mul3A_18 = arith.muli %arg1, %mul3A_17 : i32
    %add3A_19 = arith.constant 256 : i32
    %add3A_20 = arith.addi %mul3A_18, %add3A_19 : i32
    "tpu.region"() ({
      %run_scoped3A = tpu.sem_alloc : memref<!tpu.dma_semaphore, #tpu.memory_space<semaphore_mem>>
      %dma_start3A_279 = arith.constant 0 : i32
      %dma_start3A_280 = tpu.memref_slice %arg13[%add3A_20, %dma_start3A_279] : memref<10240x128xf32, #tpu.memory_space<vmem_shared>> -> memref<64x128xf32, #tpu.memory_space<vmem_shared>>
      %dma_start3A_281 = arith.constant 0 : i32
      %dma_start3A_282 = tpu.memref_slice %arg13[%add3A_20, %dma_start3A_281] : memref<10240x128xf32, #tpu.memory_space<vmem_shared>> -> memref<64x128xf32, #tpu.memory_space<vmem_shared>>
      tpu.enqueue_dma source(%arg9 : memref<64x128xf32, #tpu.memory_space<vmem>>) target(%dma_start3A_282 : memref<64x128xf32, #tpu.memory_space<vmem_shared>>) target_semaphore(%run_scoped3A : memref<!tpu.dma_semaphore, #tpu.memory_space<semaphore_mem>>)
      %dma_wait3A_283 = arith.constant 0 : i32
      %dma_wait3A_284 = tpu.memref_slice %arg13[%add3A_20, %dma_wait3A_283] : memref<10240x128xf32, #tpu.memory_space<vmem_shared>> -> memref<64x128xf32, #tpu.memory_space<vmem_shared>>
      %dma_wait3A_285 = arith.constant 0 : i32
      %dma_wait3A_286 = tpu.memref_slice %arg13[%add3A_20, %dma_wait3A_285] : memref<10240x128xf32, #tpu.memory_space<vmem_shared>> -> memref<64x128xf32, #tpu.memory_space<vmem_shared>>
      tpu.wait_dma2 semaphore(%run_scoped3A : memref<!tpu.dma_semaphore, #tpu.memory_space<semaphore_mem>>) src(%arg9 : memref<64x128xf32, #tpu.memory_space<vmem>>) dst(%dma_wait3A_286 : memref<64x128xf32, #tpu.memory_space<vmem_shared>>)
      tpu.yield
    }) : () -> ()
    %mul3A_21 = arith.constant 640 : i32
    %mul3A_22 = arith.muli %arg1, %mul3A_21 : i32
    %add3A_23 = arith.constant 320 : i32
    %add3A_24 = arith.addi %mul3A_22, %add3A_23 : i32
    "tpu.region"() ({
      %run_scoped3A = tpu.sem_alloc : memref<!tpu.dma_semaphore, #tpu.memory_space<semaphore_mem>>
      %dma_start3A_279 = arith.constant 0 : i32
      %dma_start3A_280 = tpu.memref_slice %arg13[%add3A_24, %dma_start3A_279] : memref<10240x128xf32, #tpu.memory_space<vmem_shared>> -> memref<64x128xf32, #tpu.memory_space<vmem_shared>>
      %dma_start3A_281 = arith.constant 0 : i32
      %dma_start3A_282 = tpu.memref_slice %arg13[%add3A_24, %dma_start3A_281] : memref<10240x128xf32, #tpu.memory_space<vmem_shared>> -> memref<64x128xf32, #tpu.memory_space<vmem_shared>>
      tpu.enqueue_dma source(%arg9 : memref<64x128xf32, #tpu.memory_space<vmem>>) target(%dma_start3A_282 : memref<64x128xf32, #tpu.memory_space<vmem_shared>>) target_semaphore(%run_scoped3A : memref<!tpu.dma_semaphore, #tpu.memory_space<semaphore_mem>>)
      %dma_wait3A_283 = arith.constant 0 : i32
      %dma_wait3A_284 = tpu.memref_slice %arg13[%add3A_24, %dma_wait3A_283] : memref<10240x128xf32, #tpu.memory_space<vmem_shared>> -> memref<64x128xf32, #tpu.memory_space<vmem_shared>>
      %dma_wait3A_285 = arith.constant 0 : i32
      %dma_wait3A_286 = tpu.memref_slice %arg13[%add3A_24, %dma_wait3A_285] : memref<10240x128xf32, #tpu.memory_space<vmem_shared>> -> memref<64x128xf32, #tpu.memory_space<vmem_shared>>
      tpu.wait_dma2 semaphore(%run_scoped3A : memref<!tpu.dma_semaphore, #tpu.memory_space<semaphore_mem>>) src(%arg9 : memref<64x128xf32, #tpu.memory_space<vmem>>) dst(%dma_wait3A_286 : memref<64x128xf32, #tpu.memory_space<vmem_shared>>)
      tpu.yield
    }) : () -> ()
    %mul3A_25 = arith.constant 640 : i32
    %mul3A_26 = arith.muli %arg1, %mul3A_25 : i32
    %add3A_27 = arith.constant 384 : i32
    %add3A_28 = arith.addi %mul3A_26, %add3A_27 : i32
    "tpu.region"() ({
      %run_scoped3A = tpu.sem_alloc : memref<!tpu.dma_semaphore, #tpu.memory_space<semaphore_mem>>
      %dma_start3A_279 = arith.constant 0 : i32
      %dma_start3A_280 = tpu.memref_slice %arg13[%add3A_28, %dma_start3A_279] : memref<10240x128xf32, #tpu.memory_space<vmem_shared>> -> memref<64x128xf32, #tpu.memory_space<vmem_shared>>
      %dma_start3A_281 = arith.constant 0 : i32
      %dma_start3A_282 = tpu.memref_slice %arg13[%add3A_28, %dma_start3A_281] : memref<10240x128xf32, #tpu.memory_space<vmem_shared>> -> memref<64x128xf32, #tpu.memory_space<vmem_shared>>
      tpu.enqueue_dma source(%arg9 : memref<64x128xf32, #tpu.memory_space<vmem>>) target(%dma_start3A_282 : memref<64x128xf32, #tpu.memory_space<vmem_shared>>) target_semaphore(%run_scoped3A : memref<!tpu.dma_semaphore, #tpu.memory_space<semaphore_mem>>)
      %dma_wait3A_283 = arith.constant 0 : i32
      %dma_wait3A_284 = tpu.memref_slice %arg13[%add3A_28, %dma_wait3A_283] : memref<10240x128xf32, #tpu.memory_space<vmem_shared>> -> memref<64x128xf32, #tpu.memory_space<vmem_shared>>
      %dma_wait3A_285 = arith.constant 0 : i32
      %dma_wait3A_286 = tpu.memref_slice %arg13[%add3A_28, %dma_wait3A_285] : memref<10240x128xf32, #tpu.memory_space<vmem_shared>> -> memref<64x128xf32, #tpu.memory_space<vmem_shared>>
      tpu.wait_dma2 semaphore(%run_scoped3A : memref<!tpu.dma_semaphore, #tpu.memory_space<semaphore_mem>>) src(%arg9 : memref<64x128xf32, #tpu.memory_space<vmem>>) dst(%dma_wait3A_286 : memref<64x128xf32, #tpu.memory_space<vmem_shared>>)
      tpu.yield
    }) : () -> ()
    %mul3A_29 = arith.constant 640 : i32
    %mul3A_30 = arith.muli %arg1, %mul3A_29 : i32
    %add3A_31 = arith.constant 448 : i32
    %add3A_32 = arith.addi %mul3A_30, %add3A_31 : i32
    "tpu.region"() ({
      %run_scoped3A = tpu.sem_alloc : memref<!tpu.dma_semaphore, #tpu.memory_space<semaphore_mem>>
      %dma_start3A_279 = arith.constant 0 : i32
      %dma_start3A_280 = tpu.memref_slice %arg13[%add3A_32, %dma_start3A_279] : memref<10240x128xf32, #tpu.memory_space<vmem_shared>> -> memref<64x128xf32, #tpu.memory_space<vmem_shared>>
      %dma_start3A_281 = arith.constant 0 : i32
      %dma_start3A_282 = tpu.memref_slice %arg13[%add3A_32, %dma_start3A_281] : memref<10240x128xf32, #tpu.memory_space<vmem_shared>> -> memref<64x128xf32, #tpu.memory_space<vmem_shared>>
      tpu.enqueue_dma source(%arg9 : memref<64x128xf32, #tpu.memory_space<vmem>>) target(%dma_start3A_282 : memref<64x128xf32, #tpu.memory_space<vmem_shared>>) target_semaphore(%run_scoped3A : memref<!tpu.dma_semaphore, #tpu.memory_space<semaphore_mem>>)
      %dma_wait3A_283 = arith.constant 0 : i32
      %dma_wait3A_284 = tpu.memref_slice %arg13[%add3A_32, %dma_wait3A_283] : memref<10240x128xf32, #tpu.memory_space<vmem_shared>> -> memref<64x128xf32, #tpu.memory_space<vmem_shared>>
      %dma_wait3A_285 = arith.constant 0 : i32
      %dma_wait3A_286 = tpu.memref_slice %arg13[%add3A_32, %dma_wait3A_285] : memref<10240x128xf32, #tpu.memory_space<vmem_shared>> -> memref<64x128xf32, #tpu.memory_space<vmem_shared>>
      tpu.wait_dma2 semaphore(%run_scoped3A : memref<!tpu.dma_semaphore, #tpu.memory_space<semaphore_mem>>) src(%arg9 : memref<64x128xf32, #tpu.memory_space<vmem>>) dst(%dma_wait3A_286 : memref<64x128xf32, #tpu.memory_space<vmem_shared>>)
      tpu.yield
    }) : () -> ()
    %mul3A_33 = arith.constant 640 : i32
    %mul3A_34 = arith.muli %arg1, %mul3A_33 : i32
    %add3A_35 = arith.constant 512 : i32
    %add3A_36 = arith.addi %mul3A_34, %add3A_35 : i32
    "tpu.region"() ({
      %run_scoped3A = tpu.sem_alloc : memref<!tpu.dma_semaphore, #tpu.memory_space<semaphore_mem>>
      %dma_start3A_279 = arith.constant 0 : i32
      %dma_start3A_280 = tpu.memref_slice %arg13[%add3A_36, %dma_start3A_279] : memref<10240x128xf32, #tpu.memory_space<vmem_shared>> -> memref<64x128xf32, #tpu.memory_space<vmem_shared>>
      %dma_start3A_281 = arith.constant 0 : i32
      %dma_start3A_282 = tpu.memref_slice %arg13[%add3A_36, %dma_start3A_281] : memref<10240x128xf32, #tpu.memory_space<vmem_shared>> -> memref<64x128xf32, #tpu.memory_space<vmem_shared>>
      tpu.enqueue_dma source(%arg9 : memref<64x128xf32, #tpu.memory_space<vmem>>) target(%dma_start3A_282 : memref<64x128xf32, #tpu.memory_space<vmem_shared>>) target_semaphore(%run_scoped3A : memref<!tpu.dma_semaphore, #tpu.memory_space<semaphore_mem>>)
      %dma_wait3A_283 = arith.constant 0 : i32
      %dma_wait3A_284 = tpu.memref_slice %arg13[%add3A_36, %dma_wait3A_283] : memref<10240x128xf32, #tpu.memory_space<vmem_shared>> -> memref<64x128xf32, #tpu.memory_space<vmem_shared>>
      %dma_wait3A_285 = arith.constant 0 : i32
      %dma_wait3A_286 = tpu.memref_slice %arg13[%add3A_36, %dma_wait3A_285] : memref<10240x128xf32, #tpu.memory_space<vmem_shared>> -> memref<64x128xf32, #tpu.memory_space<vmem_shared>>
      tpu.wait_dma2 semaphore(%run_scoped3A : memref<!tpu.dma_semaphore, #tpu.memory_space<semaphore_mem>>) src(%arg9 : memref<64x128xf32, #tpu.memory_space<vmem>>) dst(%dma_wait3A_286 : memref<64x128xf32, #tpu.memory_space<vmem_shared>>)
      tpu.yield
    }) : () -> ()
    %mul3A_37 = arith.constant 640 : i32
    %mul3A_38 = arith.muli %arg1, %mul3A_37 : i32
    %add3A_39 = arith.constant 576 : i32
    %add3A_40 = arith.addi %mul3A_38, %add3A_39 : i32
    "tpu.region"() ({
      %run_scoped3A = tpu.sem_alloc : memref<!tpu.dma_semaphore, #tpu.memory_space<semaphore_mem>>
      %dma_start3A_279 = arith.constant 0 : i32
      %dma_start3A_280 = tpu.memref_slice %arg13[%add3A_40, %dma_start3A_279] : memref<10240x128xf32, #tpu.memory_space<vmem_shared>> -> memref<64x128xf32, #tpu.memory_space<vmem_shared>>
      %dma_start3A_281 = arith.constant 0 : i32
      %dma_start3A_282 = tpu.memref_slice %arg13[%add3A_40, %dma_start3A_281] : memref<10240x128xf32, #tpu.memory_space<vmem_shared>> -> memref<64x128xf32, #tpu.memory_space<vmem_shared>>
      tpu.enqueue_dma source(%arg9 : memref<64x128xf32, #tpu.memory_space<vmem>>) target(%dma_start3A_282 : memref<64x128xf32, #tpu.memory_space<vmem_shared>>) target_semaphore(%run_scoped3A : memref<!tpu.dma_semaphore, #tpu.memory_space<semaphore_mem>>)
      %dma_wait3A_283 = arith.constant 0 : i32
      %dma_wait3A_284 = tpu.memref_slice %arg13[%add3A_40, %dma_wait3A_283] : memref<10240x128xf32, #tpu.memory_space<vmem_shared>> -> memref<64x128xf32, #tpu.memory_space<vmem_shared>>
      %dma_wait3A_285 = arith.constant 0 : i32
      %dma_wait3A_286 = tpu.memref_slice %arg13[%add3A_40, %dma_wait3A_285] : memref<10240x128xf32, #tpu.memory_space<vmem_shared>> -> memref<64x128xf32, #tpu.memory_space<vmem_shared>>
      tpu.wait_dma2 semaphore(%run_scoped3A : memref<!tpu.dma_semaphore, #tpu.memory_space<semaphore_mem>>) src(%arg9 : memref<64x128xf32, #tpu.memory_space<vmem>>) dst(%dma_wait3A_286 : memref<64x128xf32, #tpu.memory_space<vmem_shared>>)
      tpu.yield
    }) : () -> ()
    %barrier3A = arith.constant 0 : index
    tpu.barrier barrier_id(%barrier3A)
    %mul3A_41 = arith.constant 160 : i32
    %mul3A_42 = arith.muli %add3A, %mul3A_41 : i32
    %add3A_43 = arith.constant 0 : i32
    %add3A_44 = arith.addi %mul3A_42, %add3A_43 : i32
    "tpu.region"() ({
      %run_scoped3A = tpu.sem_alloc : memref<!tpu.dma_semaphore, #tpu.memory_space<semaphore_mem>>
      %dma_start3A_279 = arith.constant 0 : i32
      %dma_start3A_280 = tpu.memref_slice %arg3[%add3A_44, %dma_start3A_279] : memref<5120x64xi32, #tpu.memory_space<hbm>> -> memref<40x64xi32, #tpu.memory_space<hbm>>
      %dma_start3A_281 = arith.constant 0 : i32
      %dma_start3A_282 = tpu.memref_slice %arg3[%add3A_44, %dma_start3A_281] : memref<5120x64xi32, #tpu.memory_space<hbm>> -> memref<40x64xi32, #tpu.memory_space<hbm>>
      tpu.enqueue_dma source(%dma_start3A_282 : memref<40x64xi32, #tpu.memory_space<hbm>>) target(%arg7 : memref<40x64xi32, #tpu.memory_space<vmem>>) target_semaphore(%run_scoped3A : memref<!tpu.dma_semaphore, #tpu.memory_space<semaphore_mem>>)
      %dma_wait3A_283 = arith.constant 0 : i32
      %dma_wait3A_284 = tpu.memref_slice %arg3[%add3A_44, %dma_wait3A_283] : memref<5120x64xi32, #tpu.memory_space<hbm>> -> memref<40x64xi32, #tpu.memory_space<hbm>>
      %dma_wait3A_285 = arith.constant 0 : i32
      %dma_wait3A_286 = tpu.memref_slice %arg3[%add3A_44, %dma_wait3A_285] : memref<5120x64xi32, #tpu.memory_space<hbm>> -> memref<40x64xi32, #tpu.memory_space<hbm>>
      tpu.wait_dma2 semaphore(%run_scoped3A : memref<!tpu.dma_semaphore, #tpu.memory_space<semaphore_mem>>) src(%dma_wait3A_286 : memref<40x64xi32, #tpu.memory_space<hbm>>) dst(%arg7 : memref<40x64xi32, #tpu.memory_space<vmem>>)
      tpu.yield
    }) : () -> ()
    "tpu.region"() ({
      %run_scoped3A = tpu.sem_alloc : memref<!tpu.dma_semaphore, #tpu.memory_space<semaphore_mem>>
      %dma_start3A_279 = arith.constant 0 : i32
      %dma_start3A_280 = tpu.memref_slice %arg4[%add3A_44, %dma_start3A_279] : memref<5120x64xi32, #tpu.memory_space<hbm>> -> memref<40x64xi32, #tpu.memory_space<hbm>>
      %dma_start3A_281 = arith.constant 0 : i32
      %dma_start3A_282 = tpu.memref_slice %arg4[%add3A_44, %dma_start3A_281] : memref<5120x64xi32, #tpu.memory_space<hbm>> -> memref<40x64xi32, #tpu.memory_space<hbm>>
      tpu.enqueue_dma source(%dma_start3A_282 : memref<40x64xi32, #tpu.memory_space<hbm>>) target(%arg8 : memref<40x64xi32, #tpu.memory_space<vmem>>) target_semaphore(%run_scoped3A : memref<!tpu.dma_semaphore, #tpu.memory_space<semaphore_mem>>)
      %dma_wait3A_283 = arith.constant 0 : i32
      %dma_wait3A_284 = tpu.memref_slice %arg4[%add3A_44, %dma_wait3A_283] : memref<5120x64xi32, #tpu.memory_space<hbm>> -> memref<40x64xi32, #tpu.memory_space<hbm>>
      %dma_wait3A_285 = arith.constant 0 : i32
      %dma_wait3A_286 = tpu.memref_slice %arg4[%add3A_44, %dma_wait3A_285] : memref<5120x64xi32, #tpu.memory_space<hbm>> -> memref<40x64xi32, #tpu.memory_space<hbm>>
      tpu.wait_dma2 semaphore(%run_scoped3A : memref<!tpu.dma_semaphore, #tpu.memory_space<semaphore_mem>>) src(%dma_wait3A_286 : memref<40x64xi32, #tpu.memory_space<hbm>>) dst(%arg8 : memref<40x64xi32, #tpu.memory_space<vmem>>)
      tpu.yield
    }) : () -> ()
    %dma_start3A = arith.constant 0 : i32
    %dma_start3A_45 = arith.constant 0 : i32
    %dma_start3A_46 = tpu.memref_slice %arg7[%dma_start3A, %dma_start3A_45] : memref<40x64xi32, #tpu.memory_space<vmem>> -> memref<1x64xi32, #tpu.memory_space<vmem>>
    %dma_start3A_47 = tpu.memref_squeeze %dma_start3A_46 : memref<1x64xi32, #tpu.memory_space<vmem>> -> memref<64xi32, #tpu.memory_space<vmem>>
    %dma_start3A_48 = arith.constant 0 : i32
    %dma_start3A_49 = arith.constant 0 : i32
    %dma_start3A_50 = tpu.memref_slice %arg2[%dma_start3A_48, %dma_start3A_49] : memref<10240x128xf32, #tpu.memory_space<hbm>> -> memref<10240x128xf32, #tpu.memory_space<hbm>>
    tpu.enqueue_indirect_dma source(%dma_start3A_50 : memref<10240x128xf32, #tpu.memory_space<hbm>>) target(%arg9 : memref<64x128xf32, #tpu.memory_space<vmem>>) offsets(%dma_start3A_47 : memref<64xi32, #tpu.memory_space<vmem>>) semaphore(%arg14 : memref<!tpu.dma_semaphore, #tpu.memory_space<semaphore_mem>>)
    %dma_start3A_51 = arith.constant 1 : i32
    %dma_start3A_52 = arith.constant 0 : i32
    %dma_start3A_53 = tpu.memref_slice %arg7[%dma_start3A_51, %dma_start3A_52] : memref<40x64xi32, #tpu.memory_space<vmem>> -> memref<1x64xi32, #tpu.memory_space<vmem>>
    %dma_start3A_54 = tpu.memref_squeeze %dma_start3A_53 : memref<1x64xi32, #tpu.memory_space<vmem>> -> memref<64xi32, #tpu.memory_space<vmem>>
    %dma_start3A_55 = arith.constant 0 : i32
    %dma_start3A_56 = arith.constant 0 : i32
    %dma_start3A_57 = tpu.memref_slice %arg2[%dma_start3A_55, %dma_start3A_56] : memref<10240x128xf32, #tpu.memory_space<hbm>> -> memref<10240x128xf32, #tpu.memory_space<hbm>>
    tpu.enqueue_indirect_dma source(%dma_start3A_57 : memref<10240x128xf32, #tpu.memory_space<hbm>>) target(%arg10 : memref<64x128xf32, #tpu.memory_space<vmem>>) offsets(%dma_start3A_54 : memref<64xi32, #tpu.memory_space<vmem>>) semaphore(%arg15 : memref<!tpu.dma_semaphore, #tpu.memory_space<semaphore_mem>>)
    %dma_start3A_58 = arith.constant 2 : i32
    %dma_start3A_59 = arith.constant 0 : i32
    %dma_start3A_60 = tpu.memref_slice %arg7[%dma_start3A_58, %dma_start3A_59] : memref<40x64xi32, #tpu.memory_space<vmem>> -> memref<1x64xi32, #tpu.memory_space<vmem>>
    %dma_start3A_61 = tpu.memref_squeeze %dma_start3A_60 : memref<1x64xi32, #tpu.memory_space<vmem>> -> memref<64xi32, #tpu.memory_space<vmem>>
    %dma_start3A_62 = arith.constant 0 : i32
    %dma_start3A_63 = arith.constant 0 : i32
    %dma_start3A_64 = tpu.memref_slice %arg2[%dma_start3A_62, %dma_start3A_63] : memref<10240x128xf32, #tpu.memory_space<hbm>> -> memref<10240x128xf32, #tpu.memory_space<hbm>>
    tpu.enqueue_indirect_dma source(%dma_start3A_64 : memref<10240x128xf32, #tpu.memory_space<hbm>>) target(%arg11 : memref<64x128xf32, #tpu.memory_space<vmem>>) offsets(%dma_start3A_61 : memref<64xi32, #tpu.memory_space<vmem>>) semaphore(%arg16 : memref<!tpu.dma_semaphore, #tpu.memory_space<semaphore_mem>>)
    %scan3A = arith.constant 0 : i32
    %scan3A_65 = arith.constant 0 : i32
    %scan3A_66 = arith.constant 10 : i32
    %scan3A_67 = arith.addi %scan3A_65, %scan3A_66 : i32
    %scan3A_68 = arith.constant 1 : i32
    scf.for %scan3A_279 = %scan3A_65 to %scan3A_67 step %scan3A_68  : i32 {
      %mul3A_280 = arith.constant 4 : i32
      %mul3A_281 = arith.muli %mul3A_280, %scan3A_279 : i32
      %add3A_282 = arith.constant 0 : i32
      %add3A_283 = arith.addi %mul3A_281, %add3A_282 : i32
      %dma_wait3A_284 = arith.constant 0 : i32
      %dma_wait3A_285 = arith.constant 0 : i32
      %dma_wait3A_286 = tpu.memref_slice %arg7[%dma_wait3A_284, %dma_wait3A_285] : memref<40x64xi32, #tpu.memory_space<vmem>> -> memref<1x64xi32, #tpu.memory_space<vmem>>
      %dma_wait3A_287 = tpu.memref_squeeze %dma_wait3A_286 : memref<1x64xi32, #tpu.memory_space<vmem>> -> memref<64xi32, #tpu.memory_space<vmem>>
      %dma_wait3A_288 = arith.constant 0 : i32
      %dma_wait3A_289 = arith.constant 0 : i32
      %dma_wait3A_290 = tpu.memref_slice %arg2[%dma_wait3A_288, %dma_wait3A_289] : memref<10240x128xf32, #tpu.memory_space<hbm>> -> memref<10240x128xf32, #tpu.memory_space<hbm>>
      tpu.wait_indirect_dma semaphore(%arg14 : memref<!tpu.dma_semaphore, #tpu.memory_space<semaphore_mem>>) src(%dma_wait3A_290 : memref<10240x128xf32, #tpu.memory_space<hbm>>) dst(%arg9 : memref<64x128xf32, #tpu.memory_space<vmem>>)
      %dma_start3A_291 = arith.constant 0 : i32
      %dma_start3A_292 = tpu.memref_slice %arg8[%add3A_283, %dma_start3A_291] : memref<40x64xi32, #tpu.memory_space<vmem>> -> memref<1x64xi32, #tpu.memory_space<vmem>>
      %dma_start3A_293 = tpu.memref_squeeze %dma_start3A_292 : memref<1x64xi32, #tpu.memory_space<vmem>> -> memref<64xi32, #tpu.memory_space<vmem>>
      %dma_start3A_294 = arith.constant 0 : i32
      %dma_start3A_295 = arith.constant 0 : i32
      %dma_start3A_296 = tpu.memref_slice %arg13[%dma_start3A_294, %dma_start3A_295] : memref<10240x128xf32, #tpu.memory_space<vmem_shared>> -> memref<10240x128xf32, #tpu.memory_space<vmem_shared>>
      tpu.enqueue_indirect_dma source(%arg9 : memref<64x128xf32, #tpu.memory_space<vmem>>) target(%dma_start3A_296 : memref<10240x128xf32, #tpu.memory_space<vmem_shared>>) offsets(%dma_start3A_293 : memref<64xi32, #tpu.memory_space<vmem>>) semaphore(%arg18 : memref<!tpu.dma_semaphore, #tpu.memory_space<semaphore_mem>>) {add = true}
      %add3A_297 = arith.constant 3 : i32
      %add3A_298 = arith.addi %add3A_283, %add3A_297 : i32
      %lt3A = arith.constant 40 : i32
      %lt3A_299 = arith.cmpi slt, %add3A_298, %lt3A : i32
      %convert_element_type3A = arith.extui %lt3A_299 : i1 to i32
      %cond3A = arith.constant 0 : i32
      %cond3A_300 = arith.cmpi ne, %convert_element_type3A, %cond3A : i32
      scf.if %cond3A_300 {
        %ge3A = arith.constant 1 : i32
        %ge3A_367 = arith.cmpi sge, %add3A_283, %ge3A : i32
        %convert_element_type3A_368 = arith.extui %ge3A_367 : i1 to i32
        %cond3A_369 = arith.constant 0 : i32
        %cond3A_370 = arith.cmpi ne, %convert_element_type3A_368, %cond3A_369 : i32
        scf.if %cond3A_370 {
          %dma_wait3A_379 = arith.constant 0 : i32
          %dma_wait3A_380 = arith.constant 0 : i32
          %dma_wait3A_381 = tpu.memref_slice %arg8[%dma_wait3A_379, %dma_wait3A_380] : memref<40x64xi32, #tpu.memory_space<vmem>> -> memref<1x64xi32, #tpu.memory_space<vmem>>
          %dma_wait3A_382 = tpu.memref_squeeze %dma_wait3A_381 : memref<1x64xi32, #tpu.memory_space<vmem>> -> memref<64xi32, #tpu.memory_space<vmem>>
          %dma_wait3A_383 = arith.constant 0 : i32
          %dma_wait3A_384 = arith.constant 0 : i32
          %dma_wait3A_385 = tpu.memref_slice %arg13[%dma_wait3A_383, %dma_wait3A_384] : memref<10240x128xf32, #tpu.memory_space<vmem_shared>> -> memref<10240x128xf32, #tpu.memory_space<vmem_shared>>
          tpu.wait_indirect_dma semaphore(%arg21 : memref<!tpu.dma_semaphore, #tpu.memory_space<semaphore_mem>>) src(%arg12 : memref<64x128xf32, #tpu.memory_space<vmem>>) dst(%dma_wait3A_385 : memref<10240x128xf32, #tpu.memory_space<vmem_shared>>)
        } else {
        }
        %add3A_371 = arith.constant 3 : i32
        %add3A_372 = arith.addi %add3A_283, %add3A_371 : i32
        %dma_start3A_373 = arith.constant 0 : i32
        %dma_start3A_374 = tpu.memref_slice %arg7[%add3A_372, %dma_start3A_373] : memref<40x64xi32, #tpu.memory_space<vmem>> -> memref<1x64xi32, #tpu.memory_space<vmem>>
        %dma_start3A_375 = tpu.memref_squeeze %dma_start3A_374 : memref<1x64xi32, #tpu.memory_space<vmem>> -> memref<64xi32, #tpu.memory_space<vmem>>
        %dma_start3A_376 = arith.constant 0 : i32
        %dma_start3A_377 = arith.constant 0 : i32
        %dma_start3A_378 = tpu.memref_slice %arg2[%dma_start3A_376, %dma_start3A_377] : memref<10240x128xf32, #tpu.memory_space<hbm>> -> memref<10240x128xf32, #tpu.memory_space<hbm>>
        tpu.enqueue_indirect_dma source(%dma_start3A_378 : memref<10240x128xf32, #tpu.memory_space<hbm>>) target(%arg12 : memref<64x128xf32, #tpu.memory_space<vmem>>) offsets(%dma_start3A_375 : memref<64xi32, #tpu.memory_space<vmem>>) semaphore(%arg17 : memref<!tpu.dma_semaphore, #tpu.memory_space<semaphore_mem>>)
      } else {
      }
      %add3A_301 = arith.constant 1 : i32
      %add3A_302 = arith.addi %mul3A_281, %add3A_301 : i32
      %dma_wait3A_303 = arith.constant 0 : i32
      %dma_wait3A_304 = arith.constant 0 : i32
      %dma_wait3A_305 = tpu.memref_slice %arg7[%dma_wait3A_303, %dma_wait3A_304] : memref<40x64xi32, #tpu.memory_space<vmem>> -> memref<1x64xi32, #tpu.memory_space<vmem>>
      %dma_wait3A_306 = tpu.memref_squeeze %dma_wait3A_305 : memref<1x64xi32, #tpu.memory_space<vmem>> -> memref<64xi32, #tpu.memory_space<vmem>>
      %dma_wait3A_307 = arith.constant 0 : i32
      %dma_wait3A_308 = arith.constant 0 : i32
      %dma_wait3A_309 = tpu.memref_slice %arg2[%dma_wait3A_307, %dma_wait3A_308] : memref<10240x128xf32, #tpu.memory_space<hbm>> -> memref<10240x128xf32, #tpu.memory_space<hbm>>
      tpu.wait_indirect_dma semaphore(%arg15 : memref<!tpu.dma_semaphore, #tpu.memory_space<semaphore_mem>>) src(%dma_wait3A_309 : memref<10240x128xf32, #tpu.memory_space<hbm>>) dst(%arg10 : memref<64x128xf32, #tpu.memory_space<vmem>>)
      %dma_start3A_310 = arith.constant 0 : i32
      %dma_start3A_311 = tpu.memref_slice %arg8[%add3A_302, %dma_start3A_310] : memref<40x64xi32, #tpu.memory_space<vmem>> -> memref<1x64xi32, #tpu.memory_space<vmem>>
      %dma_start3A_312 = tpu.memref_squeeze %dma_start3A_311 : memref<1x64xi32, #tpu.memory_space<vmem>> -> memref<64xi32, #tpu.memory_space<vmem>>
      %dma_start3A_313 = arith.constant 0 : i32
      %dma_start3A_314 = arith.constant 0 : i32
      %dma_start3A_315 = tpu.memref_slice %arg13[%dma_start3A_313, %dma_start3A_314] : memref<10240x128xf32, #tpu.memory_space<vmem_shared>> -> memref<10240x128xf32, #tpu.memory_space<vmem_shared>>
      tpu.enqueue_indirect_dma source(%arg10 : memref<64x128xf32, #tpu.memory_space<vmem>>) target(%dma_start3A_315 : memref<10240x128xf32, #tpu.memory_space<vmem_shared>>) offsets(%dma_start3A_312 : memref<64xi32, #tpu.memory_space<vmem>>) semaphore(%arg19 : memref<!tpu.dma_semaphore, #tpu.memory_space<semaphore_mem>>) {add = true}
      %add3A_316 = arith.constant 3 : i32
      %add3A_317 = arith.addi %add3A_302, %add3A_316 : i32
      %lt3A_318 = arith.constant 40 : i32
      %lt3A_319 = arith.cmpi slt, %add3A_317, %lt3A_318 : i32
      %convert_element_type3A_320 = arith.extui %lt3A_319 : i1 to i32
      %cond3A_321 = arith.constant 0 : i32
      %cond3A_322 = arith.cmpi ne, %convert_element_type3A_320, %cond3A_321 : i32
      scf.if %cond3A_322 {
        %ge3A = arith.constant 1 : i32
        %ge3A_367 = arith.cmpi sge, %add3A_302, %ge3A : i32
        %convert_element_type3A_368 = arith.extui %ge3A_367 : i1 to i32
        %cond3A_369 = arith.constant 0 : i32
        %cond3A_370 = arith.cmpi ne, %convert_element_type3A_368, %cond3A_369 : i32
        scf.if %cond3A_370 {
          %dma_wait3A_379 = arith.constant 0 : i32
          %dma_wait3A_380 = arith.constant 0 : i32
          %dma_wait3A_381 = tpu.memref_slice %arg8[%dma_wait3A_379, %dma_wait3A_380] : memref<40x64xi32, #tpu.memory_space<vmem>> -> memref<1x64xi32, #tpu.memory_space<vmem>>
          %dma_wait3A_382 = tpu.memref_squeeze %dma_wait3A_381 : memref<1x64xi32, #tpu.memory_space<vmem>> -> memref<64xi32, #tpu.memory_space<vmem>>
          %dma_wait3A_383 = arith.constant 0 : i32
          %dma_wait3A_384 = arith.constant 0 : i32
          %dma_wait3A_385 = tpu.memref_slice %arg13[%dma_wait3A_383, %dma_wait3A_384] : memref<10240x128xf32, #tpu.memory_space<vmem_shared>> -> memref<10240x128xf32, #tpu.memory_space<vmem_shared>>
          tpu.wait_indirect_dma semaphore(%arg18 : memref<!tpu.dma_semaphore, #tpu.memory_space<semaphore_mem>>) src(%arg9 : memref<64x128xf32, #tpu.memory_space<vmem>>) dst(%dma_wait3A_385 : memref<10240x128xf32, #tpu.memory_space<vmem_shared>>)
        } else {
        }
        %add3A_371 = arith.constant 3 : i32
        %add3A_372 = arith.addi %add3A_302, %add3A_371 : i32
        %dma_start3A_373 = arith.constant 0 : i32
        %dma_start3A_374 = tpu.memref_slice %arg7[%add3A_372, %dma_start3A_373] : memref<40x64xi32, #tpu.memory_space<vmem>> -> memref<1x64xi32, #tpu.memory_space<vmem>>
        %dma_start3A_375 = tpu.memref_squeeze %dma_start3A_374 : memref<1x64xi32, #tpu.memory_space<vmem>> -> memref<64xi32, #tpu.memory_space<vmem>>
        %dma_start3A_376 = arith.constant 0 : i32
        %dma_start3A_377 = arith.constant 0 : i32
        %dma_start3A_378 = tpu.memref_slice %arg2[%dma_start3A_376, %dma_start3A_377] : memref<10240x128xf32, #tpu.memory_space<hbm>> -> memref<10240x128xf32, #tpu.memory_space<hbm>>
        tpu.enqueue_indirect_dma source(%dma_start3A_378 : memref<10240x128xf32, #tpu.memory_space<hbm>>) target(%arg9 : memref<64x128xf32, #tpu.memory_space<vmem>>) offsets(%dma_start3A_375 : memref<64xi32, #tpu.memory_space<vmem>>) semaphore(%arg14 : memref<!tpu.dma_semaphore, #tpu.memory_space<semaphore_mem>>)
      } else {
      }
      %add3A_323 = arith.constant 2 : i32
      %add3A_324 = arith.addi %mul3A_281, %add3A_323 : i32
      %dma_wait3A_325 = arith.constant 0 : i32
      %dma_wait3A_326 = arith.constant 0 : i32
      %dma_wait3A_327 = tpu.memref_slice %arg7[%dma_wait3A_325, %dma_wait3A_326] : memref<40x64xi32, #tpu.memory_space<vmem>> -> memref<1x64xi32, #tpu.memory_space<vmem>>
      %dma_wait3A_328 = tpu.memref_squeeze %dma_wait3A_327 : memref<1x64xi32, #tpu.memory_space<vmem>> -> memref<64xi32, #tpu.memory_space<vmem>>
      %dma_wait3A_329 = arith.constant 0 : i32
      %dma_wait3A_330 = arith.constant 0 : i32
      %dma_wait3A_331 = tpu.memref_slice %arg2[%dma_wait3A_329, %dma_wait3A_330] : memref<10240x128xf32, #tpu.memory_space<hbm>> -> memref<10240x128xf32, #tpu.memory_space<hbm>>
      tpu.wait_indirect_dma semaphore(%arg16 : memref<!tpu.dma_semaphore, #tpu.memory_space<semaphore_mem>>) src(%dma_wait3A_331 : memref<10240x128xf32, #tpu.memory_space<hbm>>) dst(%arg11 : memref<64x128xf32, #tpu.memory_space<vmem>>)
      %dma_start3A_332 = arith.constant 0 : i32
      %dma_start3A_333 = tpu.memref_slice %arg8[%add3A_324, %dma_start3A_332] : memref<40x64xi32, #tpu.memory_space<vmem>> -> memref<1x64xi32, #tpu.memory_space<vmem>>
      %dma_start3A_334 = tpu.memref_squeeze %dma_start3A_333 : memref<1x64xi32, #tpu.memory_space<vmem>> -> memref<64xi32, #tpu.memory_space<vmem>>
      %dma_start3A_335 = arith.constant 0 : i32
      %dma_start3A_336 = arith.constant 0 : i32
      %dma_start3A_337 = tpu.memref_slice %arg13[%dma_start3A_335, %dma_start3A_336] : memref<10240x128xf32, #tpu.memory_space<vmem_shared>> -> memref<10240x128xf32, #tpu.memory_space<vmem_shared>>
      tpu.enqueue_indirect_dma source(%arg11 : memref<64x128xf32, #tpu.memory_space<vmem>>) target(%dma_start3A_337 : memref<10240x128xf32, #tpu.memory_space<vmem_shared>>) offsets(%dma_start3A_334 : memref<64xi32, #tpu.memory_space<vmem>>) semaphore(%arg20 : memref<!tpu.dma_semaphore, #tpu.memory_space<semaphore_mem>>) {add = true}
      %add3A_338 = arith.constant 3 : i32
      %add3A_339 = arith.addi %add3A_324, %add3A_338 : i32
      %lt3A_340 = arith.constant 40 : i32
      %lt3A_341 = arith.cmpi slt, %add3A_339, %lt3A_340 : i32
      %convert_element_type3A_342 = arith.extui %lt3A_341 : i1 to i32
      %cond3A_343 = arith.constant 0 : i32
      %cond3A_344 = arith.cmpi ne, %convert_element_type3A_342, %cond3A_343 : i32
      scf.if %cond3A_344 {
        %ge3A = arith.constant 1 : i32
        %ge3A_367 = arith.cmpi sge, %add3A_324, %ge3A : i32
        %convert_element_type3A_368 = arith.extui %ge3A_367 : i1 to i32
        %cond3A_369 = arith.constant 0 : i32
        %cond3A_370 = arith.cmpi ne, %convert_element_type3A_368, %cond3A_369 : i32
        scf.if %cond3A_370 {
          %dma_wait3A_379 = arith.constant 0 : i32
          %dma_wait3A_380 = arith.constant 0 : i32
          %dma_wait3A_381 = tpu.memref_slice %arg8[%dma_wait3A_379, %dma_wait3A_380] : memref<40x64xi32, #tpu.memory_space<vmem>> -> memref<1x64xi32, #tpu.memory_space<vmem>>
          %dma_wait3A_382 = tpu.memref_squeeze %dma_wait3A_381 : memref<1x64xi32, #tpu.memory_space<vmem>> -> memref<64xi32, #tpu.memory_space<vmem>>
          %dma_wait3A_383 = arith.constant 0 : i32
          %dma_wait3A_384 = arith.constant 0 : i32
          %dma_wait3A_385 = tpu.memref_slice %arg13[%dma_wait3A_383, %dma_wait3A_384] : memref<10240x128xf32, #tpu.memory_space<vmem_shared>> -> memref<10240x128xf32, #tpu.memory_space<vmem_shared>>
          tpu.wait_indirect_dma semaphore(%arg19 : memref<!tpu.dma_semaphore, #tpu.memory_space<semaphore_mem>>) src(%arg10 : memref<64x128xf32, #tpu.memory_space<vmem>>) dst(%dma_wait3A_385 : memref<10240x128xf32, #tpu.memory_space<vmem_shared>>)
        } else {
        }
        %add3A_371 = arith.constant 3 : i32
        %add3A_372 = arith.addi %add3A_324, %add3A_371 : i32
        %dma_start3A_373 = arith.constant 0 : i32
        %dma_start3A_374 = tpu.memref_slice %arg7[%add3A_372, %dma_start3A_373] : memref<40x64xi32, #tpu.memory_space<vmem>> -> memref<1x64xi32, #tpu.memory_space<vmem>>
        %dma_start3A_375 = tpu.memref_squeeze %dma_start3A_374 : memref<1x64xi32, #tpu.memory_space<vmem>> -> memref<64xi32, #tpu.memory_space<vmem>>
        %dma_start3A_376 = arith.constant 0 : i32
        %dma_start3A_377 = arith.constant 0 : i32
        %dma_start3A_378 = tpu.memref_slice %arg2[%dma_start3A_376, %dma_start3A_377] : memref<10240x128xf32, #tpu.memory_space<hbm>> -> memref<10240x128xf32, #tpu.memory_space<hbm>>
        tpu.enqueue_indirect_dma source(%dma_start3A_378 : memref<10240x128xf32, #tpu.memory_space<hbm>>) target(%arg10 : memref<64x128xf32, #tpu.memory_space<vmem>>) offsets(%dma_start3A_375 : memref<64xi32, #tpu.memory_space<vmem>>) semaphore(%arg15 : memref<!tpu.dma_semaphore, #tpu.memory_space<semaphore_mem>>)
      } else {
      }
      %add3A_345 = arith.constant 3 : i32
      %add3A_346 = arith.addi %mul3A_281, %add3A_345 : i32
      %dma_wait3A_347 = arith.constant 0 : i32
      %dma_wait3A_348 = arith.constant 0 : i32
      %dma_wait3A_349 = tpu.memref_slice %arg7[%dma_wait3A_347, %dma_wait3A_348] : memref<40x64xi32, #tpu.memory_space<vmem>> -> memref<1x64xi32, #tpu.memory_space<vmem>>
      %dma_wait3A_350 = tpu.memref_squeeze %dma_wait3A_349 : memref<1x64xi32, #tpu.memory_space<vmem>> -> memref<64xi32, #tpu.memory_space<vmem>>
      %dma_wait3A_351 = arith.constant 0 : i32
      %dma_wait3A_352 = arith.constant 0 : i32
      %dma_wait3A_353 = tpu.memref_slice %arg2[%dma_wait3A_351, %dma_wait3A_352] : memref<10240x128xf32, #tpu.memory_space<hbm>> -> memref<10240x128xf32, #tpu.memory_space<hbm>>
      tpu.wait_indirect_dma semaphore(%arg17 : memref<!tpu.dma_semaphore, #tpu.memory_space<semaphore_mem>>) src(%dma_wait3A_353 : memref<10240x128xf32, #tpu.memory_space<hbm>>) dst(%arg12 : memref<64x128xf32, #tpu.memory_space<vmem>>)
      %dma_start3A_354 = arith.constant 0 : i32
      %dma_start3A_355 = tpu.memref_slice %arg8[%add3A_346, %dma_start3A_354] : memref<40x64xi32, #tpu.memory_space<vmem>> -> memref<1x64xi32, #tpu.memory_space<vmem>>
      %dma_start3A_356 = tpu.memref_squeeze %dma_start3A_355 : memref<1x64xi32, #tpu.memory_space<vmem>> -> memref<64xi32, #tpu.memory_space<vmem>>
      %dma_start3A_357 = arith.constant 0 : i32
      %dma_start3A_358 = arith.constant 0 : i32
      %dma_start3A_359 = tpu.memref_slice %arg13[%dma_start3A_357, %dma_start3A_358] : memref<10240x128xf32, #tpu.memory_space<vmem_shared>> -> memref<10240x128xf32, #tpu.memory_space<vmem_shared>>
      tpu.enqueue_indirect_dma source(%arg12 : memref<64x128xf32, #tpu.memory_space<vmem>>) target(%dma_start3A_359 : memref<10240x128xf32, #tpu.memory_space<vmem_shared>>) offsets(%dma_start3A_356 : memref<64xi32, #tpu.memory_space<vmem>>) semaphore(%arg21 : memref<!tpu.dma_semaphore, #tpu.memory_space<semaphore_mem>>) {add = true}
      %add3A_360 = arith.constant 3 : i32
      %add3A_361 = arith.addi %add3A_346, %add3A_360 : i32
      %lt3A_362 = arith.constant 40 : i32
      %lt3A_363 = arith.cmpi slt, %add3A_361, %lt3A_362 : i32
      %convert_element_type3A_364 = arith.extui %lt3A_363 : i1 to i32
      %cond3A_365 = arith.constant 0 : i32
      %cond3A_366 = arith.cmpi ne, %convert_element_type3A_364, %cond3A_365 : i32
      scf.if %cond3A_366 {
        %ge3A = arith.constant 1 : i32
        %ge3A_367 = arith.cmpi sge, %add3A_346, %ge3A : i32
        %convert_element_type3A_368 = arith.extui %ge3A_367 : i1 to i32
        %cond3A_369 = arith.constant 0 : i32
        %cond3A_370 = arith.cmpi ne, %convert_element_type3A_368, %cond3A_369 : i32
        scf.if %cond3A_370 {
          %dma_wait3A_379 = arith.constant 0 : i32
          %dma_wait3A_380 = arith.constant 0 : i32
          %dma_wait3A_381 = tpu.memref_slice %arg8[%dma_wait3A_379, %dma_wait3A_380] : memref<40x64xi32, #tpu.memory_space<vmem>> -> memref<1x64xi32, #tpu.memory_space<vmem>>
          %dma_wait3A_382 = tpu.memref_squeeze %dma_wait3A_381 : memref<1x64xi32, #tpu.memory_space<vmem>> -> memref<64xi32, #tpu.memory_space<vmem>>
          %dma_wait3A_383 = arith.constant 0 : i32
          %dma_wait3A_384 = arith.constant 0 : i32
          %dma_wait3A_385 = tpu.memref_slice %arg13[%dma_wait3A_383, %dma_wait3A_384] : memref<10240x128xf32, #tpu.memory_space<vmem_shared>> -> memref<10240x128xf32, #tpu.memory_space<vmem_shared>>
          tpu.wait_indirect_dma semaphore(%arg20 : memref<!tpu.dma_semaphore, #tpu.memory_space<semaphore_mem>>) src(%arg11 : memref<64x128xf32, #tpu.memory_space<vmem>>) dst(%dma_wait3A_385 : memref<10240x128xf32, #tpu.memory_space<vmem_shared>>)
        } else {
        }
        %add3A_371 = arith.constant 3 : i32
        %add3A_372 = arith.addi %add3A_346, %add3A_371 : i32
        %dma_start3A_373 = arith.constant 0 : i32
        %dma_start3A_374 = tpu.memref_slice %arg7[%add3A_372, %dma_start3A_373] : memref<40x64xi32, #tpu.memory_space<vmem>> -> memref<1x64xi32, #tpu.memory_space<vmem>>
        %dma_start3A_375 = tpu.memref_squeeze %dma_start3A_374 : memref<1x64xi32, #tpu.memory_space<vmem>> -> memref<64xi32, #tpu.memory_space<vmem>>
        %dma_start3A_376 = arith.constant 0 : i32
        %dma_start3A_377 = arith.constant 0 : i32
        %dma_start3A_378 = tpu.memref_slice %arg2[%dma_start3A_376, %dma_start3A_377] : memref<10240x128xf32, #tpu.memory_space<hbm>> -> memref<10240x128xf32, #tpu.memory_space<hbm>>
        tpu.enqueue_indirect_dma source(%dma_start3A_378 : memref<10240x128xf32, #tpu.memory_space<hbm>>) target(%arg11 : memref<64x128xf32, #tpu.memory_space<vmem>>) offsets(%dma_start3A_375 : memref<64xi32, #tpu.memory_space<vmem>>) semaphore(%arg16 : memref<!tpu.dma_semaphore, #tpu.memory_space<semaphore_mem>>)
      } else {
      }
    }
    %scan3A_69 = arith.constant 10 : i32
    %dma_wait3A = arith.constant 0 : i32
    %dma_wait3A_70 = arith.constant 0 : i32
    %dma_wait3A_71 = tpu.memref_slice %arg8[%dma_wait3A, %dma_wait3A_70] : memref<40x64xi32, #tpu.memory_space<vmem>> -> memref<1x64xi32, #tpu.memory_space<vmem>>
    %dma_wait3A_72 = tpu.memref_squeeze %dma_wait3A_71 : memref<1x64xi32, #tpu.memory_space<vmem>> -> memref<64xi32, #tpu.memory_space<vmem>>
    %dma_wait3A_73 = arith.constant 0 : i32
    %dma_wait3A_74 = arith.constant 0 : i32
    %dma_wait3A_75 = tpu.memref_slice %arg13[%dma_wait3A_73, %dma_wait3A_74] : memref<10240x128xf32, #tpu.memory_space<vmem_shared>> -> memref<10240x128xf32, #tpu.memory_space<vmem_shared>>
    tpu.wait_indirect_dma semaphore(%arg18 : memref<!tpu.dma_semaphore, #tpu.memory_space<semaphore_mem>>) src(%arg9 : memref<64x128xf32, #tpu.memory_space<vmem>>) dst(%dma_wait3A_75 : memref<10240x128xf32, #tpu.memory_space<vmem_shared>>)
    %dma_wait3A_76 = arith.constant 0 : i32
    %dma_wait3A_77 = arith.constant 0 : i32
    %dma_wait3A_78 = tpu.memref_slice %arg8[%dma_wait3A_76, %dma_wait3A_77] : memref<40x64xi32, #tpu.memory_space<vmem>> -> memref<1x64xi32, #tpu.memory_space<vmem>>
    %dma_wait3A_79 = tpu.memref_squeeze %dma_wait3A_78 : memref<1x64xi32, #tpu.memory_space<vmem>> -> memref<64xi32, #tpu.memory_space<vmem>>
    %dma_wait3A_80 = arith.constant 0 : i32
    %dma_wait3A_81 = arith.constant 0 : i32
    %dma_wait3A_82 = tpu.memref_slice %arg13[%dma_wait3A_80, %dma_wait3A_81] : memref<10240x128xf32, #tpu.memory_space<vmem_shared>> -> memref<10240x128xf32, #tpu.memory_space<vmem_shared>>
    tpu.wait_indirect_dma semaphore(%arg19 : memref<!tpu.dma_semaphore, #tpu.memory_space<semaphore_mem>>) src(%arg10 : memref<64x128xf32, #tpu.memory_space<vmem>>) dst(%dma_wait3A_82 : memref<10240x128xf32, #tpu.memory_space<vmem_shared>>)
    %dma_wait3A_83 = arith.constant 0 : i32
    %dma_wait3A_84 = arith.constant 0 : i32
    %dma_wait3A_85 = tpu.memref_slice %arg8[%dma_wait3A_83, %dma_wait3A_84] : memref<40x64xi32, #tpu.memory_space<vmem>> -> memref<1x64xi32, #tpu.memory_space<vmem>>
    %dma_wait3A_86 = tpu.memref_squeeze %dma_wait3A_85 : memref<1x64xi32, #tpu.memory_space<vmem>> -> memref<64xi32, #tpu.memory_space<vmem>>
    %dma_wait3A_87 = arith.constant 0 : i32
    %dma_wait3A_88 = arith.constant 0 : i32
    %dma_wait3A_89 = tpu.memref_slice %arg13[%dma_wait3A_87, %dma_wait3A_88] : memref<10240x128xf32, #tpu.memory_space<vmem_shared>> -> memref<10240x128xf32, #tpu.memory_space<vmem_shared>>
    tpu.wait_indirect_dma semaphore(%arg20 : memref<!tpu.dma_semaphore, #tpu.memory_space<semaphore_mem>>) src(%arg11 : memref<64x128xf32, #tpu.memory_space<vmem>>) dst(%dma_wait3A_89 : memref<10240x128xf32, #tpu.memory_space<vmem_shared>>)
    %dma_wait3A_90 = arith.constant 0 : i32
    %dma_wait3A_91 = arith.constant 0 : i32
    %dma_wait3A_92 = tpu.memref_slice %arg8[%dma_wait3A_90, %dma_wait3A_91] : memref<40x64xi32, #tpu.memory_space<vmem>> -> memref<1x64xi32, #tpu.memory_space<vmem>>
    %dma_wait3A_93 = tpu.memref_squeeze %dma_wait3A_92 : memref<1x64xi32, #tpu.memory_space<vmem>> -> memref<64xi32, #tpu.memory_space<vmem>>
    %dma_wait3A_94 = arith.constant 0 : i32
    %dma_wait3A_95 = arith.constant 0 : i32
    %dma_wait3A_96 = tpu.memref_slice %arg13[%dma_wait3A_94, %dma_wait3A_95] : memref<10240x128xf32, #tpu.memory_space<vmem_shared>> -> memref<10240x128xf32, #tpu.memory_space<vmem_shared>>
    tpu.wait_indirect_dma semaphore(%arg21 : memref<!tpu.dma_semaphore, #tpu.memory_space<semaphore_mem>>) src(%arg12 : memref<64x128xf32, #tpu.memory_space<vmem>>) dst(%dma_wait3A_96 : memref<10240x128xf32, #tpu.memory_space<vmem_shared>>)
    %mul3A_97 = arith.constant 160 : i32
    %mul3A_98 = arith.muli %add3A, %mul3A_97 : i32
    %add3A_99 = arith.constant 40 : i32
    %add3A_100 = arith.addi %mul3A_98, %add3A_99 : i32
    "tpu.region"() ({
      %run_scoped3A = tpu.sem_alloc : memref<!tpu.dma_semaphore, #tpu.memory_space<semaphore_mem>>
      %dma_start3A_279 = arith.constant 0 : i32
      %dma_start3A_280 = tpu.memref_slice %arg3[%add3A_100, %dma_start3A_279] : memref<5120x64xi32, #tpu.memory_space<hbm>> -> memref<40x64xi32, #tpu.memory_space<hbm>>
      %dma_start3A_281 = arith.constant 0 : i32
      %dma_start3A_282 = tpu.memref_slice %arg3[%add3A_100, %dma_start3A_281] : memref<5120x64xi32, #tpu.memory_space<hbm>> -> memref<40x64xi32, #tpu.memory_space<hbm>>
      tpu.enqueue_dma source(%dma_start3A_282 : memref<40x64xi32, #tpu.memory_space<hbm>>) target(%arg7 : memref<40x64xi32, #tpu.memory_space<vmem>>) target_semaphore(%run_scoped3A : memref<!tpu.dma_semaphore, #tpu.memory_space<semaphore_mem>>)
      %dma_wait3A_283 = arith.constant 0 : i32
      %dma_wait3A_284 = tpu.memref_slice %arg3[%add3A_100, %dma_wait3A_283] : memref<5120x64xi32, #tpu.memory_space<hbm>> -> memref<40x64xi32, #tpu.memory_space<hbm>>
      %dma_wait3A_285 = arith.constant 0 : i32
      %dma_wait3A_286 = tpu.memref_slice %arg3[%add3A_100, %dma_wait3A_285] : memref<5120x64xi32, #tpu.memory_space<hbm>> -> memref<40x64xi32, #tpu.memory_space<hbm>>
      tpu.wait_dma2 semaphore(%run_scoped3A : memref<!tpu.dma_semaphore, #tpu.memory_space<semaphore_mem>>) src(%dma_wait3A_286 : memref<40x64xi32, #tpu.memory_space<hbm>>) dst(%arg7 : memref<40x64xi32, #tpu.memory_space<vmem>>)
      tpu.yield
    }) : () -> ()
    "tpu.region"() ({
      %run_scoped3A = tpu.sem_alloc : memref<!tpu.dma_semaphore, #tpu.memory_space<semaphore_mem>>
      %dma_start3A_279 = arith.constant 0 : i32
      %dma_start3A_280 = tpu.memref_slice %arg4[%add3A_100, %dma_start3A_279] : memref<5120x64xi32, #tpu.memory_space<hbm>> -> memref<40x64xi32, #tpu.memory_space<hbm>>
      %dma_start3A_281 = arith.constant 0 : i32
      %dma_start3A_282 = tpu.memref_slice %arg4[%add3A_100, %dma_start3A_281] : memref<5120x64xi32, #tpu.memory_space<hbm>> -> memref<40x64xi32, #tpu.memory_space<hbm>>
      tpu.enqueue_dma source(%dma_start3A_282 : memref<40x64xi32, #tpu.memory_space<hbm>>) target(%arg8 : memref<40x64xi32, #tpu.memory_space<vmem>>) target_semaphore(%run_scoped3A : memref<!tpu.dma_semaphore, #tpu.memory_space<semaphore_mem>>)
      %dma_wait3A_283 = arith.constant 0 : i32
      %dma_wait3A_284 = tpu.memref_slice %arg4[%add3A_100, %dma_wait3A_283] : memref<5120x64xi32, #tpu.memory_space<hbm>> -> memref<40x64xi32, #tpu.memory_space<hbm>>
      %dma_wait3A_285 = arith.constant 0 : i32
      %dma_wait3A_286 = tpu.memref_slice %arg4[%add3A_100, %dma_wait3A_285] : memref<5120x64xi32, #tpu.memory_space<hbm>> -> memref<40x64xi32, #tpu.memory_space<hbm>>
      tpu.wait_dma2 semaphore(%run_scoped3A : memref<!tpu.dma_semaphore, #tpu.memory_space<semaphore_mem>>) src(%dma_wait3A_286 : memref<40x64xi32, #tpu.memory_space<hbm>>) dst(%arg8 : memref<40x64xi32, #tpu.memory_space<vmem>>)
      tpu.yield
    }) : () -> ()
    %dma_start3A_101 = arith.constant 0 : i32
    %dma_start3A_102 = arith.constant 0 : i32
    %dma_start3A_103 = tpu.memref_slice %arg7[%dma_start3A_101, %dma_start3A_102] : memref<40x64xi32, #tpu.memory_space<vmem>> -> memref<1x64xi32, #tpu.memory_space<vmem>>
    %dma_start3A_104 = tpu.memref_squeeze %dma_start3A_103 : memref<1x64xi32, #tpu.memory_space<vmem>> -> memref<64xi32, #tpu.memory_space<vmem>>
    %dma_start3A_105 = arith.constant 0 : i32
    %dma_start3A_106 = arith.constant 0 : i32
    %dma_start3A_107 = tpu.memref_slice %arg2[%dma_start3A_105, %dma_start3A_106] : memref<10240x128xf32, #tpu.memory_space<hbm>> -> memref<10240x128xf32, #tpu.memory_space<hbm>>
    tpu.enqueue_indirect_dma source(%dma_start3A_107 : memref<10240x128xf32, #tpu.memory_space<hbm>>) target(%arg9 : memref<64x128xf32, #tpu.memory_space<vmem>>) offsets(%dma_start3A_104 : memref<64xi32, #tpu.memory_space<vmem>>) semaphore(%arg14 : memref<!tpu.dma_semaphore, #tpu.memory_space<semaphore_mem>>)
    %dma_start3A_108 = arith.constant 1 : i32
    %dma_start3A_109 = arith.constant 0 : i32
    %dma_start3A_110 = tpu.memref_slice %arg7[%dma_start3A_108, %dma_start3A_109] : memref<40x64xi32, #tpu.memory_space<vmem>> -> memref<1x64xi32, #tpu.memory_space<vmem>>
    %dma_start3A_111 = tpu.memref_squeeze %dma_start3A_110 : memref<1x64xi32, #tpu.memory_space<vmem>> -> memref<64xi32, #tpu.memory_space<vmem>>
    %dma_start3A_112 = arith.constant 0 : i32
    %dma_start3A_113 = arith.constant 0 : i32
    %dma_start3A_114 = tpu.memref_slice %arg2[%dma_start3A_112, %dma_start3A_113] : memref<10240x128xf32, #tpu.memory_space<hbm>> -> memref<10240x128xf32, #tpu.memory_space<hbm>>
    tpu.enqueue_indirect_dma source(%dma_start3A_114 : memref<10240x128xf32, #tpu.memory_space<hbm>>) target(%arg10 : memref<64x128xf32, #tpu.memory_space<vmem>>) offsets(%dma_start3A_111 : memref<64xi32, #tpu.memory_space<vmem>>) semaphore(%arg15 : memref<!tpu.dma_semaphore, #tpu.memory_space<semaphore_mem>>)
    %dma_start3A_115 = arith.constant 2 : i32
    %dma_start3A_116 = arith.constant 0 : i32
    %dma_start3A_117 = tpu.memref_slice %arg7[%dma_start3A_115, %dma_start3A_116] : memref<40x64xi32, #tpu.memory_space<vmem>> -> memref<1x64xi32, #tpu.memory_space<vmem>>
    %dma_start3A_118 = tpu.memref_squeeze %dma_start3A_117 : memref<1x64xi32, #tpu.memory_space<vmem>> -> memref<64xi32, #tpu.memory_space<vmem>>
    %dma_start3A_119 = arith.constant 0 : i32
    %dma_start3A_120 = arith.constant 0 : i32
    %dma_start3A_121 = tpu.memref_slice %arg2[%dma_start3A_119, %dma_start3A_120] : memref<10240x128xf32, #tpu.memory_space<hbm>> -> memref<10240x128xf32, #tpu.memory_space<hbm>>
    tpu.enqueue_indirect_dma source(%dma_start3A_121 : memref<10240x128xf32, #tpu.memory_space<hbm>>) target(%arg11 : memref<64x128xf32, #tpu.memory_space<vmem>>) offsets(%dma_start3A_118 : memref<64xi32, #tpu.memory_space<vmem>>) semaphore(%arg16 : memref<!tpu.dma_semaphore, #tpu.memory_space<semaphore_mem>>)
    %scan3A_122 = arith.constant 0 : i32
    %scan3A_123 = arith.constant 0 : i32
    %scan3A_124 = arith.constant 10 : i32
    %scan3A_125 = arith.addi %scan3A_123, %scan3A_124 : i32
    %scan3A_126 = arith.constant 1 : i32
    scf.for %scan3A_279 = %scan3A_123 to %scan3A_125 step %scan3A_126  : i32 {
      %mul3A_280 = arith.constant 4 : i32
      %mul3A_281 = arith.muli %mul3A_280, %scan3A_279 : i32
      %add3A_282 = arith.constant 0 : i32
      %add3A_283 = arith.addi %mul3A_281, %add3A_282 : i32
      %dma_wait3A_284 = arith.constant 0 : i32
      %dma_wait3A_285 = arith.constant 0 : i32
      %dma_wait3A_286 = tpu.memref_slice %arg7[%dma_wait3A_284, %dma_wait3A_285] : memref<40x64xi32, #tpu.memory_space<vmem>> -> memref<1x64xi32, #tpu.memory_space<vmem>>
      %dma_wait3A_287 = tpu.memref_squeeze %dma_wait3A_286 : memref<1x64xi32, #tpu.memory_space<vmem>> -> memref<64xi32, #tpu.memory_space<vmem>>
      %dma_wait3A_288 = arith.constant 0 : i32
      %dma_wait3A_289 = arith.constant 0 : i32
      %dma_wait3A_290 = tpu.memref_slice %arg2[%dma_wait3A_288, %dma_wait3A_289] : memref<10240x128xf32, #tpu.memory_space<hbm>> -> memref<10240x128xf32, #tpu.memory_space<hbm>>
      tpu.wait_indirect_dma semaphore(%arg14 : memref<!tpu.dma_semaphore, #tpu.memory_space<semaphore_mem>>) src(%dma_wait3A_290 : memref<10240x128xf32, #tpu.memory_space<hbm>>) dst(%arg9 : memref<64x128xf32, #tpu.memory_space<vmem>>)
      %dma_start3A_291 = arith.constant 0 : i32
      %dma_start3A_292 = tpu.memref_slice %arg8[%add3A_283, %dma_start3A_291] : memref<40x64xi32, #tpu.memory_space<vmem>> -> memref<1x64xi32, #tpu.memory_space<vmem>>
      %dma_start3A_293 = tpu.memref_squeeze %dma_start3A_292 : memref<1x64xi32, #tpu.memory_space<vmem>> -> memref<64xi32, #tpu.memory_space<vmem>>
      %dma_start3A_294 = arith.constant 0 : i32
      %dma_start3A_295 = arith.constant 0 : i32
      %dma_start3A_296 = tpu.memref_slice %arg13[%dma_start3A_294, %dma_start3A_295] : memref<10240x128xf32, #tpu.memory_space<vmem_shared>> -> memref<10240x128xf32, #tpu.memory_space<vmem_shared>>
      tpu.enqueue_indirect_dma source(%arg9 : memref<64x128xf32, #tpu.memory_space<vmem>>) target(%dma_start3A_296 : memref<10240x128xf32, #tpu.memory_space<vmem_shared>>) offsets(%dma_start3A_293 : memref<64xi32, #tpu.memory_space<vmem>>) semaphore(%arg18 : memref<!tpu.dma_semaphore, #tpu.memory_space<semaphore_mem>>) {add = true}
      %add3A_297 = arith.constant 3 : i32
      %add3A_298 = arith.addi %add3A_283, %add3A_297 : i32
      %lt3A = arith.constant 40 : i32
      %lt3A_299 = arith.cmpi slt, %add3A_298, %lt3A : i32
      %convert_element_type3A = arith.extui %lt3A_299 : i1 to i32
      %cond3A = arith.constant 0 : i32
      %cond3A_300 = arith.cmpi ne, %convert_element_type3A, %cond3A : i32
      scf.if %cond3A_300 {
        %ge3A = arith.constant 1 : i32
        %ge3A_367 = arith.cmpi sge, %add3A_283, %ge3A : i32
        %convert_element_type3A_368 = arith.extui %ge3A_367 : i1 to i32
        %cond3A_369 = arith.constant 0 : i32
        %cond3A_370 = arith.cmpi ne, %convert_element_type3A_368, %cond3A_369 : i32
        scf.if %cond3A_370 {
          %dma_wait3A_379 = arith.constant 0 : i32
          %dma_wait3A_380 = arith.constant 0 : i32
          %dma_wait3A_381 = tpu.memref_slice %arg8[%dma_wait3A_379, %dma_wait3A_380] : memref<40x64xi32, #tpu.memory_space<vmem>> -> memref<1x64xi32, #tpu.memory_space<vmem>>
          %dma_wait3A_382 = tpu.memref_squeeze %dma_wait3A_381 : memref<1x64xi32, #tpu.memory_space<vmem>> -> memref<64xi32, #tpu.memory_space<vmem>>
          %dma_wait3A_383 = arith.constant 0 : i32
          %dma_wait3A_384 = arith.constant 0 : i32
          %dma_wait3A_385 = tpu.memref_slice %arg13[%dma_wait3A_383, %dma_wait3A_384] : memref<10240x128xf32, #tpu.memory_space<vmem_shared>> -> memref<10240x128xf32, #tpu.memory_space<vmem_shared>>
          tpu.wait_indirect_dma semaphore(%arg21 : memref<!tpu.dma_semaphore, #tpu.memory_space<semaphore_mem>>) src(%arg12 : memref<64x128xf32, #tpu.memory_space<vmem>>) dst(%dma_wait3A_385 : memref<10240x128xf32, #tpu.memory_space<vmem_shared>>)
        } else {
        }
        %add3A_371 = arith.constant 3 : i32
        %add3A_372 = arith.addi %add3A_283, %add3A_371 : i32
        %dma_start3A_373 = arith.constant 0 : i32
        %dma_start3A_374 = tpu.memref_slice %arg7[%add3A_372, %dma_start3A_373] : memref<40x64xi32, #tpu.memory_space<vmem>> -> memref<1x64xi32, #tpu.memory_space<vmem>>
        %dma_start3A_375 = tpu.memref_squeeze %dma_start3A_374 : memref<1x64xi32, #tpu.memory_space<vmem>> -> memref<64xi32, #tpu.memory_space<vmem>>
        %dma_start3A_376 = arith.constant 0 : i32
        %dma_start3A_377 = arith.constant 0 : i32
        %dma_start3A_378 = tpu.memref_slice %arg2[%dma_start3A_376, %dma_start3A_377] : memref<10240x128xf32, #tpu.memory_space<hbm>> -> memref<10240x128xf32, #tpu.memory_space<hbm>>
        tpu.enqueue_indirect_dma source(%dma_start3A_378 : memref<10240x128xf32, #tpu.memory_space<hbm>>) target(%arg12 : memref<64x128xf32, #tpu.memory_space<vmem>>) offsets(%dma_start3A_375 : memref<64xi32, #tpu.memory_space<vmem>>) semaphore(%arg17 : memref<!tpu.dma_semaphore, #tpu.memory_space<semaphore_mem>>)
      } else {
      }
      %add3A_301 = arith.constant 1 : i32
      %add3A_302 = arith.addi %mul3A_281, %add3A_301 : i32
      %dma_wait3A_303 = arith.constant 0 : i32
      %dma_wait3A_304 = arith.constant 0 : i32
      %dma_wait3A_305 = tpu.memref_slice %arg7[%dma_wait3A_303, %dma_wait3A_304] : memref<40x64xi32, #tpu.memory_space<vmem>> -> memref<1x64xi32, #tpu.memory_space<vmem>>
      %dma_wait3A_306 = tpu.memref_squeeze %dma_wait3A_305 : memref<1x64xi32, #tpu.memory_space<vmem>> -> memref<64xi32, #tpu.memory_space<vmem>>
      %dma_wait3A_307 = arith.constant 0 : i32
      %dma_wait3A_308 = arith.constant 0 : i32
      %dma_wait3A_309 = tpu.memref_slice %arg2[%dma_wait3A_307, %dma_wait3A_308] : memref<10240x128xf32, #tpu.memory_space<hbm>> -> memref<10240x128xf32, #tpu.memory_space<hbm>>
      tpu.wait_indirect_dma semaphore(%arg15 : memref<!tpu.dma_semaphore, #tpu.memory_space<semaphore_mem>>) src(%dma_wait3A_309 : memref<10240x128xf32, #tpu.memory_space<hbm>>) dst(%arg10 : memref<64x128xf32, #tpu.memory_space<vmem>>)
      %dma_start3A_310 = arith.constant 0 : i32
      %dma_start3A_311 = tpu.memref_slice %arg8[%add3A_302, %dma_start3A_310] : memref<40x64xi32, #tpu.memory_space<vmem>> -> memref<1x64xi32, #tpu.memory_space<vmem>>
      %dma_start3A_312 = tpu.memref_squeeze %dma_start3A_311 : memref<1x64xi32, #tpu.memory_space<vmem>> -> memref<64xi32, #tpu.memory_space<vmem>>
      %dma_start3A_313 = arith.constant 0 : i32
      %dma_start3A_314 = arith.constant 0 : i32
      %dma_start3A_315 = tpu.memref_slice %arg13[%dma_start3A_313, %dma_start3A_314] : memref<10240x128xf32, #tpu.memory_space<vmem_shared>> -> memref<10240x128xf32, #tpu.memory_space<vmem_shared>>
      tpu.enqueue_indirect_dma source(%arg10 : memref<64x128xf32, #tpu.memory_space<vmem>>) target(%dma_start3A_315 : memref<10240x128xf32, #tpu.memory_space<vmem_shared>>) offsets(%dma_start3A_312 : memref<64xi32, #tpu.memory_space<vmem>>) semaphore(%arg19 : memref<!tpu.dma_semaphore, #tpu.memory_space<semaphore_mem>>) {add = true}
      %add3A_316 = arith.constant 3 : i32
      %add3A_317 = arith.addi %add3A_302, %add3A_316 : i32
      %lt3A_318 = arith.constant 40 : i32
      %lt3A_319 = arith.cmpi slt, %add3A_317, %lt3A_318 : i32
      %convert_element_type3A_320 = arith.extui %lt3A_319 : i1 to i32
      %cond3A_321 = arith.constant 0 : i32
      %cond3A_322 = arith.cmpi ne, %convert_element_type3A_320, %cond3A_321 : i32
      scf.if %cond3A_322 {
        %ge3A = arith.constant 1 : i32
        %ge3A_367 = arith.cmpi sge, %add3A_302, %ge3A : i32
        %convert_element_type3A_368 = arith.extui %ge3A_367 : i1 to i32
        %cond3A_369 = arith.constant 0 : i32
        %cond3A_370 = arith.cmpi ne, %convert_element_type3A_368, %cond3A_369 : i32
        scf.if %cond3A_370 {
          %dma_wait3A_379 = arith.constant 0 : i32
          %dma_wait3A_380 = arith.constant 0 : i32
          %dma_wait3A_381 = tpu.memref_slice %arg8[%dma_wait3A_379, %dma_wait3A_380] : memref<40x64xi32, #tpu.memory_space<vmem>> -> memref<1x64xi32, #tpu.memory_space<vmem>>
          %dma_wait3A_382 = tpu.memref_squeeze %dma_wait3A_381 : memref<1x64xi32, #tpu.memory_space<vmem>> -> memref<64xi32, #tpu.memory_space<vmem>>
          %dma_wait3A_383 = arith.constant 0 : i32
          %dma_wait3A_384 = arith.constant 0 : i32
          %dma_wait3A_385 = tpu.memref_slice %arg13[%dma_wait3A_383, %dma_wait3A_384] : memref<10240x128xf32, #tpu.memory_space<vmem_shared>> -> memref<10240x128xf32, #tpu.memory_space<vmem_shared>>
          tpu.wait_indirect_dma semaphore(%arg18 : memref<!tpu.dma_semaphore, #tpu.memory_space<semaphore_mem>>) src(%arg9 : memref<64x128xf32, #tpu.memory_space<vmem>>) dst(%dma_wait3A_385 : memref<10240x128xf32, #tpu.memory_space<vmem_shared>>)
        } else {
        }
        %add3A_371 = arith.constant 3 : i32
        %add3A_372 = arith.addi %add3A_302, %add3A_371 : i32
        %dma_start3A_373 = arith.constant 0 : i32
        %dma_start3A_374 = tpu.memref_slice %arg7[%add3A_372, %dma_start3A_373] : memref<40x64xi32, #tpu.memory_space<vmem>> -> memref<1x64xi32, #tpu.memory_space<vmem>>
        %dma_start3A_375 = tpu.memref_squeeze %dma_start3A_374 : memref<1x64xi32, #tpu.memory_space<vmem>> -> memref<64xi32, #tpu.memory_space<vmem>>
        %dma_start3A_376 = arith.constant 0 : i32
        %dma_start3A_377 = arith.constant 0 : i32
        %dma_start3A_378 = tpu.memref_slice %arg2[%dma_start3A_376, %dma_start3A_377] : memref<10240x128xf32, #tpu.memory_space<hbm>> -> memref<10240x128xf32, #tpu.memory_space<hbm>>
        tpu.enqueue_indirect_dma source(%dma_start3A_378 : memref<10240x128xf32, #tpu.memory_space<hbm>>) target(%arg9 : memref<64x128xf32, #tpu.memory_space<vmem>>) offsets(%dma_start3A_375 : memref<64xi32, #tpu.memory_space<vmem>>) semaphore(%arg14 : memref<!tpu.dma_semaphore, #tpu.memory_space<semaphore_mem>>)
      } else {
      }
      %add3A_323 = arith.constant 2 : i32
      %add3A_324 = arith.addi %mul3A_281, %add3A_323 : i32
      %dma_wait3A_325 = arith.constant 0 : i32
      %dma_wait3A_326 = arith.constant 0 : i32
      %dma_wait3A_327 = tpu.memref_slice %arg7[%dma_wait3A_325, %dma_wait3A_326] : memref<40x64xi32, #tpu.memory_space<vmem>> -> memref<1x64xi32, #tpu.memory_space<vmem>>
      %dma_wait3A_328 = tpu.memref_squeeze %dma_wait3A_327 : memref<1x64xi32, #tpu.memory_space<vmem>> -> memref<64xi32, #tpu.memory_space<vmem>>
      %dma_wait3A_329 = arith.constant 0 : i32
      %dma_wait3A_330 = arith.constant 0 : i32
      %dma_wait3A_331 = tpu.memref_slice %arg2[%dma_wait3A_329, %dma_wait3A_330] : memref<10240x128xf32, #tpu.memory_space<hbm>> -> memref<10240x128xf32, #tpu.memory_space<hbm>>
      tpu.wait_indirect_dma semaphore(%arg16 : memref<!tpu.dma_semaphore, #tpu.memory_space<semaphore_mem>>) src(%dma_wait3A_331 : memref<10240x128xf32, #tpu.memory_space<hbm>>) dst(%arg11 : memref<64x128xf32, #tpu.memory_space<vmem>>)
      %dma_start3A_332 = arith.constant 0 : i32
      %dma_start3A_333 = tpu.memref_slice %arg8[%add3A_324, %dma_start3A_332] : memref<40x64xi32, #tpu.memory_space<vmem>> -> memref<1x64xi32, #tpu.memory_space<vmem>>
      %dma_start3A_334 = tpu.memref_squeeze %dma_start3A_333 : memref<1x64xi32, #tpu.memory_space<vmem>> -> memref<64xi32, #tpu.memory_space<vmem>>
      %dma_start3A_335 = arith.constant 0 : i32
      %dma_start3A_336 = arith.constant 0 : i32
      %dma_start3A_337 = tpu.memref_slice %arg13[%dma_start3A_335, %dma_start3A_336] : memref<10240x128xf32, #tpu.memory_space<vmem_shared>> -> memref<10240x128xf32, #tpu.memory_space<vmem_shared>>
      tpu.enqueue_indirect_dma source(%arg11 : memref<64x128xf32, #tpu.memory_space<vmem>>) target(%dma_start3A_337 : memref<10240x128xf32, #tpu.memory_space<vmem_shared>>) offsets(%dma_start3A_334 : memref<64xi32, #tpu.memory_space<vmem>>) semaphore(%arg20 : memref<!tpu.dma_semaphore, #tpu.memory_space<semaphore_mem>>) {add = true}
      %add3A_338 = arith.constant 3 : i32
      %add3A_339 = arith.addi %add3A_324, %add3A_338 : i32
      %lt3A_340 = arith.constant 40 : i32
      %lt3A_341 = arith.cmpi slt, %add3A_339, %lt3A_340 : i32
      %convert_element_type3A_342 = arith.extui %lt3A_341 : i1 to i32
      %cond3A_343 = arith.constant 0 : i32
      %cond3A_344 = arith.cmpi ne, %convert_element_type3A_342, %cond3A_343 : i32
      scf.if %cond3A_344 {
        %ge3A = arith.constant 1 : i32
        %ge3A_367 = arith.cmpi sge, %add3A_324, %ge3A : i32
        %convert_element_type3A_368 = arith.extui %ge3A_367 : i1 to i32
        %cond3A_369 = arith.constant 0 : i32
        %cond3A_370 = arith.cmpi ne, %convert_element_type3A_368, %cond3A_369 : i32
        scf.if %cond3A_370 {
          %dma_wait3A_379 = arith.constant 0 : i32
          %dma_wait3A_380 = arith.constant 0 : i32
          %dma_wait3A_381 = tpu.memref_slice %arg8[%dma_wait3A_379, %dma_wait3A_380] : memref<40x64xi32, #tpu.memory_space<vmem>> -> memref<1x64xi32, #tpu.memory_space<vmem>>
          %dma_wait3A_382 = tpu.memref_squeeze %dma_wait3A_381 : memref<1x64xi32, #tpu.memory_space<vmem>> -> memref<64xi32, #tpu.memory_space<vmem>>
          %dma_wait3A_383 = arith.constant 0 : i32
          %dma_wait3A_384 = arith.constant 0 : i32
          %dma_wait3A_385 = tpu.memref_slice %arg13[%dma_wait3A_383, %dma_wait3A_384] : memref<10240x128xf32, #tpu.memory_space<vmem_shared>> -> memref<10240x128xf32, #tpu.memory_space<vmem_shared>>
          tpu.wait_indirect_dma semaphore(%arg19 : memref<!tpu.dma_semaphore, #tpu.memory_space<semaphore_mem>>) src(%arg10 : memref<64x128xf32, #tpu.memory_space<vmem>>) dst(%dma_wait3A_385 : memref<10240x128xf32, #tpu.memory_space<vmem_shared>>)
        } else {
        }
        %add3A_371 = arith.constant 3 : i32
        %add3A_372 = arith.addi %add3A_324, %add3A_371 : i32
        %dma_start3A_373 = arith.constant 0 : i32
        %dma_start3A_374 = tpu.memref_slice %arg7[%add3A_372, %dma_start3A_373] : memref<40x64xi32, #tpu.memory_space<vmem>> -> memref<1x64xi32, #tpu.memory_space<vmem>>
        %dma_start3A_375 = tpu.memref_squeeze %dma_start3A_374 : memref<1x64xi32, #tpu.memory_space<vmem>> -> memref<64xi32, #tpu.memory_space<vmem>>
        %dma_start3A_376 = arith.constant 0 : i32
        %dma_start3A_377 = arith.constant 0 : i32
        %dma_start3A_378 = tpu.memref_slice %arg2[%dma_start3A_376, %dma_start3A_377] : memref<10240x128xf32, #tpu.memory_space<hbm>> -> memref<10240x128xf32, #tpu.memory_space<hbm>>
        tpu.enqueue_indirect_dma source(%dma_start3A_378 : memref<10240x128xf32, #tpu.memory_space<hbm>>) target(%arg10 : memref<64x128xf32, #tpu.memory_space<vmem>>) offsets(%dma_start3A_375 : memref<64xi32, #tpu.memory_space<vmem>>) semaphore(%arg15 : memref<!tpu.dma_semaphore, #tpu.memory_space<semaphore_mem>>)
      } else {
      }
      %add3A_345 = arith.constant 3 : i32
      %add3A_346 = arith.addi %mul3A_281, %add3A_345 : i32
      %dma_wait3A_347 = arith.constant 0 : i32
      %dma_wait3A_348 = arith.constant 0 : i32
      %dma_wait3A_349 = tpu.memref_slice %arg7[%dma_wait3A_347, %dma_wait3A_348] : memref<40x64xi32, #tpu.memory_space<vmem>> -> memref<1x64xi32, #tpu.memory_space<vmem>>
      %dma_wait3A_350 = tpu.memref_squeeze %dma_wait3A_349 : memref<1x64xi32, #tpu.memory_space<vmem>> -> memref<64xi32, #tpu.memory_space<vmem>>
      %dma_wait3A_351 = arith.constant 0 : i32
      %dma_wait3A_352 = arith.constant 0 : i32
      %dma_wait3A_353 = tpu.memref_slice %arg2[%dma_wait3A_351, %dma_wait3A_352] : memref<10240x128xf32, #tpu.memory_space<hbm>> -> memref<10240x128xf32, #tpu.memory_space<hbm>>
      tpu.wait_indirect_dma semaphore(%arg17 : memref<!tpu.dma_semaphore, #tpu.memory_space<semaphore_mem>>) src(%dma_wait3A_353 : memref<10240x128xf32, #tpu.memory_space<hbm>>) dst(%arg12 : memref<64x128xf32, #tpu.memory_space<vmem>>)
      %dma_start3A_354 = arith.constant 0 : i32
      %dma_start3A_355 = tpu.memref_slice %arg8[%add3A_346, %dma_start3A_354] : memref<40x64xi32, #tpu.memory_space<vmem>> -> memref<1x64xi32, #tpu.memory_space<vmem>>
      %dma_start3A_356 = tpu.memref_squeeze %dma_start3A_355 : memref<1x64xi32, #tpu.memory_space<vmem>> -> memref<64xi32, #tpu.memory_space<vmem>>
      %dma_start3A_357 = arith.constant 0 : i32
      %dma_start3A_358 = arith.constant 0 : i32
      %dma_start3A_359 = tpu.memref_slice %arg13[%dma_start3A_357, %dma_start3A_358] : memref<10240x128xf32, #tpu.memory_space<vmem_shared>> -> memref<10240x128xf32, #tpu.memory_space<vmem_shared>>
      tpu.enqueue_indirect_dma source(%arg12 : memref<64x128xf32, #tpu.memory_space<vmem>>) target(%dma_start3A_359 : memref<10240x128xf32, #tpu.memory_space<vmem_shared>>) offsets(%dma_start3A_356 : memref<64xi32, #tpu.memory_space<vmem>>) semaphore(%arg21 : memref<!tpu.dma_semaphore, #tpu.memory_space<semaphore_mem>>) {add = true}
      %add3A_360 = arith.constant 3 : i32
      %add3A_361 = arith.addi %add3A_346, %add3A_360 : i32
      %lt3A_362 = arith.constant 40 : i32
      %lt3A_363 = arith.cmpi slt, %add3A_361, %lt3A_362 : i32
      %convert_element_type3A_364 = arith.extui %lt3A_363 : i1 to i32
      %cond3A_365 = arith.constant 0 : i32
      %cond3A_366 = arith.cmpi ne, %convert_element_type3A_364, %cond3A_365 : i32
      scf.if %cond3A_366 {
        %ge3A = arith.constant 1 : i32
        %ge3A_367 = arith.cmpi sge, %add3A_346, %ge3A : i32
        %convert_element_type3A_368 = arith.extui %ge3A_367 : i1 to i32
        %cond3A_369 = arith.constant 0 : i32
        %cond3A_370 = arith.cmpi ne, %convert_element_type3A_368, %cond3A_369 : i32
        scf.if %cond3A_370 {
          %dma_wait3A_379 = arith.constant 0 : i32
          %dma_wait3A_380 = arith.constant 0 : i32
          %dma_wait3A_381 = tpu.memref_slice %arg8[%dma_wait3A_379, %dma_wait3A_380] : memref<40x64xi32, #tpu.memory_space<vmem>> -> memref<1x64xi32, #tpu.memory_space<vmem>>
          %dma_wait3A_382 = tpu.memref_squeeze %dma_wait3A_381 : memref<1x64xi32, #tpu.memory_space<vmem>> -> memref<64xi32, #tpu.memory_space<vmem>>
          %dma_wait3A_383 = arith.constant 0 : i32
          %dma_wait3A_384 = arith.constant 0 : i32
          %dma_wait3A_385 = tpu.memref_slice %arg13[%dma_wait3A_383, %dma_wait3A_384] : memref<10240x128xf32, #tpu.memory_space<vmem_shared>> -> memref<10240x128xf32, #tpu.memory_space<vmem_shared>>
          tpu.wait_indirect_dma semaphore(%arg20 : memref<!tpu.dma_semaphore, #tpu.memory_space<semaphore_mem>>) src(%arg11 : memref<64x128xf32, #tpu.memory_space<vmem>>) dst(%dma_wait3A_385 : memref<10240x128xf32, #tpu.memory_space<vmem_shared>>)
        } else {
        }
        %add3A_371 = arith.constant 3 : i32
        %add3A_372 = arith.addi %add3A_346, %add3A_371 : i32
        %dma_start3A_373 = arith.constant 0 : i32
        %dma_start3A_374 = tpu.memref_slice %arg7[%add3A_372, %dma_start3A_373] : memref<40x64xi32, #tpu.memory_space<vmem>> -> memref<1x64xi32, #tpu.memory_space<vmem>>
        %dma_start3A_375 = tpu.memref_squeeze %dma_start3A_374 : memref<1x64xi32, #tpu.memory_space<vmem>> -> memref<64xi32, #tpu.memory_space<vmem>>
        %dma_start3A_376 = arith.constant 0 : i32
        %dma_start3A_377 = arith.constant 0 : i32
        %dma_start3A_378 = tpu.memref_slice %arg2[%dma_start3A_376, %dma_start3A_377] : memref<10240x128xf32, #tpu.memory_space<hbm>> -> memref<10240x128xf32, #tpu.memory_space<hbm>>
        tpu.enqueue_indirect_dma source(%dma_start3A_378 : memref<10240x128xf32, #tpu.memory_space<hbm>>) target(%arg11 : memref<64x128xf32, #tpu.memory_space<vmem>>) offsets(%dma_start3A_375 : memref<64xi32, #tpu.memory_space<vmem>>) semaphore(%arg16 : memref<!tpu.dma_semaphore, #tpu.memory_space<semaphore_mem>>)
      } else {
      }
    }
    %scan3A_127 = arith.constant 10 : i32
    %dma_wait3A_128 = arith.constant 0 : i32
    %dma_wait3A_129 = arith.constant 0 : i32
    %dma_wait3A_130 = tpu.memref_slice %arg8[%dma_wait3A_128, %dma_wait3A_129] : memref<40x64xi32, #tpu.memory_space<vmem>> -> memref<1x64xi32, #tpu.memory_space<vmem>>
    %dma_wait3A_131 = tpu.memref_squeeze %dma_wait3A_130 : memref<1x64xi32, #tpu.memory_space<vmem>> -> memref<64xi32, #tpu.memory_space<vmem>>
    %dma_wait3A_132 = arith.constant 0 : i32
    %dma_wait3A_133 = arith.constant 0 : i32
    %dma_wait3A_134 = tpu.memref_slice %arg13[%dma_wait3A_132, %dma_wait3A_133] : memref<10240x128xf32, #tpu.memory_space<vmem_shared>> -> memref<10240x128xf32, #tpu.memory_space<vmem_shared>>
    tpu.wait_indirect_dma semaphore(%arg18 : memref<!tpu.dma_semaphore, #tpu.memory_space<semaphore_mem>>) src(%arg9 : memref<64x128xf32, #tpu.memory_space<vmem>>) dst(%dma_wait3A_134 : memref<10240x128xf32, #tpu.memory_space<vmem_shared>>)
    %dma_wait3A_135 = arith.constant 0 : i32
    %dma_wait3A_136 = arith.constant 0 : i32
    %dma_wait3A_137 = tpu.memref_slice %arg8[%dma_wait3A_135, %dma_wait3A_136] : memref<40x64xi32, #tpu.memory_space<vmem>> -> memref<1x64xi32, #tpu.memory_space<vmem>>
    %dma_wait3A_138 = tpu.memref_squeeze %dma_wait3A_137 : memref<1x64xi32, #tpu.memory_space<vmem>> -> memref<64xi32, #tpu.memory_space<vmem>>
    %dma_wait3A_139 = arith.constant 0 : i32
    %dma_wait3A_140 = arith.constant 0 : i32
    %dma_wait3A_141 = tpu.memref_slice %arg13[%dma_wait3A_139, %dma_wait3A_140] : memref<10240x128xf32, #tpu.memory_space<vmem_shared>> -> memref<10240x128xf32, #tpu.memory_space<vmem_shared>>
    tpu.wait_indirect_dma semaphore(%arg19 : memref<!tpu.dma_semaphore, #tpu.memory_space<semaphore_mem>>) src(%arg10 : memref<64x128xf32, #tpu.memory_space<vmem>>) dst(%dma_wait3A_141 : memref<10240x128xf32, #tpu.memory_space<vmem_shared>>)
    %dma_wait3A_142 = arith.constant 0 : i32
    %dma_wait3A_143 = arith.constant 0 : i32
    %dma_wait3A_144 = tpu.memref_slice %arg8[%dma_wait3A_142, %dma_wait3A_143] : memref<40x64xi32, #tpu.memory_space<vmem>> -> memref<1x64xi32, #tpu.memory_space<vmem>>
    %dma_wait3A_145 = tpu.memref_squeeze %dma_wait3A_144 : memref<1x64xi32, #tpu.memory_space<vmem>> -> memref<64xi32, #tpu.memory_space<vmem>>
    %dma_wait3A_146 = arith.constant 0 : i32
    %dma_wait3A_147 = arith.constant 0 : i32
    %dma_wait3A_148 = tpu.memref_slice %arg13[%dma_wait3A_146, %dma_wait3A_147] : memref<10240x128xf32, #tpu.memory_space<vmem_shared>> -> memref<10240x128xf32, #tpu.memory_space<vmem_shared>>
    tpu.wait_indirect_dma semaphore(%arg20 : memref<!tpu.dma_semaphore, #tpu.memory_space<semaphore_mem>>) src(%arg11 : memref<64x128xf32, #tpu.memory_space<vmem>>) dst(%dma_wait3A_148 : memref<10240x128xf32, #tpu.memory_space<vmem_shared>>)
    %dma_wait3A_149 = arith.constant 0 : i32
    %dma_wait3A_150 = arith.constant 0 : i32
    %dma_wait3A_151 = tpu.memref_slice %arg8[%dma_wait3A_149, %dma_wait3A_150] : memref<40x64xi32, #tpu.memory_space<vmem>> -> memref<1x64xi32, #tpu.memory_space<vmem>>
    %dma_wait3A_152 = tpu.memref_squeeze %dma_wait3A_151 : memref<1x64xi32, #tpu.memory_space<vmem>> -> memref<64xi32, #tpu.memory_space<vmem>>
    %dma_wait3A_153 = arith.constant 0 : i32
    %dma_wait3A_154 = arith.constant 0 : i32
    %dma_wait3A_155 = tpu.memref_slice %arg13[%dma_wait3A_153, %dma_wait3A_154] : memref<10240x128xf32, #tpu.memory_space<vmem_shared>> -> memref<10240x128xf32, #tpu.memory_space<vmem_shared>>
    tpu.wait_indirect_dma semaphore(%arg21 : memref<!tpu.dma_semaphore, #tpu.memory_space<semaphore_mem>>) src(%arg12 : memref<64x128xf32, #tpu.memory_space<vmem>>) dst(%dma_wait3A_155 : memref<10240x128xf32, #tpu.memory_space<vmem_shared>>)
    %mul3A_156 = arith.constant 160 : i32
    %mul3A_157 = arith.muli %add3A, %mul3A_156 : i32
    %add3A_158 = arith.constant 80 : i32
    %add3A_159 = arith.addi %mul3A_157, %add3A_158 : i32
    "tpu.region"() ({
      %run_scoped3A = tpu.sem_alloc : memref<!tpu.dma_semaphore, #tpu.memory_space<semaphore_mem>>
      %dma_start3A_279 = arith.constant 0 : i32
      %dma_start3A_280 = tpu.memref_slice %arg3[%add3A_159, %dma_start3A_279] : memref<5120x64xi32, #tpu.memory_space<hbm>> -> memref<40x64xi32, #tpu.memory_space<hbm>>
      %dma_start3A_281 = arith.constant 0 : i32
      %dma_start3A_282 = tpu.memref_slice %arg3[%add3A_159, %dma_start3A_281] : memref<5120x64xi32, #tpu.memory_space<hbm>> -> memref<40x64xi32, #tpu.memory_space<hbm>>
      tpu.enqueue_dma source(%dma_start3A_282 : memref<40x64xi32, #tpu.memory_space<hbm>>) target(%arg7 : memref<40x64xi32, #tpu.memory_space<vmem>>) target_semaphore(%run_scoped3A : memref<!tpu.dma_semaphore, #tpu.memory_space<semaphore_mem>>)
      %dma_wait3A_283 = arith.constant 0 : i32
      %dma_wait3A_284 = tpu.memref_slice %arg3[%add3A_159, %dma_wait3A_283] : memref<5120x64xi32, #tpu.memory_space<hbm>> -> memref<40x64xi32, #tpu.memory_space<hbm>>
      %dma_wait3A_285 = arith.constant 0 : i32
      %dma_wait3A_286 = tpu.memref_slice %arg3[%add3A_159, %dma_wait3A_285] : memref<5120x64xi32, #tpu.memory_space<hbm>> -> memref<40x64xi32, #tpu.memory_space<hbm>>
      tpu.wait_dma2 semaphore(%run_scoped3A : memref<!tpu.dma_semaphore, #tpu.memory_space<semaphore_mem>>) src(%dma_wait3A_286 : memref<40x64xi32, #tpu.memory_space<hbm>>) dst(%arg7 : memref<40x64xi32, #tpu.memory_space<vmem>>)
      tpu.yield
    }) : () -> ()
    "tpu.region"() ({
      %run_scoped3A = tpu.sem_alloc : memref<!tpu.dma_semaphore, #tpu.memory_space<semaphore_mem>>
      %dma_start3A_279 = arith.constant 0 : i32
      %dma_start3A_280 = tpu.memref_slice %arg4[%add3A_159, %dma_start3A_279] : memref<5120x64xi32, #tpu.memory_space<hbm>> -> memref<40x64xi32, #tpu.memory_space<hbm>>
      %dma_start3A_281 = arith.constant 0 : i32
      %dma_start3A_282 = tpu.memref_slice %arg4[%add3A_159, %dma_start3A_281] : memref<5120x64xi32, #tpu.memory_space<hbm>> -> memref<40x64xi32, #tpu.memory_space<hbm>>
      tpu.enqueue_dma source(%dma_start3A_282 : memref<40x64xi32, #tpu.memory_space<hbm>>) target(%arg8 : memref<40x64xi32, #tpu.memory_space<vmem>>) target_semaphore(%run_scoped3A : memref<!tpu.dma_semaphore, #tpu.memory_space<semaphore_mem>>)
      %dma_wait3A_283 = arith.constant 0 : i32
      %dma_wait3A_284 = tpu.memref_slice %arg4[%add3A_159, %dma_wait3A_283] : memref<5120x64xi32, #tpu.memory_space<hbm>> -> memref<40x64xi32, #tpu.memory_space<hbm>>
      %dma_wait3A_285 = arith.constant 0 : i32
      %dma_wait3A_286 = tpu.memref_slice %arg4[%add3A_159, %dma_wait3A_285] : memref<5120x64xi32, #tpu.memory_space<hbm>> -> memref<40x64xi32, #tpu.memory_space<hbm>>
      tpu.wait_dma2 semaphore(%run_scoped3A : memref<!tpu.dma_semaphore, #tpu.memory_space<semaphore_mem>>) src(%dma_wait3A_286 : memref<40x64xi32, #tpu.memory_space<hbm>>) dst(%arg8 : memref<40x64xi32, #tpu.memory_space<vmem>>)
      tpu.yield
    }) : () -> ()
    %dma_start3A_160 = arith.constant 0 : i32
    %dma_start3A_161 = arith.constant 0 : i32
    %dma_start3A_162 = tpu.memref_slice %arg7[%dma_start3A_160, %dma_start3A_161] : memref<40x64xi32, #tpu.memory_space<vmem>> -> memref<1x64xi32, #tpu.memory_space<vmem>>
    %dma_start3A_163 = tpu.memref_squeeze %dma_start3A_162 : memref<1x64xi32, #tpu.memory_space<vmem>> -> memref<64xi32, #tpu.memory_space<vmem>>
    %dma_start3A_164 = arith.constant 0 : i32
    %dma_start3A_165 = arith.constant 0 : i32
    %dma_start3A_166 = tpu.memref_slice %arg2[%dma_start3A_164, %dma_start3A_165] : memref<10240x128xf32, #tpu.memory_space<hbm>> -> memref<10240x128xf32, #tpu.memory_space<hbm>>
    tpu.enqueue_indirect_dma source(%dma_start3A_166 : memref<10240x128xf32, #tpu.memory_space<hbm>>) target(%arg9 : memref<64x128xf32, #tpu.memory_space<vmem>>) offsets(%dma_start3A_163 : memref<64xi32, #tpu.memory_space<vmem>>) semaphore(%arg14 : memref<!tpu.dma_semaphore, #tpu.memory_space<semaphore_mem>>)
    %dma_start3A_167 = arith.constant 1 : i32
    %dma_start3A_168 = arith.constant 0 : i32
    %dma_start3A_169 = tpu.memref_slice %arg7[%dma_start3A_167, %dma_start3A_168] : memref<40x64xi32, #tpu.memory_space<vmem>> -> memref<1x64xi32, #tpu.memory_space<vmem>>
    %dma_start3A_170 = tpu.memref_squeeze %dma_start3A_169 : memref<1x64xi32, #tpu.memory_space<vmem>> -> memref<64xi32, #tpu.memory_space<vmem>>
    %dma_start3A_171 = arith.constant 0 : i32
    %dma_start3A_172 = arith.constant 0 : i32
    %dma_start3A_173 = tpu.memref_slice %arg2[%dma_start3A_171, %dma_start3A_172] : memref<10240x128xf32, #tpu.memory_space<hbm>> -> memref<10240x128xf32, #tpu.memory_space<hbm>>
    tpu.enqueue_indirect_dma source(%dma_start3A_173 : memref<10240x128xf32, #tpu.memory_space<hbm>>) target(%arg10 : memref<64x128xf32, #tpu.memory_space<vmem>>) offsets(%dma_start3A_170 : memref<64xi32, #tpu.memory_space<vmem>>) semaphore(%arg15 : memref<!tpu.dma_semaphore, #tpu.memory_space<semaphore_mem>>)
    %dma_start3A_174 = arith.constant 2 : i32
    %dma_start3A_175 = arith.constant 0 : i32
    %dma_start3A_176 = tpu.memref_slice %arg7[%dma_start3A_174, %dma_start3A_175] : memref<40x64xi32, #tpu.memory_space<vmem>> -> memref<1x64xi32, #tpu.memory_space<vmem>>
    %dma_start3A_177 = tpu.memref_squeeze %dma_start3A_176 : memref<1x64xi32, #tpu.memory_space<vmem>> -> memref<64xi32, #tpu.memory_space<vmem>>
    %dma_start3A_178 = arith.constant 0 : i32
    %dma_start3A_179 = arith.constant 0 : i32
    %dma_start3A_180 = tpu.memref_slice %arg2[%dma_start3A_178, %dma_start3A_179] : memref<10240x128xf32, #tpu.memory_space<hbm>> -> memref<10240x128xf32, #tpu.memory_space<hbm>>
    tpu.enqueue_indirect_dma source(%dma_start3A_180 : memref<10240x128xf32, #tpu.memory_space<hbm>>) target(%arg11 : memref<64x128xf32, #tpu.memory_space<vmem>>) offsets(%dma_start3A_177 : memref<64xi32, #tpu.memory_space<vmem>>) semaphore(%arg16 : memref<!tpu.dma_semaphore, #tpu.memory_space<semaphore_mem>>)
    %scan3A_181 = arith.constant 0 : i32
    %scan3A_182 = arith.constant 0 : i32
    %scan3A_183 = arith.constant 10 : i32
    %scan3A_184 = arith.addi %scan3A_182, %scan3A_183 : i32
    %scan3A_185 = arith.constant 1 : i32
    scf.for %scan3A_279 = %scan3A_182 to %scan3A_184 step %scan3A_185  : i32 {
      %mul3A_280 = arith.constant 4 : i32
      %mul3A_281 = arith.muli %mul3A_280, %scan3A_279 : i32
      %add3A_282 = arith.constant 0 : i32
      %add3A_283 = arith.addi %mul3A_281, %add3A_282 : i32
      %dma_wait3A_284 = arith.constant 0 : i32
      %dma_wait3A_285 = arith.constant 0 : i32
      %dma_wait3A_286 = tpu.memref_slice %arg7[%dma_wait3A_284, %dma_wait3A_285] : memref<40x64xi32, #tpu.memory_space<vmem>> -> memref<1x64xi32, #tpu.memory_space<vmem>>
      %dma_wait3A_287 = tpu.memref_squeeze %dma_wait3A_286 : memref<1x64xi32, #tpu.memory_space<vmem>> -> memref<64xi32, #tpu.memory_space<vmem>>
      %dma_wait3A_288 = arith.constant 0 : i32
      %dma_wait3A_289 = arith.constant 0 : i32
      %dma_wait3A_290 = tpu.memref_slice %arg2[%dma_wait3A_288, %dma_wait3A_289] : memref<10240x128xf32, #tpu.memory_space<hbm>> -> memref<10240x128xf32, #tpu.memory_space<hbm>>
      tpu.wait_indirect_dma semaphore(%arg14 : memref<!tpu.dma_semaphore, #tpu.memory_space<semaphore_mem>>) src(%dma_wait3A_290 : memref<10240x128xf32, #tpu.memory_space<hbm>>) dst(%arg9 : memref<64x128xf32, #tpu.memory_space<vmem>>)
      %dma_start3A_291 = arith.constant 0 : i32
      %dma_start3A_292 = tpu.memref_slice %arg8[%add3A_283, %dma_start3A_291] : memref<40x64xi32, #tpu.memory_space<vmem>> -> memref<1x64xi32, #tpu.memory_space<vmem>>
      %dma_start3A_293 = tpu.memref_squeeze %dma_start3A_292 : memref<1x64xi32, #tpu.memory_space<vmem>> -> memref<64xi32, #tpu.memory_space<vmem>>
      %dma_start3A_294 = arith.constant 0 : i32
      %dma_start3A_295 = arith.constant 0 : i32
      %dma_start3A_296 = tpu.memref_slice %arg13[%dma_start3A_294, %dma_start3A_295] : memref<10240x128xf32, #tpu.memory_space<vmem_shared>> -> memref<10240x128xf32, #tpu.memory_space<vmem_shared>>
      tpu.enqueue_indirect_dma source(%arg9 : memref<64x128xf32, #tpu.memory_space<vmem>>) target(%dma_start3A_296 : memref<10240x128xf32, #tpu.memory_space<vmem_shared>>) offsets(%dma_start3A_293 : memref<64xi32, #tpu.memory_space<vmem>>) semaphore(%arg18 : memref<!tpu.dma_semaphore, #tpu.memory_space<semaphore_mem>>) {add = true}
      %add3A_297 = arith.constant 3 : i32
      %add3A_298 = arith.addi %add3A_283, %add3A_297 : i32
      %lt3A = arith.constant 40 : i32
      %lt3A_299 = arith.cmpi slt, %add3A_298, %lt3A : i32
      %convert_element_type3A = arith.extui %lt3A_299 : i1 to i32
      %cond3A = arith.constant 0 : i32
      %cond3A_300 = arith.cmpi ne, %convert_element_type3A, %cond3A : i32
      scf.if %cond3A_300 {
        %ge3A = arith.constant 1 : i32
        %ge3A_367 = arith.cmpi sge, %add3A_283, %ge3A : i32
        %convert_element_type3A_368 = arith.extui %ge3A_367 : i1 to i32
        %cond3A_369 = arith.constant 0 : i32
        %cond3A_370 = arith.cmpi ne, %convert_element_type3A_368, %cond3A_369 : i32
        scf.if %cond3A_370 {
          %dma_wait3A_379 = arith.constant 0 : i32
          %dma_wait3A_380 = arith.constant 0 : i32
          %dma_wait3A_381 = tpu.memref_slice %arg8[%dma_wait3A_379, %dma_wait3A_380] : memref<40x64xi32, #tpu.memory_space<vmem>> -> memref<1x64xi32, #tpu.memory_space<vmem>>
          %dma_wait3A_382 = tpu.memref_squeeze %dma_wait3A_381 : memref<1x64xi32, #tpu.memory_space<vmem>> -> memref<64xi32, #tpu.memory_space<vmem>>
          %dma_wait3A_383 = arith.constant 0 : i32
          %dma_wait3A_384 = arith.constant 0 : i32
          %dma_wait3A_385 = tpu.memref_slice %arg13[%dma_wait3A_383, %dma_wait3A_384] : memref<10240x128xf32, #tpu.memory_space<vmem_shared>> -> memref<10240x128xf32, #tpu.memory_space<vmem_shared>>
          tpu.wait_indirect_dma semaphore(%arg21 : memref<!tpu.dma_semaphore, #tpu.memory_space<semaphore_mem>>) src(%arg12 : memref<64x128xf32, #tpu.memory_space<vmem>>) dst(%dma_wait3A_385 : memref<10240x128xf32, #tpu.memory_space<vmem_shared>>)
        } else {
        }
        %add3A_371 = arith.constant 3 : i32
        %add3A_372 = arith.addi %add3A_283, %add3A_371 : i32
        %dma_start3A_373 = arith.constant 0 : i32
        %dma_start3A_374 = tpu.memref_slice %arg7[%add3A_372, %dma_start3A_373] : memref<40x64xi32, #tpu.memory_space<vmem>> -> memref<1x64xi32, #tpu.memory_space<vmem>>
        %dma_start3A_375 = tpu.memref_squeeze %dma_start3A_374 : memref<1x64xi32, #tpu.memory_space<vmem>> -> memref<64xi32, #tpu.memory_space<vmem>>
        %dma_start3A_376 = arith.constant 0 : i32
        %dma_start3A_377 = arith.constant 0 : i32
        %dma_start3A_378 = tpu.memref_slice %arg2[%dma_start3A_376, %dma_start3A_377] : memref<10240x128xf32, #tpu.memory_space<hbm>> -> memref<10240x128xf32, #tpu.memory_space<hbm>>
        tpu.enqueue_indirect_dma source(%dma_start3A_378 : memref<10240x128xf32, #tpu.memory_space<hbm>>) target(%arg12 : memref<64x128xf32, #tpu.memory_space<vmem>>) offsets(%dma_start3A_375 : memref<64xi32, #tpu.memory_space<vmem>>) semaphore(%arg17 : memref<!tpu.dma_semaphore, #tpu.memory_space<semaphore_mem>>)
      } else {
      }
      %add3A_301 = arith.constant 1 : i32
      %add3A_302 = arith.addi %mul3A_281, %add3A_301 : i32
      %dma_wait3A_303 = arith.constant 0 : i32
      %dma_wait3A_304 = arith.constant 0 : i32
      %dma_wait3A_305 = tpu.memref_slice %arg7[%dma_wait3A_303, %dma_wait3A_304] : memref<40x64xi32, #tpu.memory_space<vmem>> -> memref<1x64xi32, #tpu.memory_space<vmem>>
      %dma_wait3A_306 = tpu.memref_squeeze %dma_wait3A_305 : memref<1x64xi32, #tpu.memory_space<vmem>> -> memref<64xi32, #tpu.memory_space<vmem>>
      %dma_wait3A_307 = arith.constant 0 : i32
      %dma_wait3A_308 = arith.constant 0 : i32
      %dma_wait3A_309 = tpu.memref_slice %arg2[%dma_wait3A_307, %dma_wait3A_308] : memref<10240x128xf32, #tpu.memory_space<hbm>> -> memref<10240x128xf32, #tpu.memory_space<hbm>>
      tpu.wait_indirect_dma semaphore(%arg15 : memref<!tpu.dma_semaphore, #tpu.memory_space<semaphore_mem>>) src(%dma_wait3A_309 : memref<10240x128xf32, #tpu.memory_space<hbm>>) dst(%arg10 : memref<64x128xf32, #tpu.memory_space<vmem>>)
      %dma_start3A_310 = arith.constant 0 : i32
      %dma_start3A_311 = tpu.memref_slice %arg8[%add3A_302, %dma_start3A_310] : memref<40x64xi32, #tpu.memory_space<vmem>> -> memref<1x64xi32, #tpu.memory_space<vmem>>
      %dma_start3A_312 = tpu.memref_squeeze %dma_start3A_311 : memref<1x64xi32, #tpu.memory_space<vmem>> -> memref<64xi32, #tpu.memory_space<vmem>>
      %dma_start3A_313 = arith.constant 0 : i32
      %dma_start3A_314 = arith.constant 0 : i32
      %dma_start3A_315 = tpu.memref_slice %arg13[%dma_start3A_313, %dma_start3A_314] : memref<10240x128xf32, #tpu.memory_space<vmem_shared>> -> memref<10240x128xf32, #tpu.memory_space<vmem_shared>>
      tpu.enqueue_indirect_dma source(%arg10 : memref<64x128xf32, #tpu.memory_space<vmem>>) target(%dma_start3A_315 : memref<10240x128xf32, #tpu.memory_space<vmem_shared>>) offsets(%dma_start3A_312 : memref<64xi32, #tpu.memory_space<vmem>>) semaphore(%arg19 : memref<!tpu.dma_semaphore, #tpu.memory_space<semaphore_mem>>) {add = true}
      %add3A_316 = arith.constant 3 : i32
      %add3A_317 = arith.addi %add3A_302, %add3A_316 : i32
      %lt3A_318 = arith.constant 40 : i32
      %lt3A_319 = arith.cmpi slt, %add3A_317, %lt3A_318 : i32
      %convert_element_type3A_320 = arith.extui %lt3A_319 : i1 to i32
      %cond3A_321 = arith.constant 0 : i32
      %cond3A_322 = arith.cmpi ne, %convert_element_type3A_320, %cond3A_321 : i32
      scf.if %cond3A_322 {
        %ge3A = arith.constant 1 : i32
        %ge3A_367 = arith.cmpi sge, %add3A_302, %ge3A : i32
        %convert_element_type3A_368 = arith.extui %ge3A_367 : i1 to i32
        %cond3A_369 = arith.constant 0 : i32
        %cond3A_370 = arith.cmpi ne, %convert_element_type3A_368, %cond3A_369 : i32
        scf.if %cond3A_370 {
          %dma_wait3A_379 = arith.constant 0 : i32
          %dma_wait3A_380 = arith.constant 0 : i32
          %dma_wait3A_381 = tpu.memref_slice %arg8[%dma_wait3A_379, %dma_wait3A_380] : memref<40x64xi32, #tpu.memory_space<vmem>> -> memref<1x64xi32, #tpu.memory_space<vmem>>
          %dma_wait3A_382 = tpu.memref_squeeze %dma_wait3A_381 : memref<1x64xi32, #tpu.memory_space<vmem>> -> memref<64xi32, #tpu.memory_space<vmem>>
          %dma_wait3A_383 = arith.constant 0 : i32
          %dma_wait3A_384 = arith.constant 0 : i32
          %dma_wait3A_385 = tpu.memref_slice %arg13[%dma_wait3A_383, %dma_wait3A_384] : memref<10240x128xf32, #tpu.memory_space<vmem_shared>> -> memref<10240x128xf32, #tpu.memory_space<vmem_shared>>
          tpu.wait_indirect_dma semaphore(%arg18 : memref<!tpu.dma_semaphore, #tpu.memory_space<semaphore_mem>>) src(%arg9 : memref<64x128xf32, #tpu.memory_space<vmem>>) dst(%dma_wait3A_385 : memref<10240x128xf32, #tpu.memory_space<vmem_shared>>)
        } else {
        }
        %add3A_371 = arith.constant 3 : i32
        %add3A_372 = arith.addi %add3A_302, %add3A_371 : i32
        %dma_start3A_373 = arith.constant 0 : i32
        %dma_start3A_374 = tpu.memref_slice %arg7[%add3A_372, %dma_start3A_373] : memref<40x64xi32, #tpu.memory_space<vmem>> -> memref<1x64xi32, #tpu.memory_space<vmem>>
        %dma_start3A_375 = tpu.memref_squeeze %dma_start3A_374 : memref<1x64xi32, #tpu.memory_space<vmem>> -> memref<64xi32, #tpu.memory_space<vmem>>
        %dma_start3A_376 = arith.constant 0 : i32
        %dma_start3A_377 = arith.constant 0 : i32
        %dma_start3A_378 = tpu.memref_slice %arg2[%dma_start3A_376, %dma_start3A_377] : memref<10240x128xf32, #tpu.memory_space<hbm>> -> memref<10240x128xf32, #tpu.memory_space<hbm>>
        tpu.enqueue_indirect_dma source(%dma_start3A_378 : memref<10240x128xf32, #tpu.memory_space<hbm>>) target(%arg9 : memref<64x128xf32, #tpu.memory_space<vmem>>) offsets(%dma_start3A_375 : memref<64xi32, #tpu.memory_space<vmem>>) semaphore(%arg14 : memref<!tpu.dma_semaphore, #tpu.memory_space<semaphore_mem>>)
      } else {
      }
      %add3A_323 = arith.constant 2 : i32
      %add3A_324 = arith.addi %mul3A_281, %add3A_323 : i32
      %dma_wait3A_325 = arith.constant 0 : i32
      %dma_wait3A_326 = arith.constant 0 : i32
      %dma_wait3A_327 = tpu.memref_slice %arg7[%dma_wait3A_325, %dma_wait3A_326] : memref<40x64xi32, #tpu.memory_space<vmem>> -> memref<1x64xi32, #tpu.memory_space<vmem>>
      %dma_wait3A_328 = tpu.memref_squeeze %dma_wait3A_327 : memref<1x64xi32, #tpu.memory_space<vmem>> -> memref<64xi32, #tpu.memory_space<vmem>>
      %dma_wait3A_329 = arith.constant 0 : i32
      %dma_wait3A_330 = arith.constant 0 : i32
      %dma_wait3A_331 = tpu.memref_slice %arg2[%dma_wait3A_329, %dma_wait3A_330] : memref<10240x128xf32, #tpu.memory_space<hbm>> -> memref<10240x128xf32, #tpu.memory_space<hbm>>
      tpu.wait_indirect_dma semaphore(%arg16 : memref<!tpu.dma_semaphore, #tpu.memory_space<semaphore_mem>>) src(%dma_wait3A_331 : memref<10240x128xf32, #tpu.memory_space<hbm>>) dst(%arg11 : memref<64x128xf32, #tpu.memory_space<vmem>>)
      %dma_start3A_332 = arith.constant 0 : i32
      %dma_start3A_333 = tpu.memref_slice %arg8[%add3A_324, %dma_start3A_332] : memref<40x64xi32, #tpu.memory_space<vmem>> -> memref<1x64xi32, #tpu.memory_space<vmem>>
      %dma_start3A_334 = tpu.memref_squeeze %dma_start3A_333 : memref<1x64xi32, #tpu.memory_space<vmem>> -> memref<64xi32, #tpu.memory_space<vmem>>
      %dma_start3A_335 = arith.constant 0 : i32
      %dma_start3A_336 = arith.constant 0 : i32
      %dma_start3A_337 = tpu.memref_slice %arg13[%dma_start3A_335, %dma_start3A_336] : memref<10240x128xf32, #tpu.memory_space<vmem_shared>> -> memref<10240x128xf32, #tpu.memory_space<vmem_shared>>
      tpu.enqueue_indirect_dma source(%arg11 : memref<64x128xf32, #tpu.memory_space<vmem>>) target(%dma_start3A_337 : memref<10240x128xf32, #tpu.memory_space<vmem_shared>>) offsets(%dma_start3A_334 : memref<64xi32, #tpu.memory_space<vmem>>) semaphore(%arg20 : memref<!tpu.dma_semaphore, #tpu.memory_space<semaphore_mem>>) {add = true}
      %add3A_338 = arith.constant 3 : i32
      %add3A_339 = arith.addi %add3A_324, %add3A_338 : i32
      %lt3A_340 = arith.constant 40 : i32
      %lt3A_341 = arith.cmpi slt, %add3A_339, %lt3A_340 : i32
      %convert_element_type3A_342 = arith.extui %lt3A_341 : i1 to i32
      %cond3A_343 = arith.constant 0 : i32
      %cond3A_344 = arith.cmpi ne, %convert_element_type3A_342, %cond3A_343 : i32
      scf.if %cond3A_344 {
        %ge3A = arith.constant 1 : i32
        %ge3A_367 = arith.cmpi sge, %add3A_324, %ge3A : i32
        %convert_element_type3A_368 = arith.extui %ge3A_367 : i1 to i32
        %cond3A_369 = arith.constant 0 : i32
        %cond3A_370 = arith.cmpi ne, %convert_element_type3A_368, %cond3A_369 : i32
        scf.if %cond3A_370 {
          %dma_wait3A_379 = arith.constant 0 : i32
          %dma_wait3A_380 = arith.constant 0 : i32
          %dma_wait3A_381 = tpu.memref_slice %arg8[%dma_wait3A_379, %dma_wait3A_380] : memref<40x64xi32, #tpu.memory_space<vmem>> -> memref<1x64xi32, #tpu.memory_space<vmem>>
          %dma_wait3A_382 = tpu.memref_squeeze %dma_wait3A_381 : memref<1x64xi32, #tpu.memory_space<vmem>> -> memref<64xi32, #tpu.memory_space<vmem>>
          %dma_wait3A_383 = arith.constant 0 : i32
          %dma_wait3A_384 = arith.constant 0 : i32
          %dma_wait3A_385 = tpu.memref_slice %arg13[%dma_wait3A_383, %dma_wait3A_384] : memref<10240x128xf32, #tpu.memory_space<vmem_shared>> -> memref<10240x128xf32, #tpu.memory_space<vmem_shared>>
          tpu.wait_indirect_dma semaphore(%arg19 : memref<!tpu.dma_semaphore, #tpu.memory_space<semaphore_mem>>) src(%arg10 : memref<64x128xf32, #tpu.memory_space<vmem>>) dst(%dma_wait3A_385 : memref<10240x128xf32, #tpu.memory_space<vmem_shared>>)
        } else {
        }
        %add3A_371 = arith.constant 3 : i32
        %add3A_372 = arith.addi %add3A_324, %add3A_371 : i32
        %dma_start3A_373 = arith.constant 0 : i32
        %dma_start3A_374 = tpu.memref_slice %arg7[%add3A_372, %dma_start3A_373] : memref<40x64xi32, #tpu.memory_space<vmem>> -> memref<1x64xi32, #tpu.memory_space<vmem>>
        %dma_start3A_375 = tpu.memref_squeeze %dma_start3A_374 : memref<1x64xi32, #tpu.memory_space<vmem>> -> memref<64xi32, #tpu.memory_space<vmem>>
        %dma_start3A_376 = arith.constant 0 : i32
        %dma_start3A_377 = arith.constant 0 : i32
        %dma_start3A_378 = tpu.memref_slice %arg2[%dma_start3A_376, %dma_start3A_377] : memref<10240x128xf32, #tpu.memory_space<hbm>> -> memref<10240x128xf32, #tpu.memory_space<hbm>>
        tpu.enqueue_indirect_dma source(%dma_start3A_378 : memref<10240x128xf32, #tpu.memory_space<hbm>>) target(%arg10 : memref<64x128xf32, #tpu.memory_space<vmem>>) offsets(%dma_start3A_375 : memref<64xi32, #tpu.memory_space<vmem>>) semaphore(%arg15 : memref<!tpu.dma_semaphore, #tpu.memory_space<semaphore_mem>>)
      } else {
      }
      %add3A_345 = arith.constant 3 : i32
      %add3A_346 = arith.addi %mul3A_281, %add3A_345 : i32
      %dma_wait3A_347 = arith.constant 0 : i32
      %dma_wait3A_348 = arith.constant 0 : i32
      %dma_wait3A_349 = tpu.memref_slice %arg7[%dma_wait3A_347, %dma_wait3A_348] : memref<40x64xi32, #tpu.memory_space<vmem>> -> memref<1x64xi32, #tpu.memory_space<vmem>>
      %dma_wait3A_350 = tpu.memref_squeeze %dma_wait3A_349 : memref<1x64xi32, #tpu.memory_space<vmem>> -> memref<64xi32, #tpu.memory_space<vmem>>
      %dma_wait3A_351 = arith.constant 0 : i32
      %dma_wait3A_352 = arith.constant 0 : i32
      %dma_wait3A_353 = tpu.memref_slice %arg2[%dma_wait3A_351, %dma_wait3A_352] : memref<10240x128xf32, #tpu.memory_space<hbm>> -> memref<10240x128xf32, #tpu.memory_space<hbm>>
      tpu.wait_indirect_dma semaphore(%arg17 : memref<!tpu.dma_semaphore, #tpu.memory_space<semaphore_mem>>) src(%dma_wait3A_353 : memref<10240x128xf32, #tpu.memory_space<hbm>>) dst(%arg12 : memref<64x128xf32, #tpu.memory_space<vmem>>)
      %dma_start3A_354 = arith.constant 0 : i32
      %dma_start3A_355 = tpu.memref_slice %arg8[%add3A_346, %dma_start3A_354] : memref<40x64xi32, #tpu.memory_space<vmem>> -> memref<1x64xi32, #tpu.memory_space<vmem>>
      %dma_start3A_356 = tpu.memref_squeeze %dma_start3A_355 : memref<1x64xi32, #tpu.memory_space<vmem>> -> memref<64xi32, #tpu.memory_space<vmem>>
      %dma_start3A_357 = arith.constant 0 : i32
      %dma_start3A_358 = arith.constant 0 : i32
      %dma_start3A_359 = tpu.memref_slice %arg13[%dma_start3A_357, %dma_start3A_358] : memref<10240x128xf32, #tpu.memory_space<vmem_shared>> -> memref<10240x128xf32, #tpu.memory_space<vmem_shared>>
      tpu.enqueue_indirect_dma source(%arg12 : memref<64x128xf32, #tpu.memory_space<vmem>>) target(%dma_start3A_359 : memref<10240x128xf32, #tpu.memory_space<vmem_shared>>) offsets(%dma_start3A_356 : memref<64xi32, #tpu.memory_space<vmem>>) semaphore(%arg21 : memref<!tpu.dma_semaphore, #tpu.memory_space<semaphore_mem>>) {add = true}
      %add3A_360 = arith.constant 3 : i32
      %add3A_361 = arith.addi %add3A_346, %add3A_360 : i32
      %lt3A_362 = arith.constant 40 : i32
      %lt3A_363 = arith.cmpi slt, %add3A_361, %lt3A_362 : i32
      %convert_element_type3A_364 = arith.extui %lt3A_363 : i1 to i32
      %cond3A_365 = arith.constant 0 : i32
      %cond3A_366 = arith.cmpi ne, %convert_element_type3A_364, %cond3A_365 : i32
      scf.if %cond3A_366 {
        %ge3A = arith.constant 1 : i32
        %ge3A_367 = arith.cmpi sge, %add3A_346, %ge3A : i32
        %convert_element_type3A_368 = arith.extui %ge3A_367 : i1 to i32
        %cond3A_369 = arith.constant 0 : i32
        %cond3A_370 = arith.cmpi ne, %convert_element_type3A_368, %cond3A_369 : i32
        scf.if %cond3A_370 {
          %dma_wait3A_379 = arith.constant 0 : i32
          %dma_wait3A_380 = arith.constant 0 : i32
          %dma_wait3A_381 = tpu.memref_slice %arg8[%dma_wait3A_379, %dma_wait3A_380] : memref<40x64xi32, #tpu.memory_space<vmem>> -> memref<1x64xi32, #tpu.memory_space<vmem>>
          %dma_wait3A_382 = tpu.memref_squeeze %dma_wait3A_381 : memref<1x64xi32, #tpu.memory_space<vmem>> -> memref<64xi32, #tpu.memory_space<vmem>>
          %dma_wait3A_383 = arith.constant 0 : i32
          %dma_wait3A_384 = arith.constant 0 : i32
          %dma_wait3A_385 = tpu.memref_slice %arg13[%dma_wait3A_383, %dma_wait3A_384] : memref<10240x128xf32, #tpu.memory_space<vmem_shared>> -> memref<10240x128xf32, #tpu.memory_space<vmem_shared>>
          tpu.wait_indirect_dma semaphore(%arg20 : memref<!tpu.dma_semaphore, #tpu.memory_space<semaphore_mem>>) src(%arg11 : memref<64x128xf32, #tpu.memory_space<vmem>>) dst(%dma_wait3A_385 : memref<10240x128xf32, #tpu.memory_space<vmem_shared>>)
        } else {
        }
        %add3A_371 = arith.constant 3 : i32
        %add3A_372 = arith.addi %add3A_346, %add3A_371 : i32
        %dma_start3A_373 = arith.constant 0 : i32
        %dma_start3A_374 = tpu.memref_slice %arg7[%add3A_372, %dma_start3A_373] : memref<40x64xi32, #tpu.memory_space<vmem>> -> memref<1x64xi32, #tpu.memory_space<vmem>>
        %dma_start3A_375 = tpu.memref_squeeze %dma_start3A_374 : memref<1x64xi32, #tpu.memory_space<vmem>> -> memref<64xi32, #tpu.memory_space<vmem>>
        %dma_start3A_376 = arith.constant 0 : i32
        %dma_start3A_377 = arith.constant 0 : i32
        %dma_start3A_378 = tpu.memref_slice %arg2[%dma_start3A_376, %dma_start3A_377] : memref<10240x128xf32, #tpu.memory_space<hbm>> -> memref<10240x128xf32, #tpu.memory_space<hbm>>
        tpu.enqueue_indirect_dma source(%dma_start3A_378 : memref<10240x128xf32, #tpu.memory_space<hbm>>) target(%arg11 : memref<64x128xf32, #tpu.memory_space<vmem>>) offsets(%dma_start3A_375 : memref<64xi32, #tpu.memory_space<vmem>>) semaphore(%arg16 : memref<!tpu.dma_semaphore, #tpu.memory_space<semaphore_mem>>)
      } else {
      }
    }
    %scan3A_186 = arith.constant 10 : i32
    %dma_wait3A_187 = arith.constant 0 : i32
    %dma_wait3A_188 = arith.constant 0 : i32
    %dma_wait3A_189 = tpu.memref_slice %arg8[%dma_wait3A_187, %dma_wait3A_188] : memref<40x64xi32, #tpu.memory_space<vmem>> -> memref<1x64xi32, #tpu.memory_space<vmem>>
    %dma_wait3A_190 = tpu.memref_squeeze %dma_wait3A_189 : memref<1x64xi32, #tpu.memory_space<vmem>> -> memref<64xi32, #tpu.memory_space<vmem>>
    %dma_wait3A_191 = arith.constant 0 : i32
    %dma_wait3A_192 = arith.constant 0 : i32
    %dma_wait3A_193 = tpu.memref_slice %arg13[%dma_wait3A_191, %dma_wait3A_192] : memref<10240x128xf32, #tpu.memory_space<vmem_shared>> -> memref<10240x128xf32, #tpu.memory_space<vmem_shared>>
    tpu.wait_indirect_dma semaphore(%arg18 : memref<!tpu.dma_semaphore, #tpu.memory_space<semaphore_mem>>) src(%arg9 : memref<64x128xf32, #tpu.memory_space<vmem>>) dst(%dma_wait3A_193 : memref<10240x128xf32, #tpu.memory_space<vmem_shared>>)
    %dma_wait3A_194 = arith.constant 0 : i32
    %dma_wait3A_195 = arith.constant 0 : i32
    %dma_wait3A_196 = tpu.memref_slice %arg8[%dma_wait3A_194, %dma_wait3A_195] : memref<40x64xi32, #tpu.memory_space<vmem>> -> memref<1x64xi32, #tpu.memory_space<vmem>>
    %dma_wait3A_197 = tpu.memref_squeeze %dma_wait3A_196 : memref<1x64xi32, #tpu.memory_space<vmem>> -> memref<64xi32, #tpu.memory_space<vmem>>
    %dma_wait3A_198 = arith.constant 0 : i32
    %dma_wait3A_199 = arith.constant 0 : i32
    %dma_wait3A_200 = tpu.memref_slice %arg13[%dma_wait3A_198, %dma_wait3A_199] : memref<10240x128xf32, #tpu.memory_space<vmem_shared>> -> memref<10240x128xf32, #tpu.memory_space<vmem_shared>>
    tpu.wait_indirect_dma semaphore(%arg19 : memref<!tpu.dma_semaphore, #tpu.memory_space<semaphore_mem>>) src(%arg10 : memref<64x128xf32, #tpu.memory_space<vmem>>) dst(%dma_wait3A_200 : memref<10240x128xf32, #tpu.memory_space<vmem_shared>>)
    %dma_wait3A_201 = arith.constant 0 : i32
    %dma_wait3A_202 = arith.constant 0 : i32
    %dma_wait3A_203 = tpu.memref_slice %arg8[%dma_wait3A_201, %dma_wait3A_202] : memref<40x64xi32, #tpu.memory_space<vmem>> -> memref<1x64xi32, #tpu.memory_space<vmem>>
    %dma_wait3A_204 = tpu.memref_squeeze %dma_wait3A_203 : memref<1x64xi32, #tpu.memory_space<vmem>> -> memref<64xi32, #tpu.memory_space<vmem>>
    %dma_wait3A_205 = arith.constant 0 : i32
    %dma_wait3A_206 = arith.constant 0 : i32
    %dma_wait3A_207 = tpu.memref_slice %arg13[%dma_wait3A_205, %dma_wait3A_206] : memref<10240x128xf32, #tpu.memory_space<vmem_shared>> -> memref<10240x128xf32, #tpu.memory_space<vmem_shared>>
    tpu.wait_indirect_dma semaphore(%arg20 : memref<!tpu.dma_semaphore, #tpu.memory_space<semaphore_mem>>) src(%arg11 : memref<64x128xf32, #tpu.memory_space<vmem>>) dst(%dma_wait3A_207 : memref<10240x128xf32, #tpu.memory_space<vmem_shared>>)
    %dma_wait3A_208 = arith.constant 0 : i32
    %dma_wait3A_209 = arith.constant 0 : i32
    %dma_wait3A_210 = tpu.memref_slice %arg8[%dma_wait3A_208, %dma_wait3A_209] : memref<40x64xi32, #tpu.memory_space<vmem>> -> memref<1x64xi32, #tpu.memory_space<vmem>>
    %dma_wait3A_211 = tpu.memref_squeeze %dma_wait3A_210 : memref<1x64xi32, #tpu.memory_space<vmem>> -> memref<64xi32, #tpu.memory_space<vmem>>
    %dma_wait3A_212 = arith.constant 0 : i32
    %dma_wait3A_213 = arith.constant 0 : i32
    %dma_wait3A_214 = tpu.memref_slice %arg13[%dma_wait3A_212, %dma_wait3A_213] : memref<10240x128xf32, #tpu.memory_space<vmem_shared>> -> memref<10240x128xf32, #tpu.memory_space<vmem_shared>>
    tpu.wait_indirect_dma semaphore(%arg21 : memref<!tpu.dma_semaphore, #tpu.memory_space<semaphore_mem>>) src(%arg12 : memref<64x128xf32, #tpu.memory_space<vmem>>) dst(%dma_wait3A_214 : memref<10240x128xf32, #tpu.memory_space<vmem_shared>>)
    %mul3A_215 = arith.constant 160 : i32
    %mul3A_216 = arith.muli %add3A, %mul3A_215 : i32
    %add3A_217 = arith.constant 120 : i32
    %add3A_218 = arith.addi %mul3A_216, %add3A_217 : i32
    "tpu.region"() ({
      %run_scoped3A = tpu.sem_alloc : memref<!tpu.dma_semaphore, #tpu.memory_space<semaphore_mem>>
      %dma_start3A_279 = arith.constant 0 : i32
      %dma_start3A_280 = tpu.memref_slice %arg3[%add3A_218, %dma_start3A_279] : memref<5120x64xi32, #tpu.memory_space<hbm>> -> memref<40x64xi32, #tpu.memory_space<hbm>>
      %dma_start3A_281 = arith.constant 0 : i32
      %dma_start3A_282 = tpu.memref_slice %arg3[%add3A_218, %dma_start3A_281] : memref<5120x64xi32, #tpu.memory_space<hbm>> -> memref<40x64xi32, #tpu.memory_space<hbm>>
      tpu.enqueue_dma source(%dma_start3A_282 : memref<40x64xi32, #tpu.memory_space<hbm>>) target(%arg7 : memref<40x64xi32, #tpu.memory_space<vmem>>) target_semaphore(%run_scoped3A : memref<!tpu.dma_semaphore, #tpu.memory_space<semaphore_mem>>)
      %dma_wait3A_283 = arith.constant 0 : i32
      %dma_wait3A_284 = tpu.memref_slice %arg3[%add3A_218, %dma_wait3A_283] : memref<5120x64xi32, #tpu.memory_space<hbm>> -> memref<40x64xi32, #tpu.memory_space<hbm>>
      %dma_wait3A_285 = arith.constant 0 : i32
      %dma_wait3A_286 = tpu.memref_slice %arg3[%add3A_218, %dma_wait3A_285] : memref<5120x64xi32, #tpu.memory_space<hbm>> -> memref<40x64xi32, #tpu.memory_space<hbm>>
      tpu.wait_dma2 semaphore(%run_scoped3A : memref<!tpu.dma_semaphore, #tpu.memory_space<semaphore_mem>>) src(%dma_wait3A_286 : memref<40x64xi32, #tpu.memory_space<hbm>>) dst(%arg7 : memref<40x64xi32, #tpu.memory_space<vmem>>)
      tpu.yield
    }) : () -> ()
    "tpu.region"() ({
      %run_scoped3A = tpu.sem_alloc : memref<!tpu.dma_semaphore, #tpu.memory_space<semaphore_mem>>
      %dma_start3A_279 = arith.constant 0 : i32
      %dma_start3A_280 = tpu.memref_slice %arg4[%add3A_218, %dma_start3A_279] : memref<5120x64xi32, #tpu.memory_space<hbm>> -> memref<40x64xi32, #tpu.memory_space<hbm>>
      %dma_start3A_281 = arith.constant 0 : i32
      %dma_start3A_282 = tpu.memref_slice %arg4[%add3A_218, %dma_start3A_281] : memref<5120x64xi32, #tpu.memory_space<hbm>> -> memref<40x64xi32, #tpu.memory_space<hbm>>
      tpu.enqueue_dma source(%dma_start3A_282 : memref<40x64xi32, #tpu.memory_space<hbm>>) target(%arg8 : memref<40x64xi32, #tpu.memory_space<vmem>>) target_semaphore(%run_scoped3A : memref<!tpu.dma_semaphore, #tpu.memory_space<semaphore_mem>>)
      %dma_wait3A_283 = arith.constant 0 : i32
      %dma_wait3A_284 = tpu.memref_slice %arg4[%add3A_218, %dma_wait3A_283] : memref<5120x64xi32, #tpu.memory_space<hbm>> -> memref<40x64xi32, #tpu.memory_space<hbm>>
      %dma_wait3A_285 = arith.constant 0 : i32
      %dma_wait3A_286 = tpu.memref_slice %arg4[%add3A_218, %dma_wait3A_285] : memref<5120x64xi32, #tpu.memory_space<hbm>> -> memref<40x64xi32, #tpu.memory_space<hbm>>
      tpu.wait_dma2 semaphore(%run_scoped3A : memref<!tpu.dma_semaphore, #tpu.memory_space<semaphore_mem>>) src(%dma_wait3A_286 : memref<40x64xi32, #tpu.memory_space<hbm>>) dst(%arg8 : memref<40x64xi32, #tpu.memory_space<vmem>>)
      tpu.yield
    }) : () -> ()
    %dma_start3A_219 = arith.constant 0 : i32
    %dma_start3A_220 = arith.constant 0 : i32
    %dma_start3A_221 = tpu.memref_slice %arg7[%dma_start3A_219, %dma_start3A_220] : memref<40x64xi32, #tpu.memory_space<vmem>> -> memref<1x64xi32, #tpu.memory_space<vmem>>
    %dma_start3A_222 = tpu.memref_squeeze %dma_start3A_221 : memref<1x64xi32, #tpu.memory_space<vmem>> -> memref<64xi32, #tpu.memory_space<vmem>>
    %dma_start3A_223 = arith.constant 0 : i32
    %dma_start3A_224 = arith.constant 0 : i32
    %dma_start3A_225 = tpu.memref_slice %arg2[%dma_start3A_223, %dma_start3A_224] : memref<10240x128xf32, #tpu.memory_space<hbm>> -> memref<10240x128xf32, #tpu.memory_space<hbm>>
    tpu.enqueue_indirect_dma source(%dma_start3A_225 : memref<10240x128xf32, #tpu.memory_space<hbm>>) target(%arg9 : memref<64x128xf32, #tpu.memory_space<vmem>>) offsets(%dma_start3A_222 : memref<64xi32, #tpu.memory_space<vmem>>) semaphore(%arg14 : memref<!tpu.dma_semaphore, #tpu.memory_space<semaphore_mem>>)
    %dma_start3A_226 = arith.constant 1 : i32
    %dma_start3A_227 = arith.constant 0 : i32
    %dma_start3A_228 = tpu.memref_slice %arg7[%dma_start3A_226, %dma_start3A_227] : memref<40x64xi32, #tpu.memory_space<vmem>> -> memref<1x64xi32, #tpu.memory_space<vmem>>
    %dma_start3A_229 = tpu.memref_squeeze %dma_start3A_228 : memref<1x64xi32, #tpu.memory_space<vmem>> -> memref<64xi32, #tpu.memory_space<vmem>>
    %dma_start3A_230 = arith.constant 0 : i32
    %dma_start3A_231 = arith.constant 0 : i32
    %dma_start3A_232 = tpu.memref_slice %arg2[%dma_start3A_230, %dma_start3A_231] : memref<10240x128xf32, #tpu.memory_space<hbm>> -> memref<10240x128xf32, #tpu.memory_space<hbm>>
    tpu.enqueue_indirect_dma source(%dma_start3A_232 : memref<10240x128xf32, #tpu.memory_space<hbm>>) target(%arg10 : memref<64x128xf32, #tpu.memory_space<vmem>>) offsets(%dma_start3A_229 : memref<64xi32, #tpu.memory_space<vmem>>) semaphore(%arg15 : memref<!tpu.dma_semaphore, #tpu.memory_space<semaphore_mem>>)
    %dma_start3A_233 = arith.constant 2 : i32
    %dma_start3A_234 = arith.constant 0 : i32
    %dma_start3A_235 = tpu.memref_slice %arg7[%dma_start3A_233, %dma_start3A_234] : memref<40x64xi32, #tpu.memory_space<vmem>> -> memref<1x64xi32, #tpu.memory_space<vmem>>
    %dma_start3A_236 = tpu.memref_squeeze %dma_start3A_235 : memref<1x64xi32, #tpu.memory_space<vmem>> -> memref<64xi32, #tpu.memory_space<vmem>>
    %dma_start3A_237 = arith.constant 0 : i32
    %dma_start3A_238 = arith.constant 0 : i32
    %dma_start3A_239 = tpu.memref_slice %arg2[%dma_start3A_237, %dma_start3A_238] : memref<10240x128xf32, #tpu.memory_space<hbm>> -> memref<10240x128xf32, #tpu.memory_space<hbm>>
    tpu.enqueue_indirect_dma source(%dma_start3A_239 : memref<10240x128xf32, #tpu.memory_space<hbm>>) target(%arg11 : memref<64x128xf32, #tpu.memory_space<vmem>>) offsets(%dma_start3A_236 : memref<64xi32, #tpu.memory_space<vmem>>) semaphore(%arg16 : memref<!tpu.dma_semaphore, #tpu.memory_space<semaphore_mem>>)
    %scan3A_240 = arith.constant 0 : i32
    %scan3A_241 = arith.constant 0 : i32
    %scan3A_242 = arith.constant 10 : i32
    %scan3A_243 = arith.addi %scan3A_241, %scan3A_242 : i32
    %scan3A_244 = arith.constant 1 : i32
    scf.for %scan3A_279 = %scan3A_241 to %scan3A_243 step %scan3A_244  : i32 {
      %mul3A_280 = arith.constant 4 : i32
      %mul3A_281 = arith.muli %mul3A_280, %scan3A_279 : i32
      %add3A_282 = arith.constant 0 : i32
      %add3A_283 = arith.addi %mul3A_281, %add3A_282 : i32
      %dma_wait3A_284 = arith.constant 0 : i32
      %dma_wait3A_285 = arith.constant 0 : i32
      %dma_wait3A_286 = tpu.memref_slice %arg7[%dma_wait3A_284, %dma_wait3A_285] : memref<40x64xi32, #tpu.memory_space<vmem>> -> memref<1x64xi32, #tpu.memory_space<vmem>>
      %dma_wait3A_287 = tpu.memref_squeeze %dma_wait3A_286 : memref<1x64xi32, #tpu.memory_space<vmem>> -> memref<64xi32, #tpu.memory_space<vmem>>
      %dma_wait3A_288 = arith.constant 0 : i32
      %dma_wait3A_289 = arith.constant 0 : i32
      %dma_wait3A_290 = tpu.memref_slice %arg2[%dma_wait3A_288, %dma_wait3A_289] : memref<10240x128xf32, #tpu.memory_space<hbm>> -> memref<10240x128xf32, #tpu.memory_space<hbm>>
      tpu.wait_indirect_dma semaphore(%arg14 : memref<!tpu.dma_semaphore, #tpu.memory_space<semaphore_mem>>) src(%dma_wait3A_290 : memref<10240x128xf32, #tpu.memory_space<hbm>>) dst(%arg9 : memref<64x128xf32, #tpu.memory_space<vmem>>)
      %dma_start3A_291 = arith.constant 0 : i32
      %dma_start3A_292 = tpu.memref_slice %arg8[%add3A_283, %dma_start3A_291] : memref<40x64xi32, #tpu.memory_space<vmem>> -> memref<1x64xi32, #tpu.memory_space<vmem>>
      %dma_start3A_293 = tpu.memref_squeeze %dma_start3A_292 : memref<1x64xi32, #tpu.memory_space<vmem>> -> memref<64xi32, #tpu.memory_space<vmem>>
      %dma_start3A_294 = arith.constant 0 : i32
      %dma_start3A_295 = arith.constant 0 : i32
      %dma_start3A_296 = tpu.memref_slice %arg13[%dma_start3A_294, %dma_start3A_295] : memref<10240x128xf32, #tpu.memory_space<vmem_shared>> -> memref<10240x128xf32, #tpu.memory_space<vmem_shared>>
      tpu.enqueue_indirect_dma source(%arg9 : memref<64x128xf32, #tpu.memory_space<vmem>>) target(%dma_start3A_296 : memref<10240x128xf32, #tpu.memory_space<vmem_shared>>) offsets(%dma_start3A_293 : memref<64xi32, #tpu.memory_space<vmem>>) semaphore(%arg18 : memref<!tpu.dma_semaphore, #tpu.memory_space<semaphore_mem>>) {add = true}
      %add3A_297 = arith.constant 3 : i32
      %add3A_298 = arith.addi %add3A_283, %add3A_297 : i32
      %lt3A = arith.constant 40 : i32
      %lt3A_299 = arith.cmpi slt, %add3A_298, %lt3A : i32
      %convert_element_type3A = arith.extui %lt3A_299 : i1 to i32
      %cond3A = arith.constant 0 : i32
      %cond3A_300 = arith.cmpi ne, %convert_element_type3A, %cond3A : i32
      scf.if %cond3A_300 {
        %ge3A = arith.constant 1 : i32
        %ge3A_367 = arith.cmpi sge, %add3A_283, %ge3A : i32
        %convert_element_type3A_368 = arith.extui %ge3A_367 : i1 to i32
        %cond3A_369 = arith.constant 0 : i32
        %cond3A_370 = arith.cmpi ne, %convert_element_type3A_368, %cond3A_369 : i32
        scf.if %cond3A_370 {
          %dma_wait3A_379 = arith.constant 0 : i32
          %dma_wait3A_380 = arith.constant 0 : i32
          %dma_wait3A_381 = tpu.memref_slice %arg8[%dma_wait3A_379, %dma_wait3A_380] : memref<40x64xi32, #tpu.memory_space<vmem>> -> memref<1x64xi32, #tpu.memory_space<vmem>>
          %dma_wait3A_382 = tpu.memref_squeeze %dma_wait3A_381 : memref<1x64xi32, #tpu.memory_space<vmem>> -> memref<64xi32, #tpu.memory_space<vmem>>
          %dma_wait3A_383 = arith.constant 0 : i32
          %dma_wait3A_384 = arith.constant 0 : i32
          %dma_wait3A_385 = tpu.memref_slice %arg13[%dma_wait3A_383, %dma_wait3A_384] : memref<10240x128xf32, #tpu.memory_space<vmem_shared>> -> memref<10240x128xf32, #tpu.memory_space<vmem_shared>>
          tpu.wait_indirect_dma semaphore(%arg21 : memref<!tpu.dma_semaphore, #tpu.memory_space<semaphore_mem>>) src(%arg12 : memref<64x128xf32, #tpu.memory_space<vmem>>) dst(%dma_wait3A_385 : memref<10240x128xf32, #tpu.memory_space<vmem_shared>>)
        } else {
        }
        %add3A_371 = arith.constant 3 : i32
        %add3A_372 = arith.addi %add3A_283, %add3A_371 : i32
        %dma_start3A_373 = arith.constant 0 : i32
        %dma_start3A_374 = tpu.memref_slice %arg7[%add3A_372, %dma_start3A_373] : memref<40x64xi32, #tpu.memory_space<vmem>> -> memref<1x64xi32, #tpu.memory_space<vmem>>
        %dma_start3A_375 = tpu.memref_squeeze %dma_start3A_374 : memref<1x64xi32, #tpu.memory_space<vmem>> -> memref<64xi32, #tpu.memory_space<vmem>>
        %dma_start3A_376 = arith.constant 0 : i32
        %dma_start3A_377 = arith.constant 0 : i32
        %dma_start3A_378 = tpu.memref_slice %arg2[%dma_start3A_376, %dma_start3A_377] : memref<10240x128xf32, #tpu.memory_space<hbm>> -> memref<10240x128xf32, #tpu.memory_space<hbm>>
        tpu.enqueue_indirect_dma source(%dma_start3A_378 : memref<10240x128xf32, #tpu.memory_space<hbm>>) target(%arg12 : memref<64x128xf32, #tpu.memory_space<vmem>>) offsets(%dma_start3A_375 : memref<64xi32, #tpu.memory_space<vmem>>) semaphore(%arg17 : memref<!tpu.dma_semaphore, #tpu.memory_space<semaphore_mem>>)
      } else {
      }
      %add3A_301 = arith.constant 1 : i32
      %add3A_302 = arith.addi %mul3A_281, %add3A_301 : i32
      %dma_wait3A_303 = arith.constant 0 : i32
      %dma_wait3A_304 = arith.constant 0 : i32
      %dma_wait3A_305 = tpu.memref_slice %arg7[%dma_wait3A_303, %dma_wait3A_304] : memref<40x64xi32, #tpu.memory_space<vmem>> -> memref<1x64xi32, #tpu.memory_space<vmem>>
      %dma_wait3A_306 = tpu.memref_squeeze %dma_wait3A_305 : memref<1x64xi32, #tpu.memory_space<vmem>> -> memref<64xi32, #tpu.memory_space<vmem>>
      %dma_wait3A_307 = arith.constant 0 : i32
      %dma_wait3A_308 = arith.constant 0 : i32
      %dma_wait3A_309 = tpu.memref_slice %arg2[%dma_wait3A_307, %dma_wait3A_308] : memref<10240x128xf32, #tpu.memory_space<hbm>> -> memref<10240x128xf32, #tpu.memory_space<hbm>>
      tpu.wait_indirect_dma semaphore(%arg15 : memref<!tpu.dma_semaphore, #tpu.memory_space<semaphore_mem>>) src(%dma_wait3A_309 : memref<10240x128xf32, #tpu.memory_space<hbm>>) dst(%arg10 : memref<64x128xf32, #tpu.memory_space<vmem>>)
      %dma_start3A_310 = arith.constant 0 : i32
      %dma_start3A_311 = tpu.memref_slice %arg8[%add3A_302, %dma_start3A_310] : memref<40x64xi32, #tpu.memory_space<vmem>> -> memref<1x64xi32, #tpu.memory_space<vmem>>
      %dma_start3A_312 = tpu.memref_squeeze %dma_start3A_311 : memref<1x64xi32, #tpu.memory_space<vmem>> -> memref<64xi32, #tpu.memory_space<vmem>>
      %dma_start3A_313 = arith.constant 0 : i32
      %dma_start3A_314 = arith.constant 0 : i32
      %dma_start3A_315 = tpu.memref_slice %arg13[%dma_start3A_313, %dma_start3A_314] : memref<10240x128xf32, #tpu.memory_space<vmem_shared>> -> memref<10240x128xf32, #tpu.memory_space<vmem_shared>>
      tpu.enqueue_indirect_dma source(%arg10 : memref<64x128xf32, #tpu.memory_space<vmem>>) target(%dma_start3A_315 : memref<10240x128xf32, #tpu.memory_space<vmem_shared>>) offsets(%dma_start3A_312 : memref<64xi32, #tpu.memory_space<vmem>>) semaphore(%arg19 : memref<!tpu.dma_semaphore, #tpu.memory_space<semaphore_mem>>) {add = true}
      %add3A_316 = arith.constant 3 : i32
      %add3A_317 = arith.addi %add3A_302, %add3A_316 : i32
      %lt3A_318 = arith.constant 40 : i32
      %lt3A_319 = arith.cmpi slt, %add3A_317, %lt3A_318 : i32
      %convert_element_type3A_320 = arith.extui %lt3A_319 : i1 to i32
      %cond3A_321 = arith.constant 0 : i32
      %cond3A_322 = arith.cmpi ne, %convert_element_type3A_320, %cond3A_321 : i32
      scf.if %cond3A_322 {
        %ge3A = arith.constant 1 : i32
        %ge3A_367 = arith.cmpi sge, %add3A_302, %ge3A : i32
        %convert_element_type3A_368 = arith.extui %ge3A_367 : i1 to i32
        %cond3A_369 = arith.constant 0 : i32
        %cond3A_370 = arith.cmpi ne, %convert_element_type3A_368, %cond3A_369 : i32
        scf.if %cond3A_370 {
          %dma_wait3A_379 = arith.constant 0 : i32
          %dma_wait3A_380 = arith.constant 0 : i32
          %dma_wait3A_381 = tpu.memref_slice %arg8[%dma_wait3A_379, %dma_wait3A_380] : memref<40x64xi32, #tpu.memory_space<vmem>> -> memref<1x64xi32, #tpu.memory_space<vmem>>
          %dma_wait3A_382 = tpu.memref_squeeze %dma_wait3A_381 : memref<1x64xi32, #tpu.memory_space<vmem>> -> memref<64xi32, #tpu.memory_space<vmem>>
          %dma_wait3A_383 = arith.constant 0 : i32
          %dma_wait3A_384 = arith.constant 0 : i32
          %dma_wait3A_385 = tpu.memref_slice %arg13[%dma_wait3A_383, %dma_wait3A_384] : memref<10240x128xf32, #tpu.memory_space<vmem_shared>> -> memref<10240x128xf32, #tpu.memory_space<vmem_shared>>
          tpu.wait_indirect_dma semaphore(%arg18 : memref<!tpu.dma_semaphore, #tpu.memory_space<semaphore_mem>>) src(%arg9 : memref<64x128xf32, #tpu.memory_space<vmem>>) dst(%dma_wait3A_385 : memref<10240x128xf32, #tpu.memory_space<vmem_shared>>)
        } else {
        }
        %add3A_371 = arith.constant 3 : i32
        %add3A_372 = arith.addi %add3A_302, %add3A_371 : i32
        %dma_start3A_373 = arith.constant 0 : i32
        %dma_start3A_374 = tpu.memref_slice %arg7[%add3A_372, %dma_start3A_373] : memref<40x64xi32, #tpu.memory_space<vmem>> -> memref<1x64xi32, #tpu.memory_space<vmem>>
        %dma_start3A_375 = tpu.memref_squeeze %dma_start3A_374 : memref<1x64xi32, #tpu.memory_space<vmem>> -> memref<64xi32, #tpu.memory_space<vmem>>
        %dma_start3A_376 = arith.constant 0 : i32
        %dma_start3A_377 = arith.constant 0 : i32
        %dma_start3A_378 = tpu.memref_slice %arg2[%dma_start3A_376, %dma_start3A_377] : memref<10240x128xf32, #tpu.memory_space<hbm>> -> memref<10240x128xf32, #tpu.memory_space<hbm>>
        tpu.enqueue_indirect_dma source(%dma_start3A_378 : memref<10240x128xf32, #tpu.memory_space<hbm>>) target(%arg9 : memref<64x128xf32, #tpu.memory_space<vmem>>) offsets(%dma_start3A_375 : memref<64xi32, #tpu.memory_space<vmem>>) semaphore(%arg14 : memref<!tpu.dma_semaphore, #tpu.memory_space<semaphore_mem>>)
      } else {
      }
      %add3A_323 = arith.constant 2 : i32
      %add3A_324 = arith.addi %mul3A_281, %add3A_323 : i32
      %dma_wait3A_325 = arith.constant 0 : i32
      %dma_wait3A_326 = arith.constant 0 : i32
      %dma_wait3A_327 = tpu.memref_slice %arg7[%dma_wait3A_325, %dma_wait3A_326] : memref<40x64xi32, #tpu.memory_space<vmem>> -> memref<1x64xi32, #tpu.memory_space<vmem>>
      %dma_wait3A_328 = tpu.memref_squeeze %dma_wait3A_327 : memref<1x64xi32, #tpu.memory_space<vmem>> -> memref<64xi32, #tpu.memory_space<vmem>>
      %dma_wait3A_329 = arith.constant 0 : i32
      %dma_wait3A_330 = arith.constant 0 : i32
      %dma_wait3A_331 = tpu.memref_slice %arg2[%dma_wait3A_329, %dma_wait3A_330] : memref<10240x128xf32, #tpu.memory_space<hbm>> -> memref<10240x128xf32, #tpu.memory_space<hbm>>
      tpu.wait_indirect_dma semaphore(%arg16 : memref<!tpu.dma_semaphore, #tpu.memory_space<semaphore_mem>>) src(%dma_wait3A_331 : memref<10240x128xf32, #tpu.memory_space<hbm>>) dst(%arg11 : memref<64x128xf32, #tpu.memory_space<vmem>>)
      %dma_start3A_332 = arith.constant 0 : i32
      %dma_start3A_333 = tpu.memref_slice %arg8[%add3A_324, %dma_start3A_332] : memref<40x64xi32, #tpu.memory_space<vmem>> -> memref<1x64xi32, #tpu.memory_space<vmem>>
      %dma_start3A_334 = tpu.memref_squeeze %dma_start3A_333 : memref<1x64xi32, #tpu.memory_space<vmem>> -> memref<64xi32, #tpu.memory_space<vmem>>
      %dma_start3A_335 = arith.constant 0 : i32
      %dma_start3A_336 = arith.constant 0 : i32
      %dma_start3A_337 = tpu.memref_slice %arg13[%dma_start3A_335, %dma_start3A_336] : memref<10240x128xf32, #tpu.memory_space<vmem_shared>> -> memref<10240x128xf32, #tpu.memory_space<vmem_shared>>
      tpu.enqueue_indirect_dma source(%arg11 : memref<64x128xf32, #tpu.memory_space<vmem>>) target(%dma_start3A_337 : memref<10240x128xf32, #tpu.memory_space<vmem_shared>>) offsets(%dma_start3A_334 : memref<64xi32, #tpu.memory_space<vmem>>) semaphore(%arg20 : memref<!tpu.dma_semaphore, #tpu.memory_space<semaphore_mem>>) {add = true}
      %add3A_338 = arith.constant 3 : i32
      %add3A_339 = arith.addi %add3A_324, %add3A_338 : i32
      %lt3A_340 = arith.constant 40 : i32
      %lt3A_341 = arith.cmpi slt, %add3A_339, %lt3A_340 : i32
      %convert_element_type3A_342 = arith.extui %lt3A_341 : i1 to i32
      %cond3A_343 = arith.constant 0 : i32
      %cond3A_344 = arith.cmpi ne, %convert_element_type3A_342, %cond3A_343 : i32
      scf.if %cond3A_344 {
        %ge3A = arith.constant 1 : i32
        %ge3A_367 = arith.cmpi sge, %add3A_324, %ge3A : i32
        %convert_element_type3A_368 = arith.extui %ge3A_367 : i1 to i32
        %cond3A_369 = arith.constant 0 : i32
        %cond3A_370 = arith.cmpi ne, %convert_element_type3A_368, %cond3A_369 : i32
        scf.if %cond3A_370 {
          %dma_wait3A_379 = arith.constant 0 : i32
          %dma_wait3A_380 = arith.constant 0 : i32
          %dma_wait3A_381 = tpu.memref_slice %arg8[%dma_wait3A_379, %dma_wait3A_380] : memref<40x64xi32, #tpu.memory_space<vmem>> -> memref<1x64xi32, #tpu.memory_space<vmem>>
          %dma_wait3A_382 = tpu.memref_squeeze %dma_wait3A_381 : memref<1x64xi32, #tpu.memory_space<vmem>> -> memref<64xi32, #tpu.memory_space<vmem>>
          %dma_wait3A_383 = arith.constant 0 : i32
          %dma_wait3A_384 = arith.constant 0 : i32
          %dma_wait3A_385 = tpu.memref_slice %arg13[%dma_wait3A_383, %dma_wait3A_384] : memref<10240x128xf32, #tpu.memory_space<vmem_shared>> -> memref<10240x128xf32, #tpu.memory_space<vmem_shared>>
          tpu.wait_indirect_dma semaphore(%arg19 : memref<!tpu.dma_semaphore, #tpu.memory_space<semaphore_mem>>) src(%arg10 : memref<64x128xf32, #tpu.memory_space<vmem>>) dst(%dma_wait3A_385 : memref<10240x128xf32, #tpu.memory_space<vmem_shared>>)
        } else {
        }
        %add3A_371 = arith.constant 3 : i32
        %add3A_372 = arith.addi %add3A_324, %add3A_371 : i32
        %dma_start3A_373 = arith.constant 0 : i32
        %dma_start3A_374 = tpu.memref_slice %arg7[%add3A_372, %dma_start3A_373] : memref<40x64xi32, #tpu.memory_space<vmem>> -> memref<1x64xi32, #tpu.memory_space<vmem>>
        %dma_start3A_375 = tpu.memref_squeeze %dma_start3A_374 : memref<1x64xi32, #tpu.memory_space<vmem>> -> memref<64xi32, #tpu.memory_space<vmem>>
        %dma_start3A_376 = arith.constant 0 : i32
        %dma_start3A_377 = arith.constant 0 : i32
        %dma_start3A_378 = tpu.memref_slice %arg2[%dma_start3A_376, %dma_start3A_377] : memref<10240x128xf32, #tpu.memory_space<hbm>> -> memref<10240x128xf32, #tpu.memory_space<hbm>>
        tpu.enqueue_indirect_dma source(%dma_start3A_378 : memref<10240x128xf32, #tpu.memory_space<hbm>>) target(%arg10 : memref<64x128xf32, #tpu.memory_space<vmem>>) offsets(%dma_start3A_375 : memref<64xi32, #tpu.memory_space<vmem>>) semaphore(%arg15 : memref<!tpu.dma_semaphore, #tpu.memory_space<semaphore_mem>>)
      } else {
      }
      %add3A_345 = arith.constant 3 : i32
      %add3A_346 = arith.addi %mul3A_281, %add3A_345 : i32
      %dma_wait3A_347 = arith.constant 0 : i32
      %dma_wait3A_348 = arith.constant 0 : i32
      %dma_wait3A_349 = tpu.memref_slice %arg7[%dma_wait3A_347, %dma_wait3A_348] : memref<40x64xi32, #tpu.memory_space<vmem>> -> memref<1x64xi32, #tpu.memory_space<vmem>>
      %dma_wait3A_350 = tpu.memref_squeeze %dma_wait3A_349 : memref<1x64xi32, #tpu.memory_space<vmem>> -> memref<64xi32, #tpu.memory_space<vmem>>
      %dma_wait3A_351 = arith.constant 0 : i32
      %dma_wait3A_352 = arith.constant 0 : i32
      %dma_wait3A_353 = tpu.memref_slice %arg2[%dma_wait3A_351, %dma_wait3A_352] : memref<10240x128xf32, #tpu.memory_space<hbm>> -> memref<10240x128xf32, #tpu.memory_space<hbm>>
      tpu.wait_indirect_dma semaphore(%arg17 : memref<!tpu.dma_semaphore, #tpu.memory_space<semaphore_mem>>) src(%dma_wait3A_353 : memref<10240x128xf32, #tpu.memory_space<hbm>>) dst(%arg12 : memref<64x128xf32, #tpu.memory_space<vmem>>)
      %dma_start3A_354 = arith.constant 0 : i32
      %dma_start3A_355 = tpu.memref_slice %arg8[%add3A_346, %dma_start3A_354] : memref<40x64xi32, #tpu.memory_space<vmem>> -> memref<1x64xi32, #tpu.memory_space<vmem>>
      %dma_start3A_356 = tpu.memref_squeeze %dma_start3A_355 : memref<1x64xi32, #tpu.memory_space<vmem>> -> memref<64xi32, #tpu.memory_space<vmem>>
      %dma_start3A_357 = arith.constant 0 : i32
      %dma_start3A_358 = arith.constant 0 : i32
      %dma_start3A_359 = tpu.memref_slice %arg13[%dma_start3A_357, %dma_start3A_358] : memref<10240x128xf32, #tpu.memory_space<vmem_shared>> -> memref<10240x128xf32, #tpu.memory_space<vmem_shared>>
      tpu.enqueue_indirect_dma source(%arg12 : memref<64x128xf32, #tpu.memory_space<vmem>>) target(%dma_start3A_359 : memref<10240x128xf32, #tpu.memory_space<vmem_shared>>) offsets(%dma_start3A_356 : memref<64xi32, #tpu.memory_space<vmem>>) semaphore(%arg21 : memref<!tpu.dma_semaphore, #tpu.memory_space<semaphore_mem>>) {add = true}
      %add3A_360 = arith.constant 3 : i32
      %add3A_361 = arith.addi %add3A_346, %add3A_360 : i32
      %lt3A_362 = arith.constant 40 : i32
      %lt3A_363 = arith.cmpi slt, %add3A_361, %lt3A_362 : i32
      %convert_element_type3A_364 = arith.extui %lt3A_363 : i1 to i32
      %cond3A_365 = arith.constant 0 : i32
      %cond3A_366 = arith.cmpi ne, %convert_element_type3A_364, %cond3A_365 : i32
      scf.if %cond3A_366 {
        %ge3A = arith.constant 1 : i32
        %ge3A_367 = arith.cmpi sge, %add3A_346, %ge3A : i32
        %convert_element_type3A_368 = arith.extui %ge3A_367 : i1 to i32
        %cond3A_369 = arith.constant 0 : i32
        %cond3A_370 = arith.cmpi ne, %convert_element_type3A_368, %cond3A_369 : i32
        scf.if %cond3A_370 {
          %dma_wait3A_379 = arith.constant 0 : i32
          %dma_wait3A_380 = arith.constant 0 : i32
          %dma_wait3A_381 = tpu.memref_slice %arg8[%dma_wait3A_379, %dma_wait3A_380] : memref<40x64xi32, #tpu.memory_space<vmem>> -> memref<1x64xi32, #tpu.memory_space<vmem>>
          %dma_wait3A_382 = tpu.memref_squeeze %dma_wait3A_381 : memref<1x64xi32, #tpu.memory_space<vmem>> -> memref<64xi32, #tpu.memory_space<vmem>>
          %dma_wait3A_383 = arith.constant 0 : i32
          %dma_wait3A_384 = arith.constant 0 : i32
          %dma_wait3A_385 = tpu.memref_slice %arg13[%dma_wait3A_383, %dma_wait3A_384] : memref<10240x128xf32, #tpu.memory_space<vmem_shared>> -> memref<10240x128xf32, #tpu.memory_space<vmem_shared>>
          tpu.wait_indirect_dma semaphore(%arg20 : memref<!tpu.dma_semaphore, #tpu.memory_space<semaphore_mem>>) src(%arg11 : memref<64x128xf32, #tpu.memory_space<vmem>>) dst(%dma_wait3A_385 : memref<10240x128xf32, #tpu.memory_space<vmem_shared>>)
        } else {
        }
        %add3A_371 = arith.constant 3 : i32
        %add3A_372 = arith.addi %add3A_346, %add3A_371 : i32
        %dma_start3A_373 = arith.constant 0 : i32
        %dma_start3A_374 = tpu.memref_slice %arg7[%add3A_372, %dma_start3A_373] : memref<40x64xi32, #tpu.memory_space<vmem>> -> memref<1x64xi32, #tpu.memory_space<vmem>>
        %dma_start3A_375 = tpu.memref_squeeze %dma_start3A_374 : memref<1x64xi32, #tpu.memory_space<vmem>> -> memref<64xi32, #tpu.memory_space<vmem>>
        %dma_start3A_376 = arith.constant 0 : i32
        %dma_start3A_377 = arith.constant 0 : i32
        %dma_start3A_378 = tpu.memref_slice %arg2[%dma_start3A_376, %dma_start3A_377] : memref<10240x128xf32, #tpu.memory_space<hbm>> -> memref<10240x128xf32, #tpu.memory_space<hbm>>
        tpu.enqueue_indirect_dma source(%dma_start3A_378 : memref<10240x128xf32, #tpu.memory_space<hbm>>) target(%arg11 : memref<64x128xf32, #tpu.memory_space<vmem>>) offsets(%dma_start3A_375 : memref<64xi32, #tpu.memory_space<vmem>>) semaphore(%arg16 : memref<!tpu.dma_semaphore, #tpu.memory_space<semaphore_mem>>)
      } else {
      }
    }
    %scan3A_245 = arith.constant 10 : i32
    %dma_wait3A_246 = arith.constant 0 : i32
    %dma_wait3A_247 = arith.constant 0 : i32
    %dma_wait3A_248 = tpu.memref_slice %arg8[%dma_wait3A_246, %dma_wait3A_247] : memref<40x64xi32, #tpu.memory_space<vmem>> -> memref<1x64xi32, #tpu.memory_space<vmem>>
    %dma_wait3A_249 = tpu.memref_squeeze %dma_wait3A_248 : memref<1x64xi32, #tpu.memory_space<vmem>> -> memref<64xi32, #tpu.memory_space<vmem>>
    %dma_wait3A_250 = arith.constant 0 : i32
    %dma_wait3A_251 = arith.constant 0 : i32
    %dma_wait3A_252 = tpu.memref_slice %arg13[%dma_wait3A_250, %dma_wait3A_251] : memref<10240x128xf32, #tpu.memory_space<vmem_shared>> -> memref<10240x128xf32, #tpu.memory_space<vmem_shared>>
    tpu.wait_indirect_dma semaphore(%arg18 : memref<!tpu.dma_semaphore, #tpu.memory_space<semaphore_mem>>) src(%arg9 : memref<64x128xf32, #tpu.memory_space<vmem>>) dst(%dma_wait3A_252 : memref<10240x128xf32, #tpu.memory_space<vmem_shared>>)
    %dma_wait3A_253 = arith.constant 0 : i32
    %dma_wait3A_254 = arith.constant 0 : i32
    %dma_wait3A_255 = tpu.memref_slice %arg8[%dma_wait3A_253, %dma_wait3A_254] : memref<40x64xi32, #tpu.memory_space<vmem>> -> memref<1x64xi32, #tpu.memory_space<vmem>>
    %dma_wait3A_256 = tpu.memref_squeeze %dma_wait3A_255 : memref<1x64xi32, #tpu.memory_space<vmem>> -> memref<64xi32, #tpu.memory_space<vmem>>
    %dma_wait3A_257 = arith.constant 0 : i32
    %dma_wait3A_258 = arith.constant 0 : i32
    %dma_wait3A_259 = tpu.memref_slice %arg13[%dma_wait3A_257, %dma_wait3A_258] : memref<10240x128xf32, #tpu.memory_space<vmem_shared>> -> memref<10240x128xf32, #tpu.memory_space<vmem_shared>>
    tpu.wait_indirect_dma semaphore(%arg19 : memref<!tpu.dma_semaphore, #tpu.memory_space<semaphore_mem>>) src(%arg10 : memref<64x128xf32, #tpu.memory_space<vmem>>) dst(%dma_wait3A_259 : memref<10240x128xf32, #tpu.memory_space<vmem_shared>>)
    %dma_wait3A_260 = arith.constant 0 : i32
    %dma_wait3A_261 = arith.constant 0 : i32
    %dma_wait3A_262 = tpu.memref_slice %arg8[%dma_wait3A_260, %dma_wait3A_261] : memref<40x64xi32, #tpu.memory_space<vmem>> -> memref<1x64xi32, #tpu.memory_space<vmem>>
    %dma_wait3A_263 = tpu.memref_squeeze %dma_wait3A_262 : memref<1x64xi32, #tpu.memory_space<vmem>> -> memref<64xi32, #tpu.memory_space<vmem>>
    %dma_wait3A_264 = arith.constant 0 : i32
    %dma_wait3A_265 = arith.constant 0 : i32
    %dma_wait3A_266 = tpu.memref_slice %arg13[%dma_wait3A_264, %dma_wait3A_265] : memref<10240x128xf32, #tpu.memory_space<vmem_shared>> -> memref<10240x128xf32, #tpu.memory_space<vmem_shared>>
    tpu.wait_indirect_dma semaphore(%arg20 : memref<!tpu.dma_semaphore, #tpu.memory_space<semaphore_mem>>) src(%arg11 : memref<64x128xf32, #tpu.memory_space<vmem>>) dst(%dma_wait3A_266 : memref<10240x128xf32, #tpu.memory_space<vmem_shared>>)
    %dma_wait3A_267 = arith.constant 0 : i32
    %dma_wait3A_268 = arith.constant 0 : i32
    %dma_wait3A_269 = tpu.memref_slice %arg8[%dma_wait3A_267, %dma_wait3A_268] : memref<40x64xi32, #tpu.memory_space<vmem>> -> memref<1x64xi32, #tpu.memory_space<vmem>>
    %dma_wait3A_270 = tpu.memref_squeeze %dma_wait3A_269 : memref<1x64xi32, #tpu.memory_space<vmem>> -> memref<64xi32, #tpu.memory_space<vmem>>
    %dma_wait3A_271 = arith.constant 0 : i32
    %dma_wait3A_272 = arith.constant 0 : i32
    %dma_wait3A_273 = tpu.memref_slice %arg13[%dma_wait3A_271, %dma_wait3A_272] : memref<10240x128xf32, #tpu.memory_space<vmem_shared>> -> memref<10240x128xf32, #tpu.memory_space<vmem_shared>>
    tpu.wait_indirect_dma semaphore(%arg21 : memref<!tpu.dma_semaphore, #tpu.memory_space<semaphore_mem>>) src(%arg12 : memref<64x128xf32, #tpu.memory_space<vmem>>) dst(%dma_wait3A_273 : memref<10240x128xf32, #tpu.memory_space<vmem_shared>>)
    %barrier3A_274 = arith.constant 0 : index
    tpu.barrier barrier_id(%barrier3A_274)
    %mul3A_275 = arith.constant 640 : i32
    %mul3A_276 = arith.muli %arg1, %mul3A_275 : i32
    %mul3A_277 = arith.constant 640 : i32
    %mul3A_278 = arith.muli %arg1, %mul3A_277 : i32
    "tpu.region"() ({
      %run_scoped3A = tpu.sem_alloc : memref<!tpu.dma_semaphore, #tpu.memory_space<semaphore_mem>>
      %dma_start3A_279 = arith.constant 0 : i32
      %dma_start3A_280 = tpu.memref_slice %arg6[%arg0, %mul3A_278, %dma_start3A_279] : memref<2x10240x128xf32, #tpu.memory_space<hbm>> -> memref<1x640x128xf32, #tpu.memory_space<hbm>>
      %dma_start3A_281 = tpu.memref_squeeze %dma_start3A_280 : memref<1x640x128xf32, #tpu.memory_space<hbm>> -> memref<640x128xf32, #tpu.memory_space<hbm>>
      %dma_start3A_282 = arith.constant 0 : i32
      %dma_start3A_283 = tpu.memref_slice %arg13[%mul3A_276, %dma_start3A_282] : memref<10240x128xf32, #tpu.memory_space<vmem_shared>> -> memref<640x128xf32, #tpu.memory_space<vmem_shared>>
      tpu.enqueue_dma source(%dma_start3A_283 : memref<640x128xf32, #tpu.memory_space<vmem_shared>>) target(%dma_start3A_281 : memref<640x128xf32, #tpu.memory_space<hbm>>) target_semaphore(%run_scoped3A : memref<!tpu.dma_semaphore, #tpu.memory_space<semaphore_mem>>)
      %dma_wait3A_284 = arith.constant 0 : i32
      %dma_wait3A_285 = tpu.memref_slice %arg6[%arg0, %mul3A_278, %dma_wait3A_284] : memref<2x10240x128xf32, #tpu.memory_space<hbm>> -> memref<1x640x128xf32, #tpu.memory_space<hbm>>
      %dma_wait3A_286 = tpu.memref_squeeze %dma_wait3A_285 : memref<1x640x128xf32, #tpu.memory_space<hbm>> -> memref<640x128xf32, #tpu.memory_space<hbm>>
      %dma_wait3A_287 = arith.constant 0 : i32
      %dma_wait3A_288 = tpu.memref_slice %arg13[%mul3A_276, %dma_wait3A_287] : memref<10240x128xf32, #tpu.memory_space<vmem_shared>> -> memref<640x128xf32, #tpu.memory_space<vmem_shared>>
      tpu.wait_dma2 semaphore(%run_scoped3A : memref<!tpu.dma_semaphore, #tpu.memory_space<semaphore_mem>>) src(%dma_wait3A_288 : memref<640x128xf32, #tpu.memory_space<vmem_shared>>) dst(%dma_wait3A_286 : memref<640x128xf32, #tpu.memory_space<hbm>>)
      tpu.yield
    }) : () -> ()
    return
  }
}

module attributes {stable_mosaic.version = 14 : i64} {
  func.func @_tcA_body(%arg0: i32, %arg1: memref<2560x128xf32, #tpu.memory_space<vmem>>, %arg2: memref<2560x1xf32, #tpu.memory_space<vmem>>, %arg3: memref<2560x1xf32, #tpu.memory_space<vmem>>, %arg4: memref<2560x128xf32, #tpu.memory_space<vmem>>, %arg5: memref<2560x1xf32, #tpu.memory_space<vmem>>) attributes {dimension_semantics = [#tpu.dimension_semantics<arbitrary>], iteration_bounds = array<i64: 4>, scalar_prefetch = 0 : i64, scratch_operands = 0 : i64, tpu.core_type = #tpu.core_type<tc>, window_params = [{transform_indices = @transform_0, window_bounds = array<i64: 2560, 128>}, {transform_indices = @transform_1, window_bounds = array<i64: 2560, 1>}, {transform_indices = @transform_2, window_bounds = array<i64: 2560, 1>}, {transform_indices = @transform_3, window_bounds = array<i64: 2560, 128>}, {transform_indices = @transform_4, window_bounds = array<i64: 2560, 1>}]} {
    %get3A = arith.constant 0 : index
    %get3A_0 = arith.constant 0 : index
    %get3A_1 = vector.load %arg1[%get3A, %get3A_0] : memref<2560x128xf32, #tpu.memory_space<vmem>>, vector<2560x128xf32>
    %get3A_2 = arith.constant 0 : index
    %get3A_3 = arith.constant 0 : index
    %get3A_4 = vector.load %arg2[%get3A_2, %get3A_3] : memref<2560x1xf32, #tpu.memory_space<vmem>>, vector<2560x1xf32>
    %get3A_5 = arith.constant 0 : index
    %get3A_6 = arith.constant 0 : index
    %get3A_7 = vector.load %arg3[%get3A_5, %get3A_6] : memref<2560x1xf32, #tpu.memory_space<vmem>>, vector<2560x1xf32>
    %add3A = arith.addf %get3A_4, %get3A_7 : vector<2560x1xf32>
    %gt3A = arith.constant 0.000000e+00 : f32
    %gt3A_8 = vector.broadcast %gt3A : f32 to vector<2560x1xf32>
    %gt3A_9 = arith.cmpf ogt, %add3A, %gt3A_8 : vector<2560x1xf32>
    %max3A = arith.constant 9.99999996E-13 : f32
    %max3A_10 = vector.broadcast %max3A : f32 to vector<2560x1xf32>
    %max3A_11 = arith.maximumf %add3A, %max3A_10 : vector<2560x1xf32>
    %rsqrt3A = math.rsqrt %max3A_11 : vector<2560x1xf32>
    %jit3A = arith.constant 0.000000e+00 : f32
    %broadcast_in_dim3A = vector.broadcast %jit3A : f32 to vector<2560x1xf32>
    %select_n3A = arith.select %gt3A_9, %rsqrt3A, %broadcast_in_dim3A : vector<2560x1xi1>, vector<2560x1xf32>
    %mul3A = vector.broadcast %select_n3A : vector<2560x1xf32> to vector<2560x128xf32>
    %mul3A_12 = arith.mulf %get3A_1, %mul3A : vector<2560x128xf32>
    %swap3A = arith.constant 0 : index
    %swap3A_13 = arith.constant 0 : index
    %swap3A_14 = vector.load %arg4[%swap3A, %swap3A_13] : memref<2560x128xf32, #tpu.memory_space<vmem>>, vector<2560x128xf32>
    tpu.vector_store %arg4[%swap3A, %swap3A_13], %mul3A_12 {strides = array<i32>} : memref<2560x128xf32, #tpu.memory_space<vmem>>, vector<2560x128xf32>,
    %swap3A_15 = arith.constant 0 : index
    %swap3A_16 = arith.constant 0 : index
    %swap3A_17 = vector.load %arg5[%swap3A_15, %swap3A_16] : memref<2560x1xf32, #tpu.memory_space<vmem>>, vector<2560x1xf32>
    tpu.vector_store %arg5[%swap3A_15, %swap3A_16], %select_n3A {strides = array<i32>} : memref<2560x1xf32, #tpu.memory_space<vmem>>, vector<2560x1xf32>,
    return
  }
  func.func @transform_0(%arg0: i32) -> (i32, i32) {
    %c0_i32 = arith.constant 0 : i32
    %c0_i32_0 = arith.constant 0 : i32
    return %arg0, %c0_i32 : i32, i32
  }
  func.func @transform_1(%arg0: i32) -> (i32, i32) {
    %c0_i32 = arith.constant 0 : i32
    %c0_i32_0 = arith.constant 0 : i32
    return %arg0, %c0_i32 : i32, i32
  }
  func.func @transform_2(%arg0: i32) -> (i32, i32) {
    %c0_i32 = arith.constant 0 : i32
    %c0_i32_0 = arith.constant 0 : i32
    return %arg0, %c0_i32 : i32, i32
  }
  func.func @transform_3(%arg0: i32) -> (i32, i32) {
    %c0_i32 = arith.constant 0 : i32
    %c0_i32_0 = arith.constant 0 : i32
    return %arg0, %c0_i32 : i32, i32
  }
  func.func @transform_4(%arg0: i32) -> (i32, i32) {
    %c0_i32 = arith.constant 0 : i32
    %c0_i32_0 = arith.constant 0 : i32
    return %arg0, %c0_i32 : i32, i32
  }
}

module attributes {stable_mosaic.version = 14 : i64} {
  func.func @_tcB_body(%arg0: i32, %arg1: memref<2560x128xf32, #tpu.memory_space<vmem>>, %arg2: memref<2560x128xf32, #tpu.memory_space<vmem>>, %arg3: memref<2560x1xf32, #tpu.memory_space<vmem>>, %arg4: memref<2560x128xf32, #tpu.memory_space<vmem>>, %arg5: memref<2560x128xf32, #tpu.memory_space<vmem>>) attributes {dimension_semantics = [#tpu.dimension_semantics<arbitrary>], iteration_bounds = array<i64: 4>, scalar_prefetch = 0 : i64, scratch_operands = 0 : i64, tpu.core_type = #tpu.core_type<tc>, window_params = [{transform_indices = @transform_0, window_bounds = array<i64: 2560, 128>}, {transform_indices = @transform_1, window_bounds = array<i64: 2560, 128>}, {transform_indices = @transform_2, window_bounds = array<i64: 2560, 1>}, {transform_indices = @transform_3, window_bounds = array<i64: 2560, 128>}, {transform_indices = @transform_4, window_bounds = array<i64: 2560, 128>}]} {
    %get3A = arith.constant 0 : index
    %get3A_0 = arith.constant 0 : index
    %get3A_1 = vector.load %arg3[%get3A, %get3A_0] : memref<2560x1xf32, #tpu.memory_space<vmem>>, vector<2560x1xf32>
    %get3A_2 = arith.constant 0 : index
    %get3A_3 = arith.constant 0 : index
    %get3A_4 = vector.load %arg1[%get3A_2, %get3A_3] : memref<2560x128xf32, #tpu.memory_space<vmem>>, vector<2560x128xf32>
    %get3A_5 = arith.constant 0 : index
    %get3A_6 = arith.constant 0 : index
    %get3A_7 = vector.load %arg2[%get3A_5, %get3A_6] : memref<2560x128xf32, #tpu.memory_space<vmem>>, vector<2560x128xf32>
    %add3A = arith.addf %get3A_4, %get3A_7 : vector<2560x128xf32>
    %mul3A = vector.broadcast %get3A_1 : vector<2560x1xf32> to vector<2560x128xf32>
    %mul3A_8 = arith.mulf %mul3A, %add3A : vector<2560x128xf32>
    %swap3A = arith.constant 0 : index
    %swap3A_9 = arith.constant 0 : index
    %swap3A_10 = vector.load %arg5[%swap3A, %swap3A_9] : memref<2560x128xf32, #tpu.memory_space<vmem>>, vector<2560x128xf32>
    tpu.vector_store %arg5[%swap3A, %swap3A_9], %mul3A_8 {strides = array<i32>} : memref<2560x128xf32, #tpu.memory_space<vmem>>, vector<2560x128xf32>,
    %mul3A_11 = vector.broadcast %get3A_1 : vector<2560x1xf32> to vector<2560x128xf32>
    %mul3A_12 = arith.mulf %mul3A_11, %mul3A_8 : vector<2560x128xf32>
    %swap3A_13 = arith.constant 0 : index
    %swap3A_14 = arith.constant 0 : index
    %swap3A_15 = vector.load %arg4[%swap3A_13, %swap3A_14] : memref<2560x128xf32, #tpu.memory_space<vmem>>, vector<2560x128xf32>
    tpu.vector_store %arg4[%swap3A_13, %swap3A_14], %mul3A_12 {strides = array<i32>} : memref<2560x128xf32, #tpu.memory_space<vmem>>, vector<2560x128xf32>,
    return
  }
  func.func @transform_0(%arg0: i32) -> (i32, i32) {
    %c0_i32 = arith.constant 0 : i32
    %c0_i32_0 = arith.constant 0 : i32
    return %arg0, %c0_i32 : i32, i32
  }
  func.func @transform_1(%arg0: i32) -> (i32, i32) {
    %c0_i32 = arith.constant 0 : i32
    %c0_i32_0 = arith.constant 0 : i32
    return %arg0, %c0_i32 : i32, i32
  }
  func.func @transform_2(%arg0: i32) -> (i32, i32) {
    %c0_i32 = arith.constant 0 : i32
    %c0_i32_0 = arith.constant 0 : i32
    return %arg0, %c0_i32 : i32, i32
  }
  func.func @transform_3(%arg0: i32) -> (i32, i32) {
    %c0_i32 = arith.constant 0 : i32
    %c0_i32_0 = arith.constant 0 : i32
    return %arg0, %c0_i32 : i32, i32
  }
  func.func @transform_4(%arg0: i32) -> (i32, i32) {
    %c0_i32 = arith.constant 0 : i32
    %c0_i32_0 = arith.constant 0 : i32
    return %arg0, %c0_i32 : i32, i32
  }
}

module attributes {stable_mosaic.version = 14 : i64} {
  func.func @_tcA2_body(%arg0: i32, %arg1: memref<2560x128xf32, #tpu.memory_space<vmem>>, %arg2: memref<128x128xf32, #tpu.memory_space<vmem>>, %arg3: memref<128xf32, #tpu.memory_space<vmem>>, %arg4: memref<128x128xf32, #tpu.memory_space<vmem>>, %arg5: memref<128xf32, #tpu.memory_space<vmem>>, %arg6: memref<2560x128xf32, #tpu.memory_space<vmem>>) attributes {dimension_semantics = [#tpu.dimension_semantics<arbitrary>], iteration_bounds = array<i64: 4>, scalar_prefetch = 0 : i64, scratch_operands = 0 : i64, tpu.core_type = #tpu.core_type<tc>, window_params = [{transform_indices = @transform_0, window_bounds = array<i64: 2560, 128>}, {pipeline_mode = #tpu.pipeline_mode<synchronous>, transform_indices = @transform_1, window_bounds = array<i64: 128, 128>}, {pipeline_mode = #tpu.pipeline_mode<synchronous>, transform_indices = @transform_2, window_bounds = array<i64: 128>}, {pipeline_mode = #tpu.pipeline_mode<synchronous>, transform_indices = @transform_3, window_bounds = array<i64: 128, 128>}, {pipeline_mode = #tpu.pipeline_mode<synchronous>, transform_indices = @transform_4, window_bounds = array<i64: 128>}, {transform_indices = @transform_5, window_bounds = array<i64: 2560, 128>}]} {
    %get3A = arith.constant 0 : index
    %get3A_0 = arith.constant 0 : index
    %get3A_1 = vector.load %arg1[%get3A, %get3A_0] : memref<2560x128xf32, #tpu.memory_space<vmem>>, vector<2560x128xf32>
    %get3A_2 = arith.constant 0 : index
    %get3A_3 = arith.constant 0 : index
    %get3A_4 = vector.load %arg2[%get3A_2, %get3A_3] : memref<128x128xf32, #tpu.memory_space<vmem>>, vector<128x128xf32>
    %dot_general3A = arith.constant dense<0.000000e+00> : vector<2560x128xf32>
    %dot_general3A_5 = tpu.matmul %get3A_1, %get3A_4, %dot_general3A {dimension_numbers = #tpu.dot_dimension_numbers<[1], [0], [0], [1], [0, 0, 1, 1], [], []>, transpose_lhs_hint = false} : vector<2560x128xf32>, vector<128x128xf32>, vector<2560x128xf32> -> vector<2560x128xf32>
    %get3A_6 = arith.constant 0 : index
    %get3A_7 = vector.load %arg3[%get3A_6] : memref<128xf32, #tpu.memory_space<vmem>>, vector<128xf32>
    %broadcast_in_dim3A = vector.shape_cast %get3A_7 : vector<128xf32> to vector<1x128xf32>
    %add3A = vector.broadcast %broadcast_in_dim3A : vector<1x128xf32> to vector<2560x128xf32>
    %add3A_8 = arith.addf %dot_general3A_5, %add3A : vector<2560x128xf32>
    %max3A = arith.constant 0.000000e+00 : f32
    %max3A_9 = vector.broadcast %max3A : f32 to vector<2560x128xf32>
    %max3A_10 = arith.maximumf %add3A_8, %max3A_9 : vector<2560x128xf32>
    %get3A_11 = arith.constant 0 : index
    %get3A_12 = arith.constant 0 : index
    %get3A_13 = vector.load %arg4[%get3A_11, %get3A_12] : memref<128x128xf32, #tpu.memory_space<vmem>>, vector<128x128xf32>
    %dot_general3A_14 = arith.constant dense<0.000000e+00> : vector<2560x128xf32>
    %dot_general3A_15 = tpu.matmul %max3A_10, %get3A_13, %dot_general3A_14 {dimension_numbers = #tpu.dot_dimension_numbers<[1], [0], [0], [1], [0, 0, 1, 1], [], []>, transpose_lhs_hint = false} : vector<2560x128xf32>, vector<128x128xf32>, vector<2560x128xf32> -> vector<2560x128xf32>
    %get3A_16 = arith.constant 0 : index
    %get3A_17 = vector.load %arg5[%get3A_16] : memref<128xf32, #tpu.memory_space<vmem>>, vector<128xf32>
    %broadcast_in_dim3A_18 = vector.shape_cast %get3A_17 : vector<128xf32> to vector<1x128xf32>
    %add3A_19 = vector.broadcast %broadcast_in_dim3A_18 : vector<1x128xf32> to vector<2560x128xf32>
    %add3A_20 = arith.addf %dot_general3A_15, %add3A_19 : vector<2560x128xf32>
    %max3A_21 = arith.constant 0.000000e+00 : f32
    %max3A_22 = vector.broadcast %max3A_21 : f32 to vector<2560x128xf32>
    %max3A_23 = arith.maximumf %add3A_20, %max3A_22 : vector<2560x128xf32>
    %swap3A = arith.constant 0 : index
    %swap3A_24 = arith.constant 0 : index
    %swap3A_25 = vector.load %arg6[%swap3A, %swap3A_24] : memref<2560x128xf32, #tpu.memory_space<vmem>>, vector<2560x128xf32>
    tpu.vector_store %arg6[%swap3A, %swap3A_24], %max3A_23 {strides = array<i32>} : memref<2560x128xf32, #tpu.memory_space<vmem>>, vector<2560x128xf32>,
    return
  }
  func.func @transform_0(%arg0: i32) -> (i32, i32) {
    %c0_i32 = arith.constant 0 : i32
    %c0_i32_0 = arith.constant 0 : i32
    return %arg0, %c0_i32 : i32, i32
  }
  func.func @transform_1(%arg0: i32) -> (i32, i32) {
    %c0_i32 = arith.constant 0 : i32
    %c0_i32_0 = arith.constant 0 : i32
    %c0_i32_1 = arith.constant 0 : i32
    return %c0_i32, %c0_i32_0 : i32, i32
  }
  func.func @transform_2(%arg0: i32) -> i32 {
    %c0_i32 = arith.constant 0 : i32
    %c0_i32_0 = arith.constant 0 : i32
    return %c0_i32 : i32
  }
  func.func @transform_3(%arg0: i32) -> (i32, i32) {
    %c0_i32 = arith.constant 0 : i32
    %c0_i32_0 = arith.constant 0 : i32
    %c0_i32_1 = arith.constant 0 : i32
    return %c0_i32, %c0_i32_0 : i32, i32
  }
  func.func @transform_4(%arg0: i32) -> i32 {
    %c0_i32 = arith.constant 0 : i32
    %c0_i32_0 = arith.constant 0 : i32
    return %c0_i32 : i32
  }
  func.func @transform_5(%arg0: i32) -> (i32, i32) {
    %c0_i32 = arith.constant 0 : i32
    %c0_i32_0 = arith.constant 0 : i32
    return %arg0, %c0_i32 : i32, i32
  }
}

module attributes {stable_mosaic.version = 14 : i64} {
  func.func @_tcC_body(%arg0: i32, %arg1: memref<2560x128xf32, #tpu.memory_space<vmem>>, %arg2: memref<2560x128xf32, #tpu.memory_space<vmem>>, %arg3: memref<2560x128xf32, #tpu.memory_space<vmem>>, %arg4: memref<2560x128xf32, #tpu.memory_space<vmem>>, %arg5: memref<2560x1xf32, #tpu.memory_space<vmem>>, %arg6: memref<2560x128xf32, #tpu.memory_space<vmem>>, %arg7: memref<128x128xf32, #tpu.memory_space<vmem>>, %arg8: memref<128xf32, #tpu.memory_space<vmem>>, %arg9: memref<128x128xf32, #tpu.memory_space<vmem>>, %arg10: memref<128xf32, #tpu.memory_space<vmem>>, %arg11: memref<2560x128xf32, #tpu.memory_space<vmem>>) attributes {dimension_semantics = [#tpu.dimension_semantics<arbitrary>], iteration_bounds = array<i64: 4>, scalar_prefetch = 0 : i64, scratch_operands = 0 : i64, tpu.core_type = #tpu.core_type<tc>, window_params = [{transform_indices = @transform_0, window_bounds = array<i64: 2560, 128>}, {transform_indices = @transform_1, window_bounds = array<i64: 2560, 128>}, {transform_indices = @transform_2, window_bounds = array<i64: 2560, 128>}, {transform_indices = @transform_3, window_bounds = array<i64: 2560, 128>}, {transform_indices = @transform_4, window_bounds = array<i64: 2560, 1>}, {transform_indices = @transform_5, window_bounds = array<i64: 2560, 128>}, {pipeline_mode = #tpu.pipeline_mode<synchronous>, transform_indices = @transform_6, window_bounds = array<i64: 128, 128>}, {pipeline_mode = #tpu.pipeline_mode<synchronous>, transform_indices = @transform_7, window_bounds = array<i64: 128>}, {pipeline_mode = #tpu.pipeline_mode<synchronous>, transform_indices = @transform_8, window_bounds = array<i64: 128, 128>}, {pipeline_mode = #tpu.pipeline_mode<synchronous>, transform_indices = @transform_9, window_bounds = array<i64: 128>}, {transform_indices = @transform_10, window_bounds = array<i64: 2560, 128>}]} {
    %get3A = arith.constant 0 : index
    %get3A_0 = arith.constant 0 : index
    %get3A_1 = vector.load %arg5[%get3A, %get3A_0] : memref<2560x1xf32, #tpu.memory_space<vmem>>, vector<2560x1xf32>
    %get3A_2 = arith.constant 0 : index
    %get3A_3 = arith.constant 0 : index
    %get3A_4 = vector.load %arg3[%get3A_2, %get3A_3] : memref<2560x128xf32, #tpu.memory_space<vmem>>, vector<2560x128xf32>
    %get3A_5 = arith.constant 0 : index
    %get3A_6 = arith.constant 0 : index
    %get3A_7 = vector.load %arg4[%get3A_5, %get3A_6] : memref<2560x128xf32, #tpu.memory_space<vmem>>, vector<2560x128xf32>
    %add3A = arith.addf %get3A_4, %get3A_7 : vector<2560x128xf32>
    %mul3A = vector.broadcast %get3A_1 : vector<2560x1xf32> to vector<2560x128xf32>
    %mul3A_8 = arith.mulf %mul3A, %add3A : vector<2560x128xf32>
    %get3A_9 = arith.constant 0 : index
    %get3A_10 = arith.constant 0 : index
    %get3A_11 = vector.load %arg1[%get3A_9, %get3A_10] : memref<2560x128xf32, #tpu.memory_space<vmem>>, vector<2560x128xf32>
    %get3A_12 = arith.constant 0 : index
    %get3A_13 = arith.constant 0 : index
    %get3A_14 = vector.load %arg2[%get3A_12, %get3A_13] : memref<2560x128xf32, #tpu.memory_space<vmem>>, vector<2560x128xf32>
    %add3A_15 = arith.addf %get3A_11, %get3A_14 : vector<2560x128xf32>
    %add3A_16 = arith.addf %add3A_15, %mul3A_8 : vector<2560x128xf32>
    %mul3A_17 = arith.constant 0.333333343 : f32
    %mul3A_18 = vector.broadcast %mul3A_17 : f32 to vector<2560x128xf32>
    %mul3A_19 = arith.mulf %add3A_16, %mul3A_18 : vector<2560x128xf32>
    %get3A_20 = arith.constant 0 : index
    %get3A_21 = arith.constant 0 : index
    %get3A_22 = vector.load %arg6[%get3A_20, %get3A_21] : memref<2560x128xf32, #tpu.memory_space<vmem>>, vector<2560x128xf32>
    %get3A_23 = arith.constant 0 : index
    %get3A_24 = arith.constant 0 : index
    %get3A_25 = vector.load %arg7[%get3A_23, %get3A_24] : memref<128x128xf32, #tpu.memory_space<vmem>>, vector<128x128xf32>
    %get3A_26 = arith.constant 0 : index
    %get3A_27 = vector.load %arg8[%get3A_26] : memref<128xf32, #tpu.memory_space<vmem>>, vector<128xf32>
    %get3A_28 = arith.constant 0 : index
    %get3A_29 = arith.constant 0 : index
    %get3A_30 = vector.load %arg9[%get3A_28, %get3A_29] : memref<128x128xf32, #tpu.memory_space<vmem>>, vector<128x128xf32>
    %get3A_31 = arith.constant 0 : index
    %get3A_32 = vector.load %arg10[%get3A_31] : memref<128xf32, #tpu.memory_space<vmem>>, vector<128xf32>
    %dot_general3A = arith.constant dense<0.000000e+00> : vector<2560x128xf32>
    %dot_general3A_33 = tpu.matmul %mul3A_19, %get3A_25, %dot_general3A {dimension_numbers = #tpu.dot_dimension_numbers<[1], [0], [0], [1], [0, 0, 1, 1], [], []>, transpose_lhs_hint = false} : vector<2560x128xf32>, vector<128x128xf32>, vector<2560x128xf32> -> vector<2560x128xf32>
    %broadcast_in_dim3A = vector.shape_cast %get3A_27 : vector<128xf32> to vector<1x128xf32>
    %add3A_34 = vector.broadcast %broadcast_in_dim3A : vector<1x128xf32> to vector<2560x128xf32>
    %add3A_35 = arith.addf %dot_general3A_33, %add3A_34 : vector<2560x128xf32>
    %tanh3A = math.tanh %add3A_35 : vector<2560x128xf32>
    %dot_general3A_36 = arith.constant dense<0.000000e+00> : vector<2560x128xf32>
    %dot_general3A_37 = tpu.matmul %tanh3A, %get3A_30, %dot_general3A_36 {dimension_numbers = #tpu.dot_dimension_numbers<[1], [0], [0], [1], [0, 0, 1, 1], [], []>, transpose_lhs_hint = false} : vector<2560x128xf32>, vector<128x128xf32>, vector<2560x128xf32> -> vector<2560x128xf32>
    %broadcast_in_dim3A_38 = vector.shape_cast %get3A_32 : vector<128xf32> to vector<1x128xf32>
    %add3A_39 = vector.broadcast %broadcast_in_dim3A_38 : vector<1x128xf32> to vector<2560x128xf32>
    %add3A_40 = arith.addf %dot_general3A_37, %add3A_39 : vector<2560x128xf32>
    %dot_general3A_41 = arith.constant dense<0.000000e+00> : vector<2560x128xf32>
    %dot_general3A_42 = tpu.matmul %get3A_22, %get3A_25, %dot_general3A_41 {dimension_numbers = #tpu.dot_dimension_numbers<[1], [0], [0], [1], [0, 0, 1, 1], [], []>, transpose_lhs_hint = false} : vector<2560x128xf32>, vector<128x128xf32>, vector<2560x128xf32> -> vector<2560x128xf32>
    %broadcast_in_dim3A_43 = vector.shape_cast %get3A_27 : vector<128xf32> to vector<1x128xf32>
    %add3A_44 = vector.broadcast %broadcast_in_dim3A_43 : vector<1x128xf32> to vector<2560x128xf32>
    %add3A_45 = arith.addf %dot_general3A_42, %add3A_44 : vector<2560x128xf32>
    %tanh3A_46 = math.tanh %add3A_45 : vector<2560x128xf32>
    %dot_general3A_47 = arith.constant dense<0.000000e+00> : vector<2560x128xf32>
    %dot_general3A_48 = tpu.matmul %tanh3A_46, %get3A_30, %dot_general3A_47 {dimension_numbers = #tpu.dot_dimension_numbers<[1], [0], [0], [1], [0, 0, 1, 1], [], []>, transpose_lhs_hint = false} : vector<2560x128xf32>, vector<128x128xf32>, vector<2560x128xf32> -> vector<2560x128xf32>
    %broadcast_in_dim3A_49 = vector.shape_cast %get3A_32 : vector<128xf32> to vector<1x128xf32>
    %add3A_50 = vector.broadcast %broadcast_in_dim3A_49 : vector<1x128xf32> to vector<2560x128xf32>
    %add3A_51 = arith.addf %dot_general3A_48, %add3A_50 : vector<2560x128xf32>
    %slice3A = vector.extract_strided_slice %add3A_40 {offsets = [0, 0], sizes = [2560, 1], strides = [1, 1]} : vector<2560x128xf32> to vector<2560x1xf32>
    %slice3A_52 = vector.extract_strided_slice %add3A_40 {offsets = [0, 1], sizes = [2560, 1], strides = [1, 1]} : vector<2560x128xf32> to vector<2560x1xf32>
    %slice3A_53 = vector.extract_strided_slice %add3A_51 {offsets = [0, 0], sizes = [2560, 1], strides = [1, 1]} : vector<2560x128xf32> to vector<2560x1xf32>
    %slice3A_54 = vector.extract_strided_slice %add3A_51 {offsets = [0, 1], sizes = [2560, 1], strides = [1, 1]} : vector<2560x128xf32> to vector<2560x1xf32>
    %max3A = arith.maximumf %slice3A, %slice3A_52 : vector<2560x1xf32>
    %max3A_55 = arith.maximumf %slice3A_53, %slice3A_54 : vector<2560x1xf32>
    %max3A_56 = arith.maximumf %max3A, %max3A_55 : vector<2560x1xf32>
    %sub3A = arith.subf %slice3A, %max3A_56 : vector<2560x1xf32>
    %exp3A = math.exp %sub3A : vector<2560x1xf32>
    %sub3A_57 = arith.subf %slice3A_52, %max3A_56 : vector<2560x1xf32>
    %exp3A_58 = math.exp %sub3A_57 : vector<2560x1xf32>
    %sub3A_59 = arith.subf %slice3A_53, %max3A_56 : vector<2560x1xf32>
    %exp3A_60 = math.exp %sub3A_59 : vector<2560x1xf32>
    %sub3A_61 = arith.subf %slice3A_54, %max3A_56 : vector<2560x1xf32>
    %exp3A_62 = math.exp %sub3A_61 : vector<2560x1xf32>
    %add3A_63 = arith.addf %exp3A, %exp3A_58 : vector<2560x1xf32>
    %add3A_64 = arith.addf %add3A_63, %exp3A_60 : vector<2560x1xf32>
    %add3A_65 = arith.addf %add3A_64, %exp3A_62 : vector<2560x1xf32>
    %mul3A_66 = vector.broadcast %exp3A : vector<2560x1xf32> to vector<2560x128xf32>
    %mul3A_67 = arith.mulf %mul3A_66, %mul3A_19 : vector<2560x128xf32>
    %mul3A_68 = vector.broadcast %exp3A_58 : vector<2560x1xf32> to vector<2560x128xf32>
    %mul3A_69 = arith.mulf %mul3A_68, %get3A_22 : vector<2560x128xf32>
    %add3A_70 = arith.addf %mul3A_67, %mul3A_69 : vector<2560x128xf32>
    %div3A = vector.broadcast %add3A_65 : vector<2560x1xf32> to vector<2560x128xf32>
    %div3A_71 = arith.divf %add3A_70, %div3A : vector<2560x128xf32>
    %swap3A = arith.constant 0 : index
    %swap3A_72 = arith.constant 0 : index
    %swap3A_73 = vector.load %arg11[%swap3A, %swap3A_72] : memref<2560x128xf32, #tpu.memory_space<vmem>>, vector<2560x128xf32>
    tpu.vector_store %arg11[%swap3A, %swap3A_72], %div3A_71 {strides = array<i32>} : memref<2560x128xf32, #tpu.memory_space<vmem>>, vector<2560x128xf32>,
    return
  }
  func.func @transform_0(%arg0: i32) -> (i32, i32) {
    %c0_i32 = arith.constant 0 : i32
    %c0_i32_0 = arith.constant 0 : i32
    return %arg0, %c0_i32 : i32, i32
  }
  func.func @transform_1(%arg0: i32) -> (i32, i32) {
    %c0_i32 = arith.constant 0 : i32
    %c0_i32_0 = arith.constant 0 : i32
    return %arg0, %c0_i32 : i32, i32
  }
  func.func @transform_2(%arg0: i32) -> (i32, i32) {
    %c0_i32 = arith.constant 0 : i32
    %c0_i32_0 = arith.constant 0 : i32
    return %arg0, %c0_i32 : i32, i32
  }
  func.func @transform_3(%arg0: i32) -> (i32, i32) {
    %c0_i32 = arith.constant 0 : i32
    %c0_i32_0 = arith.constant 0 : i32
    return %arg0, %c0_i32 : i32, i32
  }
  func.func @transform_4(%arg0: i32) -> (i32, i32) {
    %c0_i32 = arith.constant 0 : i32
    %c0_i32_0 = arith.constant 0 : i32
    return %arg0, %c0_i32 : i32, i32
  }
  func.func @transform_5(%arg0: i32) -> (i32, i32) {
    %c0_i32 = arith.constant 0 : i32
    %c0_i32_0 = arith.constant 0 : i32
    return %arg0, %c0_i32 : i32, i32
  }
  func.func @transform_6(%arg0: i32) -> (i32, i32) {
    %c0_i32 = arith.constant 0 : i32
    %c0_i32_0 = arith.constant 0 : i32
    %c0_i32_1 = arith.constant 0 : i32
    return %c0_i32, %c0_i32_0 : i32, i32
  }
  func.func @transform_7(%arg0: i32) -> i32 {
    %c0_i32 = arith.constant 0 : i32
    %c0_i32_0 = arith.constant 0 : i32
    return %c0_i32 : i32
  }
  func.func @transform_8(%arg0: i32) -> (i32, i32) {
    %c0_i32 = arith.constant 0 : i32
    %c0_i32_0 = arith.constant 0 : i32
    %c0_i32_1 = arith.constant 0 : i32
    return %c0_i32, %c0_i32_0 : i32, i32
  }
  func.func @transform_9(%arg0: i32) -> i32 {
    %c0_i32 = arith.constant 0 : i32
    %c0_i32_0 = arith.constant 0 : i32
    return %c0_i32 : i32
  }
  func.func @transform_10(%arg0: i32) -> (i32, i32) {
    %c0_i32 = arith.constant 0 : i32
    %c0_i32_0 = arith.constant 0 : i32
    return %arg0, %c0_i32 : i32, i32
  }
}

module attributes {stable_mosaic.version = 14 : i64} {
  func.func @_tcD_body(%arg0: i32, %arg1: memref<2048x128xf32, #tpu.memory_space<vmem>>, %arg2: memref<2048x128xf32, #tpu.memory_space<vmem>>, %arg3: memref<2048x1xf32, #tpu.memory_space<vmem>>) attributes {dimension_semantics = [#tpu.dimension_semantics<arbitrary>], iteration_bounds = array<i64: 8>, scalar_prefetch = 0 : i64, scratch_operands = 0 : i64, tpu.core_type = #tpu.core_type<tc>, window_params = [{transform_indices = @transform_0, window_bounds = array<i64: 2048, 128>}, {transform_indices = @transform_1, window_bounds = array<i64: 2048, 128>}, {transform_indices = @transform_2, window_bounds = array<i64: 2048, 1>}]} {
    %get3A = arith.constant 0 : index
    %get3A_0 = arith.constant 0 : index
    %get3A_1 = vector.load %arg1[%get3A, %get3A_0] : memref<2048x128xf32, #tpu.memory_space<vmem>>, vector<2048x128xf32>
    %get3A_2 = arith.constant 0 : index
    %get3A_3 = arith.constant 0 : index
    %get3A_4 = vector.load %arg2[%get3A_2, %get3A_3] : memref<2048x128xf32, #tpu.memory_space<vmem>>, vector<2048x128xf32>
    %mul3A = arith.mulf %get3A_1, %get3A_4 : vector<2048x128xf32>
    %reduce_sum3A = arith.constant dense<0.000000e+00> : vector<2048xf32>
    %reduce_sum3A_5 = vector.multi_reduction <add>, %mul3A, %reduce_sum3A [1] : vector<2048x128xf32> to vector<2048xf32>
    %broadcast_in_dim3A = vector.shape_cast %reduce_sum3A_5 : vector<2048xf32> to vector<2048x1xf32>
    %swap3A = arith.constant 0 : index
    %swap3A_6 = arith.constant 0 : index
    %swap3A_7 = vector.load %arg3[%swap3A, %swap3A_6] : memref<2048x1xf32, #tpu.memory_space<vmem>>, vector<2048x1xf32>
    tpu.vector_store %arg3[%swap3A, %swap3A_6], %broadcast_in_dim3A {strides = array<i32>} : memref<2048x1xf32, #tpu.memory_space<vmem>>, vector<2048x1xf32>,
    return
  }
  func.func @transform_0(%arg0: i32) -> (i32, i32) {
    %c0_i32 = arith.constant 0 : i32
    %c0_i32_0 = arith.constant 0 : i32
    return %arg0, %c0_i32 : i32, i32
  }
  func.func @transform_1(%arg0: i32) -> (i32, i32) {
    %c0_i32 = arith.constant 0 : i32
    %c0_i32_0 = arith.constant 0 : i32
    return %arg0, %c0_i32 : i32, i32
  }
  func.func @transform_2(%arg0: i32) -> (i32, i32) {
    %c0_i32 = arith.constant 0 : i32
    %c0_i32_0 = arith.constant 0 : i32
    return %arg0, %c0_i32 : i32, i32
  }
}

</mosaic_0001>

<sc_bundles>
// kernel: kernel.11.cloned.1.call-start
scs
__scs_entry_jumppad:
0x0: {  	(pc) =	sbr.rel $0x88, $3  }
0x1: {  	(tag) =	ssettag $0x0;
	lr =	simm.s32 $0x1  }
0x2: {  	[smem:$0x3F96] =	sst lr;
	_ =	strace $0xD0000000  }
0x3: {  	_ = 	snop  }
0x4: {  	_ = 	snop  }
0x5: {  	_ = 	snop  }
0x6: {  	_ = 	snop  }
0x7: {  	_ = 	snop  }
__scs_overlays_trampoline_lowered:
0x8: {  	[smem:$0x3FA5] =	sst s0  }
0x9: {  	[smem:$0x3FA6] =	sst s1  }
0xa: {  	[smem:$0x3FA7] =	sst s2  }
0xb: {  	[smem:$0x3FA8] =	sst s3  }
0xc: {  	[smem:$0x3FA9] =	sst s4  }
0xd: {  	[smem:$0x3FAA] =	sst s5  }
0xe: {  	[smem:$0x3FAB] =	sst s6  }
0xf: {  	[smem:$0x3FAC] =	sst s7  }
0x10: {  	[smem:$0x3FAD] =	sst s8  }
0x11: {  	[smem:$0x3FAE] =	sst s9;
	s0 =	simm.s32 @!p0 $0x0  }
0x12: {  	s1 =	sld [smem:$0x3F94];
	s0 =	simm.s32 @p0 $0x1  }
0x13: {  	[smem:$0x3FAF] =	sst s0;
	s0 =	simm.s32 @!p1 $0x0  }
0x14: {  	s2 =	sld [smem:$0x3F93];
	s0 =	simm.s32 @p1 $0x1  }
0x15: {  	[smem:$0x3FB0] =	sst s0;
	s0 =	simm.s32 @!p2 $0x0  }
0x16: {  	s3 =	sld [smem:$0x3FDB];
	s0 =	simm.s32 @p2 $0x1  }
0x17: {  	s4 =	simm.s32 $0x1BF5;
	[smem:$0x3FB2] =	sst s0  }
0x18: {  	s0 =	sld [smem:$0x3F95];
	_ =	swait.ge [sflag:s4], $0x0  }
0x19: {  	s7 =	sld [smem:$0x3F96]  }
0x1a: {  	s8 =	sadd.s32 $0xFFFFE003, lr  }
0x1b: {  	s9 =	sadd.s32 $0xFFFFFEF7, lr;
	s5 =	simm.s32 $0xFFFFFFFF;
	p2 =	slt.u32 s8, $0xFFFFF086  }
0x1c: {  	p1 =	slt.u32 s9, $0xF7A;
	s5 =	simm.s32 @!p2 $0x0  }
0x1d: {  	s5 =	simm.s32 @p1 $0x1;
	p0 =	seq.s32 s7, s2  }
0x1e: {  	s7 =	smul.u32 @!p0 $0xF7A, s2;
	p2 =	seq.s32 @!p0 s5, $0x0  }
0x1f: {  	s9 =	smul.u32 $0xF7A, s1;
	s8 =	simm.s32 @!p0 $0x1BF5;
	p2 =	por !p2, p0  }
0x20: {  	[sflag:s8] =	ssyncset.s32 @!p0 $0xFFFFF086;
	s6 =	sadd.s32 @!p0 s3, s7;
	s7 =	simm.s32 @!p0 $0x108  }
0x21: {  	s3 =	sadd.s32 s3, s9;
	s6 =	sadd.s32 @!p0 $0x88, s6;
	s7 =	simm.s32 @p2 $0x1082  }
0x22: {  	[simem:s7], [sflag:s8] =	dma.local @!p0 [hbm:s6], $0xF7A  }
0x23: {  	s9 =	sor.u32 $0xD0000000, s2;
	s6 =	simm.s32 $0x108;
	_ =	swait.ge @!p0 [sflag:s8], $0x0  }
0x24: {  	s3 =	sadd.s32 $0x88, s3;
	s6 =	simm.s32 @!p1 $0x1082;
	[sflag:s4] =	ssyncset.s32 $0xFFFFF086  }
0x25: {  	[simem:s6], [sflag:s4] =	dma.local [hbm:s3], $0xF7A  }
0x26: {  	[smem:$0x3F96] =	sst s1;
	(tag) =	ssettag s2;
	_ =	strace s9  }
0x27: {  	s1 =	sld [smem:$0x3FA6]  }
0x28: {  	s2 =	sld [smem:$0x3FA7]  }
0x29: {  	s4 =	sld [smem:$0x3FA9]  }
0x2a: {  	p0 =	seq.s32 s5, $0x0;
	s5 =	sld [smem:$0x3FAA]  }
0x2b: {  	s6 =	sld [smem:$0x3FAB]  }
0x2c: {  	s7 =	sld [smem:$0x3FAC]  }
0x2d: {  	s3 =	simm.s32 $0x108;
	s8 =	sld [smem:$0x3FAD]  }
0x2e: {  	s3 =	simm.s32 @!p0 $0x1082;
	s9 =	sld [smem:$0x3FAE]  }
0x2f: {  	lr =	sadd.s32 s0, s3;
	s0 =	sld [smem:$0x3FA5]  }
0x30: {  	s3 =	sld [smem:$0x3FA8]  }
0x31: {  	[smem:$0x3FB1] =	sst s10  }
0x32: {  	s10 =	sld [smem:$0x3FAF];
	_ =	sdelay $0x3  }
0x33: {  	p0 =	seq.s32 s10, $0x1;
	s10 =	sld [smem:$0x3FB1];
	_ =	sdelay $0x3  }
0x34: {  	[smem:$0x3FB1] =	sst s10  }
0x35: {  	s10 =	sld [smem:$0x3FB0];
	_ =	sdelay $0x3  }
0x36: {  	p1 =	seq.s32 s10, $0x1;
	s10 =	sld [smem:$0x3FB1];
	_ =	sdelay $0x3  }
0x37: {  	[smem:$0x3FB1] =	sst s10  }
0x38: {  	s10 =	sld [smem:$0x3FB2]  }
0x39: {  	_ = 	snop;
	(pc) =	sbr.ind lr, $3  }
0x3a: {  	_ = 	snop  }
0x3b: {  	_ = 	snop  }
0x3c: {  	p2 =	seq.s32 s10, $0x1;
	s10 =	sld [smem:$0x3FB1]  }
0x3d: {  	_ =	shalt  }
0x3e: {  	_ =	shalt  }
0x3f: {  	_ =	shalt  }
0x40: {  	_ =	shalt  }
0x41: {  	_ =	shalt  }
0x42: {  	_ =	shalt  }
0x43: {  	_ =	shalt  }
0x44: {  	_ =	shalt  }
0x45: {  	_ =	shalt  }
0x46: {  	_ =	shalt  }
0x47: {  	_ =	shalt  }
0x48: {  	_ =	shalt  }
0x49: {  	_ =	shalt  }
0x4a: {  	_ =	shalt  }
0x4b: {  	_ =	shalt  }
0x4c: {  	_ =	shalt  }
0x4d: {  	_ =	shalt  }
0x4e: {  	_ =	shalt  }
0x4f: {  	_ =	shalt  }
0x50: {  	_ =	shalt  }
0x51: {  	_ =	shalt  }
0x52: {  	_ =	shalt  }
0x53: {  	_ =	shalt  }
0x54: {  	_ =	shalt  }
0x55: {  	_ =	shalt  }
0x56: {  	_ =	shalt  }
0x57: {  	_ =	shalt  }
0x58: {  	_ =	shalt  }
0x59: {  	_ =	shalt  }
0x5a: {  	_ =	shalt  }
0x5b: {  	_ =	shalt  }
0x5c: {  	_ =	shalt  }
0x5d: {  	_ =	shalt  }
0x5e: {  	_ =	shalt  }
0x5f: {  	_ =	shalt  }
0x60: {  	_ =	shalt  }
0x61: {  	_ =	shalt  }
0x62: {  	_ =	shalt  }
0x63: {  	_ =	shalt  }
0x64: {  	_ =	shalt  }
0x65: {  	_ =	shalt  }
0x66: {  	_ =	shalt  }
0x67: {  	_ =	shalt  }
0x68: {  	_ =	shalt  }
0x69: {  	_ =	shalt  }
0x6a: {  	_ =	shalt  }
0x6b: {  	_ =	shalt  }
0x6c: {  	_ =	shalt  }
0x6d: {  	_ =	shalt  }
0x6e: {  	_ =	shalt  }
0x6f: {  	_ =	shalt  }
0x70: {  	_ =	shalt  }
0x71: {  	_ =	shalt  }
0x72: {  	_ =	shalt  }
0x73: {  	_ =	shalt  }
0x74: {  	_ =	shalt  }
0x75: {  	_ =	shalt  }
0x76: {  	_ =	shalt  }
0x77: {  	_ =	shalt  }
0x78: {  	_ =	shalt  }
0x79: {  	_ =	shalt  }
0x7a: {  	_ =	shalt  }
0x7b: {  	_ =	shalt  }
0x7c: {  	_ =	shalt  }
0x7d: {  	_ =	shalt  }
0x7e: {  	_ =	shalt  }
0x7f: {  	_ =	shalt  }
0x80: {  	_ =	shalt  }
0x81: {  	_ =	shalt  }
0x82: {  	_ =	shalt  }
0x83: {  	_ =	shalt  }
0x84: {  	_ =	shalt  }
0x85: {  	_ =	shalt  }
0x86: {  	_ =	shalt  }
0x87: {  	_ =	shalt  }
.Lfunc_end0:
.L_simem_size_0:
called_computation_lowered:
.L_overlay_start_0:
0x88: {  	s2 =	sld [smem:$0x3FD9]  }
0x89: {  	s3 =	sld [smem:$0x3FFE];
	_ =	sdelay $0x1  }
0x8a: {  	s1 =	srdreg.scid  }
0x8b: {  	s0 =	sand.u32 $0x1, s1  }
0x8c: {  	s17 =	sshll.u32 s0, $0xA;
	s2 =	sadd.s32 s3, s2  }
0x8d: {  	s2 =	sadd.s32 s2, s17  }
0x8e: {  	[smem:$0x3FBD] =	sst s2  }
0x8f: {  	_ = 	snop  }
0x90: {  	s2 =	sld [smem:$0x3FD0];
	(tm) =	ssettm $0x1  }
0x91: {  	s18 =	sld [smem:$0x3FFB];
	_ =	sdelay $0x3  }
0x92: {  	_ =	strace s18  }
0x93: {  	s3 =	sld [smem:$0x3FFC];
	_ =	sdelay $0x3  }
0x94: {  	_ =	strace s3  }
0x95: {  	s3 =	sld [smem:$0x3FFD];
	_ =	sdelay $0x3  }
0x96: {  	_ =	strace s3  }
0x97: {  	_ =	strace $0x8FFFFFFF  }
0x98: {  	s19 =	sld [smem:$0x3FDB];
	_ =	sdelay $0x1  }
0x99: {  	s4 =	simm.s32 $_scs_section_size  }
0x9a: {  	s5 =	simm.s32 $_size__tile_overlayer_lowered;
	s6 =	simm.s32 $_tile_overlayer_lowered  }
0x9b: {  	s22 =	simm.s32 $0x1BFF;
	s21 =	sshll.u32 s6, $0x1;
	s3 =	sadd.s32 s4, s19  }
0x9c: {  	s7 =	simm.s32 $0x0;
	s20 =	sshll.u32 s5, $0x1;
	s5 =	sadd.s32 s21, s3  }
0x9d: {  	[timem:s7], [sflag:s22] =	dma.local [hbm:s5], s20  }
0x9e: {  	_ =	swait.ge [sflag:s22], s20  }
0x9f: {  	s4 =	ssub.s32 $0x0, s20;
	[sflag:s22] =	ssyncset.done $0x0  }
0xa0: {  	[sflag:s22] =	ssyncadd.s32 s4;
	_ =	sdelay $0x1  }
0xa1: {  	s23 =	simm.s32 $0x1B8B  }
0xa2: {  	_ =	swait.ge [sflag:s23], $0x1  }
0xa3: {  	[sflag:s23] =	ssyncset.done $0x0  }
0xa4: {  	s25 =	simm.s32 $0x1B8E;
	s24 =	sld [smem:$0x3FFE];
	[sflag:s23] =	ssyncadd.s32 $0xFFFFFFFF  }
0xa5: {  	s26 =	simm.s32 $execute0_lowered;
	[smem:$0x3FD2] =	sst s25  }
0xa6: {  	s5 =	sshll.u32 s26, $0x1;
	_ =	strace $0x80000046;
	[dreg:$0x1] =	wrdreg $0xFFFFFFFF  }
0xa7: {  	s28 =	simm.s32 $_size_execute0_lowered;
	s3 =	sadd.s32 s3, s5;
	[dreg:$0x0] =	wrdreg $0x0  }
0xa8: {  	s5 =	sshll.u32 s28, $0x1;
	[dreg:$0x2] =	wrdreg s3  }
0xa9: {  	[dreg:$0x3] =	wrdreg s5  }
0xaa: {  	[dreg:$0x4] =	wrdreg $0xC0  }
0xab: {  	_ =	task [dreg:s7], $0x5FFFF  }
0xac: {  	[dreg:$0x1] =	wrdreg $0xFFFFFFFF  }
0xad: {  	[dreg:$0x0] =	wrdreg $0x60  }
0xae: {  	[dreg:$0x2] =	wrdreg s24  }
0xaf: {  	[dreg:$0x3] =	wrdreg s2  }
0xb0: {  	[dreg:$0x4] =	wrdreg $0x2B000  }
0xb1: {  	[dreg:$0x5] =	wrdreg $0x9  }
0xb2: {  	_ =	task.clear_ibuf [dreg:s7], $0x6FFFF;
	_ =	strace $0x90000046  }
0xb3: {  	s29 =	simm.s32 $0x9;
	_ =	strace $0x80000048  }
0xb4: {  	_ =	swait.ge [sflag:s29], $0x1  }
0xb5: {  	[sflag:s29] =	ssyncadd.s32 $0xFFFFFFFF  }
0xb6: {  	_ =	strace $0x90000048  }
0xb7: {  	_ =	sfence  }
0xb8: {  	s30 =	sld [smem:$0x0];
	_ =	sdelay $0x2  }
0xb9: {  	s31 =	sshll.u32 s1, $0xD;
	s1 =	sshrl.u32 s1, $0x2  }
0xba: {  	s3 =	sand.u32 $0x4000, s31;
	s1 =	sadd.s32 s1, s30  }
0xbb: {  	s0 =	sor.u32 s3, s0;
	s1 =	sshll.u32 s1, $0x11  }
0xbc: {  	s0 =	sor.u32 s1, s0  }
0xbd: {  	s0 =	sadd.s32 $0x8F2B, s0  }
0xbe: {  	[sflag:s0] =	ssyncadd.remote.s32 $0x1  }
0xbf: {  	_ =	sfence.sel $0xFFFF  }
0xc0: {  	[dreg:$0x0] =	wrdreg $0xFFFFFFFF;
	(pc) =	sbr.abs _section_cstart, $3  }
0xc1: {  	[dreg:$0x1] =	wrdreg $0xFFFFFFFF  }
0xc2: {  	_ =	task.clear_ibuf [dreg:s7], $0x2FFFF;
	_ =	strace $0x9FFFFFFF  }
0xc3: {  	(tm) =	ssettm $0x7FFFFFFF  }
tec
execute0_lowered:
.L_overlay_start_1:
0x0: {  	(tag) =	ssettag $0x1  }
0x1: {  	s6 =	rddreg [dreg:$0x0]  }
0x2: {  	s1 =	srdreg.scid;
	s2 =	rddreg [dreg:$0x1]  }
0x3: {  	s0 =	stileid.u32;
	s3 =	rddreg [dreg:$0x2];
	s4 =	simm.s32 $0x0  }
0x4: {  	s12 =	simm.s32 $0x2A80;
	s13 =	simm.s32 $0x80;
	s16 =	simm.s32 $0x20  }
0x5: {  	s17 =	simm.s32 $0x10;
	s18 =	simm.s32 $0x0;
	s7 =	sand.u32 $0x1, s1  }
0x6: {  	s29 =	sshll.u32 s0, $0x1;
	s1 =	rddreg [dreg:$0x3];
	s8 =	smul.u32 $0x500, s0  }
0x7: {  	[smem:$0x7FF] =	sst s4;
	s30 =	smul.u32 $0xA00, s0;
	s14 =	sshll.u32 s0, $0x6  }
0x8: {  	s5 =	sor.u32 s7, s29;
	_ =	strace $0x80000047;
	s9 =	sshll.u32 s7, $0x7  }
0x9: {  	s7 =	ssub.s32 $0x2, s7;
	s14 =	sor.u32 $0x1C01, s14;
	s5 =	smul.u32 $0x500, s5  }
0xa: {  	s8 =	sor.u32 s9, s8;
	s31 =	sshrl.u32 s7, $0x1;
	s9 =	sshrl.u32 s30, $0x2  }
0xb: {  	s8 =	sshrl.u32 s8, $0x3;
	s11 =	ssub.s32 s7, s31;
	s10 =	sadd.s32 s5, s6  }
0xc: {  	s5 =	sadd.s32 $0xDA00, s6;
	s8 =	sadd.s32 s8, s6;
	s6 =	sadd.s32 s9, s3  }
0xd: {  	s9 =	smax.u32 s11, $0x1;
	s11 =	simm.s32 $0x1;
	s7 =	sadd.s32 $0x3A00, s10  }
0xe: {  	s8 =	sadd.s32 $0xDC00, s8;
	s10 =	simm.s32 $0x2800;
	s15 =	sshrl.u32 s6, $0x3  }
.LBB2_1:
0xf: {  	[tilespmem:s10], [sflag:$0x1] =	stream.linear.gather [hbm4b:s2+s4], $0x280, $0x38;
	[tilespmem:$0x2D80] =	vst v63  }
0x10: {  	_ =	swait.ge [sflag:s11], $0x280  }
0x11: {  	[sflag:s11] =	ssyncset.done $0x0  }
0x12: {  	[sflag:s11] =	ssyncadd.s32 $0xFFFFFD80  }
0x13: {  	[spmem:s6] =	stream.linear.scatter [tilespmem:s10], [sflag:$0x1], $0x280, $0x38;
	[tilespmem:$0x2D80] =	vst v63  }
0x14: {  	_ =	swait.ge [sflag:s11], $0x280  }
0x15: {  	[sflag:s11] =	ssyncset.done $0x0  }
0x16: {  	[sflag:s11] =	ssyncadd.s32 $0xFFFFFD80  }
0x17: {  	[tilespmem:s12], [sflag:$0x1] =	stream.linear.gather [hbm4b:s5+s4], $0x80, $0x38;
	[tilespmem:$0x2D80] =	vst v63  }
0x18: {  	_ =	swait.ge [sflag:s11], $0x80  }
0x19: {  	[sflag:s11] =	ssyncset.done $0x0  }
0x1a: {  	[sflag:s11] =	ssyncadd.s32 $0xFFFFFF80  }
0x1b: {  	[bflag:$0x0] =	sbarrier.arrive $0xFFFF  }
0x1c: {  	[tilespmem:s4], [sflag:$0x1] =	stream.linear.gather [hbm4b:s7+s4], $0x2800, $0x38;
	[tilespmem:$0x2D80] =	vst v63  }
0x1d: {  	_ =	swait.ge [sflag:s11], $0x2800  }
0x1e: {  	[sflag:s11] =	ssyncset.done $0x0  }
0x1f: {  	s19 =	simm.s32 $0x0;
	[sflag:s11] =	ssyncadd.s32 $0xFFFFD800  }
0x20: {  	[spmem:s3] =	stream.indirect.scatter.add.f32 [tilespmem:s12], [sflag:$0x1], $0x1, s19, s13, $0xb8;
	[tilespmem:$0x2D80] =	vst v63  }
0x21: {  	_ =	swait.ge [sflag:s11], $0x80  }
0x22: {  	s19 =	simm.s32 $0x200;
	[sflag:s11] =	ssyncset.done $0x0  }
.LBB2_2:
0x23: {  	s20 =	sshra.s32 s19, $0x2;
	[sflag:s11] =	ssyncadd.s32 $0xFFFFFF80;
	p0 =	sne.s32 s19, $0x9E00  }
0x24: {  	[spmem:s3] =	stream.indirect.scatter.add.f32 [tilespmem:s12], [sflag:$0x1], $0x1, s20, s13, $0xb8;
	[tilespmem:$0x2D80] =	vst v63  }
.Ltmp0:
0x25: {  	_ = 	snop;
	(pc) =	sbr.rel @p0 .LBB2_2-.Ltmp0, $4  }
0x26: {  	_ = 	snop  }
0x27: {  	s19 =	sadd.s32 $0x200, s19  }
0x28: {  	_ =	swait.ge [sflag:s11], $0x80  }
0x29: {  	[sflag:s11] =	ssyncset.done $0x0  }
0x2a: {  	s18 =	sadd.s32 $0x1, s18  }
0x2b: {  	[sflag:s11] =	ssyncadd.s32 $0xFFFFFF80;
	p0 =	sne.s32 s18, s9  }
.Ltmp1:
0x2c: {  	[bflag:$0x0] =	sbarrier.arrive $0xFFFF;
	(pc) =	sbr.rel @p0 .LBB2_1-.Ltmp1, $4  }
0x2d: {  	[hbm:s8@s16], [sflag:s14] =	dma.strided [spmem:s15@s17], $0x50, s11, $0x10   }
0x2e: {  	_ =	swait.ge [sflag:s11], $0x50  }
0x2f: {  	[sflag:s11] =	ssyncset.done $0x0  }
0x30: {  	[sflag:s11] =	ssyncadd.s32 $0xFFFFFFB0  }
0x31: {  	_ =	sfence.sel $0x180000  }
0x32: {  	[bflag:$0x0] =	sbarrier.arrive $0xFFFF  }
0x33: {  	p0 =	sne.s32 s0, $0x0;
	_ =	strace $0x90000047  }
0x34: {  	s0 =	sadd.s32 @!p0 $0x100000, s1;
	[bflag:$0x2] =	sbarrier.arrive $0xFFFF  }
0x35: {  	[sflag:s0] =	ssyncadd.tile.s32 @!p0 $0x1;
	_ =	shalt  }
.Lfunc_end2:
_tile_overlayer_lowered:
.L_overlay_start_2:
0x36: {  	(tag) =	ssettag $0x2  }
0x37: {  	s0 =	rddreg [dreg:$0x0];
	s2 =	stileid.u32  }
0x38: {  	s1 =	rddreg [dreg:$0x1];
	p0 =	sne.s32 s2, $0x0  }
0x39: {  	s3 =	rddreg [dreg:$0x2];
	[bflag:$0x3] =	sbarrier.arrive $0xFFFF;
	s2 =	simm.s32 @!p0 $0x1C01  }
0x3a: {  	[timem:s3], [sflag:s2] =	dma.local @!p0 [hbm:s0], s1  }
0x3b: {  	s0 =	simm.s32 @!p0 $0x1  }
0x3c: {  	_ =	swait.ge @!p0 [sflag:s0], s1  }
0x3d: {  	s1 =	ssub.s32 @!p0 $0x0, s1;
	[sflag:s0] =	ssyncset.done @!p0 $0x0  }
0x3e: {  	[sflag:s0] =	ssyncadd.s32 @!p0 s1  }
0x3f: {  	[bflag:$0x3] =	sbarrier.arrive $0xFFFF  }
0x40: {  	_ =	shalt  }

// kernel: kernel.14.cloned.1.call-start
scs
__scs_entry_jumppad:
0x0: {  	(pc) =	sbr.rel $0x88, $3  }
0x1: {  	(tag) =	ssettag $0x0;
	lr =	simm.s32 $0x1  }
0x2: {  	[smem:$0x3F96] =	sst lr;
	_ =	strace $0xD0000000  }
0x3: {  	_ = 	snop  }
0x4: {  	_ = 	snop  }
0x5: {  	_ = 	snop  }
0x6: {  	_ = 	snop  }
0x7: {  	_ = 	snop  }
__scs_overlays_trampoline_lowered:
0x8: {  	[smem:$0x3FA5] =	sst s0  }
0x9: {  	[smem:$0x3FA6] =	sst s1  }
0xa: {  	[smem:$0x3FA7] =	sst s2  }
0xb: {  	[smem:$0x3FA8] =	sst s3  }
0xc: {  	[smem:$0x3FA9] =	sst s4  }
0xd: {  	[smem:$0x3FAA] =	sst s5  }
0xe: {  	[smem:$0x3FAB] =	sst s6  }
0xf: {  	[smem:$0x3FAC] =	sst s7  }
0x10: {  	[smem:$0x3FAD] =	sst s8  }
0x11: {  	[smem:$0x3FAE] =	sst s9;
	s0 =	simm.s32 @!p0 $0x0  }
0x12: {  	s1 =	sld [smem:$0x3F94];
	s0 =	simm.s32 @p0 $0x1  }
0x13: {  	[smem:$0x3FAF] =	sst s0;
	s0 =	simm.s32 @!p1 $0x0  }
0x14: {  	s2 =	sld [smem:$0x3F93];
	s0 =	simm.s32 @p1 $0x1  }
0x15: {  	[smem:$0x3FB0] =	sst s0;
	s0 =	simm.s32 @!p2 $0x0  }
0x16: {  	s3 =	sld [smem:$0x3FDB];
	s0 =	simm.s32 @p2 $0x1  }
0x17: {  	s4 =	simm.s32 $0x1BF5;
	[smem:$0x3FB2] =	sst s0  }
0x18: {  	s0 =	sld [smem:$0x3F95];
	_ =	swait.ge [sflag:s4], $0x0  }
0x19: {  	s7 =	sld [smem:$0x3F96]  }
0x1a: {  	s8 =	sadd.s32 $0xFFFFE003, lr  }
0x1b: {  	s9 =	sadd.s32 $0xFFFFFEF7, lr;
	s5 =	simm.s32 $0xFFFFFFFF;
	p2 =	slt.u32 s8, $0xFFFFF086  }
0x1c: {  	p1 =	slt.u32 s9, $0xF7A;
	s5 =	simm.s32 @!p2 $0x0  }
0x1d: {  	s5 =	simm.s32 @p1 $0x1;
	p0 =	seq.s32 s7, s2  }
0x1e: {  	s7 =	smul.u32 @!p0 $0xF7A, s2;
	p2 =	seq.s32 @!p0 s5, $0x0  }
0x1f: {  	s9 =	smul.u32 $0xF7A, s1;
	s8 =	simm.s32 @!p0 $0x1BF5;
	p2 =	por !p2, p0  }
0x20: {  	[sflag:s8] =	ssyncset.s32 @!p0 $0xFFFFF086;
	s6 =	sadd.s32 @!p0 s3, s7;
	s7 =	simm.s32 @!p0 $0x108  }
0x21: {  	s3 =	sadd.s32 s3, s9;
	s6 =	sadd.s32 @!p0 $0x88, s6;
	s7 =	simm.s32 @p2 $0x1082  }
0x22: {  	[simem:s7], [sflag:s8] =	dma.local @!p0 [hbm:s6], $0xF7A  }
0x23: {  	s9 =	sor.u32 $0xD0000000, s2;
	s6 =	simm.s32 $0x108;
	_ =	swait.ge @!p0 [sflag:s8], $0x0  }
0x24: {  	s3 =	sadd.s32 $0x88, s3;
	s6 =	simm.s32 @!p1 $0x1082;
	[sflag:s4] =	ssyncset.s32 $0xFFFFF086  }
0x25: {  	[simem:s6], [sflag:s4] =	dma.local [hbm:s3], $0xF7A  }
0x26: {  	[smem:$0x3F96] =	sst s1;
	(tag) =	ssettag s2;
	_ =	strace s9  }
0x27: {  	s1 =	sld [smem:$0x3FA6]  }
0x28: {  	s2 =	sld [smem:$0x3FA7]  }
0x29: {  	s4 =	sld [smem:$0x3FA9]  }
0x2a: {  	p0 =	seq.s32 s5, $0x0;
	s5 =	sld [smem:$0x3FAA]  }
0x2b: {  	s6 =	sld [smem:$0x3FAB]  }
0x2c: {  	s7 =	sld [smem:$0x3FAC]  }
0x2d: {  	s3 =	simm.s32 $0x108;
	s8 =	sld [smem:$0x3FAD]  }
0x2e: {  	s3 =	simm.s32 @!p0 $0x1082;
	s9 =	sld [smem:$0x3FAE]  }
0x2f: {  	lr =	sadd.s32 s0, s3;
	s0 =	sld [smem:$0x3FA5]  }
0x30: {  	s3 =	sld [smem:$0x3FA8]  }
0x31: {  	[smem:$0x3FB1] =	sst s10  }
0x32: {  	s10 =	sld [smem:$0x3FAF];
	_ =	sdelay $0x3  }
0x33: {  	p0 =	seq.s32 s10, $0x1;
	s10 =	sld [smem:$0x3FB1];
	_ =	sdelay $0x3  }
0x34: {  	[smem:$0x3FB1] =	sst s10  }
0x35: {  	s10 =	sld [smem:$0x3FB0];
	_ =	sdelay $0x3  }
0x36: {  	p1 =	seq.s32 s10, $0x1;
	s10 =	sld [smem:$0x3FB1];
	_ =	sdelay $0x3  }
0x37: {  	[smem:$0x3FB1] =	sst s10  }
0x38: {  	s10 =	sld [smem:$0x3FB2]  }
0x39: {  	_ = 	snop;
	(pc) =	sbr.ind lr, $3  }
0x3a: {  	_ = 	snop  }
0x3b: {  	_ = 	snop  }
0x3c: {  	p2 =	seq.s32 s10, $0x1;
	s10 =	sld [smem:$0x3FB1]  }
0x3d: {  	_ =	shalt  }
0x3e: {  	_ =	shalt  }
0x3f: {  	_ =	shalt  }
0x40: {  	_ =	shalt  }
0x41: {  	_ =	shalt  }
0x42: {  	_ =	shalt  }
0x43: {  	_ =	shalt  }
0x44: {  	_ =	shalt  }
0x45: {  	_ =	shalt  }
0x46: {  	_ =	shalt  }
0x47: {  	_ =	shalt  }
0x48: {  	_ =	shalt  }
0x49: {  	_ =	shalt  }
0x4a: {  	_ =	shalt  }
0x4b: {  	_ =	shalt  }
0x4c: {  	_ =	shalt  }
0x4d: {  	_ =	shalt  }
0x4e: {  	_ =	shalt  }
0x4f: {  	_ =	shalt  }
0x50: {  	_ =	shalt  }
0x51: {  	_ =	shalt  }
0x52: {  	_ =	shalt  }
0x53: {  	_ =	shalt  }
0x54: {  	_ =	shalt  }
0x55: {  	_ =	shalt  }
0x56: {  	_ =	shalt  }
0x57: {  	_ =	shalt  }
0x58: {  	_ =	shalt  }
0x59: {  	_ =	shalt  }
0x5a: {  	_ =	shalt  }
0x5b: {  	_ =	shalt  }
0x5c: {  	_ =	shalt  }
0x5d: {  	_ =	shalt  }
0x5e: {  	_ =	shalt  }
0x5f: {  	_ =	shalt  }
0x60: {  	_ =	shalt  }
0x61: {  	_ =	shalt  }
0x62: {  	_ =	shalt  }
0x63: {  	_ =	shalt  }
0x64: {  	_ =	shalt  }
0x65: {  	_ =	shalt  }
0x66: {  	_ =	shalt  }
0x67: {  	_ =	shalt  }
0x68: {  	_ =	shalt  }
0x69: {  	_ =	shalt  }
0x6a: {  	_ =	shalt  }
0x6b: {  	_ =	shalt  }
0x6c: {  	_ =	shalt  }
0x6d: {  	_ =	shalt  }
0x6e: {  	_ =	shalt  }
0x6f: {  	_ =	shalt  }
0x70: {  	_ =	shalt  }
0x71: {  	_ =	shalt  }
0x72: {  	_ =	shalt  }
0x73: {  	_ =	shalt  }
0x74: {  	_ =	shalt  }
0x75: {  	_ =	shalt  }
0x76: {  	_ =	shalt  }
0x77: {  	_ =	shalt  }
0x78: {  	_ =	shalt  }
0x79: {  	_ =	shalt  }
0x7a: {  	_ =	shalt  }
0x7b: {  	_ =	shalt  }
0x7c: {  	_ =	shalt  }
0x7d: {  	_ =	shalt  }
0x7e: {  	_ =	shalt  }
0x7f: {  	_ =	shalt  }
0x80: {  	_ =	shalt  }
0x81: {  	_ =	shalt  }
0x82: {  	_ =	shalt  }
0x83: {  	_ =	shalt  }
0x84: {  	_ =	shalt  }
0x85: {  	_ =	shalt  }
0x86: {  	_ =	shalt  }
0x87: {  	_ =	shalt  }
.Lfunc_end0:
.L_simem_size_0:
called_computation.1_lowered:
.L_overlay_start_0:
0x88: {  	s2 =	sld [smem:$0x3FD9]  }
0x89: {  	s3 =	sld [smem:$0x3FFE];
	_ =	sdelay $0x1  }
0x8a: {  	s1 =	srdreg.scid  }
0x8b: {  	s0 =	sand.u32 $0x1, s1  }
0x8c: {  	s17 =	sshll.u32 s0, $0xA;
	s2 =	sadd.s32 s3, s2  }
0x8d: {  	s2 =	sadd.s32 s2, s17  }
0x8e: {  	[smem:$0x3FBD] =	sst s2  }
0x8f: {  	_ = 	snop  }
0x90: {  	s2 =	sld [smem:$0x3FD0];
	(tm) =	ssettm $0x1  }
0x91: {  	s18 =	sld [smem:$0x3FFB];
	_ =	sdelay $0x3  }
0x92: {  	_ =	strace s18  }
0x93: {  	s3 =	sld [smem:$0x3FFC];
	_ =	sdelay $0x3  }
0x94: {  	_ =	strace s3  }
0x95: {  	s3 =	sld [smem:$0x3FFD];
	_ =	sdelay $0x3  }
0x96: {  	_ =	strace s3  }
0x97: {  	_ =	strace $0x8FFFFFFF  }
0x98: {  	s19 =	sld [smem:$0x3FDB];
	_ =	sdelay $0x1  }
0x99: {  	s4 =	simm.s32 $_scs_section_size  }
0x9a: {  	s5 =	simm.s32 $_size__tile_overlayer_lowered;
	s6 =	simm.s32 $_tile_overlayer_lowered  }
0x9b: {  	s22 =	simm.s32 $0x1BFF;
	s21 =	sshll.u32 s6, $0x1;
	s3 =	sadd.s32 s4, s19  }
0x9c: {  	s7 =	simm.s32 $0x0;
	s20 =	sshll.u32 s5, $0x1;
	s5 =	sadd.s32 s21, s3  }
0x9d: {  	[timem:s7], [sflag:s22] =	dma.local [hbm:s5], s20  }
0x9e: {  	_ =	swait.ge [sflag:s22], s20  }
0x9f: {  	s4 =	ssub.s32 $0x0, s20;
	[sflag:s22] =	ssyncset.done $0x0  }
0xa0: {  	[sflag:s22] =	ssyncadd.s32 s4;
	_ =	sdelay $0x1  }
0xa1: {  	s23 =	simm.s32 $0x1B8B  }
0xa2: {  	_ =	swait.ge [sflag:s23], $0x1  }
0xa3: {  	[sflag:s23] =	ssyncset.done $0x0  }
0xa4: {  	s25 =	simm.s32 $0x1B8E;
	s24 =	sld [smem:$0x3FFE];
	[sflag:s23] =	ssyncadd.s32 $0xFFFFFFFF  }
0xa5: {  	s26 =	simm.s32 $execute0_lowered;
	[smem:$0x3FD2] =	sst s25  }
0xa6: {  	s5 =	sshll.u32 s26, $0x1;
	_ =	strace $0x80000049;
	[dreg:$0x1] =	wrdreg $0xFFFFFFFF  }
0xa7: {  	s28 =	simm.s32 $_size_execute0_lowered;
	s3 =	sadd.s32 s3, s5;
	[dreg:$0x0] =	wrdreg $0x0  }
0xa8: {  	s5 =	sshll.u32 s28, $0x1;
	[dreg:$0x2] =	wrdreg s3  }
0xa9: {  	[dreg:$0x3] =	wrdreg s5  }
0xaa: {  	[dreg:$0x4] =	wrdreg $0xC0  }
0xab: {  	_ =	task [dreg:s7], $0x5FFFF  }
0xac: {  	[dreg:$0x1] =	wrdreg $0xFFFFFFFF  }
0xad: {  	[dreg:$0x0] =	wrdreg $0x60  }
0xae: {  	[dreg:$0x2] =	wrdreg s24  }
0xaf: {  	[dreg:$0x3] =	wrdreg s2  }
0xb0: {  	[dreg:$0x4] =	wrdreg $0xA8000  }
0xb1: {  	[dreg:$0x5] =	wrdreg $0x9  }
0xb2: {  	_ =	task.clear_ibuf [dreg:s7], $0x6FFFF;
	_ =	strace $0x90000049  }
0xb3: {  	s29 =	simm.s32 $0x9;
	_ =	strace $0x8000004B  }
0xb4: {  	_ =	swait.ge [sflag:s29], $0x1  }
0xb5: {  	[sflag:s29] =	ssyncadd.s32 $0xFFFFFFFF  }
0xb6: {  	_ =	strace $0x9000004B  }
0xb7: {  	_ =	sfence  }
0xb8: {  	s30 =	sld [smem:$0x0];
	_ =	sdelay $0x2  }
0xb9: {  	s31 =	sshll.u32 s1, $0xD;
	s1 =	sshrl.u32 s1, $0x2  }
0xba: {  	s3 =	sand.u32 $0x4000, s31;
	s1 =	sadd.s32 s1, s30  }
0xbb: {  	s0 =	sor.u32 s3, s0;
	s1 =	sshll.u32 s1, $0x11  }
0xbc: {  	s0 =	sor.u32 s1, s0  }
0xbd: {  	s0 =	sadd.s32 $0x8F2B, s0  }
0xbe: {  	[sflag:s0] =	ssyncadd.remote.s32 $0x1  }
0xbf: {  	_ =	sfence.sel $0xFFFF  }
0xc0: {  	[dreg:$0x0] =	wrdreg $0xFFFFFFFF;
	(pc) =	sbr.abs _section_cstart, $3  }
0xc1: {  	[dreg:$0x1] =	wrdreg $0xFFFFFFFF  }
0xc2: {  	_ =	task.clear_ibuf [dreg:s7], $0x2FFFF;
	_ =	strace $0x9FFFFFFF  }
0xc3: {  	(tm) =	ssettm $0x7FFFFFFF  }
tec
execute0_lowered:
.L_overlay_start_1:
0x0: {  	(tag) =	ssettag $0x1  }
0x1: {  	s0 =	rddreg [dreg:$0x0];
	s4 =	stileid.u32  }
0x2: {  	s1 =	srdreg.scid;
	s6 =	smul.u32 $0x14000, s4  }
0x3: {  	s2 =	rddreg [dreg:$0x2];
	s1 =	sand.u32 $0x1, s1;
	s26 =	smul.u32 $0x50000, s4  }
0x4: {  	s5 =	simm.s32 $0x0;
	s28 =	simm.s32 $0x9;
	s3 =	smul.u32 $0x140000, s1  }
0x5: {  	s29 =	simm.s32 $0x1400;
	s30 =	simm.s32 $0x40;
	[smem:$0x7FF] =	sst s5  }
0x6: {  	s5 =	sadd.s32 $0x36600, s0;
	s3 =	sadd.s32 s6, s3;
	s6 =	sshrl.u32 s26, $0x2  }
0x7: {  	s7 =	sadd.s32 $0xE600, s0;
	s8 =	sadd.s32 $0x22600, s0;
	s6 =	sadd.s32 s6, s2  }
0x8: {  	s10 =	sshll.u32 s4, $0x1;
	_ =	strace $0x8000004A;
	s11 =	sadd.s32 $0x2000, s6  }
0x9: {  	s9 =	ssub.s32 $0x2, s1;
	s12 =	sadd.s32 $0x4000, s6;
	[dreg:$0x4] =	wrdreg s11  }
0xa: {  	s1 =	sor.u32 s1, s10;
	s13 =	sadd.s32 $0x6000, s6;
	[dreg:$0x5] =	wrdreg s12  }
0xb: {  	s10 =	simm.s32 $0x2;
	s14 =	sadd.s32 $0x8000, s6;
	[dreg:$0x6] =	wrdreg s13  }
0xc: {  	s31 =	sshrl.u32 s9, $0x1;
	s15 =	sadd.s32 $0xA000, s6;
	[dreg:$0x7] =	wrdreg s14  }
0xd: {  	s3 =	sshrl.u32 s3, $0x3;
	s16 =	sadd.s32 $0xC000, s6;
	[dreg:$0x8] =	wrdreg s15  }
0xe: {  	s0 =	sadd.s32 s3, s0;
	s17 =	sadd.s32 $0xE000, s6;
	[dreg:$0x9] =	wrdreg s16  }
0xf: {  	s3 =	ssub.s32 s9, s31;
	s18 =	sadd.s32 $0x10000, s6;
	[dreg:$0xa] =	wrdreg s17  }
0x10: {  	s9 =	smul.u32 $0x5000, s1;
	s26 =	sadd.s32 $0x12000, s6;
	[dreg:$0xb] =	wrdreg s18  }
0x11: {  	s1 =	smul.u32 $0xA00, s1;
	[dreg:$0x14] =	wrdreg s26;
	s0 =	sadd.s32 $0x86600, s0  }
0x12: {  	s31 =	smax.u32 s3, $0x1;
	s26 =	simm.s32 $0x2800;
	s3 =	simm.s32 $0x6800  }
0x13: {  	s11 =	simm.s32 $0x1480;
	s12 =	simm.s32 $0x5;
	s13 =	simm.s32 $0x200  }
0x14: {  	s14 =	simm.s32 $0x3;
	s15 =	simm.s32 $0x1500;
	s16 =	simm.s32 $0x6  }
0x15: {  	s17 =	simm.s32 $0x280;
	s18 =	simm.s32 $0x4;
	[dreg:$0x15] =	wrdreg s0  }
0x16: {  	s9 =	sshrl.u32 s9, $0x3;
	s19 =	sadd.s32 s7, s1;
	[dreg:$0x16] =	wrdreg s31  }
0x17: {  	s1 =	sadd.s32 s8, s1;
	s0 =	simm.s32 $0x4800;
	[dreg:$0xc] =	wrdreg s19  }
0x18: {  	[dreg:$0xd] =	wrdreg s1;
	s20 =	sadd.s32 $0x280, s9;
	s22 =	sadd.s32 $0x500, s9  }
0x19: {  	s24 =	sadd.s32 $0x780, s9;
	s9 =	simm.s32 $0x8800;
	s21 =	sadd.s32 s7, s20  }
0x1a: {  	s19 =	simm.s32 $0x1580;
	s1 =	sadd.s32 s8, s20;
	[dreg:$0xe] =	wrdreg s21  }
.Ltmp0:
0x1b: {  	s23 =	sadd.s32 s7, s22;
	[dreg:$0xf] =	wrdreg s1;
	(pc) =	sbr.rel .LBB2_1-.Ltmp0, $4  }
0x1c: {  	s25 =	sadd.s32 s7, s24;
	s7 =	simm.s32 $0x1;
	[dreg:$0x10] =	wrdreg s23  }
0x1d: {  	s20 =	simm.s32 $0x7;
	s1 =	sadd.s32 s8, s22;
	[dreg:$0x12] =	wrdreg s25  }
0x1e: {  	s21 =	simm.s32 $0x300;
	[dreg:$0x11] =	wrdreg s1;
	s1 =	sadd.s32 s8, s24  }
0x1f: {  	s22 =	simm.s32 $0x8;
	s23 =	simm.s32 $0x0;
	[dreg:$0x13] =	wrdreg s1  }
.LBB2_13:
0x20: {  	_ =	swait.ge [sflag:s12], $0x2000  }
0x21: {  	[sflag:s12] =	ssyncset.done $0x0  }
0x22: {  	[sflag:s12] =	ssyncadd.s32 $0xFFFFE000  }
0x23: {  	_ =	swait.ge [sflag:s16], $0x2000  }
0x24: {  	[sflag:s16] =	ssyncset.done $0x0  }
0x25: {  	[sflag:s16] =	ssyncadd.s32 $0xFFFFE000  }
0x26: {  	_ =	swait.ge [sflag:s20], $0x2000  }
0x27: {  	[sflag:s20] =	ssyncset.done $0x0  }
0x28: {  	[sflag:s20] =	ssyncadd.s32 $0xFFFFE000  }
0x29: {  	_ =	swait.ge [sflag:s22], $0x2000  }
0x2a: {  	[sflag:s22] =	ssyncset.done $0x0  }
0x2b: {  	s1 =	stileid.u32;
	[sflag:s22] =	ssyncadd.s32 $0xFFFFE000  }
0x2c: {  	s1 =	sshll.u32 s1, $0x6;
	[bflag:$0x0] =	sbarrier.arrive $0xFFFF  }
0x2d: {  	s4 =	sshrl.u32 s6, $0x3;
	s1 =	sor.u32 $0x1C09, s1;
	s8 =	rddreg [dreg:$0x15]  }
0x2e: {  	[hbm:s8], [sflag:s1] =	dma.local [spmem:s4], $0x2800  }
0x2f: {  	_ =	swait.ge [sflag:s28], $0x2800  }
0x30: {  	s23 =	sadd.s32 $0x1, s23;
	s31 =	rddreg [dreg:$0x16]  }
0x31: {  	p0 =	sne.s32 s23, s31  }
.Ltmp1:
0x32: {  	_ = 	snop;
	(pc) =	sbr.rel @!p0 .LBB2_14-.Ltmp1, $3  }
0x33: {  	_ =	sdelay $0x1  }
0x34: {  	[sflag:s28] =	ssyncset.done $0x0  }
0x35: {  	[sflag:s28] =	ssyncadd.s32 $0xFFFFD800  }
.LBB2_1:
0x36: {  	s1 =	rddreg [dreg:$0x1];
	s4 =	simm.s32 $0x0  }
0x37: {  	[tilespmem:s26], [sflag:$0x9] =	stream.linear.gather [hbm4b:s1+s4], $0x2000, $0x38;
	[tilespmem:$0x1E800] =	vst v63  }
0x38: {  	_ =	swait.ge [sflag:s28], $0x2000  }
0x39: {  	[sflag:s28] =	ssyncset.done $0x0  }
0x3a: {  	[sflag:s28] =	ssyncadd.s32 $0xFFFFE000  }
0x3b: {  	[spmem:s6] =	stream.linear.scatter [tilespmem:s26], [sflag:$0x9], $0x2000, $0x38;
	[tilespmem:$0x1E800] =	vst v63  }
0x3c: {  	_ =	swait.ge [sflag:s28], $0x2000  }
0x3d: {  	[sflag:s28] =	ssyncset.done $0x0  }
0x3e: {  	s25 =	rddreg [dreg:$0x4];
	[sflag:s28] =	ssyncadd.s32 $0xFFFFE000  }
0x3f: {  	[spmem:s25] =	stream.linear.scatter [tilespmem:s26], [sflag:$0x9], $0x2000, $0x38;
	[tilespmem:$0x1E800] =	vst v63  }
0x40: {  	_ =	swait.ge [sflag:s28], $0x2000  }
0x41: {  	[sflag:s28] =	ssyncset.done $0x0  }
0x42: {  	s31 =	rddreg [dreg:$0x5];
	[sflag:s28] =	ssyncadd.s32 $0xFFFFE000  }
0x43: {  	[spmem:s31] =	stream.linear.scatter [tilespmem:s26], [sflag:$0x9], $0x2000, $0x38;
	[tilespmem:$0x1E800] =	vst v63  }
0x44: {  	_ =	swait.ge [sflag:s28], $0x2000  }
0x45: {  	[sflag:s28] =	ssyncset.done $0x0  }
0x46: {  	s8 =	rddreg [dreg:$0x6];
	[sflag:s28] =	ssyncadd.s32 $0xFFFFE000  }
0x47: {  	[spmem:s8] =	stream.linear.scatter [tilespmem:s26], [sflag:$0x9], $0x2000, $0x38;
	[tilespmem:$0x1E800] =	vst v63  }
0x48: {  	_ =	swait.ge [sflag:s28], $0x2000  }
0x49: {  	[sflag:s28] =	ssyncset.done $0x0  }
0x4a: {  	s24 =	rddreg [dreg:$0x7];
	[sflag:s28] =	ssyncadd.s32 $0xFFFFE000  }
0x4b: {  	[spmem:s24] =	stream.linear.scatter [tilespmem:s26], [sflag:$0x9], $0x2000, $0x38;
	[tilespmem:$0x1E800] =	vst v63  }
0x4c: {  	_ =	swait.ge [sflag:s28], $0x2000  }
0x4d: {  	[sflag:s28] =	ssyncset.done $0x0  }
0x4e: {  	s25 =	rddreg [dreg:$0x8];
	[sflag:s28] =	ssyncadd.s32 $0xFFFFE000  }
0x4f: {  	[spmem:s25] =	stream.linear.scatter [tilespmem:s26], [sflag:$0x9], $0x2000, $0x38;
	[tilespmem:$0x1E800] =	vst v63  }
0x50: {  	_ =	swait.ge [sflag:s28], $0x2000  }
0x51: {  	[sflag:s28] =	ssyncset.done $0x0  }
0x52: {  	s31 =	rddreg [dreg:$0x9];
	[sflag:s28] =	ssyncadd.s32 $0xFFFFE000  }
0x53: {  	[spmem:s31] =	stream.linear.scatter [tilespmem:s26], [sflag:$0x9], $0x2000, $0x38;
	[tilespmem:$0x1E800] =	vst v63  }
0x54: {  	_ =	swait.ge [sflag:s28], $0x2000  }
0x55: {  	[sflag:s28] =	ssyncset.done $0x0  }
0x56: {  	s8 =	rddreg [dreg:$0xa];
	[sflag:s28] =	ssyncadd.s32 $0xFFFFE000  }
0x57: {  	[spmem:s8] =	stream.linear.scatter [tilespmem:s26], [sflag:$0x9], $0x2000, $0x38;
	[tilespmem:$0x1E800] =	vst v63  }
0x58: {  	_ =	swait.ge [sflag:s28], $0x2000  }
0x59: {  	[sflag:s28] =	ssyncset.done $0x0  }
0x5a: {  	s24 =	rddreg [dreg:$0xb];
	[sflag:s28] =	ssyncadd.s32 $0xFFFFE000  }
0x5b: {  	[spmem:s24] =	stream.linear.scatter [tilespmem:s26], [sflag:$0x9], $0x2000, $0x38;
	[tilespmem:$0x1E800] =	vst v63  }
0x5c: {  	_ =	swait.ge [sflag:s28], $0x2000  }
0x5d: {  	[sflag:s28] =	ssyncset.done $0x0  }
0x5e: {  	s25 =	rddreg [dreg:$0x14];
	[sflag:s28] =	ssyncadd.s32 $0xFFFFE000  }
0x5f: {  	[spmem:s25] =	stream.linear.scatter [tilespmem:s26], [sflag:$0x9], $0x2000, $0x38;
	[tilespmem:$0x1E800] =	vst v63  }
0x60: {  	_ =	swait.ge [sflag:s28], $0x2000  }
0x61: {  	[sflag:s28] =	ssyncset.done $0x0  }
0x62: {  	[sflag:s28] =	ssyncadd.s32 $0xFFFFE000  }
0x63: {  	[bflag:$0x0] =	sbarrier.arrive $0xFFFF  }
0x64: {  	s31 =	rddreg [dreg:$0xc]  }
0x65: {  	[tilespmem:s4], [sflag:$0x9] =	stream.linear.gather [hbm4b:s31+s4], $0x1400, $0x38;
	[tilespmem:$0x1E800] =	vst v63  }
0x66: {  	_ =	swait.ge [sflag:s28], $0x1400  }
0x67: {  	[sflag:s28] =	ssyncset.done $0x0  }
0x68: {  	s8 =	rddreg [dreg:$0xd];
	[sflag:s28] =	ssyncadd.s32 $0xFFFFEC00  }
0x69: {  	[tilespmem:s29], [sflag:$0x9] =	stream.linear.gather [hbm4b:s8+s4], $0x1400, $0x38;
	[tilespmem:$0x1E800] =	vst v63  }
0x6a: {  	_ =	swait.ge [sflag:s28], $0x1400  }
0x6b: {  	[sflag:s28] =	ssyncset.done $0x0  }
0x6c: {  	[sflag:s28] =	ssyncadd.s32 $0xFFFFEC00  }
0x6d: {  	[tilespmem:s26], [sflag:$0x1] =	stream.indirect.gather [hbm4b:s5+s30], $0x80, s4, s30, $0xb8;
	[tilespmem:$0x1E800] =	vst v63  }
0x6e: {  	s24 =	simm.s32 $0x80  }
0x6f: {  	[tilespmem:s0], [sflag:$0x2] =	stream.indirect.gather [hbm4b:s5+s30], $0x80, s24, s30, $0xb8;
	[tilespmem:$0x1E800] =	vst v63  }
0x70: {  	s25 =	simm.s32 $0x100  }
0x71: {  	[tilespmem:s3], [sflag:$0x3] =	stream.indirect.gather [hbm4b:s5+s30], $0x80, s25, s30, $0xb8;
	[tilespmem:$0x1E800] =	vst v63  }
0x72: {  	_ =	swait.ge [sflag:s7], $0x2000  }
0x73: {  	[sflag:s7] =	ssyncset.done $0x0  }
0x74: {  	[sflag:s7] =	ssyncadd.s32 $0xFFFFE000  }
0x75: {  	[spmem:s2] =	stream.indirect.scatter.add.f32 [tilespmem:s26], [sflag:$0x5], $0x80, s29, s30, $0xb8;
	[tilespmem:$0x1E800] =	vst v63  }
0x76: {  	s31 =	simm.s32 $0x180  }
0x77: {  	[tilespmem:s9], [sflag:$0x4] =	stream.indirect.gather [hbm4b:s5+s30], $0x80, s31, s30, $0xb8;
	[tilespmem:$0x1E800] =	vst v63  }
0x78: {  	_ =	swait.ge [sflag:s10], $0x2000  }
0x79: {  	[sflag:s10] =	ssyncset.done $0x0  }
0x7a: {  	[sflag:s10] =	ssyncadd.s32 $0xFFFFE000  }
0x7b: {  	[spmem:s2] =	stream.indirect.scatter.add.f32 [tilespmem:s0], [sflag:$0x6], $0x80, s11, s30, $0xb8;
	[tilespmem:$0x1E800] =	vst v63  }
0x7c: {  	_ =	swait.ge [sflag:s12], $0x2000  }
0x7d: {  	[sflag:s12] =	ssyncset.done $0x0  }
0x7e: {  	[sflag:s12] =	ssyncadd.s32 $0xFFFFE000  }
0x7f: {  	[tilespmem:s26], [sflag:$0x1] =	stream.indirect.gather [hbm4b:s5+s30], $0x80, s13, s30, $0xb8;
	[tilespmem:$0x1E800] =	vst v63  }
0x80: {  	_ =	swait.ge [sflag:s14], $0x2000  }
0x81: {  	[sflag:s14] =	ssyncset.done $0x0  }
0x82: {  	[sflag:s14] =	ssyncadd.s32 $0xFFFFE000  }
0x83: {  	[spmem:s2] =	stream.indirect.scatter.add.f32 [tilespmem:s3], [sflag:$0x7], $0x80, s15, s30, $0xb8;
	[tilespmem:$0x1E800] =	vst v63  }
0x84: {  	_ =	swait.ge [sflag:s16], $0x2000  }
0x85: {  	[sflag:s16] =	ssyncset.done $0x0  }
0x86: {  	[sflag:s16] =	ssyncadd.s32 $0xFFFFE000  }
0x87: {  	[tilespmem:s0], [sflag:$0x2] =	stream.indirect.gather [hbm4b:s5+s30], $0x80, s17, s30, $0xb8;
	[tilespmem:$0x1E800] =	vst v63  }
0x88: {  	_ =	swait.ge [sflag:s18], $0x2000  }
0x89: {  	[sflag:s18] =	ssyncset.done $0x0  }
0x8a: {  	[sflag:s18] =	ssyncadd.s32 $0xFFFFE000  }
0x8b: {  	[spmem:s2] =	stream.indirect.scatter.add.f32 [tilespmem:s9], [sflag:$0x8], $0x80, s19, s30, $0xb8;
	[tilespmem:$0x1E800] =	vst v63  }
0x8c: {  	_ =	swait.ge [sflag:s20], $0x2000  }
0x8d: {  	[sflag:s20] =	ssyncset.done $0x0  }
0x8e: {  	s24 =	simm.s32 $0x0;
	[sflag:s20] =	ssyncadd.s32 $0xFFFFE000  }
0x8f: {  	[tilespmem:s3], [sflag:$0x3] =	stream.indirect.gather [hbm4b:s5+s30], $0x80, s21, s30, $0xb8;
	[tilespmem:$0x1E800] =	vst v63  }
.LBB2_2:
0x90: {  	_ =	swait.ge [sflag:s7], $0x2000  }
0x91: {  	s25 =	sshra.s32 s24, $0x2;
	[sflag:s7] =	ssyncset.done $0x0  }
0x92: {  	s4 =	sadd.s32 $0x1600, s25;
	[sflag:s7] =	ssyncadd.s32 $0xFFFFE000  }
0x93: {  	[spmem:s2] =	stream.indirect.scatter.add.f32 [tilespmem:s26], [sflag:$0x5], $0x80, s4, s30, $0xb8;
	[tilespmem:$0x1E800] =	vst v63  }
0x94: {  	_ =	swait.ge [sflag:s22], $0x2000  }
0x95: {  	[sflag:s22] =	ssyncset.done $0x0  }
0x96: {  	s1 =	sadd.s32 $0x380, s25;
	[sflag:s22] =	ssyncadd.s32 $0xFFFFE000  }
0x97: {  	[tilespmem:s9], [sflag:$0x4] =	stream.indirect.gather [hbm4b:s5+s30], $0x80, s1, s30, $0xb8;
	[tilespmem:$0x1E800] =	vst v63  }
0x98: {  	_ =	swait.ge [sflag:s10], $0x2000  }
0x99: {  	p0 =	seq.s32 s24, $0x4000;
	[sflag:s10] =	ssyncset.done $0x0  }
0x9a: {  	s8 =	sadd.s32 $0x1680, s25;
	s4 =	simm.s32 @p0 $0x3;
	[sflag:s10] =	ssyncadd.s32 $0xFFFFE000  }
0x9b: {  	[spmem:s2] =	stream.indirect.scatter.add.f32 [tilespmem:s0], [sflag:$0x6], $0x80, s8, s30, $0xb8;
	[tilespmem:$0x1E800] =	vst v63  }
0x9c: {  	_ =	swait.ge @p0 [sflag:s4], $0x2000  }
0x9d: {  	[sflag:s4] =	ssyncset.done @p0 $0x0  }
0x9e: {  	[sflag:s4] =	ssyncadd.s32 @p0 $0xFFFFE000;
	s4 =	sshra.s32 @p0 s24, $0x2  }
0x9f: {  	s31 =	simm.s32 @p0 $0x40;
	s1 =	simm.s32 @p0 $0x6800;
	s4 =	sadd.s32 @p0 $0x1700, s4  }
0xa0: {  	[spmem:s2] =	stream.indirect.scatter.add.f32 @p0 [tilespmem:s1], [sflag:$0x7], $0x80, s4, s31, $0xb8;
	[tilespmem:$0x1E800] =	vst v63  }
0xa1: {  	s1 =	simm.s32 @!p0 $0x5  }
0xa2: {  	_ =	swait.ge @!p0 [sflag:s1], $0x2000  }
0xa3: {  	[sflag:s1] =	ssyncset.done @!p0 $0x0  }
0xa4: {  	[sflag:s1] =	ssyncadd.s32 @!p0 $0xFFFFE000;
	s1 =	sshra.s32 @!p0 s24, $0x2  }
0xa5: {  	s8 =	simm.s32 @!p0 $0x2800;
	s31 =	simm.s32 @!p0 $0x40;
	s4 =	sadd.s32 @!p0 $0x400, s1  }
0xa6: {  	[tilespmem:s8], [sflag:$0x1] =	stream.indirect.gather @!p0 [hbm4b:s5+s31], $0x80, s4, s31, $0xb8;
	[tilespmem:$0x1E800] =	vst v63  }
0xa7: {  	s4 =	simm.s32 @!p0 $0x3  }
0xa8: {  	_ =	swait.ge @!p0 [sflag:s4], $0x2000  }
0xa9: {  	[sflag:s4] =	ssyncset.done @!p0 $0x0  }
0xaa: {  	s8 =	simm.s32 @!p0 $0x6800;
	[sflag:s4] =	ssyncadd.s32 @!p0 $0xFFFFE000;
	s4 =	sadd.s32 @!p0 $0x1700, s1  }
0xab: {  	[spmem:s2] =	stream.indirect.scatter.add.f32 @!p0 [tilespmem:s8], [sflag:$0x7], $0x80, s4, s31, $0xb8;
	[tilespmem:$0x1E800] =	vst v63  }
0xac: {  	s4 =	simm.s32 @!p0 $0x6  }
0xad: {  	_ =	swait.ge @!p0 [sflag:s4], $0x2000  }
0xae: {  	[sflag:s4] =	ssyncset.done @!p0 $0x0  }
0xaf: {  	s1 =	sadd.s32 @!p0 $0x480, s1;
	[sflag:s4] =	ssyncadd.s32 @!p0 $0xFFFFE000;
	s4 =	simm.s32 @!p0 $0x4800  }
0xb0: {  	[tilespmem:s4], [sflag:$0x2] =	stream.indirect.gather @!p0 [hbm4b:s5+s31], $0x80, s1, s31, $0xb8;
	[tilespmem:$0x1E800] =	vst v63  }
.Ltmp2:
0xb1: {  	_ = 	snop;
	(pc) =	sbr.rel @p0 .LBB2_4-.Ltmp2, $4  }
0xb2: {  	_ =	swait.ge [sflag:s18], $0x2000  }
0xb3: {  	[sflag:s18] =	ssyncset.done $0x0  }
0xb4: {  	s31 =	sadd.s32 $0x1780, s25;
	[sflag:s18] =	ssyncadd.s32 $0xFFFFE000  }
0xb5: {  	[spmem:s2] =	stream.indirect.scatter.add.f32 [tilespmem:s9], [sflag:$0x8], $0x80, s31, s30, $0xb8;
	[tilespmem:$0x1E800] =	vst v63  }
.Ltmp3:
0xb6: {  	(pc) =	sbr.rel .LBB2_2-.Ltmp3, $4  }
0xb7: {  	_ =	swait.ge [sflag:s20], $0x2000  }
0xb8: {  	[sflag:s20] =	ssyncset.done $0x0  }
0xb9: {  	s1 =	sadd.s32 $0x500, s25;
	s24 =	sadd.s32 $0x800, s24;
	[sflag:s20] =	ssyncadd.s32 $0xFFFFE000  }
0xba: {  	[tilespmem:s3], [sflag:$0x3] =	stream.indirect.gather [hbm4b:s5+s30], $0x80, s1, s30, $0xb8;
	[tilespmem:$0x1E800] =	vst v63  }
.LBB2_4:
0xbb: {  	_ =	swait.ge [sflag:s12], $0x2000  }
0xbc: {  	[sflag:s12] =	ssyncset.done $0x0  }
0xbd: {  	[sflag:s12] =	ssyncadd.s32 $0xFFFFE000  }
0xbe: {  	_ =	swait.ge [sflag:s16], $0x2000  }
0xbf: {  	[sflag:s16] =	ssyncset.done $0x0  }
0xc0: {  	[sflag:s16] =	ssyncadd.s32 $0xFFFFE000  }
0xc1: {  	_ =	swait.ge [sflag:s20], $0x2000  }
0xc2: {  	[sflag:s20] =	ssyncset.done $0x0  }
0xc3: {  	[sflag:s20] =	ssyncadd.s32 $0xFFFFE000  }
0xc4: {  	_ =	swait.ge [sflag:s22], $0x2000  }
0xc5: {  	[sflag:s22] =	ssyncset.done $0x0  }
0xc6: {  	s24 =	simm.s32 $0x0;
	s1 =	rddreg [dreg:$0xe];
	[sflag:s22] =	ssyncadd.s32 $0xFFFFE000  }
0xc7: {  	[tilespmem:s24], [sflag:$0x9] =	stream.linear.gather [hbm4b:s1+s24], $0x1400, $0x38;
	[tilespmem:$0x1E800] =	vst v63  }
0xc8: {  	_ =	swait.ge [sflag:s28], $0x1400  }
0xc9: {  	[sflag:s28] =	ssyncset.done $0x0  }
0xca: {  	s4 =	rddreg [dreg:$0xf];
	[sflag:s28] =	ssyncadd.s32 $0xFFFFEC00  }
0xcb: {  	[tilespmem:s29], [sflag:$0x9] =	stream.linear.gather [hbm4b:s4+s24], $0x1400, $0x38;
	[tilespmem:$0x1E800] =	vst v63  }
0xcc: {  	_ =	swait.ge [sflag:s28], $0x1400  }
0xcd: {  	[sflag:s28] =	ssyncset.done $0x0  }
0xce: {  	[sflag:s28] =	ssyncadd.s32 $0xFFFFEC00  }
0xcf: {  	[tilespmem:s26], [sflag:$0x1] =	stream.indirect.gather [hbm4b:s5+s30], $0x80, s24, s30, $0xb8;
	[tilespmem:$0x1E800] =	vst v63  }
0xd0: {  	s8 =	simm.s32 $0x80  }
0xd1: {  	[tilespmem:s0], [sflag:$0x2] =	stream.indirect.gather [hbm4b:s5+s30], $0x80, s8, s30, $0xb8;
	[tilespmem:$0x1E800] =	vst v63  }
0xd2: {  	s25 =	simm.s32 $0x100  }
0xd3: {  	[tilespmem:s3], [sflag:$0x3] =	stream.indirect.gather [hbm4b:s5+s30], $0x80, s25, s30, $0xb8;
	[tilespmem:$0x1E800] =	vst v63  }
0xd4: {  	_ =	swait.ge [sflag:s7], $0x2000  }
0xd5: {  	[sflag:s7] =	ssyncset.done $0x0  }
0xd6: {  	[sflag:s7] =	ssyncadd.s32 $0xFFFFE000  }
0xd7: {  	[spmem:s2] =	stream.indirect.scatter.add.f32 [tilespmem:s26], [sflag:$0x5], $0x80, s29, s30, $0xb8;
	[tilespmem:$0x1E800] =	vst v63  }
0xd8: {  	s31 =	simm.s32 $0x180  }
0xd9: {  	[tilespmem:s9], [sflag:$0x4] =	stream.indirect.gather [hbm4b:s5+s30], $0x80, s31, s30, $0xb8;
	[tilespmem:$0x1E800] =	vst v63  }
0xda: {  	_ =	swait.ge [sflag:s10], $0x2000  }
0xdb: {  	[sflag:s10] =	ssyncset.done $0x0  }
0xdc: {  	[sflag:s10] =	ssyncadd.s32 $0xFFFFE000  }
0xdd: {  	[spmem:s2] =	stream.indirect.scatter.add.f32 [tilespmem:s0], [sflag:$0x6], $0x80, s11, s30, $0xb8;
	[tilespmem:$0x1E800] =	vst v63  }
0xde: {  	_ =	swait.ge [sflag:s12], $0x2000  }
0xdf: {  	[sflag:s12] =	ssyncset.done $0x0  }
0xe0: {  	[sflag:s12] =	ssyncadd.s32 $0xFFFFE000  }
0xe1: {  	[tilespmem:s26], [sflag:$0x1] =	stream.indirect.gather [hbm4b:s5+s30], $0x80, s13, s30, $0xb8;
	[tilespmem:$0x1E800] =	vst v63  }
0xe2: {  	_ =	swait.ge [sflag:s14], $0x2000  }
0xe3: {  	[sflag:s14] =	ssyncset.done $0x0  }
0xe4: {  	[sflag:s14] =	ssyncadd.s32 $0xFFFFE000  }
0xe5: {  	[spmem:s2] =	stream.indirect.scatter.add.f32 [tilespmem:s3], [sflag:$0x7], $0x80, s15, s30, $0xb8;
	[tilespmem:$0x1E800] =	vst v63  }
0xe6: {  	_ =	swait.ge [sflag:s16], $0x2000  }
0xe7: {  	[sflag:s16] =	ssyncset.done $0x0  }
0xe8: {  	[sflag:s16] =	ssyncadd.s32 $0xFFFFE000  }
0xe9: {  	[tilespmem:s0], [sflag:$0x2] =	stream.indirect.gather [hbm4b:s5+s30], $0x80, s17, s30, $0xb8;
	[tilespmem:$0x1E800] =	vst v63  }
0xea: {  	_ =	swait.ge [sflag:s18], $0x2000  }
0xeb: {  	[sflag:s18] =	ssyncset.done $0x0  }
0xec: {  	[sflag:s18] =	ssyncadd.s32 $0xFFFFE000  }
0xed: {  	[spmem:s2] =	stream.indirect.scatter.add.f32 [tilespmem:s9], [sflag:$0x8], $0x80, s19, s30, $0xb8;
	[tilespmem:$0x1E800] =	vst v63  }
0xee: {  	_ =	swait.ge [sflag:s20], $0x2000  }
0xef: {  	[sflag:s20] =	ssyncset.done $0x0  }
0xf0: {  	[sflag:s20] =	ssyncadd.s32 $0xFFFFE000  }
0xf1: {  	[tilespmem:s3], [sflag:$0x3] =	stream.indirect.gather [hbm4b:s5+s30], $0x80, s21, s30, $0xb8;
	[tilespmem:$0x1E800] =	vst v63  }
.LBB2_5:
0xf2: {  	_ =	swait.ge [sflag:s7], $0x2000  }
0xf3: {  	s25 =	sshra.s32 s24, $0x2;
	[sflag:s7] =	ssyncset.done $0x0  }
0xf4: {  	s1 =	sadd.s32 $0x1600, s25;
	[sflag:s7] =	ssyncadd.s32 $0xFFFFE000  }
0xf5: {  	[spmem:s2] =	stream.indirect.scatter.add.f32 [tilespmem:s26], [sflag:$0x5], $0x80, s1, s30, $0xb8;
	[tilespmem:$0x1E800] =	vst v63  }
0xf6: {  	_ =	swait.ge [sflag:s22], $0x2000  }
0xf7: {  	[sflag:s22] =	ssyncset.done $0x0  }
0xf8: {  	s4 =	sadd.s32 $0x380, s25;
	[sflag:s22] =	ssyncadd.s32 $0xFFFFE000  }
0xf9: {  	[tilespmem:s9], [sflag:$0x4] =	stream.indirect.gather [hbm4b:s5+s30], $0x80, s4, s30, $0xb8;
	[tilespmem:$0x1E800] =	vst v63  }
0xfa: {  	_ =	swait.ge [sflag:s10], $0x2000  }
0xfb: {  	p0 =	seq.s32 s24, $0x4000;
	[sflag:s10] =	ssyncset.done $0x0  }
0xfc: {  	s8 =	sadd.s32 $0x1680, s25;
	s1 =	simm.s32 @p0 $0x3;
	[sflag:s10] =	ssyncadd.s32 $0xFFFFE000  }
0xfd: {  	[spmem:s2] =	stream.indirect.scatter.add.f32 [tilespmem:s0], [sflag:$0x6], $0x80, s8, s30, $0xb8;
	[tilespmem:$0x1E800] =	vst v63  }
0xfe: {  	_ =	swait.ge @p0 [sflag:s1], $0x2000  }
0xff: {  	[sflag:s1] =	ssyncset.done @p0 $0x0  }
0x100: {  	[sflag:s1] =	ssyncadd.s32 @p0 $0xFFFFE000;
	s1 =	sshra.s32 @p0 s24, $0x2  }
0x101: {  	s4 =	simm.s32 @p0 $0x40;
	s8 =	simm.s32 @p0 $0x6800;
	s1 =	sadd.s32 @p0 $0x1700, s1  }
0x102: {  	[spmem:s2] =	stream.indirect.scatter.add.f32 @p0 [tilespmem:s8], [sflag:$0x7], $0x80, s1, s4, $0xb8;
	[tilespmem:$0x1E800] =	vst v63  }
0x103: {  	s1 =	simm.s32 @!p0 $0x5  }
0x104: {  	_ =	swait.ge @!p0 [sflag:s1], $0x2000  }
0x105: {  	[sflag:s1] =	ssyncset.done @!p0 $0x0  }
0x106: {  	[sflag:s1] =	ssyncadd.s32 @!p0 $0xFFFFE000;
	s1 =	sshra.s32 @!p0 s24, $0x2  }
0x107: {  	s31 =	simm.s32 @!p0 $0x2800;
	s8 =	simm.s32 @!p0 $0x40;
	s4 =	sadd.s32 @!p0 $0x400, s1  }
0x108: {  	[tilespmem:s31], [sflag:$0x1] =	stream.indirect.gather @!p0 [hbm4b:s5+s8], $0x80, s4, s8, $0xb8;
	[tilespmem:$0x1E800] =	vst v63  }
0x109: {  	s4 =	simm.s32 @!p0 $0x3  }
0x10a: {  	_ =	swait.ge @!p0 [sflag:s4], $0x2000  }
0x10b: {  	[sflag:s4] =	ssyncset.done @!p0 $0x0  }
0x10c: {  	s31 =	simm.s32 @!p0 $0x6800;
	[sflag:s4] =	ssyncadd.s32 @!p0 $0xFFFFE000;
	s4 =	sadd.s32 @!p0 $0x1700, s1  }
0x10d: {  	[spmem:s2] =	stream.indirect.scatter.add.f32 @!p0 [tilespmem:s31], [sflag:$0x7], $0x80, s4, s8, $0xb8;
	[tilespmem:$0x1E800] =	vst v63  }
0x10e: {  	s4 =	simm.s32 @!p0 $0x6  }
0x10f: {  	_ =	swait.ge @!p0 [sflag:s4], $0x2000  }
0x110: {  	[sflag:s4] =	ssyncset.done @!p0 $0x0  }
0x111: {  	s1 =	sadd.s32 @!p0 $0x480, s1;
	[sflag:s4] =	ssyncadd.s32 @!p0 $0xFFFFE000;
	s4 =	simm.s32 @!p0 $0x4800  }
0x112: {  	[tilespmem:s4], [sflag:$0x2] =	stream.indirect.gather @!p0 [hbm4b:s5+s8], $0x80, s1, s8, $0xb8;
	[tilespmem:$0x1E800] =	vst v63  }
.Ltmp4:
0x113: {  	_ = 	snop;
	(pc) =	sbr.rel @p0 .LBB2_7-.Ltmp4, $4  }
0x114: {  	_ =	swait.ge [sflag:s18], $0x2000  }
0x115: {  	[sflag:s18] =	ssyncset.done $0x0  }
0x116: {  	s31 =	sadd.s32 $0x1780, s25;
	[sflag:s18] =	ssyncadd.s32 $0xFFFFE000  }
0x117: {  	[spmem:s2] =	stream.indirect.scatter.add.f32 [tilespmem:s9], [sflag:$0x8], $0x80, s31, s30, $0xb8;
	[tilespmem:$0x1E800] =	vst v63  }
.Ltmp5:
0x118: {  	(pc) =	sbr.rel .LBB2_5-.Ltmp5, $4  }
0x119: {  	_ =	swait.ge [sflag:s20], $0x2000  }
0x11a: {  	[sflag:s20] =	ssyncset.done $0x0  }
0x11b: {  	s1 =	sadd.s32 $0x500, s25;
	s24 =	sadd.s32 $0x800, s24;
	[sflag:s20] =	ssyncadd.s32 $0xFFFFE000  }
0x11c: {  	[tilespmem:s3], [sflag:$0x3] =	stream.indirect.gather [hbm4b:s5+s30], $0x80, s1, s30, $0xb8;
	[tilespmem:$0x1E800] =	vst v63  }
.LBB2_7:
0x11d: {  	_ =	swait.ge [sflag:s12], $0x2000  }
0x11e: {  	[sflag:s12] =	ssyncset.done $0x0  }
0x11f: {  	[sflag:s12] =	ssyncadd.s32 $0xFFFFE000  }
0x120: {  	_ =	swait.ge [sflag:s16], $0x2000  }
0x121: {  	[sflag:s16] =	ssyncset.done $0x0  }
0x122: {  	[sflag:s16] =	ssyncadd.s32 $0xFFFFE000  }
0x123: {  	_ =	swait.ge [sflag:s20], $0x2000  }
0x124: {  	[sflag:s20] =	ssyncset.done $0x0  }
0x125: {  	[sflag:s20] =	ssyncadd.s32 $0xFFFFE000  }
0x126: {  	_ =	swait.ge [sflag:s22], $0x2000  }
0x127: {  	[sflag:s22] =	ssyncset.done $0x0  }
0x128: {  	s24 =	simm.s32 $0x0;
	s1 =	rddreg [dreg:$0x10];
	[sflag:s22] =	ssyncadd.s32 $0xFFFFE000  }
0x129: {  	[tilespmem:s24], [sflag:$0x9] =	stream.linear.gather [hbm4b:s1+s24], $0x1400, $0x38;
	[tilespmem:$0x1E800] =	vst v63  }
0x12a: {  	_ =	swait.ge [sflag:s28], $0x1400  }
0x12b: {  	[sflag:s28] =	ssyncset.done $0x0  }
0x12c: {  	s4 =	rddreg [dreg:$0x11];
	[sflag:s28] =	ssyncadd.s32 $0xFFFFEC00  }
0x12d: {  	[tilespmem:s29], [sflag:$0x9] =	stream.linear.gather [hbm4b:s4+s24], $0x1400, $0x38;
	[tilespmem:$0x1E800] =	vst v63  }
0x12e: {  	_ =	swait.ge [sflag:s28], $0x1400  }
0x12f: {  	[sflag:s28] =	ssyncset.done $0x0  }
0x130: {  	[sflag:s28] =	ssyncadd.s32 $0xFFFFEC00  }
0x131: {  	[tilespmem:s26], [sflag:$0x1] =	stream.indirect.gather [hbm4b:s5+s30], $0x80, s24, s30, $0xb8;
	[tilespmem:$0x1E800] =	vst v63  }
0x132: {  	s8 =	simm.s32 $0x80  }
0x133: {  	[tilespmem:s0], [sflag:$0x2] =	stream.indirect.gather [hbm4b:s5+s30], $0x80, s8, s30, $0xb8;
	[tilespmem:$0x1E800] =	vst v63  }
0x134: {  	s25 =	simm.s32 $0x100  }
0x135: {  	[tilespmem:s3], [sflag:$0x3] =	stream.indirect.gather [hbm4b:s5+s30], $0x80, s25, s30, $0xb8;
	[tilespmem:$0x1E800] =	vst v63  }
0x136: {  	_ =	swait.ge [sflag:s7], $0x2000  }
0x137: {  	[sflag:s7] =	ssyncset.done $0x0  }
0x138: {  	[sflag:s7] =	ssyncadd.s32 $0xFFFFE000  }
0x139: {  	[spmem:s2] =	stream.indirect.scatter.add.f32 [tilespmem:s26], [sflag:$0x5], $0x80, s29, s30, $0xb8;
	[tilespmem:$0x1E800] =	vst v63  }
0x13a: {  	s31 =	simm.s32 $0x180  }
0x13b: {  	[tilespmem:s9], [sflag:$0x4] =	stream.indirect.gather [hbm4b:s5+s30], $0x80, s31, s30, $0xb8;
	[tilespmem:$0x1E800] =	vst v63  }
0x13c: {  	_ =	swait.ge [sflag:s10], $0x2000  }
0x13d: {  	[sflag:s10] =	ssyncset.done $0x0  }
0x13e: {  	[sflag:s10] =	ssyncadd.s32 $0xFFFFE000  }
0x13f: {  	[spmem:s2] =	stream.indirect.scatter.add.f32 [tilespmem:s0], [sflag:$0x6], $0x80, s11, s30, $0xb8;
	[tilespmem:$0x1E800] =	vst v63  }
0x140: {  	_ =	swait.ge [sflag:s12], $0x2000  }
0x141: {  	[sflag:s12] =	ssyncset.done $0x0  }
0x142: {  	[sflag:s12] =	ssyncadd.s32 $0xFFFFE000  }
0x143: {  	[tilespmem:s26], [sflag:$0x1] =	stream.indirect.gather [hbm4b:s5+s30], $0x80, s13, s30, $0xb8;
	[tilespmem:$0x1E800] =	vst v63  }
0x144: {  	_ =	swait.ge [sflag:s14], $0x2000  }
0x145: {  	[sflag:s14] =	ssyncset.done $0x0  }
0x146: {  	[sflag:s14] =	ssyncadd.s32 $0xFFFFE000  }
0x147: {  	[spmem:s2] =	stream.indirect.scatter.add.f32 [tilespmem:s3], [sflag:$0x7], $0x80, s15, s30, $0xb8;
	[tilespmem:$0x1E800] =	vst v63  }
0x148: {  	_ =	swait.ge [sflag:s16], $0x2000  }
0x149: {  	[sflag:s16] =	ssyncset.done $0x0  }
0x14a: {  	[sflag:s16] =	ssyncadd.s32 $0xFFFFE000  }
0x14b: {  	[tilespmem:s0], [sflag:$0x2] =	stream.indirect.gather [hbm4b:s5+s30], $0x80, s17, s30, $0xb8;
	[tilespmem:$0x1E800] =	vst v63  }
0x14c: {  	_ =	swait.ge [sflag:s18], $0x2000  }
0x14d: {  	[sflag:s18] =	ssyncset.done $0x0  }
0x14e: {  	[sflag:s18] =	ssyncadd.s32 $0xFFFFE000  }
0x14f: {  	[spmem:s2] =	stream.indirect.scatter.add.f32 [tilespmem:s9], [sflag:$0x8], $0x80, s19, s30, $0xb8;
	[tilespmem:$0x1E800] =	vst v63  }
0x150: {  	_ =	swait.ge [sflag:s20], $0x2000  }
0x151: {  	[sflag:s20] =	ssyncset.done $0x0  }
0x152: {  	[sflag:s20] =	ssyncadd.s32 $0xFFFFE000  }
0x153: {  	[tilespmem:s3], [sflag:$0x3] =	stream.indirect.gather [hbm4b:s5+s30], $0x80, s21, s30, $0xb8;
	[tilespmem:$0x1E800] =	vst v63  }
.LBB2_8:
0x154: {  	_ =	swait.ge [sflag:s7], $0x2000  }
0x155: {  	s25 =	sshra.s32 s24, $0x2;
	[sflag:s7] =	ssyncset.done $0x0  }
0x156: {  	s1 =	sadd.s32 $0x1600, s25;
	[sflag:s7] =	ssyncadd.s32 $0xFFFFE000  }
0x157: {  	[spmem:s2] =	stream.indirect.scatter.add.f32 [tilespmem:s26], [sflag:$0x5], $0x80, s1, s30, $0xb8;
	[tilespmem:$0x1E800] =	vst v63  }
0x158: {  	_ =	swait.ge [sflag:s22], $0x2000  }
0x159: {  	[sflag:s22] =	ssyncset.done $0x0  }
0x15a: {  	s4 =	sadd.s32 $0x380, s25;
	[sflag:s22] =	ssyncadd.s32 $0xFFFFE000  }
0x15b: {  	[tilespmem:s9], [sflag:$0x4] =	stream.indirect.gather [hbm4b:s5+s30], $0x80, s4, s30, $0xb8;
	[tilespmem:$0x1E800] =	vst v63  }
0x15c: {  	_ =	swait.ge [sflag:s10], $0x2000  }
0x15d: {  	p0 =	seq.s32 s24, $0x4000;
	[sflag:s10] =	ssyncset.done $0x0  }
0x15e: {  	s8 =	sadd.s32 $0x1680, s25;
	s1 =	simm.s32 @p0 $0x3;
	[sflag:s10] =	ssyncadd.s32 $0xFFFFE000  }
0x15f: {  	[spmem:s2] =	stream.indirect.scatter.add.f32 [tilespmem:s0], [sflag:$0x6], $0x80, s8, s30, $0xb8;
	[tilespmem:$0x1E800] =	vst v63  }
0x160: {  	_ =	swait.ge @p0 [sflag:s1], $0x2000  }
0x161: {  	[sflag:s1] =	ssyncset.done @p0 $0x0  }
0x162: {  	[sflag:s1] =	ssyncadd.s32 @p0 $0xFFFFE000;
	s1 =	sshra.s32 @p0 s24, $0x2  }
0x163: {  	s4 =	simm.s32 @p0 $0x40;
	s8 =	simm.s32 @p0 $0x6800;
	s1 =	sadd.s32 @p0 $0x1700, s1  }
0x164: {  	[spmem:s2] =	stream.indirect.scatter.add.f32 @p0 [tilespmem:s8], [sflag:$0x7], $0x80, s1, s4, $0xb8;
	[tilespmem:$0x1E800] =	vst v63  }
0x165: {  	s1 =	simm.s32 @!p0 $0x5  }
0x166: {  	_ =	swait.ge @!p0 [sflag:s1], $0x2000  }
0x167: {  	[sflag:s1] =	ssyncset.done @!p0 $0x0  }
0x168: {  	[sflag:s1] =	ssyncadd.s32 @!p0 $0xFFFFE000;
	s1 =	sshra.s32 @!p0 s24, $0x2  }
0x169: {  	s31 =	simm.s32 @!p0 $0x2800;
	s8 =	simm.s32 @!p0 $0x40;
	s4 =	sadd.s32 @!p0 $0x400, s1  }
0x16a: {  	[tilespmem:s31], [sflag:$0x1] =	stream.indirect.gather @!p0 [hbm4b:s5+s8], $0x80, s4, s8, $0xb8;
	[tilespmem:$0x1E800] =	vst v63  }
0x16b: {  	s4 =	simm.s32 @!p0 $0x3  }
0x16c: {  	_ =	swait.ge @!p0 [sflag:s4], $0x2000  }
0x16d: {  	[sflag:s4] =	ssyncset.done @!p0 $0x0  }
0x16e: {  	s31 =	simm.s32 @!p0 $0x6800;
	[sflag:s4] =	ssyncadd.s32 @!p0 $0xFFFFE000;
	s4 =	sadd.s32 @!p0 $0x1700, s1  }
0x16f: {  	[spmem:s2] =	stream.indirect.scatter.add.f32 @!p0 [tilespmem:s31], [sflag:$0x7], $0x80, s4, s8, $0xb8;
	[tilespmem:$0x1E800] =	vst v63  }
0x170: {  	s4 =	simm.s32 @!p0 $0x6  }
0x171: {  	_ =	swait.ge @!p0 [sflag:s4], $0x2000  }
0x172: {  	[sflag:s4] =	ssyncset.done @!p0 $0x0  }
0x173: {  	s1 =	sadd.s32 @!p0 $0x480, s1;
	[sflag:s4] =	ssyncadd.s32 @!p0 $0xFFFFE000;
	s4 =	simm.s32 @!p0 $0x4800  }
0x174: {  	[tilespmem:s4], [sflag:$0x2] =	stream.indirect.gather @!p0 [hbm4b:s5+s8], $0x80, s1, s8, $0xb8;
	[tilespmem:$0x1E800] =	vst v63  }
.Ltmp6:
0x175: {  	_ = 	snop;
	(pc) =	sbr.rel @p0 .LBB2_10-.Ltmp6, $4  }
0x176: {  	_ =	swait.ge [sflag:s18], $0x2000  }
0x177: {  	[sflag:s18] =	ssyncset.done $0x0  }
0x178: {  	s31 =	sadd.s32 $0x1780, s25;
	[sflag:s18] =	ssyncadd.s32 $0xFFFFE000  }
0x179: {  	[spmem:s2] =	stream.indirect.scatter.add.f32 [tilespmem:s9], [sflag:$0x8], $0x80, s31, s30, $0xb8;
	[tilespmem:$0x1E800] =	vst v63  }
.Ltmp7:
0x17a: {  	(pc) =	sbr.rel .LBB2_8-.Ltmp7, $4  }
0x17b: {  	_ =	swait.ge [sflag:s20], $0x2000  }
0x17c: {  	[sflag:s20] =	ssyncset.done $0x0  }
0x17d: {  	s1 =	sadd.s32 $0x500, s25;
	s24 =	sadd.s32 $0x800, s24;
	[sflag:s20] =	ssyncadd.s32 $0xFFFFE000  }
0x17e: {  	[tilespmem:s3], [sflag:$0x3] =	stream.indirect.gather [hbm4b:s5+s30], $0x80, s1, s30, $0xb8;
	[tilespmem:$0x1E800] =	vst v63  }
.LBB2_10:
0x17f: {  	_ =	swait.ge [sflag:s12], $0x2000  }
0x180: {  	[sflag:s12] =	ssyncset.done $0x0  }
0x181: {  	[sflag:s12] =	ssyncadd.s32 $0xFFFFE000  }
0x182: {  	_ =	swait.ge [sflag:s16], $0x2000  }
0x183: {  	[sflag:s16] =	ssyncset.done $0x0  }
0x184: {  	[sflag:s16] =	ssyncadd.s32 $0xFFFFE000  }
0x185: {  	_ =	swait.ge [sflag:s20], $0x2000  }
0x186: {  	[sflag:s20] =	ssyncset.done $0x0  }
0x187: {  	[sflag:s20] =	ssyncadd.s32 $0xFFFFE000  }
0x188: {  	_ =	swait.ge [sflag:s22], $0x2000  }
0x189: {  	[sflag:s22] =	ssyncset.done $0x0  }
0x18a: {  	s24 =	simm.s32 $0x0;
	s1 =	rddreg [dreg:$0x12];
	[sflag:s22] =	ssyncadd.s32 $0xFFFFE000  }
0x18b: {  	[tilespmem:s24], [sflag:$0x9] =	stream.linear.gather [hbm4b:s1+s24], $0x1400, $0x38;
	[tilespmem:$0x1E800] =	vst v63  }
0x18c: {  	_ =	swait.ge [sflag:s28], $0x1400  }
0x18d: {  	[sflag:s28] =	ssyncset.done $0x0  }
0x18e: {  	s4 =	rddreg [dreg:$0x13];
	[sflag:s28] =	ssyncadd.s32 $0xFFFFEC00  }
0x18f: {  	[tilespmem:s29], [sflag:$0x9] =	stream.linear.gather [hbm4b:s4+s24], $0x1400, $0x38;
	[tilespmem:$0x1E800] =	vst v63  }
0x190: {  	_ =	swait.ge [sflag:s28], $0x1400  }
0x191: {  	[sflag:s28] =	ssyncset.done $0x0  }
0x192: {  	[sflag:s28] =	ssyncadd.s32 $0xFFFFEC00  }
0x193: {  	[tilespmem:s26], [sflag:$0x1] =	stream.indirect.gather [hbm4b:s5+s30], $0x80, s24, s30, $0xb8;
	[tilespmem:$0x1E800] =	vst v63  }
0x194: {  	s8 =	simm.s32 $0x80  }
0x195: {  	[tilespmem:s0], [sflag:$0x2] =	stream.indirect.gather [hbm4b:s5+s30], $0x80, s8, s30, $0xb8;
	[tilespmem:$0x1E800] =	vst v63  }
0x196: {  	s25 =	simm.s32 $0x100  }
0x197: {  	[tilespmem:s3], [sflag:$0x3] =	stream.indirect.gather [hbm4b:s5+s30], $0x80, s25, s30, $0xb8;
	[tilespmem:$0x1E800] =	vst v63  }
0x198: {  	_ =	swait.ge [sflag:s7], $0x2000  }
0x199: {  	[sflag:s7] =	ssyncset.done $0x0  }
0x19a: {  	[sflag:s7] =	ssyncadd.s32 $0xFFFFE000  }
0x19b: {  	[spmem:s2] =	stream.indirect.scatter.add.f32 [tilespmem:s26], [sflag:$0x5], $0x80, s29, s30, $0xb8;
	[tilespmem:$0x1E800] =	vst v63  }
0x19c: {  	s31 =	simm.s32 $0x180  }
0x19d: {  	[tilespmem:s9], [sflag:$0x4] =	stream.indirect.gather [hbm4b:s5+s30], $0x80, s31, s30, $0xb8;
	[tilespmem:$0x1E800] =	vst v63  }
0x19e: {  	_ =	swait.ge [sflag:s10], $0x2000  }
0x19f: {  	[sflag:s10] =	ssyncset.done $0x0  }
0x1a0: {  	[sflag:s10] =	ssyncadd.s32 $0xFFFFE000  }
0x1a1: {  	[spmem:s2] =	stream.indirect.scatter.add.f32 [tilespmem:s0], [sflag:$0x6], $0x80, s11, s30, $0xb8;
	[tilespmem:$0x1E800] =	vst v63  }
0x1a2: {  	_ =	swait.ge [sflag:s12], $0x2000  }
0x1a3: {  	[sflag:s12] =	ssyncset.done $0x0  }
0x1a4: {  	[sflag:s12] =	ssyncadd.s32 $0xFFFFE000  }
0x1a5: {  	[tilespmem:s26], [sflag:$0x1] =	stream.indirect.gather [hbm4b:s5+s30], $0x80, s13, s30, $0xb8;
	[tilespmem:$0x1E800] =	vst v63  }
0x1a6: {  	_ =	swait.ge [sflag:s14], $0x2000  }
0x1a7: {  	[sflag:s14] =	ssyncset.done $0x0  }
0x1a8: {  	[sflag:s14] =	ssyncadd.s32 $0xFFFFE000  }
0x1a9: {  	[spmem:s2] =	stream.indirect.scatter.add.f32 [tilespmem:s3], [sflag:$0x7], $0x80, s15, s30, $0xb8;
	[tilespmem:$0x1E800] =	vst v63  }
0x1aa: {  	_ =	swait.ge [sflag:s16], $0x2000  }
0x1ab: {  	[sflag:s16] =	ssyncset.done $0x0  }
0x1ac: {  	[sflag:s16] =	ssyncadd.s32 $0xFFFFE000  }
0x1ad: {  	[tilespmem:s0], [sflag:$0x2] =	stream.indirect.gather [hbm4b:s5+s30], $0x80, s17, s30, $0xb8;
	[tilespmem:$0x1E800] =	vst v63  }
0x1ae: {  	_ =	swait.ge [sflag:s18], $0x2000  }
0x1af: {  	[sflag:s18] =	ssyncset.done $0x0  }
0x1b0: {  	[sflag:s18] =	ssyncadd.s32 $0xFFFFE000  }
0x1b1: {  	[spmem:s2] =	stream.indirect.scatter.add.f32 [tilespmem:s9], [sflag:$0x8], $0x80, s19, s30, $0xb8;
	[tilespmem:$0x1E800] =	vst v63  }
0x1b2: {  	_ =	swait.ge [sflag:s20], $0x2000  }
0x1b3: {  	[sflag:s20] =	ssyncset.done $0x0  }
0x1b4: {  	[sflag:s20] =	ssyncadd.s32 $0xFFFFE000  }
0x1b5: {  	[tilespmem:s3], [sflag:$0x3] =	stream.indirect.gather [hbm4b:s5+s30], $0x80, s21, s30, $0xb8;
	[tilespmem:$0x1E800] =	vst v63  }
.LBB2_11:
0x1b6: {  	_ =	swait.ge [sflag:s7], $0x2000  }
0x1b7: {  	s25 =	sshra.s32 s24, $0x2;
	[sflag:s7] =	ssyncset.done $0x0  }
0x1b8: {  	s1 =	sadd.s32 $0x1600, s25;
	[sflag:s7] =	ssyncadd.s32 $0xFFFFE000  }
0x1b9: {  	[spmem:s2] =	stream.indirect.scatter.add.f32 [tilespmem:s26], [sflag:$0x5], $0x80, s1, s30, $0xb8;
	[tilespmem:$0x1E800] =	vst v63  }
0x1ba: {  	_ =	swait.ge [sflag:s22], $0x2000  }
0x1bb: {  	[sflag:s22] =	ssyncset.done $0x0  }
0x1bc: {  	s4 =	sadd.s32 $0x380, s25;
	[sflag:s22] =	ssyncadd.s32 $0xFFFFE000  }
0x1bd: {  	[tilespmem:s9], [sflag:$0x4] =	stream.indirect.gather [hbm4b:s5+s30], $0x80, s4, s30, $0xb8;
	[tilespmem:$0x1E800] =	vst v63  }
0x1be: {  	_ =	swait.ge [sflag:s10], $0x2000  }
0x1bf: {  	p0 =	seq.s32 s24, $0x4000;
	[sflag:s10] =	ssyncset.done $0x0  }
0x1c0: {  	s8 =	sadd.s32 $0x1680, s25;
	s1 =	simm.s32 @p0 $0x3;
	[sflag:s10] =	ssyncadd.s32 $0xFFFFE000  }
0x1c1: {  	[spmem:s2] =	stream.indirect.scatter.add.f32 [tilespmem:s0], [sflag:$0x6], $0x80, s8, s30, $0xb8;
	[tilespmem:$0x1E800] =	vst v63  }
0x1c2: {  	_ =	swait.ge @p0 [sflag:s1], $0x2000  }
0x1c3: {  	[sflag:s1] =	ssyncset.done @p0 $0x0  }
0x1c4: {  	[sflag:s1] =	ssyncadd.s32 @p0 $0xFFFFE000;
	s1 =	sshra.s32 @p0 s24, $0x2  }
0x1c5: {  	s4 =	simm.s32 @p0 $0x40;
	s8 =	simm.s32 @p0 $0x6800;
	s1 =	sadd.s32 @p0 $0x1700, s1  }
0x1c6: {  	[spmem:s2] =	stream.indirect.scatter.add.f32 @p0 [tilespmem:s8], [sflag:$0x7], $0x80, s1, s4, $0xb8;
	[tilespmem:$0x1E800] =	vst v63  }
0x1c7: {  	s1 =	simm.s32 @!p0 $0x5  }
0x1c8: {  	_ =	swait.ge @!p0 [sflag:s1], $0x2000  }
0x1c9: {  	[sflag:s1] =	ssyncset.done @!p0 $0x0  }
0x1ca: {  	[sflag:s1] =	ssyncadd.s32 @!p0 $0xFFFFE000;
	s1 =	sshra.s32 @!p0 s24, $0x2  }
0x1cb: {  	s31 =	simm.s32 @!p0 $0x2800;
	s8 =	simm.s32 @!p0 $0x40;
	s4 =	sadd.s32 @!p0 $0x400, s1  }
0x1cc: {  	[tilespmem:s31], [sflag:$0x1] =	stream.indirect.gather @!p0 [hbm4b:s5+s8], $0x80, s4, s8, $0xb8;
	[tilespmem:$0x1E800] =	vst v63  }
0x1cd: {  	s4 =	simm.s32 @!p0 $0x3  }
0x1ce: {  	_ =	swait.ge @!p0 [sflag:s4], $0x2000  }
0x1cf: {  	[sflag:s4] =	ssyncset.done @!p0 $0x0  }
0x1d0: {  	s31 =	simm.s32 @!p0 $0x6800;
	[sflag:s4] =	ssyncadd.s32 @!p0 $0xFFFFE000;
	s4 =	sadd.s32 @!p0 $0x1700, s1  }
0x1d1: {  	[spmem:s2] =	stream.indirect.scatter.add.f32 @!p0 [tilespmem:s31], [sflag:$0x7], $0x80, s4, s8, $0xb8;
	[tilespmem:$0x1E800] =	vst v63  }
0x1d2: {  	s4 =	simm.s32 @!p0 $0x6  }
0x1d3: {  	_ =	swait.ge @!p0 [sflag:s4], $0x2000  }
0x1d4: {  	[sflag:s4] =	ssyncset.done @!p0 $0x0  }
0x1d5: {  	s1 =	sadd.s32 @!p0 $0x480, s1;
	[sflag:s4] =	ssyncadd.s32 @!p0 $0xFFFFE000;
	s4 =	simm.s32 @!p0 $0x4800  }
0x1d6: {  	[tilespmem:s4], [sflag:$0x2] =	stream.indirect.gather @!p0 [hbm4b:s5+s8], $0x80, s1, s8, $0xb8;
	[tilespmem:$0x1E800] =	vst v63  }
.Ltmp8:
0x1d7: {  	_ = 	snop;
	(pc) =	sbr.rel @p0 .LBB2_13-.Ltmp8, $4  }
0x1d8: {  	_ =	swait.ge [sflag:s18], $0x2000  }
0x1d9: {  	[sflag:s18] =	ssyncset.done $0x0  }
0x1da: {  	s31 =	sadd.s32 $0x1780, s25;
	[sflag:s18] =	ssyncadd.s32 $0xFFFFE000  }
0x1db: {  	[spmem:s2] =	stream.indirect.scatter.add.f32 [tilespmem:s9], [sflag:$0x8], $0x80, s31, s30, $0xb8;
	[tilespmem:$0x1E800] =	vst v63  }
.Ltmp9:
0x1dc: {  	(pc) =	sbr.rel .LBB2_11-.Ltmp9, $4  }
0x1dd: {  	_ =	swait.ge [sflag:s20], $0x2000  }
0x1de: {  	[sflag:s20] =	ssyncset.done $0x0  }
0x1df: {  	s1 =	sadd.s32 $0x500, s25;
	s24 =	sadd.s32 $0x800, s24;
	[sflag:s20] =	ssyncadd.s32 $0xFFFFE000  }
0x1e0: {  	[tilespmem:s3], [sflag:$0x3] =	stream.indirect.gather [hbm4b:s5+s30], $0x80, s1, s30, $0xb8;
	[tilespmem:$0x1E800] =	vst v63  }
.LBB2_14:
0x1e1: {  	_ =	sfence.sel $0x180000  }
0x1e2: {  	[bflag:$0x0] =	sbarrier.arrive $0xFFFF  }
0x1e3: {  	_ =	strace $0x9000004A  }
0x1e4: {  	s0 =	stileid.u32;
	[bflag:$0x2] =	sbarrier.arrive $0xFFFF  }
0x1e5: {  	p0 =	sne.s32 s0, $0x0;
	s0 =	rddreg [dreg:$0x3]  }
0x1e6: {  	s0 =	sadd.s32 @!p0 $0x100000, s0  }
0x1e7: {  	[sflag:s0] =	ssyncadd.tile.s32 @!p0 $0x1;
	_ =	shalt  }
.Lfunc_end2:
_tile_overlayer_lowered:
.L_overlay_start_2:
0x1e8: {  	(tag) =	ssettag $0x2  }
0x1e9: {  	s0 =	rddreg [dreg:$0x0];
	s2 =	stileid.u32  }
0x1ea: {  	s1 =	rddreg [dreg:$0x1];
	p0 =	sne.s32 s2, $0x0  }
0x1eb: {  	s3 =	rddreg [dreg:$0x2];
	[bflag:$0x3] =	sbarrier.arrive $0xFFFF;
	s2 =	simm.s32 @!p0 $0x1C09  }
0x1ec: {  	[timem:s3], [sflag:s2] =	dma.local @!p0 [hbm:s0], s1  }
0x1ed: {  	s0 =	simm.s32 @!p0 $0x9  }
0x1ee: {  	_ =	swait.ge @!p0 [sflag:s0], s1  }
0x1ef: {  	s1 =	ssub.s32 @!p0 $0x0, s1;
	[sflag:s0] =	ssyncset.done @!p0 $0x0  }
0x1f0: {  	[sflag:s0] =	ssyncadd.s32 @!p0 s1  }
0x1f1: {  	[bflag:$0x3] =	sbarrier.arrive $0xFFFF  }
0x1f2: {  	_ =	shalt  }

// kernel: kernel.17.cloned.1.call-start
scs
__scs_entry_jumppad:
0x0: {  	(pc) =	sbr.rel $0x88, $3  }
0x1: {  	(tag) =	ssettag $0x0;
	lr =	simm.s32 $0x1  }
0x2: {  	[smem:$0x3F96] =	sst lr;
	_ =	strace $0xD0000000  }
0x3: {  	_ = 	snop  }
0x4: {  	_ = 	snop  }
0x5: {  	_ = 	snop  }
0x6: {  	_ = 	snop  }
0x7: {  	_ = 	snop  }
__scs_overlays_trampoline_lowered:
0x8: {  	[smem:$0x3FA5] =	sst s0  }
0x9: {  	[smem:$0x3FA6] =	sst s1  }
0xa: {  	[smem:$0x3FA7] =	sst s2  }
0xb: {  	[smem:$0x3FA8] =	sst s3  }
0xc: {  	[smem:$0x3FA9] =	sst s4  }
0xd: {  	[smem:$0x3FAA] =	sst s5  }
0xe: {  	[smem:$0x3FAB] =	sst s6  }
0xf: {  	[smem:$0x3FAC] =	sst s7  }
0x10: {  	[smem:$0x3FAD] =	sst s8  }
0x11: {  	[smem:$0x3FAE] =	sst s9;
	s0 =	simm.s32 @!p0 $0x0  }
0x12: {  	s1 =	sld [smem:$0x3F94];
	s0 =	simm.s32 @p0 $0x1  }
0x13: {  	[smem:$0x3FAF] =	sst s0;
	s0 =	simm.s32 @!p1 $0x0  }
0x14: {  	s2 =	sld [smem:$0x3F93];
	s0 =	simm.s32 @p1 $0x1  }
0x15: {  	[smem:$0x3FB0] =	sst s0;
	s0 =	simm.s32 @!p2 $0x0  }
0x16: {  	s3 =	sld [smem:$0x3FDB];
	s0 =	simm.s32 @p2 $0x1  }
0x17: {  	s4 =	simm.s32 $0x1BF5;
	[smem:$0x3FB2] =	sst s0  }
0x18: {  	s0 =	sld [smem:$0x3F95];
	_ =	swait.ge [sflag:s4], $0x0  }
0x19: {  	s7 =	sld [smem:$0x3F96]  }
0x1a: {  	s8 =	sadd.s32 $0xFFFFE003, lr  }
0x1b: {  	s9 =	sadd.s32 $0xFFFFFEF7, lr;
	s5 =	simm.s32 $0xFFFFFFFF;
	p2 =	slt.u32 s8, $0xFFFFF086  }
0x1c: {  	p1 =	slt.u32 s9, $0xF7A;
	s5 =	simm.s32 @!p2 $0x0  }
0x1d: {  	s5 =	simm.s32 @p1 $0x1;
	p0 =	seq.s32 s7, s2  }
0x1e: {  	s7 =	smul.u32 @!p0 $0xF7A, s2;
	p2 =	seq.s32 @!p0 s5, $0x0  }
0x1f: {  	s9 =	smul.u32 $0xF7A, s1;
	s8 =	simm.s32 @!p0 $0x1BF5;
	p2 =	por !p2, p0  }
0x20: {  	[sflag:s8] =	ssyncset.s32 @!p0 $0xFFFFF086;
	s6 =	sadd.s32 @!p0 s3, s7;
	s7 =	simm.s32 @!p0 $0x108  }
0x21: {  	s3 =	sadd.s32 s3, s9;
	s6 =	sadd.s32 @!p0 $0x88, s6;
	s7 =	simm.s32 @p2 $0x1082  }
0x22: {  	[simem:s7], [sflag:s8] =	dma.local @!p0 [hbm:s6], $0xF7A  }
0x23: {  	s9 =	sor.u32 $0xD0000000, s2;
	s6 =	simm.s32 $0x108;
	_ =	swait.ge @!p0 [sflag:s8], $0x0  }
0x24: {  	s3 =	sadd.s32 $0x88, s3;
	s6 =	simm.s32 @!p1 $0x1082;
	[sflag:s4] =	ssyncset.s32 $0xFFFFF086  }
0x25: {  	[simem:s6], [sflag:s4] =	dma.local [hbm:s3], $0xF7A  }
0x26: {  	[smem:$0x3F96] =	sst s1;
	(tag) =	ssettag s2;
	_ =	strace s9  }
0x27: {  	s1 =	sld [smem:$0x3FA6]  }
0x28: {  	s2 =	sld [smem:$0x3FA7]  }
0x29: {  	s4 =	sld [smem:$0x3FA9]  }
0x2a: {  	p0 =	seq.s32 s5, $0x0;
	s5 =	sld [smem:$0x3FAA]  }
0x2b: {  	s6 =	sld [smem:$0x3FAB]  }
0x2c: {  	s7 =	sld [smem:$0x3FAC]  }
0x2d: {  	s3 =	simm.s32 $0x108;
	s8 =	sld [smem:$0x3FAD]  }
0x2e: {  	s3 =	simm.s32 @!p0 $0x1082;
	s9 =	sld [smem:$0x3FAE]  }
0x2f: {  	lr =	sadd.s32 s0, s3;
	s0 =	sld [smem:$0x3FA5]  }
0x30: {  	s3 =	sld [smem:$0x3FA8]  }
0x31: {  	[smem:$0x3FB1] =	sst s10  }
0x32: {  	s10 =	sld [smem:$0x3FAF];
	_ =	sdelay $0x3  }
0x33: {  	p0 =	seq.s32 s10, $0x1;
	s10 =	sld [smem:$0x3FB1];
	_ =	sdelay $0x3  }
0x34: {  	[smem:$0x3FB1] =	sst s10  }
0x35: {  	s10 =	sld [smem:$0x3FB0];
	_ =	sdelay $0x3  }
0x36: {  	p1 =	seq.s32 s10, $0x1;
	s10 =	sld [smem:$0x3FB1];
	_ =	sdelay $0x3  }
0x37: {  	[smem:$0x3FB1] =	sst s10  }
0x38: {  	s10 =	sld [smem:$0x3FB2]  }
0x39: {  	_ = 	snop;
	(pc) =	sbr.ind lr, $3  }
0x3a: {  	_ = 	snop  }
0x3b: {  	_ = 	snop  }
0x3c: {  	p2 =	seq.s32 s10, $0x1;
	s10 =	sld [smem:$0x3FB1]  }
0x3d: {  	_ =	shalt  }
0x3e: {  	_ =	shalt  }
0x3f: {  	_ =	shalt  }
0x40: {  	_ =	shalt  }
0x41: {  	_ =	shalt  }
0x42: {  	_ =	shalt  }
0x43: {  	_ =	shalt  }
0x44: {  	_ =	shalt  }
0x45: {  	_ =	shalt  }
0x46: {  	_ =	shalt  }
0x47: {  	_ =	shalt  }
0x48: {  	_ =	shalt  }
0x49: {  	_ =	shalt  }
0x4a: {  	_ =	shalt  }
0x4b: {  	_ =	shalt  }
0x4c: {  	_ =	shalt  }
0x4d: {  	_ =	shalt  }
0x4e: {  	_ =	shalt  }
0x4f: {  	_ =	shalt  }
0x50: {  	_ =	shalt  }
0x51: {  	_ =	shalt  }
0x52: {  	_ =	shalt  }
0x53: {  	_ =	shalt  }
0x54: {  	_ =	shalt  }
0x55: {  	_ =	shalt  }
0x56: {  	_ =	shalt  }
0x57: {  	_ =	shalt  }
0x58: {  	_ =	shalt  }
0x59: {  	_ =	shalt  }
0x5a: {  	_ =	shalt  }
0x5b: {  	_ =	shalt  }
0x5c: {  	_ =	shalt  }
0x5d: {  	_ =	shalt  }
0x5e: {  	_ =	shalt  }
0x5f: {  	_ =	shalt  }
0x60: {  	_ =	shalt  }
0x61: {  	_ =	shalt  }
0x62: {  	_ =	shalt  }
0x63: {  	_ =	shalt  }
0x64: {  	_ =	shalt  }
0x65: {  	_ =	shalt  }
0x66: {  	_ =	shalt  }
0x67: {  	_ =	shalt  }
0x68: {  	_ =	shalt  }
0x69: {  	_ =	shalt  }
0x6a: {  	_ =	shalt  }
0x6b: {  	_ =	shalt  }
0x6c: {  	_ =	shalt  }
0x6d: {  	_ =	shalt  }
0x6e: {  	_ =	shalt  }
0x6f: {  	_ =	shalt  }
0x70: {  	_ =	shalt  }
0x71: {  	_ =	shalt  }
0x72: {  	_ =	shalt  }
0x73: {  	_ =	shalt  }
0x74: {  	_ =	shalt  }
0x75: {  	_ =	shalt  }
0x76: {  	_ =	shalt  }
0x77: {  	_ =	shalt  }
0x78: {  	_ =	shalt  }
0x79: {  	_ =	shalt  }
0x7a: {  	_ =	shalt  }
0x7b: {  	_ =	shalt  }
0x7c: {  	_ =	shalt  }
0x7d: {  	_ =	shalt  }
0x7e: {  	_ =	shalt  }
0x7f: {  	_ =	shalt  }
0x80: {  	_ =	shalt  }
0x81: {  	_ =	shalt  }
0x82: {  	_ =	shalt  }
0x83: {  	_ =	shalt  }
0x84: {  	_ =	shalt  }
0x85: {  	_ =	shalt  }
0x86: {  	_ =	shalt  }
0x87: {  	_ =	shalt  }
.Lfunc_end0:
.L_simem_size_0:
called_computation.2_lowered:
.L_overlay_start_0:
0x88: {  	s2 =	sld [smem:$0x3FD9]  }
0x89: {  	s3 =	sld [smem:$0x3FFE];
	_ =	sdelay $0x1  }
0x8a: {  	s1 =	srdreg.scid  }
0x8b: {  	s0 =	sand.u32 $0x1, s1  }
0x8c: {  	s17 =	sshll.u32 s0, $0xA;
	s2 =	sadd.s32 s3, s2  }
0x8d: {  	s2 =	sadd.s32 s2, s17  }
0x8e: {  	[smem:$0x3FBD] =	sst s2  }
0x8f: {  	_ = 	snop  }
0x90: {  	s2 =	sld [smem:$0x3FD0];
	(tm) =	ssettm $0x1  }
0x91: {  	s18 =	sld [smem:$0x3FFB];
	_ =	sdelay $0x3  }
0x92: {  	_ =	strace s18  }
0x93: {  	s3 =	sld [smem:$0x3FFC];
	_ =	sdelay $0x3  }
0x94: {  	_ =	strace s3  }
0x95: {  	s3 =	sld [smem:$0x3FFD];
	_ =	sdelay $0x3  }
0x96: {  	_ =	strace s3  }
0x97: {  	_ =	strace $0x8FFFFFFF  }
0x98: {  	s19 =	sld [smem:$0x3FDB];
	_ =	sdelay $0x1  }
0x99: {  	s4 =	simm.s32 $_scs_section_size  }
0x9a: {  	s5 =	simm.s32 $_size__tile_overlayer_lowered;
	s6 =	simm.s32 $_tile_overlayer_lowered  }
0x9b: {  	s22 =	simm.s32 $0x1BFF;
	s21 =	sshll.u32 s6, $0x1;
	s3 =	sadd.s32 s4, s19  }
0x9c: {  	s7 =	simm.s32 $0x0;
	s20 =	sshll.u32 s5, $0x1;
	s5 =	sadd.s32 s21, s3  }
0x9d: {  	[timem:s7], [sflag:s22] =	dma.local [hbm:s5], s20  }
0x9e: {  	_ =	swait.ge [sflag:s22], s20  }
0x9f: {  	s4 =	ssub.s32 $0x0, s20;
	[sflag:s22] =	ssyncset.done $0x0  }
0xa0: {  	[sflag:s22] =	ssyncadd.s32 s4;
	_ =	sdelay $0x1  }
0xa1: {  	s23 =	simm.s32 $0x1B8B  }
0xa2: {  	_ =	swait.ge [sflag:s23], $0x1  }
0xa3: {  	[sflag:s23] =	ssyncset.done $0x0  }
0xa4: {  	s25 =	simm.s32 $0x1B8E;
	s24 =	sld [smem:$0x3FFE];
	[sflag:s23] =	ssyncadd.s32 $0xFFFFFFFF  }
0xa5: {  	s26 =	simm.s32 $execute0_lowered;
	[smem:$0x3FD2] =	sst s25  }
0xa6: {  	s5 =	sshll.u32 s26, $0x1;
	_ =	strace $0x8000004C;
	[dreg:$0x1] =	wrdreg $0xFFFFFFFF  }
0xa7: {  	s28 =	simm.s32 $_size_execute0_lowered;
	s3 =	sadd.s32 s3, s5;
	[dreg:$0x0] =	wrdreg $0x0  }
0xa8: {  	s5 =	sshll.u32 s28, $0x1;
	[dreg:$0x2] =	wrdreg s3  }
0xa9: {  	[dreg:$0x3] =	wrdreg s5  }
0xaa: {  	[dreg:$0x4] =	wrdreg $0xC0  }
0xab: {  	_ =	task [dreg:s7], $0x5FFFF  }
0xac: {  	[dreg:$0x1] =	wrdreg $0xFFFFFFFF  }
0xad: {  	[dreg:$0x0] =	wrdreg $0x60  }
0xae: {  	[dreg:$0x2] =	wrdreg s24  }
0xaf: {  	[dreg:$0x3] =	wrdreg s2  }
0xb0: {  	[dreg:$0x4] =	wrdreg $0xA8000  }
0xb1: {  	[dreg:$0x5] =	wrdreg $0x9  }
0xb2: {  	_ =	task.clear_ibuf [dreg:s7], $0x6FFFF;
	_ =	strace $0x9000004C  }
0xb3: {  	s29 =	simm.s32 $0x9;
	_ =	strace $0x8000004E  }
0xb4: {  	_ =	swait.ge [sflag:s29], $0x1  }
0xb5: {  	[sflag:s29] =	ssyncadd.s32 $0xFFFFFFFF  }
0xb6: {  	_ =	strace $0x9000004E  }
0xb7: {  	_ =	sfence  }
0xb8: {  	s30 =	sld [smem:$0x0];
	_ =	sdelay $0x2  }
0xb9: {  	s31 =	sshll.u32 s1, $0xD;
	s1 =	sshrl.u32 s1, $0x2  }
0xba: {  	s3 =	sand.u32 $0x4000, s31;
	s1 =	sadd.s32 s1, s30  }
0xbb: {  	s0 =	sor.u32 s3, s0;
	s1 =	sshll.u32 s1, $0x11  }
0xbc: {  	s0 =	sor.u32 s1, s0  }
0xbd: {  	s0 =	sadd.s32 $0x8F2B, s0  }
0xbe: {  	[sflag:s0] =	ssyncadd.remote.s32 $0x1  }
0xbf: {  	_ =	sfence.sel $0xFFFF  }
0xc0: {  	[dreg:$0x0] =	wrdreg $0xFFFFFFFF;
	(pc) =	sbr.abs _section_cstart, $3  }
0xc1: {  	[dreg:$0x1] =	wrdreg $0xFFFFFFFF  }
0xc2: {  	_ =	task.clear_ibuf [dreg:s7], $0x2FFFF;
	_ =	strace $0x9FFFFFFF  }
0xc3: {  	(tm) =	ssettm $0x7FFFFFFF  }
tec
execute0_lowered:
.L_overlay_start_1:
0x0: {  	(tag) =	ssettag $0x1  }
0x1: {  	s0 =	rddreg [dreg:$0x0];
	s4 =	stileid.u32  }
0x2: {  	s1 =	srdreg.scid;
	s6 =	smul.u32 $0x14000, s4  }
0x3: {  	s2 =	rddreg [dreg:$0x2];
	s1 =	sand.u32 $0x1, s1;
	s26 =	smul.u32 $0x50000, s4  }
0x4: {  	s5 =	simm.s32 $0x0;
	s28 =	simm.s32 $0x9;
	s3 =	smul.u32 $0x140000, s1  }
0x5: {  	s29 =	simm.s32 $0x1400;
	s30 =	simm.s32 $0x40;
	[smem:$0x7FF] =	sst s5  }
0x6: {  	s5 =	sadd.s32 $0x36600, s0;
	s3 =	sadd.s32 s6, s3;
	s6 =	sshrl.u32 s26, $0x2  }
0x7: {  	s7 =	sadd.s32 $0xE600, s0;
	s8 =	sadd.s32 $0x22600, s0;
	s6 =	sadd.s32 s6, s2  }
0x8: {  	s10 =	sshll.u32 s4, $0x1;
	_ =	strace $0x8000004D;
	s11 =	sadd.s32 $0x2000, s6  }
0x9: {  	s9 =	ssub.s32 $0x2, s1;
	s12 =	sadd.s32 $0x4000, s6;
	[dreg:$0x4] =	wrdreg s11  }
0xa: {  	s1 =	sor.u32 s1, s10;
	s13 =	sadd.s32 $0x6000, s6;
	[dreg:$0x5] =	wrdreg s12  }
0xb: {  	s10 =	simm.s32 $0x2;
	s14 =	sadd.s32 $0x8000, s6;
	[dreg:$0x6] =	wrdreg s13  }
0xc: {  	s31 =	sshrl.u32 s9, $0x1;
	s15 =	sadd.s32 $0xA000, s6;
	[dreg:$0x7] =	wrdreg s14  }
0xd: {  	s3 =	sshrl.u32 s3, $0x3;
	s16 =	sadd.s32 $0xC000, s6;
	[dreg:$0x8] =	wrdreg s15  }
0xe: {  	s0 =	sadd.s32 s3, s0;
	s17 =	sadd.s32 $0xE000, s6;
	[dreg:$0x9] =	wrdreg s16  }
0xf: {  	s3 =	ssub.s32 s9, s31;
	s18 =	sadd.s32 $0x10000, s6;
	[dreg:$0xa] =	wrdreg s17  }
0x10: {  	s9 =	smul.u32 $0x5000, s1;
	s26 =	sadd.s32 $0x12000, s6;
	[dreg:$0xb] =	wrdreg s18  }
0x11: {  	s1 =	smul.u32 $0xA00, s1;
	[dreg:$0x14] =	wrdreg s26;
	s0 =	sadd.s32 $0x86600, s0  }
0x12: {  	s31 =	smax.u32 s3, $0x1;
	s26 =	simm.s32 $0x2800;
	s3 =	simm.s32 $0x6800  }
0x13: {  	s11 =	simm.s32 $0x1480;
	s12 =	simm.s32 $0x5;
	s13 =	simm.s32 $0x200  }
0x14: {  	s14 =	simm.s32 $0x3;
	s15 =	simm.s32 $0x1500;
	s16 =	simm.s32 $0x6  }
0x15: {  	s17 =	simm.s32 $0x280;
	s18 =	simm.s32 $0x4;
	[dreg:$0x15] =	wrdreg s0  }
0x16: {  	s9 =	sshrl.u32 s9, $0x3;
	s19 =	sadd.s32 s7, s1;
	[dreg:$0x16] =	wrdreg s31  }
0x17: {  	s1 =	sadd.s32 s8, s1;
	s0 =	simm.s32 $0x4800;
	[dreg:$0xc] =	wrdreg s19  }
0x18: {  	[dreg:$0xd] =	wrdreg s1;
	s20 =	sadd.s32 $0x280, s9;
	s22 =	sadd.s32 $0x500, s9  }
0x19: {  	s24 =	sadd.s32 $0x780, s9;
	s9 =	simm.s32 $0x8800;
	s21 =	sadd.s32 s7, s20  }
0x1a: {  	s19 =	simm.s32 $0x1580;
	s1 =	sadd.s32 s8, s20;
	[dreg:$0xe] =	wrdreg s21  }
.Ltmp0:
0x1b: {  	s23 =	sadd.s32 s7, s22;
	[dreg:$0xf] =	wrdreg s1;
	(pc) =	sbr.rel .LBB2_1-.Ltmp0, $4  }
0x1c: {  	s25 =	sadd.s32 s7, s24;
	s7 =	simm.s32 $0x1;
	[dreg:$0x10] =	wrdreg s23  }
0x1d: {  	s20 =	simm.s32 $0x7;
	s1 =	sadd.s32 s8, s22;
	[dreg:$0x12] =	wrdreg s25  }
0x1e: {  	s21 =	simm.s32 $0x300;
	[dreg:$0x11] =	wrdreg s1;
	s1 =	sadd.s32 s8, s24  }
0x1f: {  	s22 =	simm.s32 $0x8;
	s23 =	simm.s32 $0x0;
	[dreg:$0x13] =	wrdreg s1  }
.LBB2_13:
0x20: {  	_ =	swait.ge [sflag:s12], $0x2000  }
0x21: {  	[sflag:s12] =	ssyncset.done $0x0  }
0x22: {  	[sflag:s12] =	ssyncadd.s32 $0xFFFFE000  }
0x23: {  	_ =	swait.ge [sflag:s16], $0x2000  }
0x24: {  	[sflag:s16] =	ssyncset.done $0x0  }
0x25: {  	[sflag:s16] =	ssyncadd.s32 $0xFFFFE000  }
0x26: {  	_ =	swait.ge [sflag:s20], $0x2000  }
0x27: {  	[sflag:s20] =	ssyncset.done $0x0  }
0x28: {  	[sflag:s20] =	ssyncadd.s32 $0xFFFFE000  }
0x29: {  	_ =	swait.ge [sflag:s22], $0x2000  }
0x2a: {  	[sflag:s22] =	ssyncset.done $0x0  }
0x2b: {  	s1 =	stileid.u32;
	[sflag:s22] =	ssyncadd.s32 $0xFFFFE000  }
0x2c: {  	s1 =	sshll.u32 s1, $0x6;
	[bflag:$0x0] =	sbarrier.arrive $0xFFFF  }
0x2d: {  	s4 =	sshrl.u32 s6, $0x3;
	s1 =	sor.u32 $0x1C09, s1;
	s8 =	rddreg [dreg:$0x15]  }
0x2e: {  	[hbm:s8], [sflag:s1] =	dma.local [spmem:s4], $0x2800  }
0x2f: {  	_ =	swait.ge [sflag:s28], $0x2800  }
0x30: {  	s23 =	sadd.s32 $0x1, s23;
	s31 =	rddreg [dreg:$0x16]  }
0x31: {  	p0 =	sne.s32 s23, s31  }
.Ltmp1:
0x32: {  	_ = 	snop;
	(pc) =	sbr.rel @!p0 .LBB2_14-.Ltmp1, $3  }
0x33: {  	_ =	sdelay $0x1  }
0x34: {  	[sflag:s28] =	ssyncset.done $0x0  }
0x35: {  	[sflag:s28] =	ssyncadd.s32 $0xFFFFD800  }
.LBB2_1:
0x36: {  	s1 =	rddreg [dreg:$0x1];
	s4 =	simm.s32 $0x0  }
0x37: {  	[tilespmem:s26], [sflag:$0x9] =	stream.linear.gather [hbm4b:s1+s4], $0x2000, $0x38;
	[tilespmem:$0x1E800] =	vst v63  }
0x38: {  	_ =	swait.ge [sflag:s28], $0x2000  }
0x39: {  	[sflag:s28] =	ssyncset.done $0x0  }
0x3a: {  	[sflag:s28] =	ssyncadd.s32 $0xFFFFE000  }
0x3b: {  	[spmem:s6] =	stream.linear.scatter [tilespmem:s26], [sflag:$0x9], $0x2000, $0x38;
	[tilespmem:$0x1E800] =	vst v63  }
0x3c: {  	_ =	swait.ge [sflag:s28], $0x2000  }
0x3d: {  	[sflag:s28] =	ssyncset.done $0x0  }
0x3e: {  	s25 =	rddreg [dreg:$0x4];
	[sflag:s28] =	ssyncadd.s32 $0xFFFFE000  }
0x3f: {  	[spmem:s25] =	stream.linear.scatter [tilespmem:s26], [sflag:$0x9], $0x2000, $0x38;
	[tilespmem:$0x1E800] =	vst v63  }
0x40: {  	_ =	swait.ge [sflag:s28], $0x2000  }
0x41: {  	[sflag:s28] =	ssyncset.done $0x0  }
0x42: {  	s31 =	rddreg [dreg:$0x5];
	[sflag:s28] =	ssyncadd.s32 $0xFFFFE000  }
0x43: {  	[spmem:s31] =	stream.linear.scatter [tilespmem:s26], [sflag:$0x9], $0x2000, $0x38;
	[tilespmem:$0x1E800] =	vst v63  }
0x44: {  	_ =	swait.ge [sflag:s28], $0x2000  }
0x45: {  	[sflag:s28] =	ssyncset.done $0x0  }
0x46: {  	s8 =	rddreg [dreg:$0x6];
	[sflag:s28] =	ssyncadd.s32 $0xFFFFE000  }
0x47: {  	[spmem:s8] =	stream.linear.scatter [tilespmem:s26], [sflag:$0x9], $0x2000, $0x38;
	[tilespmem:$0x1E800] =	vst v63  }
0x48: {  	_ =	swait.ge [sflag:s28], $0x2000  }
0x49: {  	[sflag:s28] =	ssyncset.done $0x0  }
0x4a: {  	s24 =	rddreg [dreg:$0x7];
	[sflag:s28] =	ssyncadd.s32 $0xFFFFE000  }
0x4b: {  	[spmem:s24] =	stream.linear.scatter [tilespmem:s26], [sflag:$0x9], $0x2000, $0x38;
	[tilespmem:$0x1E800] =	vst v63  }
0x4c: {  	_ =	swait.ge [sflag:s28], $0x2000  }
0x4d: {  	[sflag:s28] =	ssyncset.done $0x0  }
0x4e: {  	s25 =	rddreg [dreg:$0x8];
	[sflag:s28] =	ssyncadd.s32 $0xFFFFE000  }
0x4f: {  	[spmem:s25] =	stream.linear.scatter [tilespmem:s26], [sflag:$0x9], $0x2000, $0x38;
	[tilespmem:$0x1E800] =	vst v63  }
0x50: {  	_ =	swait.ge [sflag:s28], $0x2000  }
0x51: {  	[sflag:s28] =	ssyncset.done $0x0  }
0x52: {  	s31 =	rddreg [dreg:$0x9];
	[sflag:s28] =	ssyncadd.s32 $0xFFFFE000  }
0x53: {  	[spmem:s31] =	stream.linear.scatter [tilespmem:s26], [sflag:$0x9], $0x2000, $0x38;
	[tilespmem:$0x1E800] =	vst v63  }
0x54: {  	_ =	swait.ge [sflag:s28], $0x2000  }
0x55: {  	[sflag:s28] =	ssyncset.done $0x0  }
0x56: {  	s8 =	rddreg [dreg:$0xa];
	[sflag:s28] =	ssyncadd.s32 $0xFFFFE000  }
0x57: {  	[spmem:s8] =	stream.linear.scatter [tilespmem:s26], [sflag:$0x9], $0x2000, $0x38;
	[tilespmem:$0x1E800] =	vst v63  }
0x58: {  	_ =	swait.ge [sflag:s28], $0x2000  }
0x59: {  	[sflag:s28] =	ssyncset.done $0x0  }
0x5a: {  	s24 =	rddreg [dreg:$0xb];
	[sflag:s28] =	ssyncadd.s32 $0xFFFFE000  }
0x5b: {  	[spmem:s24] =	stream.linear.scatter [tilespmem:s26], [sflag:$0x9], $0x2000, $0x38;
	[tilespmem:$0x1E800] =	vst v63  }
0x5c: {  	_ =	swait.ge [sflag:s28], $0x2000  }
0x5d: {  	[sflag:s28] =	ssyncset.done $0x0  }
0x5e: {  	s25 =	rddreg [dreg:$0x14];
	[sflag:s28] =	ssyncadd.s32 $0xFFFFE000  }
0x5f: {  	[spmem:s25] =	stream.linear.scatter [tilespmem:s26], [sflag:$0x9], $0x2000, $0x38;
	[tilespmem:$0x1E800] =	vst v63  }
0x60: {  	_ =	swait.ge [sflag:s28], $0x2000  }
0x61: {  	[sflag:s28] =	ssyncset.done $0x0  }
0x62: {  	[sflag:s28] =	ssyncadd.s32 $0xFFFFE000  }
0x63: {  	[bflag:$0x0] =	sbarrier.arrive $0xFFFF  }
0x64: {  	s31 =	rddreg [dreg:$0xc]  }
0x65: {  	[tilespmem:s4], [sflag:$0x9] =	stream.linear.gather [hbm4b:s31+s4], $0x1400, $0x38;
	[tilespmem:$0x1E800] =	vst v63  }
0x66: {  	_ =	swait.ge [sflag:s28], $0x1400  }
0x67: {  	[sflag:s28] =	ssyncset.done $0x0  }
0x68: {  	s8 =	rddreg [dreg:$0xd];
	[sflag:s28] =	ssyncadd.s32 $0xFFFFEC00  }
0x69: {  	[tilespmem:s29], [sflag:$0x9] =	stream.linear.gather [hbm4b:s8+s4], $0x1400, $0x38;
	[tilespmem:$0x1E800] =	vst v63  }
0x6a: {  	_ =	swait.ge [sflag:s28], $0x1400  }
0x6b: {  	[sflag:s28] =	ssyncset.done $0x0  }
0x6c: {  	[sflag:s28] =	ssyncadd.s32 $0xFFFFEC00  }
0x6d: {  	[tilespmem:s26], [sflag:$0x1] =	stream.indirect.gather [hbm4b:s5+s30], $0x80, s4, s30, $0xb8;
	[tilespmem:$0x1E800] =	vst v63  }
0x6e: {  	s24 =	simm.s32 $0x80  }
0x6f: {  	[tilespmem:s0], [sflag:$0x2] =	stream.indirect.gather [hbm4b:s5+s30], $0x80, s24, s30, $0xb8;
	[tilespmem:$0x1E800] =	vst v63  }
0x70: {  	s25 =	simm.s32 $0x100  }
0x71: {  	[tilespmem:s3], [sflag:$0x3] =	stream.indirect.gather [hbm4b:s5+s30], $0x80, s25, s30, $0xb8;
	[tilespmem:$0x1E800] =	vst v63  }
0x72: {  	_ =	swait.ge [sflag:s7], $0x2000  }
0x73: {  	[sflag:s7] =	ssyncset.done $0x0  }
0x74: {  	[sflag:s7] =	ssyncadd.s32 $0xFFFFE000  }
0x75: {  	[spmem:s2] =	stream.indirect.scatter.add.f32 [tilespmem:s26], [sflag:$0x5], $0x80, s29, s30, $0xb8;
	[tilespmem:$0x1E800] =	vst v63  }
0x76: {  	s31 =	simm.s32 $0x180  }
0x77: {  	[tilespmem:s9], [sflag:$0x4] =	stream.indirect.gather [hbm4b:s5+s30], $0x80, s31, s30, $0xb8;
	[tilespmem:$0x1E800] =	vst v63  }
0x78: {  	_ =	swait.ge [sflag:s10], $0x2000  }
0x79: {  	[sflag:s10] =	ssyncset.done $0x0  }
0x7a: {  	[sflag:s10] =	ssyncadd.s32 $0xFFFFE000  }
0x7b: {  	[spmem:s2] =	stream.indirect.scatter.add.f32 [tilespmem:s0], [sflag:$0x6], $0x80, s11, s30, $0xb8;
	[tilespmem:$0x1E800] =	vst v63  }
0x7c: {  	_ =	swait.ge [sflag:s12], $0x2000  }
0x7d: {  	[sflag:s12] =	ssyncset.done $0x0  }
0x7e: {  	[sflag:s12] =	ssyncadd.s32 $0xFFFFE000  }
0x7f: {  	[tilespmem:s26], [sflag:$0x1] =	stream.indirect.gather [hbm4b:s5+s30], $0x80, s13, s30, $0xb8;
	[tilespmem:$0x1E800] =	vst v63  }
0x80: {  	_ =	swait.ge [sflag:s14], $0x2000  }
0x81: {  	[sflag:s14] =	ssyncset.done $0x0  }
0x82: {  	[sflag:s14] =	ssyncadd.s32 $0xFFFFE000  }
0x83: {  	[spmem:s2] =	stream.indirect.scatter.add.f32 [tilespmem:s3], [sflag:$0x7], $0x80, s15, s30, $0xb8;
	[tilespmem:$0x1E800] =	vst v63  }
0x84: {  	_ =	swait.ge [sflag:s16], $0x2000  }
0x85: {  	[sflag:s16] =	ssyncset.done $0x0  }
0x86: {  	[sflag:s16] =	ssyncadd.s32 $0xFFFFE000  }
0x87: {  	[tilespmem:s0], [sflag:$0x2] =	stream.indirect.gather [hbm4b:s5+s30], $0x80, s17, s30, $0xb8;
	[tilespmem:$0x1E800] =	vst v63  }
0x88: {  	_ =	swait.ge [sflag:s18], $0x2000  }
0x89: {  	[sflag:s18] =	ssyncset.done $0x0  }
0x8a: {  	[sflag:s18] =	ssyncadd.s32 $0xFFFFE000  }
0x8b: {  	[spmem:s2] =	stream.indirect.scatter.add.f32 [tilespmem:s9], [sflag:$0x8], $0x80, s19, s30, $0xb8;
	[tilespmem:$0x1E800] =	vst v63  }
0x8c: {  	_ =	swait.ge [sflag:s20], $0x2000  }
0x8d: {  	[sflag:s20] =	ssyncset.done $0x0  }
0x8e: {  	s24 =	simm.s32 $0x0;
	[sflag:s20] =	ssyncadd.s32 $0xFFFFE000  }
0x8f: {  	[tilespmem:s3], [sflag:$0x3] =	stream.indirect.gather [hbm4b:s5+s30], $0x80, s21, s30, $0xb8;
	[tilespmem:$0x1E800] =	vst v63  }
.LBB2_2:
0x90: {  	_ =	swait.ge [sflag:s7], $0x2000  }
0x91: {  	s25 =	sshra.s32 s24, $0x2;
	[sflag:s7] =	ssyncset.done $0x0  }
0x92: {  	s4 =	sadd.s32 $0x1600, s25;
	[sflag:s7] =	ssyncadd.s32 $0xFFFFE000  }
0x93: {  	[spmem:s2] =	stream.indirect.scatter.add.f32 [tilespmem:s26], [sflag:$0x5], $0x80, s4, s30, $0xb8;
	[tilespmem:$0x1E800] =	vst v63  }
0x94: {  	_ =	swait.ge [sflag:s22], $0x2000  }
0x95: {  	[sflag:s22] =	ssyncset.done $0x0  }
0x96: {  	s1 =	sadd.s32 $0x380, s25;
	[sflag:s22] =	ssyncadd.s32 $0xFFFFE000  }
0x97: {  	[tilespmem:s9], [sflag:$0x4] =	stream.indirect.gather [hbm4b:s5+s30], $0x80, s1, s30, $0xb8;
	[tilespmem:$0x1E800] =	vst v63  }
0x98: {  	_ =	swait.ge [sflag:s10], $0x2000  }
0x99: {  	p0 =	seq.s32 s24, $0x4000;
	[sflag:s10] =	ssyncset.done $0x0  }
0x9a: {  	s8 =	sadd.s32 $0x1680, s25;
	s4 =	simm.s32 @p0 $0x3;
	[sflag:s10] =	ssyncadd.s32 $0xFFFFE000  }
0x9b: {  	[spmem:s2] =	stream.indirect.scatter.add.f32 [tilespmem:s0], [sflag:$0x6], $0x80, s8, s30, $0xb8;
	[tilespmem:$0x1E800] =	vst v63  }
0x9c: {  	_ =	swait.ge @p0 [sflag:s4], $0x2000  }
0x9d: {  	[sflag:s4] =	ssyncset.done @p0 $0x0  }
0x9e: {  	[sflag:s4] =	ssyncadd.s32 @p0 $0xFFFFE000;
	s4 =	sshra.s32 @p0 s24, $0x2  }
0x9f: {  	s31 =	simm.s32 @p0 $0x40;
	s1 =	simm.s32 @p0 $0x6800;
	s4 =	sadd.s32 @p0 $0x1700, s4  }
0xa0: {  	[spmem:s2] =	stream.indirect.scatter.add.f32 @p0 [tilespmem:s1], [sflag:$0x7], $0x80, s4, s31, $0xb8;
	[tilespmem:$0x1E800] =	vst v63  }
0xa1: {  	s1 =	simm.s32 @!p0 $0x5  }
0xa2: {  	_ =	swait.ge @!p0 [sflag:s1], $0x2000  }
0xa3: {  	[sflag:s1] =	ssyncset.done @!p0 $0x0  }
0xa4: {  	[sflag:s1] =	ssyncadd.s32 @!p0 $0xFFFFE000;
	s1 =	sshra.s32 @!p0 s24, $0x2  }
0xa5: {  	s8 =	simm.s32 @!p0 $0x2800;
	s31 =	simm.s32 @!p0 $0x40;
	s4 =	sadd.s32 @!p0 $0x400, s1  }
0xa6: {  	[tilespmem:s8], [sflag:$0x1] =	stream.indirect.gather @!p0 [hbm4b:s5+s31], $0x80, s4, s31, $0xb8;
	[tilespmem:$0x1E800] =	vst v63  }
0xa7: {  	s4 =	simm.s32 @!p0 $0x3  }
0xa8: {  	_ =	swait.ge @!p0 [sflag:s4], $0x2000  }
0xa9: {  	[sflag:s4] =	ssyncset.done @!p0 $0x0  }
0xaa: {  	s8 =	simm.s32 @!p0 $0x6800;
	[sflag:s4] =	ssyncadd.s32 @!p0 $0xFFFFE000;
	s4 =	sadd.s32 @!p0 $0x1700, s1  }
0xab: {  	[spmem:s2] =	stream.indirect.scatter.add.f32 @!p0 [tilespmem:s8], [sflag:$0x7], $0x80, s4, s31, $0xb8;
	[tilespmem:$0x1E800] =	vst v63  }
0xac: {  	s4 =	simm.s32 @!p0 $0x6  }
0xad: {  	_ =	swait.ge @!p0 [sflag:s4], $0x2000  }
0xae: {  	[sflag:s4] =	ssyncset.done @!p0 $0x0  }
0xaf: {  	s1 =	sadd.s32 @!p0 $0x480, s1;
	[sflag:s4] =	ssyncadd.s32 @!p0 $0xFFFFE000;
	s4 =	simm.s32 @!p0 $0x4800  }
0xb0: {  	[tilespmem:s4], [sflag:$0x2] =	stream.indirect.gather @!p0 [hbm4b:s5+s31], $0x80, s1, s31, $0xb8;
	[tilespmem:$0x1E800] =	vst v63  }
.Ltmp2:
0xb1: {  	_ = 	snop;
	(pc) =	sbr.rel @p0 .LBB2_4-.Ltmp2, $4  }
0xb2: {  	_ =	swait.ge [sflag:s18], $0x2000  }
0xb3: {  	[sflag:s18] =	ssyncset.done $0x0  }
0xb4: {  	s31 =	sadd.s32 $0x1780, s25;
	[sflag:s18] =	ssyncadd.s32 $0xFFFFE000  }
0xb5: {  	[spmem:s2] =	stream.indirect.scatter.add.f32 [tilespmem:s9], [sflag:$0x8], $0x80, s31, s30, $0xb8;
	[tilespmem:$0x1E800] =	vst v63  }
.Ltmp3:
0xb6: {  	(pc) =	sbr.rel .LBB2_2-.Ltmp3, $4  }
0xb7: {  	_ =	swait.ge [sflag:s20], $0x2000  }
0xb8: {  	[sflag:s20] =	ssyncset.done $0x0  }
0xb9: {  	s1 =	sadd.s32 $0x500, s25;
	s24 =	sadd.s32 $0x800, s24;
	[sflag:s20] =	ssyncadd.s32 $0xFFFFE000  }
0xba: {  	[tilespmem:s3], [sflag:$0x3] =	stream.indirect.gather [hbm4b:s5+s30], $0x80, s1, s30, $0xb8;
	[tilespmem:$0x1E800] =	vst v63  }
.LBB2_4:
0xbb: {  	_ =	swait.ge [sflag:s12], $0x2000  }
0xbc: {  	[sflag:s12] =	ssyncset.done $0x0  }
0xbd: {  	[sflag:s12] =	ssyncadd.s32 $0xFFFFE000  }
0xbe: {  	_ =	swait.ge [sflag:s16], $0x2000  }
0xbf: {  	[sflag:s16] =	ssyncset.done $0x0  }
0xc0: {  	[sflag:s16] =	ssyncadd.s32 $0xFFFFE000  }
0xc1: {  	_ =	swait.ge [sflag:s20], $0x2000  }
0xc2: {  	[sflag:s20] =	ssyncset.done $0x0  }
0xc3: {  	[sflag:s20] =	ssyncadd.s32 $0xFFFFE000  }
0xc4: {  	_ =	swait.ge [sflag:s22], $0x2000  }
0xc5: {  	[sflag:s22] =	ssyncset.done $0x0  }
0xc6: {  	s24 =	simm.s32 $0x0;
	s1 =	rddreg [dreg:$0xe];
	[sflag:s22] =	ssyncadd.s32 $0xFFFFE000  }
0xc7: {  	[tilespmem:s24], [sflag:$0x9] =	stream.linear.gather [hbm4b:s1+s24], $0x1400, $0x38;
	[tilespmem:$0x1E800] =	vst v63  }
0xc8: {  	_ =	swait.ge [sflag:s28], $0x1400  }
0xc9: {  	[sflag:s28] =	ssyncset.done $0x0  }
0xca: {  	s4 =	rddreg [dreg:$0xf];
	[sflag:s28] =	ssyncadd.s32 $0xFFFFEC00  }
0xcb: {  	[tilespmem:s29], [sflag:$0x9] =	stream.linear.gather [hbm4b:s4+s24], $0x1400, $0x38;
	[tilespmem:$0x1E800] =	vst v63  }
0xcc: {  	_ =	swait.ge [sflag:s28], $0x1400  }
0xcd: {  	[sflag:s28] =	ssyncset.done $0x0  }
0xce: {  	[sflag:s28] =	ssyncadd.s32 $0xFFFFEC00  }
0xcf: {  	[tilespmem:s26], [sflag:$0x1] =	stream.indirect.gather [hbm4b:s5+s30], $0x80, s24, s30, $0xb8;
	[tilespmem:$0x1E800] =	vst v63  }
0xd0: {  	s8 =	simm.s32 $0x80  }
0xd1: {  	[tilespmem:s0], [sflag:$0x2] =	stream.indirect.gather [hbm4b:s5+s30], $0x80, s8, s30, $0xb8;
	[tilespmem:$0x1E800] =	vst v63  }
0xd2: {  	s25 =	simm.s32 $0x100  }
0xd3: {  	[tilespmem:s3], [sflag:$0x3] =	stream.indirect.gather [hbm4b:s5+s30], $0x80, s25, s30, $0xb8;
	[tilespmem:$0x1E800] =	vst v63  }
0xd4: {  	_ =	swait.ge [sflag:s7], $0x2000  }
0xd5: {  	[sflag:s7] =	ssyncset.done $0x0  }
0xd6: {  	[sflag:s7] =	ssyncadd.s32 $0xFFFFE000  }
0xd7: {  	[spmem:s2] =	stream.indirect.scatter.add.f32 [tilespmem:s26], [sflag:$0x5], $0x80, s29, s30, $0xb8;
	[tilespmem:$0x1E800] =	vst v63  }
0xd8: {  	s31 =	simm.s32 $0x180  }
0xd9: {  	[tilespmem:s9], [sflag:$0x4] =	stream.indirect.gather [hbm4b:s5+s30], $0x80, s31, s30, $0xb8;
	[tilespmem:$0x1E800] =	vst v63  }
0xda: {  	_ =	swait.ge [sflag:s10], $0x2000  }
0xdb: {  	[sflag:s10] =	ssyncset.done $0x0  }
0xdc: {  	[sflag:s10] =	ssyncadd.s32 $0xFFFFE000  }
0xdd: {  	[spmem:s2] =	stream.indirect.scatter.add.f32 [tilespmem:s0], [sflag:$0x6], $0x80, s11, s30, $0xb8;
	[tilespmem:$0x1E800] =	vst v63  }
0xde: {  	_ =	swait.ge [sflag:s12], $0x2000  }
0xdf: {  	[sflag:s12] =	ssyncset.done $0x0  }
0xe0: {  	[sflag:s12] =	ssyncadd.s32 $0xFFFFE000  }
0xe1: {  	[tilespmem:s26], [sflag:$0x1] =	stream.indirect.gather [hbm4b:s5+s30], $0x80, s13, s30, $0xb8;
	[tilespmem:$0x1E800] =	vst v63  }
0xe2: {  	_ =	swait.ge [sflag:s14], $0x2000  }
0xe3: {  	[sflag:s14] =	ssyncset.done $0x0  }
0xe4: {  	[sflag:s14] =	ssyncadd.s32 $0xFFFFE000  }
0xe5: {  	[spmem:s2] =	stream.indirect.scatter.add.f32 [tilespmem:s3], [sflag:$0x7], $0x80, s15, s30, $0xb8;
	[tilespmem:$0x1E800] =	vst v63  }
0xe6: {  	_ =	swait.ge [sflag:s16], $0x2000  }
0xe7: {  	[sflag:s16] =	ssyncset.done $0x0  }
0xe8: {  	[sflag:s16] =	ssyncadd.s32 $0xFFFFE000  }
0xe9: {  	[tilespmem:s0], [sflag:$0x2] =	stream.indirect.gather [hbm4b:s5+s30], $0x80, s17, s30, $0xb8;
	[tilespmem:$0x1E800] =	vst v63  }
0xea: {  	_ =	swait.ge [sflag:s18], $0x2000  }
0xeb: {  	[sflag:s18] =	ssyncset.done $0x0  }
0xec: {  	[sflag:s18] =	ssyncadd.s32 $0xFFFFE000  }
0xed: {  	[spmem:s2] =	stream.indirect.scatter.add.f32 [tilespmem:s9], [sflag:$0x8], $0x80, s19, s30, $0xb8;
	[tilespmem:$0x1E800] =	vst v63  }
0xee: {  	_ =	swait.ge [sflag:s20], $0x2000  }
0xef: {  	[sflag:s20] =	ssyncset.done $0x0  }
0xf0: {  	[sflag:s20] =	ssyncadd.s32 $0xFFFFE000  }
0xf1: {  	[tilespmem:s3], [sflag:$0x3] =	stream.indirect.gather [hbm4b:s5+s30], $0x80, s21, s30, $0xb8;
	[tilespmem:$0x1E800] =	vst v63  }
.LBB2_5:
0xf2: {  	_ =	swait.ge [sflag:s7], $0x2000  }
0xf3: {  	s25 =	sshra.s32 s24, $0x2;
	[sflag:s7] =	ssyncset.done $0x0  }
0xf4: {  	s1 =	sadd.s32 $0x1600, s25;
	[sflag:s7] =	ssyncadd.s32 $0xFFFFE000  }
0xf5: {  	[spmem:s2] =	stream.indirect.scatter.add.f32 [tilespmem:s26], [sflag:$0x5], $0x80, s1, s30, $0xb8;
	[tilespmem:$0x1E800] =	vst v63  }
0xf6: {  	_ =	swait.ge [sflag:s22], $0x2000  }
0xf7: {  	[sflag:s22] =	ssyncset.done $0x0  }
0xf8: {  	s4 =	sadd.s32 $0x380, s25;
	[sflag:s22] =	ssyncadd.s32 $0xFFFFE000  }
0xf9: {  	[tilespmem:s9], [sflag:$0x4] =	stream.indirect.gather [hbm4b:s5+s30], $0x80, s4, s30, $0xb8;
	[tilespmem:$0x1E800] =	vst v63  }
0xfa: {  	_ =	swait.ge [sflag:s10], $0x2000  }
0xfb: {  	p0 =	seq.s32 s24, $0x4000;
	[sflag:s10] =	ssyncset.done $0x0  }
0xfc: {  	s8 =	sadd.s32 $0x1680, s25;
	s1 =	simm.s32 @p0 $0x3;
	[sflag:s10] =	ssyncadd.s32 $0xFFFFE000  }
0xfd: {  	[spmem:s2] =	stream.indirect.scatter.add.f32 [tilespmem:s0], [sflag:$0x6], $0x80, s8, s30, $0xb8;
	[tilespmem:$0x1E800] =	vst v63  }
0xfe: {  	_ =	swait.ge @p0 [sflag:s1], $0x2000  }
0xff: {  	[sflag:s1] =	ssyncset.done @p0 $0x0  }
0x100: {  	[sflag:s1] =	ssyncadd.s32 @p0 $0xFFFFE000;
	s1 =	sshra.s32 @p0 s24, $0x2  }
0x101: {  	s4 =	simm.s32 @p0 $0x40;
	s8 =	simm.s32 @p0 $0x6800;
	s1 =	sadd.s32 @p0 $0x1700, s1  }
0x102: {  	[spmem:s2] =	stream.indirect.scatter.add.f32 @p0 [tilespmem:s8], [sflag:$0x7], $0x80, s1, s4, $0xb8;
	[tilespmem:$0x1E800] =	vst v63  }
0x103: {  	s1 =	simm.s32 @!p0 $0x5  }
0x104: {  	_ =	swait.ge @!p0 [sflag:s1], $0x2000  }
0x105: {  	[sflag:s1] =	ssyncset.done @!p0 $0x0  }
0x106: {  	[sflag:s1] =	ssyncadd.s32 @!p0 $0xFFFFE000;
	s1 =	sshra.s32 @!p0 s24, $0x2  }
0x107: {  	s31 =	simm.s32 @!p0 $0x2800;
	s8 =	simm.s32 @!p0 $0x40;
	s4 =	sadd.s32 @!p0 $0x400, s1  }
0x108: {  	[tilespmem:s31], [sflag:$0x1] =	stream.indirect.gather @!p0 [hbm4b:s5+s8], $0x80, s4, s8, $0xb8;
	[tilespmem:$0x1E800] =	vst v63  }
0x109: {  	s4 =	simm.s32 @!p0 $0x3  }
0x10a: {  	_ =	swait.ge @!p0 [sflag:s4], $0x2000  }
0x10b: {  	[sflag:s4] =	ssyncset.done @!p0 $0x0  }
0x10c: {  	s31 =	simm.s32 @!p0 $0x6800;
	[sflag:s4] =	ssyncadd.s32 @!p0 $0xFFFFE000;
	s4 =	sadd.s32 @!p0 $0x1700, s1  }
0x10d: {  	[spmem:s2] =	stream.indirect.scatter.add.f32 @!p0 [tilespmem:s31], [sflag:$0x7], $0x80, s4, s8, $0xb8;
	[tilespmem:$0x1E800] =	vst v63  }
0x10e: {  	s4 =	simm.s32 @!p0 $0x6  }
0x10f: {  	_ =	swait.ge @!p0 [sflag:s4], $0x2000  }
0x110: {  	[sflag:s4] =	ssyncset.done @!p0 $0x0  }
0x111: {  	s1 =	sadd.s32 @!p0 $0x480, s1;
	[sflag:s4] =	ssyncadd.s32 @!p0 $0xFFFFE000;
	s4 =	simm.s32 @!p0 $0x4800  }
0x112: {  	[tilespmem:s4], [sflag:$0x2] =	stream.indirect.gather @!p0 [hbm4b:s5+s8], $0x80, s1, s8, $0xb8;
	[tilespmem:$0x1E800] =	vst v63  }
.Ltmp4:
0x113: {  	_ = 	snop;
	(pc) =	sbr.rel @p0 .LBB2_7-.Ltmp4, $4  }
0x114: {  	_ =	swait.ge [sflag:s18], $0x2000  }
0x115: {  	[sflag:s18] =	ssyncset.done $0x0  }
0x116: {  	s31 =	sadd.s32 $0x1780, s25;
	[sflag:s18] =	ssyncadd.s32 $0xFFFFE000  }
0x117: {  	[spmem:s2] =	stream.indirect.scatter.add.f32 [tilespmem:s9], [sflag:$0x8], $0x80, s31, s30, $0xb8;
	[tilespmem:$0x1E800] =	vst v63  }
.Ltmp5:
0x118: {  	(pc) =	sbr.rel .LBB2_5-.Ltmp5, $4  }
0x119: {  	_ =	swait.ge [sflag:s20], $0x2000  }
0x11a: {  	[sflag:s20] =	ssyncset.done $0x0  }
0x11b: {  	s1 =	sadd.s32 $0x500, s25;
	s24 =	sadd.s32 $0x800, s24;
	[sflag:s20] =	ssyncadd.s32 $0xFFFFE000  }
0x11c: {  	[tilespmem:s3], [sflag:$0x3] =	stream.indirect.gather [hbm4b:s5+s30], $0x80, s1, s30, $0xb8;
	[tilespmem:$0x1E800] =	vst v63  }
.LBB2_7:
0x11d: {  	_ =	swait.ge [sflag:s12], $0x2000  }
0x11e: {  	[sflag:s12] =	ssyncset.done $0x0  }
0x11f: {  	[sflag:s12] =	ssyncadd.s32 $0xFFFFE000  }
0x120: {  	_ =	swait.ge [sflag:s16], $0x2000  }
0x121: {  	[sflag:s16] =	ssyncset.done $0x0  }
0x122: {  	[sflag:s16] =	ssyncadd.s32 $0xFFFFE000  }
0x123: {  	_ =	swait.ge [sflag:s20], $0x2000  }
0x124: {  	[sflag:s20] =	ssyncset.done $0x0  }
0x125: {  	[sflag:s20] =	ssyncadd.s32 $0xFFFFE000  }
0x126: {  	_ =	swait.ge [sflag:s22], $0x2000  }
0x127: {  	[sflag:s22] =	ssyncset.done $0x0  }
0x128: {  	s24 =	simm.s32 $0x0;
	s1 =	rddreg [dreg:$0x10];
	[sflag:s22] =	ssyncadd.s32 $0xFFFFE000  }
0x129: {  	[tilespmem:s24], [sflag:$0x9] =	stream.linear.gather [hbm4b:s1+s24], $0x1400, $0x38;
	[tilespmem:$0x1E800] =	vst v63  }
0x12a: {  	_ =	swait.ge [sflag:s28], $0x1400  }
0x12b: {  	[sflag:s28] =	ssyncset.done $0x0  }
0x12c: {  	s4 =	rddreg [dreg:$0x11];
	[sflag:s28] =	ssyncadd.s32 $0xFFFFEC00  }
0x12d: {  	[tilespmem:s29], [sflag:$0x9] =	stream.linear.gather [hbm4b:s4+s24], $0x1400, $0x38;
	[tilespmem:$0x1E800] =	vst v63  }
0x12e: {  	_ =	swait.ge [sflag:s28], $0x1400  }
0x12f: {  	[sflag:s28] =	ssyncset.done $0x0  }
0x130: {  	[sflag:s28] =	ssyncadd.s32 $0xFFFFEC00  }
0x131: {  	[tilespmem:s26], [sflag:$0x1] =	stream.indirect.gather [hbm4b:s5+s30], $0x80, s24, s30, $0xb8;
	[tilespmem:$0x1E800] =	vst v63  }
0x132: {  	s8 =	simm.s32 $0x80  }
0x133: {  	[tilespmem:s0], [sflag:$0x2] =	stream.indirect.gather [hbm4b:s5+s30], $0x80, s8, s30, $0xb8;
	[tilespmem:$0x1E800] =	vst v63  }
0x134: {  	s25 =	simm.s32 $0x100  }
0x135: {  	[tilespmem:s3], [sflag:$0x3] =	stream.indirect.gather [hbm4b:s5+s30], $0x80, s25, s30, $0xb8;
	[tilespmem:$0x1E800] =	vst v63  }
0x136: {  	_ =	swait.ge [sflag:s7], $0x2000  }
0x137: {  	[sflag:s7] =	ssyncset.done $0x0  }
0x138: {  	[sflag:s7] =	ssyncadd.s32 $0xFFFFE000  }
0x139: {  	[spmem:s2] =	stream.indirect.scatter.add.f32 [tilespmem:s26], [sflag:$0x5], $0x80, s29, s30, $0xb8;
	[tilespmem:$0x1E800] =	vst v63  }
0x13a: {  	s31 =	simm.s32 $0x180  }
0x13b: {  	[tilespmem:s9], [sflag:$0x4] =	stream.indirect.gather [hbm4b:s5+s30], $0x80, s31, s30, $0xb8;
	[tilespmem:$0x1E800] =	vst v63  }
0x13c: {  	_ =	swait.ge [sflag:s10], $0x2000  }
0x13d: {  	[sflag:s10] =	ssyncset.done $0x0  }
0x13e: {  	[sflag:s10] =	ssyncadd.s32 $0xFFFFE000  }
0x13f: {  	[spmem:s2] =	stream.indirect.scatter.add.f32 [tilespmem:s0], [sflag:$0x6], $0x80, s11, s30, $0xb8;
	[tilespmem:$0x1E800] =	vst v63  }
0x140: {  	_ =	swait.ge [sflag:s12], $0x2000  }
0x141: {  	[sflag:s12] =	ssyncset.done $0x0  }
0x142: {  	[sflag:s12] =	ssyncadd.s32 $0xFFFFE000  }
0x143: {  	[tilespmem:s26], [sflag:$0x1] =	stream.indirect.gather [hbm4b:s5+s30], $0x80, s13, s30, $0xb8;
	[tilespmem:$0x1E800] =	vst v63  }
0x144: {  	_ =	swait.ge [sflag:s14], $0x2000  }
0x145: {  	[sflag:s14] =	ssyncset.done $0x0  }
0x146: {  	[sflag:s14] =	ssyncadd.s32 $0xFFFFE000  }
0x147: {  	[spmem:s2] =	stream.indirect.scatter.add.f32 [tilespmem:s3], [sflag:$0x7], $0x80, s15, s30, $0xb8;
	[tilespmem:$0x1E800] =	vst v63  }
0x148: {  	_ =	swait.ge [sflag:s16], $0x2000  }
0x149: {  	[sflag:s16] =	ssyncset.done $0x0  }
0x14a: {  	[sflag:s16] =	ssyncadd.s32 $0xFFFFE000  }
0x14b: {  	[tilespmem:s0], [sflag:$0x2] =	stream.indirect.gather [hbm4b:s5+s30], $0x80, s17, s30, $0xb8;
	[tilespmem:$0x1E800] =	vst v63  }
0x14c: {  	_ =	swait.ge [sflag:s18], $0x2000  }
0x14d: {  	[sflag:s18] =	ssyncset.done $0x0  }
0x14e: {  	[sflag:s18] =	ssyncadd.s32 $0xFFFFE000  }
0x14f: {  	[spmem:s2] =	stream.indirect.scatter.add.f32 [tilespmem:s9], [sflag:$0x8], $0x80, s19, s30, $0xb8;
	[tilespmem:$0x1E800] =	vst v63  }
0x150: {  	_ =	swait.ge [sflag:s20], $0x2000  }
0x151: {  	[sflag:s20] =	ssyncset.done $0x0  }
0x152: {  	[sflag:s20] =	ssyncadd.s32 $0xFFFFE000  }
0x153: {  	[tilespmem:s3], [sflag:$0x3] =	stream.indirect.gather [hbm4b:s5+s30], $0x80, s21, s30, $0xb8;
	[tilespmem:$0x1E800] =	vst v63  }
.LBB2_8:
0x154: {  	_ =	swait.ge [sflag:s7], $0x2000  }
0x155: {  	s25 =	sshra.s32 s24, $0x2;
	[sflag:s7] =	ssyncset.done $0x0  }
0x156: {  	s1 =	sadd.s32 $0x1600, s25;
	[sflag:s7] =	ssyncadd.s32 $0xFFFFE000  }
0x157: {  	[spmem:s2] =	stream.indirect.scatter.add.f32 [tilespmem:s26], [sflag:$0x5], $0x80, s1, s30, $0xb8;
	[tilespmem:$0x1E800] =	vst v63  }
0x158: {  	_ =	swait.ge [sflag:s22], $0x2000  }
0x159: {  	[sflag:s22] =	ssyncset.done $0x0  }
0x15a: {  	s4 =	sadd.s32 $0x380, s25;
	[sflag:s22] =	ssyncadd.s32 $0xFFFFE000  }
0x15b: {  	[tilespmem:s9], [sflag:$0x4] =	stream.indirect.gather [hbm4b:s5+s30], $0x80, s4, s30, $0xb8;
	[tilespmem:$0x1E800] =	vst v63  }
0x15c: {  	_ =	swait.ge [sflag:s10], $0x2000  }
0x15d: {  	p0 =	seq.s32 s24, $0x4000;
	[sflag:s10] =	ssyncset.done $0x0  }
0x15e: {  	s8 =	sadd.s32 $0x1680, s25;
	s1 =	simm.s32 @p0 $0x3;
	[sflag:s10] =	ssyncadd.s32 $0xFFFFE000  }
0x15f: {  	[spmem:s2] =	stream.indirect.scatter.add.f32 [tilespmem:s0], [sflag:$0x6], $0x80, s8, s30, $0xb8;
	[tilespmem:$0x1E800] =	vst v63  }
0x160: {  	_ =	swait.ge @p0 [sflag:s1], $0x2000  }
0x161: {  	[sflag:s1] =	ssyncset.done @p0 $0x0  }
0x162: {  	[sflag:s1] =	ssyncadd.s32 @p0 $0xFFFFE000;
	s1 =	sshra.s32 @p0 s24, $0x2  }
0x163: {  	s4 =	simm.s32 @p0 $0x40;
	s8 =	simm.s32 @p0 $0x6800;
	s1 =	sadd.s32 @p0 $0x1700, s1  }
0x164: {  	[spmem:s2] =	stream.indirect.scatter.add.f32 @p0 [tilespmem:s8], [sflag:$0x7], $0x80, s1, s4, $0xb8;
	[tilespmem:$0x1E800] =	vst v63  }
0x165: {  	s1 =	simm.s32 @!p0 $0x5  }
0x166: {  	_ =	swait.ge @!p0 [sflag:s1], $0x2000  }
0x167: {  	[sflag:s1] =	ssyncset.done @!p0 $0x0  }
0x168: {  	[sflag:s1] =	ssyncadd.s32 @!p0 $0xFFFFE000;
	s1 =	sshra.s32 @!p0 s24, $0x2  }
0x169: {  	s31 =	simm.s32 @!p0 $0x2800;
	s8 =	simm.s32 @!p0 $0x40;
	s4 =	sadd.s32 @!p0 $0x400, s1  }
0x16a: {  	[tilespmem:s31], [sflag:$0x1] =	stream.indirect.gather @!p0 [hbm4b:s5+s8], $0x80, s4, s8, $0xb8;
	[tilespmem:$0x1E800] =	vst v63  }
0x16b: {  	s4 =	simm.s32 @!p0 $0x3  }
0x16c: {  	_ =	swait.ge @!p0 [sflag:s4], $0x2000  }
0x16d: {  	[sflag:s4] =	ssyncset.done @!p0 $0x0  }
0x16e: {  	s31 =	simm.s32 @!p0 $0x6800;
	[sflag:s4] =	ssyncadd.s32 @!p0 $0xFFFFE000;
	s4 =	sadd.s32 @!p0 $0x1700, s1  }
0x16f: {  	[spmem:s2] =	stream.indirect.scatter.add.f32 @!p0 [tilespmem:s31], [sflag:$0x7], $0x80, s4, s8, $0xb8;
	[tilespmem:$0x1E800] =	vst v63  }
0x170: {  	s4 =	simm.s32 @!p0 $0x6  }
0x171: {  	_ =	swait.ge @!p0 [sflag:s4], $0x2000  }
0x172: {  	[sflag:s4] =	ssyncset.done @!p0 $0x0  }
0x173: {  	s1 =	sadd.s32 @!p0 $0x480, s1;
	[sflag:s4] =	ssyncadd.s32 @!p0 $0xFFFFE000;
	s4 =	simm.s32 @!p0 $0x4800  }
0x174: {  	[tilespmem:s4], [sflag:$0x2] =	stream.indirect.gather @!p0 [hbm4b:s5+s8], $0x80, s1, s8, $0xb8;
	[tilespmem:$0x1E800] =	vst v63  }
.Ltmp6:
0x175: {  	_ = 	snop;
	(pc) =	sbr.rel @p0 .LBB2_10-.Ltmp6, $4  }
0x176: {  	_ =	swait.ge [sflag:s18], $0x2000  }
0x177: {  	[sflag:s18] =	ssyncset.done $0x0  }
0x178: {  	s31 =	sadd.s32 $0x1780, s25;
	[sflag:s18] =	ssyncadd.s32 $0xFFFFE000  }
0x179: {  	[spmem:s2] =	stream.indirect.scatter.add.f32 [tilespmem:s9], [sflag:$0x8], $0x80, s31, s30, $0xb8;
	[tilespmem:$0x1E800] =	vst v63  }
.Ltmp7:
0x17a: {  	(pc) =	sbr.rel .LBB2_8-.Ltmp7, $4  }
0x17b: {  	_ =	swait.ge [sflag:s20], $0x2000  }
0x17c: {  	[sflag:s20] =	ssyncset.done $0x0  }
0x17d: {  	s1 =	sadd.s32 $0x500, s25;
	s24 =	sadd.s32 $0x800, s24;
	[sflag:s20] =	ssyncadd.s32 $0xFFFFE000  }
0x17e: {  	[tilespmem:s3], [sflag:$0x3] =	stream.indirect.gather [hbm4b:s5+s30], $0x80, s1, s30, $0xb8;
	[tilespmem:$0x1E800] =	vst v63  }
.LBB2_10:
0x17f: {  	_ =	swait.ge [sflag:s12], $0x2000  }
0x180: {  	[sflag:s12] =	ssyncset.done $0x0  }
0x181: {  	[sflag:s12] =	ssyncadd.s32 $0xFFFFE000  }
0x182: {  	_ =	swait.ge [sflag:s16], $0x2000  }
0x183: {  	[sflag:s16] =	ssyncset.done $0x0  }
0x184: {  	[sflag:s16] =	ssyncadd.s32 $0xFFFFE000  }
0x185: {  	_ =	swait.ge [sflag:s20], $0x2000  }
0x186: {  	[sflag:s20] =	ssyncset.done $0x0  }
0x187: {  	[sflag:s20] =	ssyncadd.s32 $0xFFFFE000  }
0x188: {  	_ =	swait.ge [sflag:s22], $0x2000  }
0x189: {  	[sflag:s22] =	ssyncset.done $0x0  }
0x18a: {  	s24 =	simm.s32 $0x0;
	s1 =	rddreg [dreg:$0x12];
	[sflag:s22] =	ssyncadd.s32 $0xFFFFE000  }
0x18b: {  	[tilespmem:s24], [sflag:$0x9] =	stream.linear.gather [hbm4b:s1+s24], $0x1400, $0x38;
	[tilespmem:$0x1E800] =	vst v63  }
0x18c: {  	_ =	swait.ge [sflag:s28], $0x1400  }
0x18d: {  	[sflag:s28] =	ssyncset.done $0x0  }
0x18e: {  	s4 =	rddreg [dreg:$0x13];
	[sflag:s28] =	ssyncadd.s32 $0xFFFFEC00  }
0x18f: {  	[tilespmem:s29], [sflag:$0x9] =	stream.linear.gather [hbm4b:s4+s24], $0x1400, $0x38;
	[tilespmem:$0x1E800] =	vst v63  }
0x190: {  	_ =	swait.ge [sflag:s28], $0x1400  }
0x191: {  	[sflag:s28] =	ssyncset.done $0x0  }
0x192: {  	[sflag:s28] =	ssyncadd.s32 $0xFFFFEC00  }
0x193: {  	[tilespmem:s26], [sflag:$0x1] =	stream.indirect.gather [hbm4b:s5+s30], $0x80, s24, s30, $0xb8;
	[tilespmem:$0x1E800] =	vst v63  }
0x194: {  	s8 =	simm.s32 $0x80  }
0x195: {  	[tilespmem:s0], [sflag:$0x2] =	stream.indirect.gather [hbm4b:s5+s30], $0x80, s8, s30, $0xb8;
	[tilespmem:$0x1E800] =	vst v63  }
0x196: {  	s25 =	simm.s32 $0x100  }
0x197: {  	[tilespmem:s3], [sflag:$0x3] =	stream.indirect.gather [hbm4b:s5+s30], $0x80, s25, s30, $0xb8;
	[tilespmem:$0x1E800] =	vst v63  }
0x198: {  	_ =	swait.ge [sflag:s7], $0x2000  }
0x199: {  	[sflag:s7] =	ssyncset.done $0x0  }
0x19a: {  	[sflag:s7] =	ssyncadd.s32 $0xFFFFE000  }
0x19b: {  	[spmem:s2] =	stream.indirect.scatter.add.f32 [tilespmem:s26], [sflag:$0x5], $0x80, s29, s30, $0xb8;
	[tilespmem:$0x1E800] =	vst v63  }
0x19c: {  	s31 =	simm.s32 $0x180  }
0x19d: {  	[tilespmem:s9], [sflag:$0x4] =	stream.indirect.gather [hbm4b:s5+s30], $0x80, s31, s30, $0xb8;
	[tilespmem:$0x1E800] =	vst v63  }
0x19e: {  	_ =	swait.ge [sflag:s10], $0x2000  }
0x19f: {  	[sflag:s10] =	ssyncset.done $0x0  }
0x1a0: {  	[sflag:s10] =	ssyncadd.s32 $0xFFFFE000  }
0x1a1: {  	[spmem:s2] =	stream.indirect.scatter.add.f32 [tilespmem:s0], [sflag:$0x6], $0x80, s11, s30, $0xb8;
	[tilespmem:$0x1E800] =	vst v63  }
0x1a2: {  	_ =	swait.ge [sflag:s12], $0x2000  }
0x1a3: {  	[sflag:s12] =	ssyncset.done $0x0  }
0x1a4: {  	[sflag:s12] =	ssyncadd.s32 $0xFFFFE000  }
0x1a5: {  	[tilespmem:s26], [sflag:$0x1] =	stream.indirect.gather [hbm4b:s5+s30], $0x80, s13, s30, $0xb8;
	[tilespmem:$0x1E800] =	vst v63  }
0x1a6: {  	_ =	swait.ge [sflag:s14], $0x2000  }
0x1a7: {  	[sflag:s14] =	ssyncset.done $0x0  }
0x1a8: {  	[sflag:s14] =	ssyncadd.s32 $0xFFFFE000  }
0x1a9: {  	[spmem:s2] =	stream.indirect.scatter.add.f32 [tilespmem:s3], [sflag:$0x7], $0x80, s15, s30, $0xb8;
	[tilespmem:$0x1E800] =	vst v63  }
0x1aa: {  	_ =	swait.ge [sflag:s16], $0x2000  }
0x1ab: {  	[sflag:s16] =	ssyncset.done $0x0  }
0x1ac: {  	[sflag:s16] =	ssyncadd.s32 $0xFFFFE000  }
0x1ad: {  	[tilespmem:s0], [sflag:$0x2] =	stream.indirect.gather [hbm4b:s5+s30], $0x80, s17, s30, $0xb8;
	[tilespmem:$0x1E800] =	vst v63  }
0x1ae: {  	_ =	swait.ge [sflag:s18], $0x2000  }
0x1af: {  	[sflag:s18] =	ssyncset.done $0x0  }
0x1b0: {  	[sflag:s18] =	ssyncadd.s32 $0xFFFFE000  }
0x1b1: {  	[spmem:s2] =	stream.indirect.scatter.add.f32 [tilespmem:s9], [sflag:$0x8], $0x80, s19, s30, $0xb8;
	[tilespmem:$0x1E800] =	vst v63  }
0x1b2: {  	_ =	swait.ge [sflag:s20], $0x2000  }
0x1b3: {  	[sflag:s20] =	ssyncset.done $0x0  }
0x1b4: {  	[sflag:s20] =	ssyncadd.s32 $0xFFFFE000  }
0x1b5: {  	[tilespmem:s3], [sflag:$0x3] =	stream.indirect.gather [hbm4b:s5+s30], $0x80, s21, s30, $0xb8;
	[tilespmem:$0x1E800] =	vst v63  }
.LBB2_11:
0x1b6: {  	_ =	swait.ge [sflag:s7], $0x2000  }
0x1b7: {  	s25 =	sshra.s32 s24, $0x2;
	[sflag:s7] =	ssyncset.done $0x0  }
0x1b8: {  	s1 =	sadd.s32 $0x1600, s25;
	[sflag:s7] =	ssyncadd.s32 $0xFFFFE000  }
0x1b9: {  	[spmem:s2] =	stream.indirect.scatter.add.f32 [tilespmem:s26], [sflag:$0x5], $0x80, s1, s30, $0xb8;
	[tilespmem:$0x1E800] =	vst v63  }
0x1ba: {  	_ =	swait.ge [sflag:s22], $0x2000  }
0x1bb: {  	[sflag:s22] =	ssyncset.done $0x0  }
0x1bc: {  	s4 =	sadd.s32 $0x380, s25;
	[sflag:s22] =	ssyncadd.s32 $0xFFFFE000  }
0x1bd: {  	[tilespmem:s9], [sflag:$0x4] =	stream.indirect.gather [hbm4b:s5+s30], $0x80, s4, s30, $0xb8;
	[tilespmem:$0x1E800] =	vst v63  }
0x1be: {  	_ =	swait.ge [sflag:s10], $0x2000  }
0x1bf: {  	p0 =	seq.s32 s24, $0x4000;
	[sflag:s10] =	ssyncset.done $0x0  }
0x1c0: {  	s8 =	sadd.s32 $0x1680, s25;
	s1 =	simm.s32 @p0 $0x3;
	[sflag:s10] =	ssyncadd.s32 $0xFFFFE000  }
0x1c1: {  	[spmem:s2] =	stream.indirect.scatter.add.f32 [tilespmem:s0], [sflag:$0x6], $0x80, s8, s30, $0xb8;
	[tilespmem:$0x1E800] =	vst v63  }
0x1c2: {  	_ =	swait.ge @p0 [sflag:s1], $0x2000  }
0x1c3: {  	[sflag:s1] =	ssyncset.done @p0 $0x0  }
0x1c4: {  	[sflag:s1] =	ssyncadd.s32 @p0 $0xFFFFE000;
	s1 =	sshra.s32 @p0 s24, $0x2  }
0x1c5: {  	s4 =	simm.s32 @p0 $0x40;
	s8 =	simm.s32 @p0 $0x6800;
	s1 =	sadd.s32 @p0 $0x1700, s1  }
0x1c6: {  	[spmem:s2] =	stream.indirect.scatter.add.f32 @p0 [tilespmem:s8], [sflag:$0x7], $0x80, s1, s4, $0xb8;
	[tilespmem:$0x1E800] =	vst v63  }
0x1c7: {  	s1 =	simm.s32 @!p0 $0x5  }
0x1c8: {  	_ =	swait.ge @!p0 [sflag:s1], $0x2000  }
0x1c9: {  	[sflag:s1] =	ssyncset.done @!p0 $0x0  }
0x1ca: {  	[sflag:s1] =	ssyncadd.s32 @!p0 $0xFFFFE000;
	s1 =	sshra.s32 @!p0 s24, $0x2  }
0x1cb: {  	s31 =	simm.s32 @!p0 $0x2800;
	s8 =	simm.s32 @!p0 $0x40;
	s4 =	sadd.s32 @!p0 $0x400, s1  }
0x1cc: {  	[tilespmem:s31], [sflag:$0x1] =	stream.indirect.gather @!p0 [hbm4b:s5+s8], $0x80, s4, s8, $0xb8;
	[tilespmem:$0x1E800] =	vst v63  }
0x1cd: {  	s4 =	simm.s32 @!p0 $0x3  }
0x1ce: {  	_ =	swait.ge @!p0 [sflag:s4], $0x2000  }
0x1cf: {  	[sflag:s4] =	ssyncset.done @!p0 $0x0  }
0x1d0: {  	s31 =	simm.s32 @!p0 $0x6800;
	[sflag:s4] =	ssyncadd.s32 @!p0 $0xFFFFE000;
	s4 =	sadd.s32 @!p0 $0x1700, s1  }
0x1d1: {  	[spmem:s2] =	stream.indirect.scatter.add.f32 @!p0 [tilespmem:s31], [sflag:$0x7], $0x80, s4, s8, $0xb8;
	[tilespmem:$0x1E800] =	vst v63  }
0x1d2: {  	s4 =	simm.s32 @!p0 $0x6  }
0x1d3: {  	_ =	swait.ge @!p0 [sflag:s4], $0x2000  }
0x1d4: {  	[sflag:s4] =	ssyncset.done @!p0 $0x0  }
0x1d5: {  	s1 =	sadd.s32 @!p0 $0x480, s1;
	[sflag:s4] =	ssyncadd.s32 @!p0 $0xFFFFE000;
	s4 =	simm.s32 @!p0 $0x4800  }
0x1d6: {  	[tilespmem:s4], [sflag:$0x2] =	stream.indirect.gather @!p0 [hbm4b:s5+s8], $0x80, s1, s8, $0xb8;
	[tilespmem:$0x1E800] =	vst v63  }
.Ltmp8:
0x1d7: {  	_ = 	snop;
	(pc) =	sbr.rel @p0 .LBB2_13-.Ltmp8, $4  }
0x1d8: {  	_ =	swait.ge [sflag:s18], $0x2000  }
0x1d9: {  	[sflag:s18] =	ssyncset.done $0x0  }
0x1da: {  	s31 =	sadd.s32 $0x1780, s25;
	[sflag:s18] =	ssyncadd.s32 $0xFFFFE000  }
0x1db: {  	[spmem:s2] =	stream.indirect.scatter.add.f32 [tilespmem:s9], [sflag:$0x8], $0x80, s31, s30, $0xb8;
	[tilespmem:$0x1E800] =	vst v63  }
.Ltmp9:
0x1dc: {  	(pc) =	sbr.rel .LBB2_11-.Ltmp9, $4  }
0x1dd: {  	_ =	swait.ge [sflag:s20], $0x2000  }
0x1de: {  	[sflag:s20] =	ssyncset.done $0x0  }
0x1df: {  	s1 =	sadd.s32 $0x500, s25;
	s24 =	sadd.s32 $0x800, s24;
	[sflag:s20] =	ssyncadd.s32 $0xFFFFE000  }
0x1e0: {  	[tilespmem:s3], [sflag:$0x3] =	stream.indirect.gather [hbm4b:s5+s30], $0x80, s1, s30, $0xb8;
	[tilespmem:$0x1E800] =	vst v63  }
.LBB2_14:
0x1e1: {  	_ =	sfence.sel $0x180000  }
0x1e2: {  	[bflag:$0x0] =	sbarrier.arrive $0xFFFF  }
0x1e3: {  	_ =	strace $0x9000004D  }
0x1e4: {  	s0 =	stileid.u32;
	[bflag:$0x2] =	sbarrier.arrive $0xFFFF  }
0x1e5: {  	p0 =	sne.s32 s0, $0x0;
	s0 =	rddreg [dreg:$0x3]  }
0x1e6: {  	s0 =	sadd.s32 @!p0 $0x100000, s0  }
0x1e7: {  	[sflag:s0] =	ssyncadd.tile.s32 @!p0 $0x1;
	_ =	shalt  }
.Lfunc_end2:
_tile_overlayer_lowered:
.L_overlay_start_2:
0x1e8: {  	(tag) =	ssettag $0x2  }
0x1e9: {  	s0 =	rddreg [dreg:$0x0];
	s2 =	stileid.u32  }
0x1ea: {  	s1 =	rddreg [dreg:$0x1];
	p0 =	sne.s32 s2, $0x0  }
0x1eb: {  	s3 =	rddreg [dreg:$0x2];
	[bflag:$0x3] =	sbarrier.arrive $0xFFFF;
	s2 =	simm.s32 @!p0 $0x1C09  }
0x1ec: {  	[timem:s3], [sflag:s2] =	dma.local @!p0 [hbm:s0], s1  }
0x1ed: {  	s0 =	simm.s32 @!p0 $0x9  }
0x1ee: {  	_ =	swait.ge @!p0 [sflag:s0], s1  }
0x1ef: {  	s1 =	ssub.s32 @!p0 $0x0, s1;
	[sflag:s0] =	ssyncset.done @!p0 $0x0  }
0x1f0: {  	[sflag:s0] =	ssyncadd.s32 @!p0 s1  }
0x1f1: {  	[bflag:$0x3] =	sbarrier.arrive $0xFFFF  }
0x1f2: {  	_ =	shalt  }

// kernel: kernel.20.cloned.1.call-start
scs
__scs_entry_jumppad:
0x0: {  	(pc) =	sbr.rel $0x88, $3  }
0x1: {  	(tag) =	ssettag $0x0;
	lr =	simm.s32 $0x1  }
0x2: {  	[smem:$0x3F96] =	sst lr;
	_ =	strace $0xD0000000  }
0x3: {  	_ = 	snop  }
0x4: {  	_ = 	snop  }
0x5: {  	_ = 	snop  }
0x6: {  	_ = 	snop  }
0x7: {  	_ = 	snop  }
__scs_overlays_trampoline_lowered:
0x8: {  	[smem:$0x3FA5] =	sst s0  }
0x9: {  	[smem:$0x3FA6] =	sst s1  }
0xa: {  	[smem:$0x3FA7] =	sst s2  }
0xb: {  	[smem:$0x3FA8] =	sst s3  }
0xc: {  	[smem:$0x3FA9] =	sst s4  }
0xd: {  	[smem:$0x3FAA] =	sst s5  }
0xe: {  	[smem:$0x3FAB] =	sst s6  }
0xf: {  	[smem:$0x3FAC] =	sst s7  }
0x10: {  	[smem:$0x3FAD] =	sst s8  }
0x11: {  	[smem:$0x3FAE] =	sst s9;
	s0 =	simm.s32 @!p0 $0x0  }
0x12: {  	s1 =	sld [smem:$0x3F94];
	s0 =	simm.s32 @p0 $0x1  }
0x13: {  	[smem:$0x3FAF] =	sst s0;
	s0 =	simm.s32 @!p1 $0x0  }
0x14: {  	s2 =	sld [smem:$0x3F93];
	s0 =	simm.s32 @p1 $0x1  }
0x15: {  	[smem:$0x3FB0] =	sst s0;
	s0 =	simm.s32 @!p2 $0x0  }
0x16: {  	s3 =	sld [smem:$0x3FDB];
	s0 =	simm.s32 @p2 $0x1  }
0x17: {  	s4 =	simm.s32 $0x1BF5;
	[smem:$0x3FB2] =	sst s0  }
0x18: {  	s0 =	sld [smem:$0x3F95];
	_ =	swait.ge [sflag:s4], $0x0  }
0x19: {  	s7 =	sld [smem:$0x3F96]  }
0x1a: {  	s8 =	sadd.s32 $0xFFFFE003, lr  }
0x1b: {  	s9 =	sadd.s32 $0xFFFFFEF7, lr;
	s5 =	simm.s32 $0xFFFFFFFF;
	p2 =	slt.u32 s8, $0xFFFFF086  }
0x1c: {  	p1 =	slt.u32 s9, $0xF7A;
	s5 =	simm.s32 @!p2 $0x0  }
0x1d: {  	s5 =	simm.s32 @p1 $0x1;
	p0 =	seq.s32 s7, s2  }
0x1e: {  	s7 =	smul.u32 @!p0 $0xF7A, s2;
	p2 =	seq.s32 @!p0 s5, $0x0  }
0x1f: {  	s9 =	smul.u32 $0xF7A, s1;
	s8 =	simm.s32 @!p0 $0x1BF5;
	p2 =	por !p2, p0  }
0x20: {  	[sflag:s8] =	ssyncset.s32 @!p0 $0xFFFFF086;
	s6 =	sadd.s32 @!p0 s3, s7;
	s7 =	simm.s32 @!p0 $0x108  }
0x21: {  	s3 =	sadd.s32 s3, s9;
	s6 =	sadd.s32 @!p0 $0x88, s6;
	s7 =	simm.s32 @p2 $0x1082  }
0x22: {  	[simem:s7], [sflag:s8] =	dma.local @!p0 [hbm:s6], $0xF7A  }
0x23: {  	s9 =	sor.u32 $0xD0000000, s2;
	s6 =	simm.s32 $0x108;
	_ =	swait.ge @!p0 [sflag:s8], $0x0  }
0x24: {  	s3 =	sadd.s32 $0x88, s3;
	s6 =	simm.s32 @!p1 $0x1082;
	[sflag:s4] =	ssyncset.s32 $0xFFFFF086  }
0x25: {  	[simem:s6], [sflag:s4] =	dma.local [hbm:s3], $0xF7A  }
0x26: {  	[smem:$0x3F96] =	sst s1;
	(tag) =	ssettag s2;
	_ =	strace s9  }
0x27: {  	s1 =	sld [smem:$0x3FA6]  }
0x28: {  	s2 =	sld [smem:$0x3FA7]  }
0x29: {  	s4 =	sld [smem:$0x3FA9]  }
0x2a: {  	p0 =	seq.s32 s5, $0x0;
	s5 =	sld [smem:$0x3FAA]  }
0x2b: {  	s6 =	sld [smem:$0x3FAB]  }
0x2c: {  	s7 =	sld [smem:$0x3FAC]  }
0x2d: {  	s3 =	simm.s32 $0x108;
	s8 =	sld [smem:$0x3FAD]  }
0x2e: {  	s3 =	simm.s32 @!p0 $0x1082;
	s9 =	sld [smem:$0x3FAE]  }
0x2f: {  	lr =	sadd.s32 s0, s3;
	s0 =	sld [smem:$0x3FA5]  }
0x30: {  	s3 =	sld [smem:$0x3FA8]  }
0x31: {  	[smem:$0x3FB1] =	sst s10  }
0x32: {  	s10 =	sld [smem:$0x3FAF];
	_ =	sdelay $0x3  }
0x33: {  	p0 =	seq.s32 s10, $0x1;
	s10 =	sld [smem:$0x3FB1];
	_ =	sdelay $0x3  }
0x34: {  	[smem:$0x3FB1] =	sst s10  }
0x35: {  	s10 =	sld [smem:$0x3FB0];
	_ =	sdelay $0x3  }
0x36: {  	p1 =	seq.s32 s10, $0x1;
	s10 =	sld [smem:$0x3FB1];
	_ =	sdelay $0x3  }
0x37: {  	[smem:$0x3FB1] =	sst s10  }
0x38: {  	s10 =	sld [smem:$0x3FB2]  }
0x39: {  	_ = 	snop;
	(pc) =	sbr.ind lr, $3  }
0x3a: {  	_ = 	snop  }
0x3b: {  	_ = 	snop  }
0x3c: {  	p2 =	seq.s32 s10, $0x1;
	s10 =	sld [smem:$0x3FB1]  }
0x3d: {  	_ =	shalt  }
0x3e: {  	_ =	shalt  }
0x3f: {  	_ =	shalt  }
0x40: {  	_ =	shalt  }
0x41: {  	_ =	shalt  }
0x42: {  	_ =	shalt  }
0x43: {  	_ =	shalt  }
0x44: {  	_ =	shalt  }
0x45: {  	_ =	shalt  }
0x46: {  	_ =	shalt  }
0x47: {  	_ =	shalt  }
0x48: {  	_ =	shalt  }
0x49: {  	_ =	shalt  }
0x4a: {  	_ =	shalt  }
0x4b: {  	_ =	shalt  }
0x4c: {  	_ =	shalt  }
0x4d: {  	_ =	shalt  }
0x4e: {  	_ =	shalt  }
0x4f: {  	_ =	shalt  }
0x50: {  	_ =	shalt  }
0x51: {  	_ =	shalt  }
0x52: {  	_ =	shalt  }
0x53: {  	_ =	shalt  }
0x54: {  	_ =	shalt  }
0x55: {  	_ =	shalt  }
0x56: {  	_ =	shalt  }
0x57: {  	_ =	shalt  }
0x58: {  	_ =	shalt  }
0x59: {  	_ =	shalt  }
0x5a: {  	_ =	shalt  }
0x5b: {  	_ =	shalt  }
0x5c: {  	_ =	shalt  }
0x5d: {  	_ =	shalt  }
0x5e: {  	_ =	shalt  }
0x5f: {  	_ =	shalt  }
0x60: {  	_ =	shalt  }
0x61: {  	_ =	shalt  }
0x62: {  	_ =	shalt  }
0x63: {  	_ =	shalt  }
0x64: {  	_ =	shalt  }
0x65: {  	_ =	shalt  }
0x66: {  	_ =	shalt  }
0x67: {  	_ =	shalt  }
0x68: {  	_ =	shalt  }
0x69: {  	_ =	shalt  }
0x6a: {  	_ =	shalt  }
0x6b: {  	_ =	shalt  }
0x6c: {  	_ =	shalt  }
0x6d: {  	_ =	shalt  }
0x6e: {  	_ =	shalt  }
0x6f: {  	_ =	shalt  }
0x70: {  	_ =	shalt  }
0x71: {  	_ =	shalt  }
0x72: {  	_ =	shalt  }
0x73: {  	_ =	shalt  }
0x74: {  	_ =	shalt  }
0x75: {  	_ =	shalt  }
0x76: {  	_ =	shalt  }
0x77: {  	_ =	shalt  }
0x78: {  	_ =	shalt  }
0x79: {  	_ =	shalt  }
0x7a: {  	_ =	shalt  }
0x7b: {  	_ =	shalt  }
0x7c: {  	_ =	shalt  }
0x7d: {  	_ =	shalt  }
0x7e: {  	_ =	shalt  }
0x7f: {  	_ =	shalt  }
0x80: {  	_ =	shalt  }
0x81: {  	_ =	shalt  }
0x82: {  	_ =	shalt  }
0x83: {  	_ =	shalt  }
0x84: {  	_ =	shalt  }
0x85: {  	_ =	shalt  }
0x86: {  	_ =	shalt  }
0x87: {  	_ =	shalt  }
.Lfunc_end0:
.L_simem_size_0:
called_computation.3_lowered:
.L_overlay_start_0:
0x88: {  	s2 =	sld [smem:$0x3FD9]  }
0x89: {  	s3 =	sld [smem:$0x3FFE];
	_ =	sdelay $0x1  }
0x8a: {  	s1 =	srdreg.scid  }
0x8b: {  	s0 =	sand.u32 $0x1, s1  }
0x8c: {  	s16 =	sshll.u32 s0, $0xA;
	s2 =	sadd.s32 s3, s2  }
0x8d: {  	s2 =	sadd.s32 s2, s16  }
0x8e: {  	[smem:$0x3FBD] =	sst s2  }
0x8f: {  	_ = 	snop  }
0x90: {  	(tm) =	ssettm $0x1  }
0x91: {  	s17 =	sld [smem:$0x3FFB];
	_ =	sdelay $0x3  }
0x92: {  	_ =	strace s17  }
0x93: {  	s2 =	sld [smem:$0x3FFC];
	_ =	sdelay $0x3  }
0x94: {  	_ =	strace s2  }
0x95: {  	s2 =	sld [smem:$0x3FFD];
	_ =	sdelay $0x3  }
0x96: {  	_ =	strace s2  }
0x97: {  	_ =	strace $0x8FFFFFFF  }
0x98: {  	s18 =	sld [smem:$0x3FDB];
	_ =	sdelay $0x1  }
0x99: {  	s19 =	simm.s32 $_scs_section_size  }
0x9a: {  	s4 =	simm.s32 $_size__tile_overlayer_lowered;
	s5 =	simm.s32 $_tile_overlayer_lowered  }
0x9b: {  	s22 =	simm.s32 $0x1BFF;
	s21 =	sshll.u32 s5, $0x1;
	s2 =	sadd.s32 s19, s18  }
0x9c: {  	s6 =	simm.s32 $0x0;
	s20 =	sshll.u32 s4, $0x1;
	s4 =	sadd.s32 s21, s2  }
0x9d: {  	[timem:s6], [sflag:s22] =	dma.local [hbm:s4], s20  }
0x9e: {  	_ =	swait.ge [sflag:s22], s20  }
0x9f: {  	s3 =	ssub.s32 $0x0, s20;
	[sflag:s22] =	ssyncset.done $0x0  }
0xa0: {  	[sflag:s22] =	ssyncadd.s32 s3;
	_ =	sdelay $0x1  }
0xa1: {  	s23 =	simm.s32 $0x1B8B  }
0xa2: {  	_ =	swait.ge [sflag:s23], $0x1  }
0xa3: {  	[sflag:s23] =	ssyncset.done $0x0  }
0xa4: {  	s25 =	simm.s32 $0x1B8E;
	s24 =	sld [smem:$0x3FFE];
	[sflag:s23] =	ssyncadd.s32 $0xFFFFFFFF  }
0xa5: {  	s26 =	simm.s32 $execute0_lowered;
	[smem:$0x3FD2] =	sst s25  }
0xa6: {  	s4 =	sshll.u32 s26, $0x1;
	_ =	strace $0x8000004F;
	[dreg:$0x1] =	wrdreg $0xFFFFFFFF  }
0xa7: {  	s28 =	simm.s32 $_size_execute0_lowered;
	s2 =	sadd.s32 s2, s4;
	[dreg:$0x0] =	wrdreg $0x0  }
0xa8: {  	s4 =	sshll.u32 s28, $0x1;
	[dreg:$0x2] =	wrdreg s2  }
0xa9: {  	[dreg:$0x3] =	wrdreg s4  }
0xaa: {  	[dreg:$0x4] =	wrdreg $0xC0  }
0xab: {  	_ =	task [dreg:s6], $0x5FFFF  }
0xac: {  	[dreg:$0x1] =	wrdreg $0xFFFFFFFF  }
0xad: {  	[dreg:$0x0] =	wrdreg $0x60  }
0xae: {  	[dreg:$0x2] =	wrdreg s24  }
0xaf: {  	[dreg:$0x3] =	wrdreg $0x9  }
0xb0: {  	_ =	task.clear_ibuf [dreg:s6], $0x4FFFF;
	_ =	strace $0x9000004F  }
0xb1: {  	s29 =	simm.s32 $0x9;
	_ =	strace $0x80000051  }
0xb2: {  	_ =	swait.ge [sflag:s29], $0x1  }
0xb3: {  	[sflag:s29] =	ssyncadd.s32 $0xFFFFFFFF  }
0xb4: {  	_ =	strace $0x90000051  }
0xb5: {  	_ =	sfence  }
0xb6: {  	s30 =	sld [smem:$0x0];
	_ =	sdelay $0x2  }
0xb7: {  	s31 =	sshll.u32 s1, $0xD;
	s1 =	sshrl.u32 s1, $0x2  }
0xb8: {  	s3 =	sand.u32 $0x4000, s31;
	s1 =	sadd.s32 s1, s30  }
0xb9: {  	s0 =	sor.u32 s3, s0;
	s1 =	sshll.u32 s1, $0x11  }
0xba: {  	s0 =	sor.u32 s1, s0  }
0xbb: {  	s0 =	sadd.s32 $0x8F2B, s0  }
0xbc: {  	[sflag:s0] =	ssyncadd.remote.s32 $0x1  }
0xbd: {  	_ =	sfence.sel $0xFFFF  }
0xbe: {  	[dreg:$0x0] =	wrdreg $0xFFFFFFFF;
	(pc) =	sbr.abs _section_cstart, $3  }
0xbf: {  	[dreg:$0x1] =	wrdreg $0xFFFFFFFF  }
0xc0: {  	_ =	task.clear_ibuf [dreg:s6], $0x2FFFF;
	_ =	strace $0x9FFFFFFF  }
0xc1: {  	(tm) =	ssettm $0x7FFFFFFF  }
tec
execute0_lowered:
.L_overlay_start_1:
0x0: {  	(tag) =	ssettag $0x1  }
0x1: {  	s1 =	srdreg.scid  }
0x2: {  	s0 =	stileid.u32;
	s19 =	sand.u32 $0x1, s1  }
0x3: {  	s9 =	rddreg [dreg:$0x0];
	s3 =	sshll.u32 s0, $0x7;
	s4 =	sshll.u32 s19, $0x6  }
0x4: {  	s2 =	simm.s32 $0x0;
	s1 =	rddreg [dreg:$0x1];
	s3 =	sor.u32 s4, s3  }
0x5: {  	[smem:$0x7FF] =	sst s2;
	s15 =	sadd.s32 s3, s9  }
0x6: {  	_ =	strace $0x80000050;
	s3 =	simm.s32 $0x2;
	s4 =	sadd.s32 $0x4200, s15  }
0x7: {  	[tilespmem:s2], [sflag:$0x2] =	stream.linear.gather [hbm4b:s4+s2], $0x200, $0x38;
	[tilespmem:$0x4200] =	vst v63  }
0x8: {  	s6 =	simm.s32 $0x80;
	s7 =	simm.s32 $0x200;
	_ =	swait.ge [sflag:s3], $0x200  }
0x9: {  	s8 =	simm.s32 $0x1;
	s5 =	sadd.s32 $0x4A00, s9;
	[sflag:s3] =	ssyncset.done $0x0  }
0xa: {  	s10 =	sshll.u32 s0, $0xE;
	s11 =	sshll.u32 s19, $0xD;
	[sflag:s3] =	ssyncadd.s32 $0xFFFFFE00  }
0xb: {  	[tilespmem:s7], [sflag:$0x1] =	stream.indirect.gather [hbm4b:s5+s6], $0x80, s2, s6, $0xb8;
	[tilespmem:$0x4200] =	vst v63  }
0xc: {  	s10 =	sor.u32 s11, s10;
	_ =	swait.ge [sflag:s8], $0x4000  }
0xd: {  	s20 =	sadd.s32 s10, s9;
	[sflag:s8] =	ssyncset.done $0x0  }
0xe: {  	s9 =	sadd.s32 $0x2CA00, s20;
	[sflag:s8] =	ssyncadd.s32 $0xFFFFC000  }
0xf: {  	[hbm4b:s9+s2] =	stream.linear.scatter [tilespmem:s7], [sflag:$0x2], $0x4000, $0x38;
	[tilespmem:$0x4200] =	vst v63  }
0x10: {  	_ =	swait.ge [sflag:s3], $0x4000  }
0x11: {  	[sflag:s3] =	ssyncset.done $0x0  }
0x12: {  	[sflag:s3] =	ssyncadd.s32 $0xFFFFC000  }
0x13: {  	[tilespmem:s7], [sflag:$0x1] =	stream.indirect.gather [hbm4b:s5+s6], $0x80, s6, s6, $0xb8;
	[tilespmem:$0x4200] =	vst v63  }
0x14: {  	_ =	swait.ge [sflag:s8], $0x4000  }
0x15: {  	[sflag:s8] =	ssyncset.done $0x0  }
0x16: {  	s10 =	sadd.s32 $0x2D200, s20;
	[sflag:s8] =	ssyncadd.s32 $0xFFFFC000  }
0x17: {  	[hbm4b:s10+s2] =	stream.linear.scatter [tilespmem:s7], [sflag:$0x2], $0x4000, $0x38;
	[tilespmem:$0x4200] =	vst v63  }
0x18: {  	_ =	swait.ge [sflag:s3], $0x4000  }
0x19: {  	[sflag:s3] =	ssyncset.done $0x0  }
0x1a: {  	s11 =	simm.s32 $0x100;
	[sflag:s3] =	ssyncadd.s32 $0xFFFFC000  }
0x1b: {  	[tilespmem:s7], [sflag:$0x1] =	stream.indirect.gather [hbm4b:s5+s6], $0x80, s11, s6, $0xb8;
	[tilespmem:$0x4200] =	vst v63  }
0x1c: {  	_ =	swait.ge [sflag:s8], $0x4000  }
0x1d: {  	[sflag:s8] =	ssyncset.done $0x0  }
0x1e: {  	s12 =	sadd.s32 $0x2DA00, s20;
	[sflag:s8] =	ssyncadd.s32 $0xFFFFC000  }
0x1f: {  	[hbm4b:s12+s2] =	stream.linear.scatter [tilespmem:s7], [sflag:$0x2], $0x4000, $0x38;
	[tilespmem:$0x4200] =	vst v63  }
0x20: {  	_ =	swait.ge [sflag:s3], $0x4000  }
0x21: {  	[sflag:s3] =	ssyncset.done $0x0  }
0x22: {  	s13 =	simm.s32 $0x180;
	[sflag:s3] =	ssyncadd.s32 $0xFFFFC000  }
0x23: {  	[tilespmem:s7], [sflag:$0x1] =	stream.indirect.gather [hbm4b:s5+s6], $0x80, s13, s6, $0xb8;
	[tilespmem:$0x4200] =	vst v63  }
0x24: {  	_ =	swait.ge [sflag:s8], $0x4000  }
0x25: {  	[sflag:s8] =	ssyncset.done $0x0  }
0x26: {  	s14 =	sadd.s32 $0x2E200, s20;
	[sflag:s8] =	ssyncadd.s32 $0xFFFFC000  }
0x27: {  	[hbm4b:s14+s2] =	stream.linear.scatter [tilespmem:s7], [sflag:$0x2], $0x4000, $0x38;
	[tilespmem:$0x4200] =	vst v63  }
0x28: {  	_ =	swait.ge [sflag:s3], $0x4000  }
0x29: {  	[sflag:s3] =	ssyncset.done $0x0  }
0x2a: {  	s15 =	sadd.s32 $0x3A00, s15;
	[sflag:s3] =	ssyncadd.s32 $0xFFFFC000  }
0x2b: {  	[tilespmem:s2], [sflag:$0x2] =	stream.linear.gather [hbm4b:s15+s2], $0x200, $0x38;
	[tilespmem:$0x4200] =	vst v63  }
0x2c: {  	_ =	swait.ge [sflag:s3], $0x200  }
0x2d: {  	[sflag:s3] =	ssyncset.done $0x0  }
0x2e: {  	[sflag:s3] =	ssyncadd.s32 $0xFFFFFE00  }
0x2f: {  	[tilespmem:s7], [sflag:$0x1] =	stream.indirect.gather [hbm4b:s5+s6], $0x80, s2, s6, $0xb8;
	[tilespmem:$0x4200] =	vst v63  }
0x30: {  	_ =	swait.ge [sflag:s8], $0x4000  }
0x31: {  	[sflag:s8] =	ssyncset.done $0x0  }
0x32: {  	s16 =	sadd.s32 $0x6CA00, s20;
	[sflag:s8] =	ssyncadd.s32 $0xFFFFC000  }
0x33: {  	[hbm4b:s16+s2] =	stream.linear.scatter [tilespmem:s7], [sflag:$0x2], $0x4000, $0x38;
	[tilespmem:$0x4200] =	vst v63  }
0x34: {  	_ =	swait.ge [sflag:s3], $0x4000  }
0x35: {  	[sflag:s3] =	ssyncset.done $0x0  }
0x36: {  	[sflag:s3] =	ssyncadd.s32 $0xFFFFC000  }
0x37: {  	[tilespmem:s7], [sflag:$0x1] =	stream.indirect.gather [hbm4b:s5+s6], $0x80, s6, s6, $0xb8;
	[tilespmem:$0x4200] =	vst v63  }
0x38: {  	_ =	swait.ge [sflag:s8], $0x4000  }
0x39: {  	[sflag:s8] =	ssyncset.done $0x0  }
0x3a: {  	s17 =	sadd.s32 $0x6D200, s20;
	[sflag:s8] =	ssyncadd.s32 $0xFFFFC000  }
0x3b: {  	[hbm4b:s17+s2] =	stream.linear.scatter [tilespmem:s7], [sflag:$0x2], $0x4000, $0x38;
	[tilespmem:$0x4200] =	vst v63  }
0x3c: {  	_ =	swait.ge [sflag:s3], $0x4000  }
0x3d: {  	[sflag:s3] =	ssyncset.done $0x0  }
0x3e: {  	[sflag:s3] =	ssyncadd.s32 $0xFFFFC000  }
0x3f: {  	[tilespmem:s7], [sflag:$0x1] =	stream.indirect.gather [hbm4b:s5+s6], $0x80, s11, s6, $0xb8;
	[tilespmem:$0x4200] =	vst v63  }
0x40: {  	_ =	swait.ge [sflag:s8], $0x4000  }
0x41: {  	[sflag:s8] =	ssyncset.done $0x0  }
0x42: {  	s19 =	ssub.s32 $0x2, s19;
	s18 =	sadd.s32 $0x6DA00, s20;
	[sflag:s8] =	ssyncadd.s32 $0xFFFFC000  }
0x43: {  	[hbm4b:s18+s2] =	stream.linear.scatter [tilespmem:s7], [sflag:$0x2], $0x4000, $0x38;
	[tilespmem:$0x4200] =	vst v63  }
0x44: {  	s21 =	sshrl.u32 s19, $0x1;
	_ =	swait.ge [sflag:s3], $0x4000  }
0x45: {  	s19 =	ssub.s32 s19, s21;
	[sflag:s3] =	ssyncset.done $0x0  }
0x46: {  	s21 =	smax.u32 s19, $0x1;
	[sflag:s3] =	ssyncadd.s32 $0xFFFFC000  }
0x47: {  	[tilespmem:s7], [sflag:$0x1] =	stream.indirect.gather [hbm4b:s5+s6], $0x80, s13, s6, $0xb8;
	[tilespmem:$0x4200] =	vst v63  }
0x48: {  	p0 =	sne.s32 s21, $0x1;
	_ =	swait.ge [sflag:s8], $0x4000  }
.Ltmp0:
0x49: {  	[sflag:s8] =	ssyncset.done $0x0;
	(pc) =	sbr.rel @!p0 .LBB2_2-.Ltmp0, $4  }
0x4a: {  	s19 =	sadd.s32 $0x6E200, s20;
	[sflag:s8] =	ssyncadd.s32 $0xFFFFC000  }
0x4b: {  	[hbm4b:s19+s2] =	stream.linear.scatter [tilespmem:s7], [sflag:$0x2], $0x4000, $0x38;
	[tilespmem:$0x4200] =	vst v63  }
0x4c: {  	_ =	swait.ge [sflag:s3], $0x4000  }
0x4d: {  	s20 =	sadd.s32 $0xFFFFFFFF, s21;
	[sflag:s3] =	ssyncset.done $0x0  }
.LBB2_1:
0x4e: {  	p0 =	sne.s32 s20, $0x1;
	s20 =	sadd.s32 $0xFFFFFFFF, s20;
	[sflag:s3] =	ssyncadd.s32 $0xFFFFC000  }
0x4f: {  	[tilespmem:s2], [sflag:$0x2] =	stream.linear.gather [hbm4b:s4+s2], $0x200, $0x38;
	[tilespmem:$0x4200] =	vst v63  }
0x50: {  	_ =	swait.ge [sflag:s3], $0x200  }
0x51: {  	[sflag:s3] =	ssyncset.done $0x0  }
0x52: {  	[sflag:s3] =	ssyncadd.s32 $0xFFFFFE00  }
0x53: {  	[tilespmem:s7], [sflag:$0x1] =	stream.indirect.gather [hbm4b:s5+s6], $0x80, s2, s6, $0xb8;
	[tilespmem:$0x4200] =	vst v63  }
0x54: {  	_ =	swait.ge [sflag:s8], $0x4000  }
0x55: {  	[sflag:s8] =	ssyncset.done $0x0  }
0x56: {  	[sflag:s8] =	ssyncadd.s32 $0xFFFFC000  }
0x57: {  	[hbm4b:s9+s2] =	stream.linear.scatter [tilespmem:s7], [sflag:$0x2], $0x4000, $0x38;
	[tilespmem:$0x4200] =	vst v63  }
0x58: {  	_ =	swait.ge [sflag:s3], $0x4000  }
0x59: {  	[sflag:s3] =	ssyncset.done $0x0  }
0x5a: {  	[sflag:s3] =	ssyncadd.s32 $0xFFFFC000  }
0x5b: {  	[tilespmem:s7], [sflag:$0x1] =	stream.indirect.gather [hbm4b:s5+s6], $0x80, s6, s6, $0xb8;
	[tilespmem:$0x4200] =	vst v63  }
0x5c: {  	_ =	swait.ge [sflag:s8], $0x4000  }
0x5d: {  	[sflag:s8] =	ssyncset.done $0x0  }
0x5e: {  	[sflag:s8] =	ssyncadd.s32 $0xFFFFC000  }
0x5f: {  	[hbm4b:s10+s2] =	stream.linear.scatter [tilespmem:s7], [sflag:$0x2], $0x4000, $0x38;
	[tilespmem:$0x4200] =	vst v63  }
0x60: {  	_ =	swait.ge [sflag:s3], $0x4000  }
0x61: {  	[sflag:s3] =	ssyncset.done $0x0  }
0x62: {  	[sflag:s3] =	ssyncadd.s32 $0xFFFFC000  }
0x63: {  	[tilespmem:s7], [sflag:$0x1] =	stream.indirect.gather [hbm4b:s5+s6], $0x80, s11, s6, $0xb8;
	[tilespmem:$0x4200] =	vst v63  }
0x64: {  	_ =	swait.ge [sflag:s8], $0x4000  }
0x65: {  	[sflag:s8] =	ssyncset.done $0x0  }
0x66: {  	[sflag:s8] =	ssyncadd.s32 $0xFFFFC000  }
0x67: {  	[hbm4b:s12+s2] =	stream.linear.scatter [tilespmem:s7], [sflag:$0x2], $0x4000, $0x38;
	[tilespmem:$0x4200] =	vst v63  }
0x68: {  	_ =	swait.ge [sflag:s3], $0x4000  }
0x69: {  	[sflag:s3] =	ssyncset.done $0x0  }
0x6a: {  	[sflag:s3] =	ssyncadd.s32 $0xFFFFC000  }
0x6b: {  	[tilespmem:s7], [sflag:$0x1] =	stream.indirect.gather [hbm4b:s5+s6], $0x80, s13, s6, $0xb8;
	[tilespmem:$0x4200] =	vst v63  }
0x6c: {  	_ =	swait.ge [sflag:s8], $0x4000  }
0x6d: {  	[sflag:s8] =	ssyncset.done $0x0  }
0x6e: {  	[sflag:s8] =	ssyncadd.s32 $0xFFFFC000  }
0x6f: {  	[hbm4b:s14+s2] =	stream.linear.scatter [tilespmem:s7], [sflag:$0x2], $0x4000, $0x38;
	[tilespmem:$0x4200] =	vst v63  }
0x70: {  	_ =	swait.ge [sflag:s3], $0x4000  }
0x71: {  	[sflag:s3] =	ssyncset.done $0x0  }
0x72: {  	[sflag:s3] =	ssyncadd.s32 $0xFFFFC000  }
0x73: {  	[tilespmem:s2], [sflag:$0x2] =	stream.linear.gather [hbm4b:s15+s2], $0x200, $0x38;
	[tilespmem:$0x4200] =	vst v63  }
0x74: {  	_ =	swait.ge [sflag:s3], $0x200  }
0x75: {  	[sflag:s3] =	ssyncset.done $0x0  }
0x76: {  	[sflag:s3] =	ssyncadd.s32 $0xFFFFFE00  }
0x77: {  	[tilespmem:s7], [sflag:$0x1] =	stream.indirect.gather [hbm4b:s5+s6], $0x80, s2, s6, $0xb8;
	[tilespmem:$0x4200] =	vst v63  }
0x78: {  	_ =	swait.ge [sflag:s8], $0x4000  }
0x79: {  	[sflag:s8] =	ssyncset.done $0x0  }
0x7a: {  	[sflag:s8] =	ssyncadd.s32 $0xFFFFC000  }
0x7b: {  	[hbm4b:s16+s2] =	stream.linear.scatter [tilespmem:s7], [sflag:$0x2], $0x4000, $0x38;
	[tilespmem:$0x4200] =	vst v63  }
0x7c: {  	_ =	swait.ge [sflag:s3], $0x4000  }
0x7d: {  	[sflag:s3] =	ssyncset.done $0x0  }
0x7e: {  	[sflag:s3] =	ssyncadd.s32 $0xFFFFC000  }
0x7f: {  	[tilespmem:s7], [sflag:$0x1] =	stream.indirect.gather [hbm4b:s5+s6], $0x80, s6, s6, $0xb8;
	[tilespmem:$0x4200] =	vst v63  }
0x80: {  	_ =	swait.ge [sflag:s8], $0x4000  }
0x81: {  	[sflag:s8] =	ssyncset.done $0x0  }
0x82: {  	[sflag:s8] =	ssyncadd.s32 $0xFFFFC000  }
0x83: {  	[hbm4b:s17+s2] =	stream.linear.scatter [tilespmem:s7], [sflag:$0x2], $0x4000, $0x38;
	[tilespmem:$0x4200] =	vst v63  }
0x84: {  	_ =	swait.ge [sflag:s3], $0x4000  }
0x85: {  	[sflag:s3] =	ssyncset.done $0x0  }
0x86: {  	[sflag:s3] =	ssyncadd.s32 $0xFFFFC000  }
0x87: {  	[tilespmem:s7], [sflag:$0x1] =	stream.indirect.gather [hbm4b:s5+s6], $0x80, s11, s6, $0xb8;
	[tilespmem:$0x4200] =	vst v63  }
0x88: {  	_ =	swait.ge [sflag:s8], $0x4000  }
0x89: {  	[sflag:s8] =	ssyncset.done $0x0  }
0x8a: {  	[sflag:s8] =	ssyncadd.s32 $0xFFFFC000  }
0x8b: {  	[hbm4b:s18+s2] =	stream.linear.scatter [tilespmem:s7], [sflag:$0x2], $0x4000, $0x38;
	[tilespmem:$0x4200] =	vst v63  }
0x8c: {  	_ =	swait.ge [sflag:s3], $0x4000  }
0x8d: {  	[sflag:s3] =	ssyncset.done $0x0  }
0x8e: {  	[sflag:s3] =	ssyncadd.s32 $0xFFFFC000  }
0x8f: {  	[tilespmem:s7], [sflag:$0x1] =	stream.indirect.gather [hbm4b:s5+s6], $0x80, s13, s6, $0xb8;
	[tilespmem:$0x4200] =	vst v63  }
0x90: {  	_ =	swait.ge [sflag:s8], $0x4000  }
.Ltmp1:
0x91: {  	[sflag:s8] =	ssyncset.done $0x0;
	(pc) =	sbr.rel @p0 .LBB2_1-.Ltmp1, $4  }
0x92: {  	[sflag:s8] =	ssyncadd.s32 $0xFFFFC000  }
0x93: {  	[hbm4b:s19+s2] =	stream.linear.scatter [tilespmem:s7], [sflag:$0x2], $0x4000, $0x38;
	[tilespmem:$0x4200] =	vst v63  }
0x94: {  	_ =	swait.ge [sflag:s3], $0x4000  }
0x95: {  	[sflag:s3] =	ssyncset.done $0x0  }
.LBB2_2:
0x96: {  	[sflag:s3] =	ssyncadd.s32 $0xFFFFC000  }
0x97: {  	_ =	sfence.sel $0x180000  }
0x98: {  	[bflag:$0x0] =	sbarrier.arrive $0xFFFF  }
0x99: {  	p0 =	sne.s32 s0, $0x0;
	_ =	strace $0x90000050  }
0x9a: {  	s0 =	sadd.s32 @!p0 $0x100000, s1;
	[bflag:$0x2] =	sbarrier.arrive $0xFFFF  }
0x9b: {  	[sflag:s0] =	ssyncadd.tile.s32 @!p0 $0x1;
	_ =	shalt  }
.Lfunc_end2:
_tile_overlayer_lowered:
.L_overlay_start_2:
0x9c: {  	(tag) =	ssettag $0x2  }
0x9d: {  	s0 =	rddreg [dreg:$0x0];
	s2 =	stileid.u32  }
0x9e: {  	s1 =	rddreg [dreg:$0x1];
	p0 =	sne.s32 s2, $0x0  }
0x9f: {  	s3 =	rddreg [dreg:$0x2];
	[bflag:$0x3] =	sbarrier.arrive $0xFFFF;
	s2 =	simm.s32 @!p0 $0x1C02  }
0xa0: {  	[timem:s3], [sflag:s2] =	dma.local @!p0 [hbm:s0], s1  }
0xa1: {  	s0 =	simm.s32 @!p0 $0x2  }
0xa2: {  	_ =	swait.ge @!p0 [sflag:s0], s1  }
0xa3: {  	s1 =	ssub.s32 @!p0 $0x0, s1;
	[sflag:s0] =	ssyncset.done @!p0 $0x0  }
0xa4: {  	[sflag:s0] =	ssyncadd.s32 @!p0 s1  }
0xa5: {  	[bflag:$0x3] =	sbarrier.arrive $0xFFFF  }
0xa6: {  	_ =	shalt  }

</sc_bundles>
